<compile_context>
chip_gen: v7x
topology: tpu7x:2x2x1
jax: 0.10.2.dev20260603
libtpu: 0.0.44.dev20260713+nightly
codegen_flags: <defaults>
</compile_context>

<pallas_src>
import functools

import jax
import jax.numpy as jnp
from jax import lax
from jax.experimental import pallas as pl
from jax.experimental.pallas import tpu as pltpu
from jax.experimental.pallas import tpu_sc as plsc

N = 10000
E = 320000
H = 128
NC = 2
NS = 16
NW = NC * NS
PER_W = E // NW
CH = 80
N_CH = PER_W // CH
ST = 624
REM = N - NS * ST

_sc_mesh = plsc.VectorSubcoreMesh(core_axis_name="c", subcore_axis_name="s",
                                  num_cores=NC, num_subcores=NS)



ACC_R = N + NS


def _acc_init(z_hbm, acc, sid):
    pltpu.sync_copy(z_hbm.at[pl.ds(sid * ST, ST)], acc.at[pl.ds(sid * ST, ST)])

    @pl.when(sid == NS - 1)
    def _():
        pltpu.sync_copy(z_hbm.at[pl.ds(NS * ST, REM)],
                        acc.at[pl.ds(NS * ST, REM)])


def _acc_dump(acc, out_hbm, cid, sid):
    pltpu.sync_copy(acc.at[pl.ds(sid * ST, ST)],
                    out_hbm.at[pl.ds(cid * N + sid * ST, ST)])

    @pl.when(sid == NS - 1)
    def _():
        pltpu.sync_copy(acc.at[pl.ds(NS * ST, REM)],
                        out_hbm.at[pl.ds(cid * N + NS * ST, REM)])


def _sc_segsum(t, src, dst, zeros):

    @functools.partial(
        pl.kernel,
        out_type=jax.ShapeDtypeStruct((NC * N, H), jnp.float32),
        mesh=_sc_mesh,
        scratch_types=(
            [pltpu.VMEM((CH,), jnp.int32)] * 4
            + [pltpu.VMEM((CH, H), jnp.float32)] * 2
            + [pltpu.VMEM_SHARED((ACC_R, H), jnp.float32)]
            + [pltpu.SemaphoreType.DMA] * 2
        ),
    )
    def k(t_hbm, src_hbm, dst_hbm, z_hbm, out_hbm,
          si0, si1, di0, di1, r0, r1, acc, sg0, sg1):
        sidx = (si0, si1)
        didx = (di0, di1)
        rows = (r0, r1)
        sg = (sg0, sg1)
        cid = lax.axis_index("c")
        sid = lax.axis_index("s")
        _acc_init(z_hbm, acc, sid)
        plsc.subcore_barrier()
        base = (cid * NS + sid) * PER_W

        def loadidx(c, b):
            pltpu.sync_copy(src_hbm.at[pl.ds(base + c * CH, CH)], sidx[b])
            pltpu.sync_copy(dst_hbm.at[pl.ds(base + c * CH, CH)], didx[b])

        def wait_g(b):
            pltpu.make_async_copy(t_hbm.at[sidx[0]], rows[b], sg[b]).wait()

        loadidx(0, 0)
        pltpu.async_copy(t_hbm.at[sidx[0]], rows[0], sg[0])

        @pl.loop(0, (N_CH - 1) // 2)
        def _(g):
            for b in range(2):
                c = 2 * g + b
                loadidx(c + 1, 1 - b)
                pltpu.async_copy(t_hbm.at[sidx[1 - b]], rows[1 - b],
                                 sg[1 - b])
                wait_g(b)
                pltpu.sync_copy(rows[b], acc.at[didx[b]], add=True)

        wait_g(0)
        pltpu.sync_copy(rows[0], acc.at[didx[0]], add=True)
        plsc.subcore_barrier()
        _acc_dump(acc, out_hbm, cid, sid)

    return k(t, src, dst, zeros)


def _sc_count(dst, ones, zeros):

    @functools.partial(
        pl.kernel,
        out_type=jax.ShapeDtypeStruct((NC * N, H), jnp.float32),
        mesh=_sc_mesh,
        scratch_types=[
            pltpu.VMEM((CH,), jnp.int32),
            pltpu.VMEM((CH, H), jnp.float32),
            pltpu.VMEM_SHARED((ACC_R, H), jnp.float32),
        ],
    )
    def k(dst_hbm, ones_hbm, z_hbm, out_hbm, didx, ones_v, acc):
        cid = lax.axis_index("c")
        sid = lax.axis_index("s")
        pltpu.sync_copy(ones_hbm, ones_v)
        _acc_init(z_hbm, acc, sid)
        plsc.subcore_barrier()
        base = (cid * NS + sid) * PER_W

        @pl.loop(0, N_CH)
        def _(c):
            pltpu.sync_copy(dst_hbm.at[pl.ds(base + c * CH, CH)], didx)
            pltpu.sync_copy(ones_v, acc.at[didx], add=True)

        plsc.subcore_barrier()
        _acc_dump(acc, out_hbm, cid, sid)

    return k(dst, ones, zeros)


def _sc_gather2(a, b, src, dst):

    @functools.partial(
        pl.kernel,
        out_type=[jax.ShapeDtypeStruct((E, H), jnp.float32),
                  jax.ShapeDtypeStruct((E, H), jnp.float32)],
        mesh=_sc_mesh,
        scratch_types=(
            [pltpu.VMEM((CH,), jnp.int32)] * 4
            + [pltpu.VMEM((CH, H), jnp.float32)] * 4
            + [pltpu.SemaphoreType.DMA] * 4
        ),
    )
    def k(a_hbm, b_hbm, src_hbm, dst_hbm, r1_hbm, r2_hbm,
          si0, si1, di0, di1, p0, p1, q0, q1, sg0, sg1, sw0, sw1):
        sidx = (si0, si1)
        didx = (di0, di1)
        r1b = (p0, p1)
        r2b = (q0, q1)
        sg = (sg0, sg1)
        sw = (sw0, sw1)
        cid = lax.axis_index("c")
        sid = lax.axis_index("s")
        base = (cid * NS + sid) * PER_W

        def loadidx(c, bb):
            pltpu.sync_copy(src_hbm.at[pl.ds(base + c * CH, CH)], sidx[bb])
            pltpu.sync_copy(dst_hbm.at[pl.ds(base + c * CH, CH)], didx[bb])

        def fire(bb):
            pltpu.async_copy(a_hbm.at[sidx[bb]], r1b[bb], sg[bb])
            pltpu.async_copy(b_hbm.at[didx[bb]], r2b[bb], sg[bb])

        def wait_g(bb):
            pltpu.make_async_copy(a_hbm.at[sidx[0]], r1b[bb], sg[bb]).wait()
            pltpu.make_async_copy(b_hbm.at[didx[0]], r2b[bb], sg[bb]).wait()

        def fire_w(c, bb):
            pltpu.async_copy(r1b[bb], r1_hbm.at[pl.ds(base + c * CH, CH)],
                             sw[bb])
            pltpu.async_copy(r2b[bb], r2_hbm.at[pl.ds(base + c * CH, CH)],
                             sw[bb])

        def wait_w(bb):
            pltpu.make_async_copy(r1b[bb], r1_hbm.at[pl.ds(base, CH)],
                                  sw[bb]).wait()
            pltpu.make_async_copy(r2b[bb], r2_hbm.at[pl.ds(base, CH)],
                                  sw[bb]).wait()

        loadidx(0, 0)
        fire(0)
        loadidx(1, 1)
        fire(1)
        wait_g(0)
        fire_w(0, 0)
        loadidx(2, 0)
        wait_w(0)
        fire(0)
        wait_g(1)
        fire_w(1, 1)

        @pl.loop(0, (N_CH - 3) // 2)
        def _(g):
            for bb in range(2):
                c = 2 * g + 2 + bb
                loadidx(c + 1, 1 - bb)
                wait_w(1 - bb)
                fire(1 - bb)
                wait_g(bb)
                fire_w(c, bb)

        c = N_CH - 1
        wait_g(0)
        fire_w(c, 0)
        wait_w(1)
        wait_w(0)

    return k(a, b, src, dst)



_RB = 5000
_EB = 8000


def _ln_relu(h, s, b):
    mu = jnp.mean(h, axis=-1, keepdims=True)
    d = h - mu
    var = jnp.mean(d * d, axis=-1, keepdims=True)
    return jnp.maximum(d * lax.rsqrt(var + 1e-5) * s + b, 0.0)


def _tc_encode(x, W_enc, b_enc, s0, b0):
    def body(x_ref, w_ref, be_ref, s_ref, b_ref, h_ref, t_ref):
        h = jnp.dot(x_ref[...], w_ref[...],
                    preferred_element_type=jnp.float32) + be_ref[...]
        h_ref[...] = h
        t_ref[...] = _ln_relu(h, s_ref[...], b_ref[...])

    full = pl.BlockSpec((H, H), lambda i: (0, 0))
    vec = pl.BlockSpec((1, H), lambda i: (0, 0))
    rows = pl.BlockSpec((_RB, H), lambda i: (i, 0))
    return pl.pallas_call(
        body,
        grid=(N // _RB,),
        in_specs=[rows, full, vec, vec, vec],
        out_specs=[rows, rows],
        out_shape=[jax.ShapeDtypeStruct((N, H), jnp.float32),
                   jax.ShapeDtypeStruct((N, H), jnp.float32)],
    )(x, W_enc, b_enc, s0, b0)


def _agg_from_parts(acc_ref, cnt_ref):
    a = acc_ref[0] + acc_ref[1]
    cnt = cnt_ref[0, :, :1] + cnt_ref[1, :, :1]
    inv = 1.0 / jnp.maximum(cnt, 1.0)
    eps = 1e-7 * (cnt > 0.0).astype(jnp.float32)
    return a * inv + eps


def _tc_layer(acc, cnt, h, Wl_i, bl_i, s_next, b_next):

    def body(acc_ref, cnt_ref, h_ref, w_ref, bv_ref, s_ref, b_ref,
             h_out, t_out):
        agg = _agg_from_parts(acc_ref, cnt_ref)
        hn = h_ref[...] + jnp.dot(agg, w_ref[...],
                                  preferred_element_type=jnp.float32) + bv_ref[...]
        h_out[...] = hn
        t_out[...] = _ln_relu(hn, s_ref[...], b_ref[...])

    rows = pl.BlockSpec((_RB, H), lambda i: (i, 0))
    acc_spec = pl.BlockSpec((NC, _RB, H), lambda i: (0, i, 0))
    cnt_spec = pl.BlockSpec((NC, _RB, H), lambda i: (0, i, 0))
    full = pl.BlockSpec((H, H), lambda i: (0, 0))
    vec = pl.BlockSpec((1, H), lambda i: (0, 0))
    return pl.pallas_call(
        body,
        grid=(N // _RB,),
        in_specs=[acc_spec, cnt_spec, rows, full, vec, vec, vec],
        out_specs=[rows, rows],
        out_shape=[jax.ShapeDtypeStruct((N, H), jnp.float32),
                   jax.ShapeDtypeStruct((N, H), jnp.float32)],
    )(acc, cnt, h, Wl_i, bl_i, s_next, b_next)


def _tc_final_proj(acc, cnt, h, Wl_i, bl_i, sf, bf, W1a, W1b, b1):

    def body(acc_ref, cnt_ref, h_ref, w_ref, bv_ref, s_ref, b_ref,
             w1a_ref, w1b_ref, b1_ref, a_out, b_out):
        agg = _agg_from_parts(acc_ref, cnt_ref)
        hn = h_ref[...] + jnp.dot(agg, w_ref[...],
                                  preferred_element_type=jnp.float32) + bv_ref[...]
        hf = _ln_relu(hn, s_ref[...], b_ref[...])
        a_out[...] = jnp.dot(hf, w1a_ref[...],
                             preferred_element_type=jnp.float32) + b1_ref[...]
        b_out[...] = jnp.dot(hf, w1b_ref[...],
                             preferred_element_type=jnp.float32)

    rows = pl.BlockSpec((_RB, H), lambda i: (i, 0))
    acc_spec = pl.BlockSpec((NC, _RB, H), lambda i: (0, i, 0))
    cnt_spec = pl.BlockSpec((NC, _RB, H), lambda i: (0, i, 0))
    full = pl.BlockSpec((H, H), lambda i: (0, 0))
    vec = pl.BlockSpec((1, H), lambda i: (0, 0))
    return pl.pallas_call(
        body,
        grid=(N // _RB,),
        in_specs=[acc_spec, cnt_spec, rows, full, vec, vec, vec,
                  full, full, vec],
        out_specs=[rows, rows],
        out_shape=[jax.ShapeDtypeStruct((N, H), jnp.float32),
                   jax.ShapeDtypeStruct((N, H), jnp.float32)],
    )(acc, cnt, h, Wl_i, bl_i, sf, bf, W1a, W1b, b1)


def _tc_mlp(r1, r2, W2, b2):
    def body(r1_ref, r2_ref, w_ref, bv_ref, o_ref):
        r = jnp.maximum(r1_ref[...] + r2_ref[...], 0.0)
        o_ref[...] = jnp.dot(r, w_ref[...],
                             preferred_element_type=jnp.float32) + bv_ref[...]

    rows = pl.BlockSpec((_EB, H), lambda i: (i, 0))
    full = pl.BlockSpec((H, H), lambda i: (0, 0))
    vec = pl.BlockSpec((1, H), lambda i: (0, 0))
    return pl.pallas_call(
        body,
        grid=(E // _EB,),
        in_specs=[rows, rows, full, vec],
        out_specs=rows,
        out_shape=jax.ShapeDtypeStruct((E, H), jnp.float32),
    )(r1, r2, W2, b2)



def kernel(x, edge_index, W_enc, b_enc, Wl, bl, ln_s, ln_b, lnf_s, lnf_b,
           W1, b1, W2, b2):
    L = Wl.shape[0]
    src = edge_index[0]
    dst = edge_index[1]
    zeros = jnp.zeros((N, H), jnp.float32)
    ones = jnp.ones((CH, H), jnp.float32)
    row = lambda v: v.reshape(1, -1)

    cnt = _sc_count(dst, ones, zeros).reshape(NC, N, H)
    h, t = _tc_encode(x, W_enc, row(b_enc), row(ln_s[0]), row(ln_b[0]))
    for i in range(L):
        acc = _sc_segsum(t, src, dst, zeros).reshape(NC, N, H)
        if i + 1 < L:
            h, t = _tc_layer(acc, cnt, h, Wl[i], row(bl[i]),
                             row(ln_s[i + 1]), row(ln_b[i + 1]))
        else:
            a_tab, b_tab = _tc_final_proj(acc, cnt, h, Wl[i], row(bl[i]),
                                          row(lnf_s), row(lnf_b),
                                          W1[:H], W1[H:], row(b1))
    r1, r2 = _sc_gather2(a_tab, b_tab, src, dst)
    return _tc_mlp(r1, r2, W2, row(b2))

# --- scband reference (transcript-rebuilt; emitter-appended) ---
"""Pipeline reference for scband-edeeper-gcn-70909910057020 (READ-ONLY COPY).

The authoritative reference and input builder live on the scoring server;
editing this copy changes nothing except your own understanding.
"""

import jax, jax.numpy as jnp
import numpy as np

N = 10000
E = 320000
D = 128
H = 128
L = 4
OUT = 128


def _layernorm(x, s, b, eps=1e-5):
    mu = jnp.mean(x, axis=-1, keepdims=True)
    var = jnp.var(x, axis=-1, keepdims=True)
    return (x - mu) * jax.lax.rsqrt(var + eps) * s + b


def setup_inputs(seed: int = 0):
    key = jax.random.key(seed)
    ks = jax.random.split(key, 16)
    inp = {}
    inp['x'] = jax.random.normal(ks[0], (N, D), dtype=jnp.float32)
    inp['edge_index'] = jax.random.randint(ks[1], (2, E), 0, N, dtype=jnp.int32)
    inp['W_enc'] = jax.random.normal(ks[2], (D, H), dtype=jnp.float32) * 0.05
    inp['b_enc'] = jnp.zeros((H,), dtype=jnp.float32)
    inp['Wl'] = jax.random.normal(ks[3], (L, H, H), dtype=jnp.float32) * 0.05
    inp['bl'] = jnp.zeros((L, H), dtype=jnp.float32)
    inp['ln_s'] = jnp.ones((L, H), dtype=jnp.float32)
    inp['ln_b'] = jnp.zeros((L, H), dtype=jnp.float32)
    inp['lnf_s'] = jnp.ones((H,), dtype=jnp.float32)
    inp['lnf_b'] = jnp.zeros((H,), dtype=jnp.float32)
    inp['W1'] = jax.random.normal(ks[4], (2 * H, H), dtype=jnp.float32) * 0.05
    inp['b1'] = jnp.zeros((H,), dtype=jnp.float32)
    inp['W2'] = jax.random.normal(ks[5], (H, OUT), dtype=jnp.float32) * 0.05
    inp['b2'] = jnp.zeros((OUT,), dtype=jnp.float32)
    return inp


def reference(x, edge_index, W_enc, b_enc, Wl, bl, ln_s, ln_b, lnf_s, lnf_b, W1, b1, W2, b2):
    src = edge_index[0]
    dst = edge_index[1]
    # DeeperGCN: node encoder + num_layers residual GENConv-style blocks
    h = x @ W_enc + b_enc
    ones = jnp.ones((E, 1), dtype=jnp.float32)
    for i in range(L):
        t = _layernorm(h, ln_s[i], ln_b[i])
        t = jax.nn.relu(t)
        # message: gather source features; mean aggregation over dst
        msg = jax.nn.relu(t[src]) + 1e-7
        agg = jax.ops.segment_sum(msg, dst, num_segments=N)
        cnt = jax.ops.segment_sum(ones, dst, num_segments=N)
        agg = agg / jnp.clip(cnt, 1.0, None)
        t = agg @ Wl[i] + bl[i]
        h = h + t  # residual
    h = jax.nn.relu(_layernorm(h, lnf_s, lnf_b))
    # mix_node_features with node_feat_mixing='cat': per-edge [x_src || x_dst]
    edges_x = jnp.concatenate([h[src], h[dst]], axis=-1)
    # ClassifierMLP2
    o = jax.nn.relu(edges_x @ W1 + b1)
    o = o @ W2 + b2
    return o

if __name__ == "__main__":
    import jax
    _d = setup_inputs()
    print(jax.jit(kernel)(*tuple(_d.values())))

</pallas_src>

<mosaic_0001>
#map = affine_map<(d0, d1) -> (0, 0)>
#map1 = affine_map<(d0, d1) -> (0)>
module attributes {stable_mosaic.version = 14 : i64} {
  func.func @k(%arg0: i32, %arg1: i32, %arg2: memref<10000x128xf32, #tpu.memory_space<hbm>>, %arg3: memref<320000xi32, #tpu.memory_space<hbm>>, %arg4: memref<320000xi32, #tpu.memory_space<hbm>>, %arg5: memref<10000x128xf32, #tpu.memory_space<hbm>>, %arg6: memref<20000x128xf32, #tpu.memory_space<hbm>>, %arg7: memref<80xi32, #tpu.memory_space<vmem>>, %arg8: memref<80xi32, #tpu.memory_space<vmem>>, %arg9: memref<80xi32, #tpu.memory_space<vmem>>, %arg10: memref<80xi32, #tpu.memory_space<vmem>>, %arg11: memref<80x128xf32, #tpu.memory_space<vmem>>, %arg12: memref<80x128xf32, #tpu.memory_space<vmem>>, %arg13: memref<10016x128xf32, #tpu.memory_space<vmem_shared>>, %arg14: memref<!tpu.dma_semaphore, #tpu.memory_space<semaphore_mem>>, %arg15: memref<!tpu.dma_semaphore, #tpu.memory_space<semaphore_mem>>) attributes {dimension_semantics = [#tpu.dimension_semantics<core_parallel>, #tpu.dimension_semantics<subcore_parallel>], iteration_bounds = array<i64: 2, 16>, scalar_prefetch = 0 : i64, scratch_operands = 9 : i64, tpu.core_type = #tpu.core_type<sc_vector_subcore>, window_params = [{transform_indices = #map}, {transform_indices = #map1}, {transform_indices = #map1}, {transform_indices = #map}, {transform_indices = #map}]} {
    %mul3A = arith.constant 624 : i32
    %mul3A_0 = arith.muli %arg1, %mul3A : i32
    %mul3A_1 = arith.constant 624 : i32
    %mul3A_2 = arith.muli %arg1, %mul3A_1 : i32
    "tpu.region"() ({
      %run_scoped3A = tpu.sem_alloc : memref<!tpu.dma_semaphore, #tpu.memory_space<semaphore_mem>>
      %dma_start3A_34 = arith.constant 0 : i32
      %dma_start3A_35 = tpu.memref_slice %arg13[%mul3A_2, %dma_start3A_34] : memref<10016x128xf32, #tpu.memory_space<vmem_shared>> -> memref<624x128xf32, #tpu.memory_space<vmem_shared>>
      %dma_start3A_36 = arith.constant 0 : i32
      %dma_start3A_37 = tpu.memref_slice %arg5[%mul3A_0, %dma_start3A_36] : memref<10000x128xf32, #tpu.memory_space<hbm>> -> memref<624x128xf32, #tpu.memory_space<hbm>>
      tpu.enqueue_dma source(%dma_start3A_37 : memref<624x128xf32, #tpu.memory_space<hbm>>) target(%dma_start3A_35 : memref<624x128xf32, #tpu.memory_space<vmem_shared>>) target_semaphore(%run_scoped3A : memref<!tpu.dma_semaphore, #tpu.memory_space<semaphore_mem>>)
      %dma_wait3A_38 = arith.constant 0 : i32
      %dma_wait3A_39 = tpu.memref_slice %arg13[%mul3A_2, %dma_wait3A_38] : memref<10016x128xf32, #tpu.memory_space<vmem_shared>> -> memref<624x128xf32, #tpu.memory_space<vmem_shared>>
      %dma_wait3A_40 = arith.constant 0 : i32
      %dma_wait3A_41 = tpu.memref_slice %arg5[%mul3A_0, %dma_wait3A_40] : memref<10000x128xf32, #tpu.memory_space<hbm>> -> memref<624x128xf32, #tpu.memory_space<hbm>>
      tpu.wait_dma2 semaphore(%run_scoped3A : memref<!tpu.dma_semaphore, #tpu.memory_space<semaphore_mem>>) src(%dma_wait3A_41 : memref<624x128xf32, #tpu.memory_space<hbm>>) dst(%dma_wait3A_39 : memref<624x128xf32, #tpu.memory_space<vmem_shared>>)
      tpu.yield
    }) : () -> ()
    %eq3A = arith.constant 15 : i32
    %eq3A_3 = arith.cmpi eq, %arg1, %eq3A : i32
    %convert_element_type3A = arith.extui %eq3A_3 : i1 to i32
    %cond3A = arith.constant 0 : i32
    %cond3A_4 = arith.cmpi ne, %convert_element_type3A, %cond3A : i32
    scf.if %cond3A_4 {
      "tpu.region"() ({
        %run_scoped3A = tpu.sem_alloc : memref<!tpu.dma_semaphore, #tpu.memory_space<semaphore_mem>>
        %dma_start3A_34 = arith.constant 9984 : i32
        %dma_start3A_35 = arith.constant 0 : i32
        %dma_start3A_36 = tpu.memref_slice %arg13[%dma_start3A_34, %dma_start3A_35] : memref<10016x128xf32, #tpu.memory_space<vmem_shared>> -> memref<16x128xf32, #tpu.memory_space<vmem_shared>>
        %dma_start3A_37 = arith.constant 9984 : i32
        %dma_start3A_38 = arith.constant 0 : i32
        %dma_start3A_39 = tpu.memref_slice %arg5[%dma_start3A_37, %dma_start3A_38] : memref<10000x128xf32, #tpu.memory_space<hbm>> -> memref<16x128xf32, #tpu.memory_space<hbm>>
        tpu.enqueue_dma source(%dma_start3A_39 : memref<16x128xf32, #tpu.memory_space<hbm>>) target(%dma_start3A_36 : memref<16x128xf32, #tpu.memory_space<vmem_shared>>) target_semaphore(%run_scoped3A : memref<!tpu.dma_semaphore, #tpu.memory_space<semaphore_mem>>)
        %dma_wait3A_40 = arith.constant 9984 : i32
        %dma_wait3A_41 = arith.constant 0 : i32
        %dma_wait3A_42 = tpu.memref_slice %arg13[%dma_wait3A_40, %dma_wait3A_41] : memref<10016x128xf32, #tpu.memory_space<vmem_shared>> -> memref<16x128xf32, #tpu.memory_space<vmem_shared>>
        %dma_wait3A_43 = arith.constant 9984 : i32
        %dma_wait3A_44 = arith.constant 0 : i32
        %dma_wait3A_45 = tpu.memref_slice %arg5[%dma_wait3A_43, %dma_wait3A_44] : memref<10000x128xf32, #tpu.memory_space<hbm>> -> memref<16x128xf32, #tpu.memory_space<hbm>>
        tpu.wait_dma2 semaphore(%run_scoped3A : memref<!tpu.dma_semaphore, #tpu.memory_space<semaphore_mem>>) src(%dma_wait3A_45 : memref<16x128xf32, #tpu.memory_space<hbm>>) dst(%dma_wait3A_42 : memref<16x128xf32, #tpu.memory_space<vmem_shared>>)
        tpu.yield
      }) : () -> ()
    } else {
    }
    %barrier3A = arith.constant 0 : index
    tpu.barrier barrier_id(%barrier3A)
    %mul3A_5 = arith.constant 16 : i32
    %mul3A_6 = arith.muli %arg0, %mul3A_5 : i32
    %add3A = arith.addi %mul3A_6, %arg1 : i32
    %mul3A_7 = arith.constant 10000 : i32
    %mul3A_8 = arith.muli %add3A, %mul3A_7 : i32
    %add3A_9 = arith.constant 0 : i32
    %add3A_10 = arith.addi %mul3A_8, %add3A_9 : i32
    "tpu.region"() ({
      %run_scoped3A = tpu.sem_alloc : memref<!tpu.dma_semaphore, #tpu.memory_space<semaphore_mem>>
      %dma_start3A_34 = tpu.memref_slice %arg3[%add3A_10] : memref<320000xi32, #tpu.memory_space<hbm>> -> memref<80xi32, #tpu.memory_space<hbm>>
      %dma_start3A_35 = tpu.memref_slice %arg3[%add3A_10] : memref<320000xi32, #tpu.memory_space<hbm>> -> memref<80xi32, #tpu.memory_space<hbm>>
      tpu.enqueue_dma source(%dma_start3A_35 : memref<80xi32, #tpu.memory_space<hbm>>) target(%arg7 : memref<80xi32, #tpu.memory_space<vmem>>) target_semaphore(%run_scoped3A : memref<!tpu.dma_semaphore, #tpu.memory_space<semaphore_mem>>)
      %dma_wait3A_36 = tpu.memref_slice %arg3[%add3A_10] : memref<320000xi32, #tpu.memory_space<hbm>> -> memref<80xi32, #tpu.memory_space<hbm>>
      %dma_wait3A_37 = tpu.memref_slice %arg3[%add3A_10] : memref<320000xi32, #tpu.memory_space<hbm>> -> memref<80xi32, #tpu.memory_space<hbm>>
      tpu.wait_dma2 semaphore(%run_scoped3A : memref<!tpu.dma_semaphore, #tpu.memory_space<semaphore_mem>>) src(%dma_wait3A_37 : memref<80xi32, #tpu.memory_space<hbm>>) dst(%arg7 : memref<80xi32, #tpu.memory_space<vmem>>)
      tpu.yield
    }) : () -> ()
    %add3A_11 = arith.constant 0 : i32
    %add3A_12 = arith.addi %mul3A_8, %add3A_11 : i32
    "tpu.region"() ({
      %run_scoped3A = tpu.sem_alloc : memref<!tpu.dma_semaphore, #tpu.memory_space<semaphore_mem>>
      %dma_start3A_34 = tpu.memref_slice %arg4[%add3A_12] : memref<320000xi32, #tpu.memory_space<hbm>> -> memref<80xi32, #tpu.memory_space<hbm>>
      %dma_start3A_35 = tpu.memref_slice %arg4[%add3A_12] : memref<320000xi32, #tpu.memory_space<hbm>> -> memref<80xi32, #tpu.memory_space<hbm>>
      tpu.enqueue_dma source(%dma_start3A_35 : memref<80xi32, #tpu.memory_space<hbm>>) target(%arg9 : memref<80xi32, #tpu.memory_space<vmem>>) target_semaphore(%run_scoped3A : memref<!tpu.dma_semaphore, #tpu.memory_space<semaphore_mem>>)
      %dma_wait3A_36 = tpu.memref_slice %arg4[%add3A_12] : memref<320000xi32, #tpu.memory_space<hbm>> -> memref<80xi32, #tpu.memory_space<hbm>>
      %dma_wait3A_37 = tpu.memref_slice %arg4[%add3A_12] : memref<320000xi32, #tpu.memory_space<hbm>> -> memref<80xi32, #tpu.memory_space<hbm>>
      tpu.wait_dma2 semaphore(%run_scoped3A : memref<!tpu.dma_semaphore, #tpu.memory_space<semaphore_mem>>) src(%dma_wait3A_37 : memref<80xi32, #tpu.memory_space<hbm>>) dst(%arg9 : memref<80xi32, #tpu.memory_space<vmem>>)
      tpu.yield
    }) : () -> ()
    %dma_start3A = arith.constant 0 : i32
    %dma_start3A_13 = arith.constant 0 : i32
    %dma_start3A_14 = tpu.memref_slice %arg2[%dma_start3A, %dma_start3A_13] : memref<10000x128xf32, #tpu.memory_space<hbm>> -> memref<10000x128xf32, #tpu.memory_space<hbm>>
    tpu.enqueue_indirect_dma source(%dma_start3A_14 : memref<10000x128xf32, #tpu.memory_space<hbm>>) target(%arg11 : memref<80x128xf32, #tpu.memory_space<vmem>>) offsets(%arg7 : memref<80xi32, #tpu.memory_space<vmem>>) semaphore(%arg14 : memref<!tpu.dma_semaphore, #tpu.memory_space<semaphore_mem>>)
    %scan3A = arith.constant 0 : i32
    %scan3A_15 = arith.constant 62 : i32
    %scan3A_16 = arith.addi %scan3A, %scan3A_15 : i32
    %scan3A_17 = arith.constant 1 : i32
    scf.for %scan3A_34 = %scan3A to %scan3A_16 step %scan3A_17  : i32 {
      %mul3A_35 = arith.constant 1 : i32
      %mul3A_36 = arith.muli %scan3A_34, %mul3A_35 : i32
      %add3A_37 = arith.constant 0 : i32
      %add3A_38 = arith.addi %add3A_37, %mul3A_36 : i32
      %mul3A_39 = arith.constant 2 : i32
      %mul3A_40 = arith.muli %mul3A_39, %add3A_38 : i32
      %add3A_41 = arith.constant 0 : i32
      %add3A_42 = arith.addi %mul3A_40, %add3A_41 : i32
      %add3A_43 = arith.constant 1 : i32
      %add3A_44 = arith.addi %add3A_42, %add3A_43 : i32
      %mul3A_45 = arith.constant 80 : i32
      %mul3A_46 = arith.muli %add3A_44, %mul3A_45 : i32
      %add3A_47 = arith.addi %mul3A_8, %mul3A_46 : i32
      "tpu.region"() ({
        %run_scoped3A = tpu.sem_alloc : memref<!tpu.dma_semaphore, #tpu.memory_space<semaphore_mem>>
        %dma_start3A_75 = tpu.memref_slice %arg3[%add3A_47] : memref<320000xi32, #tpu.memory_space<hbm>> -> memref<80xi32, #tpu.memory_space<hbm>>
        %dma_start3A_76 = tpu.memref_slice %arg3[%add3A_47] : memref<320000xi32, #tpu.memory_space<hbm>> -> memref<80xi32, #tpu.memory_space<hbm>>
        tpu.enqueue_dma source(%dma_start3A_76 : memref<80xi32, #tpu.memory_space<hbm>>) target(%arg8 : memref<80xi32, #tpu.memory_space<vmem>>) target_semaphore(%run_scoped3A : memref<!tpu.dma_semaphore, #tpu.memory_space<semaphore_mem>>)
        %dma_wait3A_77 = tpu.memref_slice %arg3[%add3A_47] : memref<320000xi32, #tpu.memory_space<hbm>> -> memref<80xi32, #tpu.memory_space<hbm>>
        %dma_wait3A_78 = tpu.memref_slice %arg3[%add3A_47] : memref<320000xi32, #tpu.memory_space<hbm>> -> memref<80xi32, #tpu.memory_space<hbm>>
        tpu.wait_dma2 semaphore(%run_scoped3A : memref<!tpu.dma_semaphore, #tpu.memory_space<semaphore_mem>>) src(%dma_wait3A_78 : memref<80xi32, #tpu.memory_space<hbm>>) dst(%arg8 : memref<80xi32, #tpu.memory_space<vmem>>)
        tpu.yield
      }) : () -> ()
      %mul3A_48 = arith.constant 80 : i32
      %mul3A_49 = arith.muli %add3A_44, %mul3A_48 : i32
      %add3A_50 = arith.addi %mul3A_8, %mul3A_49 : i32
      "tpu.region"() ({
        %run_scoped3A = tpu.sem_alloc : memref<!tpu.dma_semaphore, #tpu.memory_space<semaphore_mem>>
        %dma_start3A_75 = tpu.memref_slice %arg4[%add3A_50] : memref<320000xi32, #tpu.memory_space<hbm>> -> memref<80xi32, #tpu.memory_space<hbm>>
        %dma_start3A_76 = tpu.memref_slice %arg4[%add3A_50] : memref<320000xi32, #tpu.memory_space<hbm>> -> memref<80xi32, #tpu.memory_space<hbm>>
        tpu.enqueue_dma source(%dma_start3A_76 : memref<80xi32, #tpu.memory_space<hbm>>) target(%arg10 : memref<80xi32, #tpu.memory_space<vmem>>) target_semaphore(%run_scoped3A : memref<!tpu.dma_semaphore, #tpu.memory_space<semaphore_mem>>)
        %dma_wait3A_77 = tpu.memref_slice %arg4[%add3A_50] : memref<320000xi32, #tpu.memory_space<hbm>> -> memref<80xi32, #tpu.memory_space<hbm>>
        %dma_wait3A_78 = tpu.memref_slice %arg4[%add3A_50] : memref<320000xi32, #tpu.memory_space<hbm>> -> memref<80xi32, #tpu.memory_space<hbm>>
        tpu.wait_dma2 semaphore(%run_scoped3A : memref<!tpu.dma_semaphore, #tpu.memory_space<semaphore_mem>>) src(%dma_wait3A_78 : memref<80xi32, #tpu.memory_space<hbm>>) dst(%arg10 : memref<80xi32, #tpu.memory_space<vmem>>)
        tpu.yield
      }) : () -> ()
      %dma_start3A_51 = arith.constant 0 : i32
      %dma_start3A_52 = arith.constant 0 : i32
      %dma_start3A_53 = tpu.memref_slice %arg2[%dma_start3A_51, %dma_start3A_52] : memref<10000x128xf32, #tpu.memory_space<hbm>> -> memref<10000x128xf32, #tpu.memory_space<hbm>>
      tpu.enqueue_indirect_dma source(%dma_start3A_53 : memref<10000x128xf32, #tpu.memory_space<hbm>>) target(%arg12 : memref<80x128xf32, #tpu.memory_space<vmem>>) offsets(%arg8 : memref<80xi32, #tpu.memory_space<vmem>>) semaphore(%arg15 : memref<!tpu.dma_semaphore, #tpu.memory_space<semaphore_mem>>)
      %dma_wait3A_54 = arith.constant 0 : i32
      %dma_wait3A_55 = arith.constant 0 : i32
      %dma_wait3A_56 = tpu.memref_slice %arg2[%dma_wait3A_54, %dma_wait3A_55] : memref<10000x128xf32, #tpu.memory_space<hbm>> -> memref<10000x128xf32, #tpu.memory_space<hbm>>
      tpu.wait_indirect_dma semaphore(%arg14 : memref<!tpu.dma_semaphore, #tpu.memory_space<semaphore_mem>>) src(%dma_wait3A_56 : memref<10000x128xf32, #tpu.memory_space<hbm>>) dst(%arg11 : memref<80x128xf32, #tpu.memory_space<vmem>>)
      "tpu.region"() ({
        %run_scoped3A = tpu.sem_alloc : memref<!tpu.dma_semaphore, #tpu.memory_space<semaphore_mem>>
        %dma_start3A_75 = arith.constant 0 : i32
        %dma_start3A_76 = arith.constant 0 : i32
        %dma_start3A_77 = tpu.memref_slice %arg13[%dma_start3A_75, %dma_start3A_76] : memref<10016x128xf32, #tpu.memory_space<vmem_shared>> -> memref<10016x128xf32, #tpu.memory_space<vmem_shared>>
        tpu.enqueue_indirect_dma source(%arg11 : memref<80x128xf32, #tpu.memory_space<vmem>>) target(%dma_start3A_77 : memref<10016x128xf32, #tpu.memory_space<vmem_shared>>) offsets(%arg9 : memref<80xi32, #tpu.memory_space<vmem>>) semaphore(%run_scoped3A : memref<!tpu.dma_semaphore, #tpu.memory_space<semaphore_mem>>) {add = true}
        %dma_wait3A_78 = arith.constant 0 : i32
        %dma_wait3A_79 = arith.constant 0 : i32
        %dma_wait3A_80 = tpu.memref_slice %arg13[%dma_wait3A_78, %dma_wait3A_79] : memref<10016x128xf32, #tpu.memory_space<vmem_shared>> -> memref<10016x128xf32, #tpu.memory_space<vmem_shared>>
        tpu.wait_indirect_dma semaphore(%run_scoped3A : memref<!tpu.dma_semaphore, #tpu.memory_space<semaphore_mem>>) src(%arg11 : memref<80x128xf32, #tpu.memory_space<vmem>>) dst(%dma_wait3A_80 : memref<10016x128xf32, #tpu.memory_space<vmem_shared>>)
        tpu.yield
      }) : () -> ()
      %mul3A_57 = arith.constant 2 : i32
      %mul3A_58 = arith.muli %mul3A_57, %add3A_38 : i32
      %add3A_59 = arith.constant 1 : i32
      %add3A_60 = arith.addi %mul3A_58, %add3A_59 : i32
      %add3A_61 = arith.constant 1 : i32
      %add3A_62 = arith.addi %add3A_60, %add3A_61 : i32
      %mul3A_63 = arith.constant 80 : i32
      %mul3A_64 = arith.muli %add3A_62, %mul3A_63 : i32
      %add3A_65 = arith.addi %mul3A_8, %mul3A_64 : i32
      "tpu.region"() ({
        %run_scoped3A = tpu.sem_alloc : memref<!tpu.dma_semaphore, #tpu.memory_space<semaphore_mem>>
        %dma_start3A_75 = tpu.memref_slice %arg3[%add3A_65] : memref<320000xi32, #tpu.memory_space<hbm>> -> memref<80xi32, #tpu.memory_space<hbm>>
        %dma_start3A_76 = tpu.memref_slice %arg3[%add3A_65] : memref<320000xi32, #tpu.memory_space<hbm>> -> memref<80xi32, #tpu.memory_space<hbm>>
        tpu.enqueue_dma source(%dma_start3A_76 : memref<80xi32, #tpu.memory_space<hbm>>) target(%arg7 : memref<80xi32, #tpu.memory_space<vmem>>) target_semaphore(%run_scoped3A : memref<!tpu.dma_semaphore, #tpu.memory_space<semaphore_mem>>)
        %dma_wait3A_77 = tpu.memref_slice %arg3[%add3A_65] : memref<320000xi32, #tpu.memory_space<hbm>> -> memref<80xi32, #tpu.memory_space<hbm>>
        %dma_wait3A_78 = tpu.memref_slice %arg3[%add3A_65] : memref<320000xi32, #tpu.memory_space<hbm>> -> memref<80xi32, #tpu.memory_space<hbm>>
        tpu.wait_dma2 semaphore(%run_scoped3A : memref<!tpu.dma_semaphore, #tpu.memory_space<semaphore_mem>>) src(%dma_wait3A_78 : memref<80xi32, #tpu.memory_space<hbm>>) dst(%arg7 : memref<80xi32, #tpu.memory_space<vmem>>)
        tpu.yield
      }) : () -> ()
      %mul3A_66 = arith.constant 80 : i32
      %mul3A_67 = arith.muli %add3A_62, %mul3A_66 : i32
      %add3A_68 = arith.addi %mul3A_8, %mul3A_67 : i32
      "tpu.region"() ({
        %run_scoped3A = tpu.sem_alloc : memref<!tpu.dma_semaphore, #tpu.memory_space<semaphore_mem>>
        %dma_start3A_75 = tpu.memref_slice %arg4[%add3A_68] : memref<320000xi32, #tpu.memory_space<hbm>> -> memref<80xi32, #tpu.memory_space<hbm>>
        %dma_start3A_76 = tpu.memref_slice %arg4[%add3A_68] : memref<320000xi32, #tpu.memory_space<hbm>> -> memref<80xi32, #tpu.memory_space<hbm>>
        tpu.enqueue_dma source(%dma_start3A_76 : memref<80xi32, #tpu.memory_space<hbm>>) target(%arg9 : memref<80xi32, #tpu.memory_space<vmem>>) target_semaphore(%run_scoped3A : memref<!tpu.dma_semaphore, #tpu.memory_space<semaphore_mem>>)
        %dma_wait3A_77 = tpu.memref_slice %arg4[%add3A_68] : memref<320000xi32, #tpu.memory_space<hbm>> -> memref<80xi32, #tpu.memory_space<hbm>>
        %dma_wait3A_78 = tpu.memref_slice %arg4[%add3A_68] : memref<320000xi32, #tpu.memory_space<hbm>> -> memref<80xi32, #tpu.memory_space<hbm>>
        tpu.wait_dma2 semaphore(%run_scoped3A : memref<!tpu.dma_semaphore, #tpu.memory_space<semaphore_mem>>) src(%dma_wait3A_78 : memref<80xi32, #tpu.memory_space<hbm>>) dst(%arg9 : memref<80xi32, #tpu.memory_space<vmem>>)
        tpu.yield
      }) : () -> ()
      %dma_start3A_69 = arith.constant 0 : i32
      %dma_start3A_70 = arith.constant 0 : i32
      %dma_start3A_71 = tpu.memref_slice %arg2[%dma_start3A_69, %dma_start3A_70] : memref<10000x128xf32, #tpu.memory_space<hbm>> -> memref<10000x128xf32, #tpu.memory_space<hbm>>
      tpu.enqueue_indirect_dma source(%dma_start3A_71 : memref<10000x128xf32, #tpu.memory_space<hbm>>) target(%arg11 : memref<80x128xf32, #tpu.memory_space<vmem>>) offsets(%arg7 : memref<80xi32, #tpu.memory_space<vmem>>) semaphore(%arg14 : memref<!tpu.dma_semaphore, #tpu.memory_space<semaphore_mem>>)
      %dma_wait3A_72 = arith.constant 0 : i32
      %dma_wait3A_73 = arith.constant 0 : i32
      %dma_wait3A_74 = tpu.memref_slice %arg2[%dma_wait3A_72, %dma_wait3A_73] : memref<10000x128xf32, #tpu.memory_space<hbm>> -> memref<10000x128xf32, #tpu.memory_space<hbm>>
      tpu.wait_indirect_dma semaphore(%arg15 : memref<!tpu.dma_semaphore, #tpu.memory_space<semaphore_mem>>) src(%dma_wait3A_74 : memref<10000x128xf32, #tpu.memory_space<hbm>>) dst(%arg12 : memref<80x128xf32, #tpu.memory_space<vmem>>)
      "tpu.region"() ({
        %run_scoped3A = tpu.sem_alloc : memref<!tpu.dma_semaphore, #tpu.memory_space<semaphore_mem>>
        %dma_start3A_75 = arith.constant 0 : i32
        %dma_start3A_76 = arith.constant 0 : i32
        %dma_start3A_77 = tpu.memref_slice %arg13[%dma_start3A_75, %dma_start3A_76] : memref<10016x128xf32, #tpu.memory_space<vmem_shared>> -> memref<10016x128xf32, #tpu.memory_space<vmem_shared>>
        tpu.enqueue_indirect_dma source(%arg12 : memref<80x128xf32, #tpu.memory_space<vmem>>) target(%dma_start3A_77 : memref<10016x128xf32, #tpu.memory_space<vmem_shared>>) offsets(%arg10 : memref<80xi32, #tpu.memory_space<vmem>>) semaphore(%run_scoped3A : memref<!tpu.dma_semaphore, #tpu.memory_space<semaphore_mem>>) {add = true}
        %dma_wait3A_78 = arith.constant 0 : i32
        %dma_wait3A_79 = arith.constant 0 : i32
        %dma_wait3A_80 = tpu.memref_slice %arg13[%dma_wait3A_78, %dma_wait3A_79] : memref<10016x128xf32, #tpu.memory_space<vmem_shared>> -> memref<10016x128xf32, #tpu.memory_space<vmem_shared>>
        tpu.wait_indirect_dma semaphore(%run_scoped3A : memref<!tpu.dma_semaphore, #tpu.memory_space<semaphore_mem>>) src(%arg12 : memref<80x128xf32, #tpu.memory_space<vmem>>) dst(%dma_wait3A_80 : memref<10016x128xf32, #tpu.memory_space<vmem_shared>>)
        tpu.yield
      }) : () -> ()
    }
    %scan3A_18 = arith.constant 62 : i32
    %dma_wait3A = arith.constant 0 : i32
    %dma_wait3A_19 = arith.constant 0 : i32
    %dma_wait3A_20 = tpu.memref_slice %arg2[%dma_wait3A, %dma_wait3A_19] : memref<10000x128xf32, #tpu.memory_space<hbm>> -> memref<10000x128xf32, #tpu.memory_space<hbm>>
    tpu.wait_indirect_dma semaphore(%arg14 : memref<!tpu.dma_semaphore, #tpu.memory_space<semaphore_mem>>) src(%dma_wait3A_20 : memref<10000x128xf32, #tpu.memory_space<hbm>>) dst(%arg11 : memref<80x128xf32, #tpu.memory_space<vmem>>)
    "tpu.region"() ({
      %run_scoped3A = tpu.sem_alloc : memref<!tpu.dma_semaphore, #tpu.memory_space<semaphore_mem>>
      %dma_start3A_34 = arith.constant 0 : i32
      %dma_start3A_35 = arith.constant 0 : i32
      %dma_start3A_36 = tpu.memref_slice %arg13[%dma_start3A_34, %dma_start3A_35] : memref<10016x128xf32, #tpu.memory_space<vmem_shared>> -> memref<10016x128xf32, #tpu.memory_space<vmem_shared>>
      tpu.enqueue_indirect_dma source(%arg11 : memref<80x128xf32, #tpu.memory_space<vmem>>) target(%dma_start3A_36 : memref<10016x128xf32, #tpu.memory_space<vmem_shared>>) offsets(%arg9 : memref<80xi32, #tpu.memory_space<vmem>>) semaphore(%run_scoped3A : memref<!tpu.dma_semaphore, #tpu.memory_space<semaphore_mem>>) {add = true}
      %dma_wait3A_37 = arith.constant 0 : i32
      %dma_wait3A_38 = arith.constant 0 : i32
      %dma_wait3A_39 = tpu.memref_slice %arg13[%dma_wait3A_37, %dma_wait3A_38] : memref<10016x128xf32, #tpu.memory_space<vmem_shared>> -> memref<10016x128xf32, #tpu.memory_space<vmem_shared>>
      tpu.wait_indirect_dma semaphore(%run_scoped3A : memref<!tpu.dma_semaphore, #tpu.memory_space<semaphore_mem>>) src(%arg11 : memref<80x128xf32, #tpu.memory_space<vmem>>) dst(%dma_wait3A_39 : memref<10016x128xf32, #tpu.memory_space<vmem_shared>>)
      tpu.yield
    }) : () -> ()
    %barrier3A_21 = arith.constant 0 : index
    tpu.barrier barrier_id(%barrier3A_21)
    %mul3A_22 = arith.constant 624 : i32
    %mul3A_23 = arith.muli %arg1, %mul3A_22 : i32
    %mul3A_24 = arith.constant 10000 : i32
    %mul3A_25 = arith.muli %arg0, %mul3A_24 : i32
    %mul3A_26 = arith.constant 624 : i32
    %mul3A_27 = arith.muli %arg1, %mul3A_26 : i32
    %add3A_28 = arith.addi %mul3A_25, %mul3A_27 : i32
    "tpu.region"() ({
      %run_scoped3A = tpu.sem_alloc : memref<!tpu.dma_semaphore, #tpu.memory_space<semaphore_mem>>
      %dma_start3A_34 = arith.constant 0 : i32
      %dma_start3A_35 = tpu.memref_slice %arg6[%add3A_28, %dma_start3A_34] : memref<20000x128xf32, #tpu.memory_space<hbm>> -> memref<624x128xf32, #tpu.memory_space<hbm>>
      %dma_start3A_36 = arith.constant 0 : i32
      %dma_start3A_37 = tpu.memref_slice %arg13[%mul3A_23, %dma_start3A_36] : memref<10016x128xf32, #tpu.memory_space<vmem_shared>> -> memref<624x128xf32, #tpu.memory_space<vmem_shared>>
      tpu.enqueue_dma source(%dma_start3A_37 : memref<624x128xf32, #tpu.memory_space<vmem_shared>>) target(%dma_start3A_35 : memref<624x128xf32, #tpu.memory_space<hbm>>) target_semaphore(%run_scoped3A : memref<!tpu.dma_semaphore, #tpu.memory_space<semaphore_mem>>)
      %dma_wait3A_38 = arith.constant 0 : i32
      %dma_wait3A_39 = tpu.memref_slice %arg6[%add3A_28, %dma_wait3A_38] : memref<20000x128xf32, #tpu.memory_space<hbm>> -> memref<624x128xf32, #tpu.memory_space<hbm>>
      %dma_wait3A_40 = arith.constant 0 : i32
      %dma_wait3A_41 = tpu.memref_slice %arg13[%mul3A_23, %dma_wait3A_40] : memref<10016x128xf32, #tpu.memory_space<vmem_shared>> -> memref<624x128xf32, #tpu.memory_space<vmem_shared>>
      tpu.wait_dma2 semaphore(%run_scoped3A : memref<!tpu.dma_semaphore, #tpu.memory_space<semaphore_mem>>) src(%dma_wait3A_41 : memref<624x128xf32, #tpu.memory_space<vmem_shared>>) dst(%dma_wait3A_39 : memref<624x128xf32, #tpu.memory_space<hbm>>)
      tpu.yield
    }) : () -> ()
    %eq3A_29 = arith.constant 15 : i32
    %eq3A_30 = arith.cmpi eq, %arg1, %eq3A_29 : i32
    %convert_element_type3A_31 = arith.extui %eq3A_30 : i1 to i32
    %cond3A_32 = arith.constant 0 : i32
    %cond3A_33 = arith.cmpi ne, %convert_element_type3A_31, %cond3A_32 : i32
    scf.if %cond3A_33 {
      %mul3A_34 = arith.constant 10000 : i32
      %mul3A_35 = arith.muli %arg0, %mul3A_34 : i32
      %add3A_36 = arith.constant 9984 : i32
      %add3A_37 = arith.addi %mul3A_35, %add3A_36 : i32
      "tpu.region"() ({
        %run_scoped3A = tpu.sem_alloc : memref<!tpu.dma_semaphore, #tpu.memory_space<semaphore_mem>>
        %dma_start3A_38 = arith.constant 0 : i32
        %dma_start3A_39 = tpu.memref_slice %arg6[%add3A_37, %dma_start3A_38] : memref<20000x128xf32, #tpu.memory_space<hbm>> -> memref<16x128xf32, #tpu.memory_space<hbm>>
        %dma_start3A_40 = arith.constant 9984 : i32
        %dma_start3A_41 = arith.constant 0 : i32
        %dma_start3A_42 = tpu.memref_slice %arg13[%dma_start3A_40, %dma_start3A_41] : memref<10016x128xf32, #tpu.memory_space<vmem_shared>> -> memref<16x128xf32, #tpu.memory_space<vmem_shared>>
        tpu.enqueue_dma source(%dma_start3A_42 : memref<16x128xf32, #tpu.memory_space<vmem_shared>>) target(%dma_start3A_39 : memref<16x128xf32, #tpu.memory_space<hbm>>) target_semaphore(%run_scoped3A : memref<!tpu.dma_semaphore, #tpu.memory_space<semaphore_mem>>)
        %dma_wait3A_43 = arith.constant 0 : i32
        %dma_wait3A_44 = tpu.memref_slice %arg6[%add3A_37, %dma_wait3A_43] : memref<20000x128xf32, #tpu.memory_space<hbm>> -> memref<16x128xf32, #tpu.memory_space<hbm>>
        %dma_wait3A_45 = arith.constant 9984 : i32
        %dma_wait3A_46 = arith.constant 0 : i32
        %dma_wait3A_47 = tpu.memref_slice %arg13[%dma_wait3A_45, %dma_wait3A_46] : memref<10016x128xf32, #tpu.memory_space<vmem_shared>> -> memref<16x128xf32, #tpu.memory_space<vmem_shared>>
        tpu.wait_dma2 semaphore(%run_scoped3A : memref<!tpu.dma_semaphore, #tpu.memory_space<semaphore_mem>>) src(%dma_wait3A_47 : memref<16x128xf32, #tpu.memory_space<vmem_shared>>) dst(%dma_wait3A_44 : memref<16x128xf32, #tpu.memory_space<hbm>>)
        tpu.yield
      }) : () -> ()
    } else {
    }
    return
  }
}

#map = affine_map<(d0, d1) -> (0)>
#map1 = affine_map<(d0, d1) -> (0, 0)>
module attributes {stable_mosaic.version = 14 : i64} {
  func.func @k(%arg0: i32, %arg1: i32, %arg2: memref<320000xi32, #tpu.memory_space<hbm>>, %arg3: memref<80x128xf32, #tpu.memory_space<hbm>>, %arg4: memref<10000x128xf32, #tpu.memory_space<hbm>>, %arg5: memref<20000x128xf32, #tpu.memory_space<hbm>>, %arg6: memref<80xi32, #tpu.memory_space<vmem>>, %arg7: memref<80x128xf32, #tpu.memory_space<vmem>>, %arg8: memref<10016x128xf32, #tpu.memory_space<vmem_shared>>) attributes {dimension_semantics = [#tpu.dimension_semantics<core_parallel>, #tpu.dimension_semantics<subcore_parallel>], iteration_bounds = array<i64: 2, 16>, scalar_prefetch = 0 : i64, scratch_operands = 3 : i64, tpu.core_type = #tpu.core_type<sc_vector_subcore>, window_params = [{transform_indices = #map}, {transform_indices = #map1}, {transform_indices = #map1}, {transform_indices = #map1}]} {
    "tpu.region"() ({
      %run_scoped3A = tpu.sem_alloc : memref<!tpu.dma_semaphore, #tpu.memory_space<semaphore_mem>>
      tpu.enqueue_dma source(%arg3 : memref<80x128xf32, #tpu.memory_space<hbm>>) target(%arg7 : memref<80x128xf32, #tpu.memory_space<vmem>>) target_semaphore(%run_scoped3A : memref<!tpu.dma_semaphore, #tpu.memory_space<semaphore_mem>>)
      tpu.wait_dma2 semaphore(%run_scoped3A : memref<!tpu.dma_semaphore, #tpu.memory_space<semaphore_mem>>) src(%arg3 : memref<80x128xf32, #tpu.memory_space<hbm>>) dst(%arg7 : memref<80x128xf32, #tpu.memory_space<vmem>>)
      tpu.yield
    }) : () -> ()
    %mul3A = arith.constant 624 : i32
    %mul3A_0 = arith.muli %arg1, %mul3A : i32
    %mul3A_1 = arith.constant 624 : i32
    %mul3A_2 = arith.muli %arg1, %mul3A_1 : i32
    "tpu.region"() ({
      %run_scoped3A = tpu.sem_alloc : memref<!tpu.dma_semaphore, #tpu.memory_space<semaphore_mem>>
      %dma_start3A = arith.constant 0 : i32
      %dma_start3A_26 = tpu.memref_slice %arg8[%mul3A_2, %dma_start3A] : memref<10016x128xf32, #tpu.memory_space<vmem_shared>> -> memref<624x128xf32, #tpu.memory_space<vmem_shared>>
      %dma_start3A_27 = arith.constant 0 : i32
      %dma_start3A_28 = tpu.memref_slice %arg4[%mul3A_0, %dma_start3A_27] : memref<10000x128xf32, #tpu.memory_space<hbm>> -> memref<624x128xf32, #tpu.memory_space<hbm>>
      tpu.enqueue_dma source(%dma_start3A_28 : memref<624x128xf32, #tpu.memory_space<hbm>>) target(%dma_start3A_26 : memref<624x128xf32, #tpu.memory_space<vmem_shared>>) target_semaphore(%run_scoped3A : memref<!tpu.dma_semaphore, #tpu.memory_space<semaphore_mem>>)
      %dma_wait3A = arith.constant 0 : i32
      %dma_wait3A_29 = tpu.memref_slice %arg8[%mul3A_2, %dma_wait3A] : memref<10016x128xf32, #tpu.memory_space<vmem_shared>> -> memref<624x128xf32, #tpu.memory_space<vmem_shared>>
      %dma_wait3A_30 = arith.constant 0 : i32
      %dma_wait3A_31 = tpu.memref_slice %arg4[%mul3A_0, %dma_wait3A_30] : memref<10000x128xf32, #tpu.memory_space<hbm>> -> memref<624x128xf32, #tpu.memory_space<hbm>>
      tpu.wait_dma2 semaphore(%run_scoped3A : memref<!tpu.dma_semaphore, #tpu.memory_space<semaphore_mem>>) src(%dma_wait3A_31 : memref<624x128xf32, #tpu.memory_space<hbm>>) dst(%dma_wait3A_29 : memref<624x128xf32, #tpu.memory_space<vmem_shared>>)
      tpu.yield
    }) : () -> ()
    %eq3A = arith.constant 15 : i32
    %eq3A_3 = arith.cmpi eq, %arg1, %eq3A : i32
    %convert_element_type3A = arith.extui %eq3A_3 : i1 to i32
    %cond3A = arith.constant 0 : i32
    %cond3A_4 = arith.cmpi ne, %convert_element_type3A, %cond3A : i32
    scf.if %cond3A_4 {
      "tpu.region"() ({
        %run_scoped3A = tpu.sem_alloc : memref<!tpu.dma_semaphore, #tpu.memory_space<semaphore_mem>>
        %dma_start3A = arith.constant 9984 : i32
        %dma_start3A_26 = arith.constant 0 : i32
        %dma_start3A_27 = tpu.memref_slice %arg8[%dma_start3A, %dma_start3A_26] : memref<10016x128xf32, #tpu.memory_space<vmem_shared>> -> memref<16x128xf32, #tpu.memory_space<vmem_shared>>
        %dma_start3A_28 = arith.constant 9984 : i32
        %dma_start3A_29 = arith.constant 0 : i32
        %dma_start3A_30 = tpu.memref_slice %arg4[%dma_start3A_28, %dma_start3A_29] : memref<10000x128xf32, #tpu.memory_space<hbm>> -> memref<16x128xf32, #tpu.memory_space<hbm>>
        tpu.enqueue_dma source(%dma_start3A_30 : memref<16x128xf32, #tpu.memory_space<hbm>>) target(%dma_start3A_27 : memref<16x128xf32, #tpu.memory_space<vmem_shared>>) target_semaphore(%run_scoped3A : memref<!tpu.dma_semaphore, #tpu.memory_space<semaphore_mem>>)
        %dma_wait3A = arith.constant 9984 : i32
        %dma_wait3A_31 = arith.constant 0 : i32
        %dma_wait3A_32 = tpu.memref_slice %arg8[%dma_wait3A, %dma_wait3A_31] : memref<10016x128xf32, #tpu.memory_space<vmem_shared>> -> memref<16x128xf32, #tpu.memory_space<vmem_shared>>
        %dma_wait3A_33 = arith.constant 9984 : i32
        %dma_wait3A_34 = arith.constant 0 : i32
        %dma_wait3A_35 = tpu.memref_slice %arg4[%dma_wait3A_33, %dma_wait3A_34] : memref<10000x128xf32, #tpu.memory_space<hbm>> -> memref<16x128xf32, #tpu.memory_space<hbm>>
        tpu.wait_dma2 semaphore(%run_scoped3A : memref<!tpu.dma_semaphore, #tpu.memory_space<semaphore_mem>>) src(%dma_wait3A_35 : memref<16x128xf32, #tpu.memory_space<hbm>>) dst(%dma_wait3A_32 : memref<16x128xf32, #tpu.memory_space<vmem_shared>>)
        tpu.yield
      }) : () -> ()
    } else {
    }
    %barrier3A = arith.constant 0 : index
    tpu.barrier barrier_id(%barrier3A)
    %mul3A_5 = arith.constant 16 : i32
    %mul3A_6 = arith.muli %arg0, %mul3A_5 : i32
    %add3A = arith.addi %mul3A_6, %arg1 : i32
    %mul3A_7 = arith.constant 10000 : i32
    %mul3A_8 = arith.muli %add3A, %mul3A_7 : i32
    %scan3A = arith.constant 0 : i32
    %scan3A_9 = arith.constant 125 : i32
    %scan3A_10 = arith.addi %scan3A, %scan3A_9 : i32
    %scan3A_11 = arith.constant 1 : i32
    scf.for %scan3A_26 = %scan3A to %scan3A_10 step %scan3A_11  : i32 {
      %mul3A_27 = arith.constant 1 : i32
      %mul3A_28 = arith.muli %scan3A_26, %mul3A_27 : i32
      %add3A_29 = arith.constant 0 : i32
      %add3A_30 = arith.addi %add3A_29, %mul3A_28 : i32
      %mul3A_31 = arith.constant 80 : i32
      %mul3A_32 = arith.muli %add3A_30, %mul3A_31 : i32
      %add3A_33 = arith.addi %mul3A_8, %mul3A_32 : i32
      "tpu.region"() ({
        %run_scoped3A = tpu.sem_alloc : memref<!tpu.dma_semaphore, #tpu.memory_space<semaphore_mem>>
        %dma_start3A = tpu.memref_slice %arg2[%add3A_33] : memref<320000xi32, #tpu.memory_space<hbm>> -> memref<80xi32, #tpu.memory_space<hbm>>
        %dma_start3A_34 = tpu.memref_slice %arg2[%add3A_33] : memref<320000xi32, #tpu.memory_space<hbm>> -> memref<80xi32, #tpu.memory_space<hbm>>
        tpu.enqueue_dma source(%dma_start3A_34 : memref<80xi32, #tpu.memory_space<hbm>>) target(%arg6 : memref<80xi32, #tpu.memory_space<vmem>>) target_semaphore(%run_scoped3A : memref<!tpu.dma_semaphore, #tpu.memory_space<semaphore_mem>>)
        %dma_wait3A = tpu.memref_slice %arg2[%add3A_33] : memref<320000xi32, #tpu.memory_space<hbm>> -> memref<80xi32, #tpu.memory_space<hbm>>
        %dma_wait3A_35 = tpu.memref_slice %arg2[%add3A_33] : memref<320000xi32, #tpu.memory_space<hbm>> -> memref<80xi32, #tpu.memory_space<hbm>>
        tpu.wait_dma2 semaphore(%run_scoped3A : memref<!tpu.dma_semaphore, #tpu.memory_space<semaphore_mem>>) src(%dma_wait3A_35 : memref<80xi32, #tpu.memory_space<hbm>>) dst(%arg6 : memref<80xi32, #tpu.memory_space<vmem>>)
        tpu.yield
      }) : () -> ()
      "tpu.region"() ({
        %run_scoped3A = tpu.sem_alloc : memref<!tpu.dma_semaphore, #tpu.memory_space<semaphore_mem>>
        %dma_start3A = arith.constant 0 : i32
        %dma_start3A_34 = arith.constant 0 : i32
        %dma_start3A_35 = tpu.memref_slice %arg8[%dma_start3A, %dma_start3A_34] : memref<10016x128xf32, #tpu.memory_space<vmem_shared>> -> memref<10016x128xf32, #tpu.memory_space<vmem_shared>>
        tpu.enqueue_indirect_dma source(%arg7 : memref<80x128xf32, #tpu.memory_space<vmem>>) target(%dma_start3A_35 : memref<10016x128xf32, #tpu.memory_space<vmem_shared>>) offsets(%arg6 : memref<80xi32, #tpu.memory_space<vmem>>) semaphore(%run_scoped3A : memref<!tpu.dma_semaphore, #tpu.memory_space<semaphore_mem>>) {add = true}
        %dma_wait3A = arith.constant 0 : i32
        %dma_wait3A_36 = arith.constant 0 : i32
        %dma_wait3A_37 = tpu.memref_slice %arg8[%dma_wait3A, %dma_wait3A_36] : memref<10016x128xf32, #tpu.memory_space<vmem_shared>> -> memref<10016x128xf32, #tpu.memory_space<vmem_shared>>
        tpu.wait_indirect_dma semaphore(%run_scoped3A : memref<!tpu.dma_semaphore, #tpu.memory_space<semaphore_mem>>) src(%arg7 : memref<80x128xf32, #tpu.memory_space<vmem>>) dst(%dma_wait3A_37 : memref<10016x128xf32, #tpu.memory_space<vmem_shared>>)
        tpu.yield
      }) : () -> ()
    }
    %scan3A_12 = arith.constant 125 : i32
    %barrier3A_13 = arith.constant 0 : index
    tpu.barrier barrier_id(%barrier3A_13)
    %mul3A_14 = arith.constant 624 : i32
    %mul3A_15 = arith.muli %arg1, %mul3A_14 : i32
    %mul3A_16 = arith.constant 10000 : i32
    %mul3A_17 = arith.muli %arg0, %mul3A_16 : i32
    %mul3A_18 = arith.constant 624 : i32
    %mul3A_19 = arith.muli %arg1, %mul3A_18 : i32
    %add3A_20 = arith.addi %mul3A_17, %mul3A_19 : i32
    "tpu.region"() ({
      %run_scoped3A = tpu.sem_alloc : memref<!tpu.dma_semaphore, #tpu.memory_space<semaphore_mem>>
      %dma_start3A = arith.constant 0 : i32
      %dma_start3A_26 = tpu.memref_slice %arg5[%add3A_20, %dma_start3A] : memref<20000x128xf32, #tpu.memory_space<hbm>> -> memref<624x128xf32, #tpu.memory_space<hbm>>
      %dma_start3A_27 = arith.constant 0 : i32
      %dma_start3A_28 = tpu.memref_slice %arg8[%mul3A_15, %dma_start3A_27] : memref<10016x128xf32, #tpu.memory_space<vmem_shared>> -> memref<624x128xf32, #tpu.memory_space<vmem_shared>>
      tpu.enqueue_dma source(%dma_start3A_28 : memref<624x128xf32, #tpu.memory_space<vmem_shared>>) target(%dma_start3A_26 : memref<624x128xf32, #tpu.memory_space<hbm>>) target_semaphore(%run_scoped3A : memref<!tpu.dma_semaphore, #tpu.memory_space<semaphore_mem>>)
      %dma_wait3A = arith.constant 0 : i32
      %dma_wait3A_29 = tpu.memref_slice %arg5[%add3A_20, %dma_wait3A] : memref<20000x128xf32, #tpu.memory_space<hbm>> -> memref<624x128xf32, #tpu.memory_space<hbm>>
      %dma_wait3A_30 = arith.constant 0 : i32
      %dma_wait3A_31 = tpu.memref_slice %arg8[%mul3A_15, %dma_wait3A_30] : memref<10016x128xf32, #tpu.memory_space<vmem_shared>> -> memref<624x128xf32, #tpu.memory_space<vmem_shared>>
      tpu.wait_dma2 semaphore(%run_scoped3A : memref<!tpu.dma_semaphore, #tpu.memory_space<semaphore_mem>>) src(%dma_wait3A_31 : memref<624x128xf32, #tpu.memory_space<vmem_shared>>) dst(%dma_wait3A_29 : memref<624x128xf32, #tpu.memory_space<hbm>>)
      tpu.yield
    }) : () -> ()
    %eq3A_21 = arith.constant 15 : i32
    %eq3A_22 = arith.cmpi eq, %arg1, %eq3A_21 : i32
    %convert_element_type3A_23 = arith.extui %eq3A_22 : i1 to i32
    %cond3A_24 = arith.constant 0 : i32
    %cond3A_25 = arith.cmpi ne, %convert_element_type3A_23, %cond3A_24 : i32
    scf.if %cond3A_25 {
      %mul3A_26 = arith.constant 10000 : i32
      %mul3A_27 = arith.muli %arg0, %mul3A_26 : i32
      %add3A_28 = arith.constant 9984 : i32
      %add3A_29 = arith.addi %mul3A_27, %add3A_28 : i32
      "tpu.region"() ({
        %run_scoped3A = tpu.sem_alloc : memref<!tpu.dma_semaphore, #tpu.memory_space<semaphore_mem>>
        %dma_start3A = arith.constant 0 : i32
        %dma_start3A_30 = tpu.memref_slice %arg5[%add3A_29, %dma_start3A] : memref<20000x128xf32, #tpu.memory_space<hbm>> -> memref<16x128xf32, #tpu.memory_space<hbm>>
        %dma_start3A_31 = arith.constant 9984 : i32
        %dma_start3A_32 = arith.constant 0 : i32
        %dma_start3A_33 = tpu.memref_slice %arg8[%dma_start3A_31, %dma_start3A_32] : memref<10016x128xf32, #tpu.memory_space<vmem_shared>> -> memref<16x128xf32, #tpu.memory_space<vmem_shared>>
        tpu.enqueue_dma source(%dma_start3A_33 : memref<16x128xf32, #tpu.memory_space<vmem_shared>>) target(%dma_start3A_30 : memref<16x128xf32, #tpu.memory_space<hbm>>) target_semaphore(%run_scoped3A : memref<!tpu.dma_semaphore, #tpu.memory_space<semaphore_mem>>)
        %dma_wait3A = arith.constant 0 : i32
        %dma_wait3A_34 = tpu.memref_slice %arg5[%add3A_29, %dma_wait3A] : memref<20000x128xf32, #tpu.memory_space<hbm>> -> memref<16x128xf32, #tpu.memory_space<hbm>>
        %dma_wait3A_35 = arith.constant 9984 : i32
        %dma_wait3A_36 = arith.constant 0 : i32
        %dma_wait3A_37 = tpu.memref_slice %arg8[%dma_wait3A_35, %dma_wait3A_36] : memref<10016x128xf32, #tpu.memory_space<vmem_shared>> -> memref<16x128xf32, #tpu.memory_space<vmem_shared>>
        tpu.wait_dma2 semaphore(%run_scoped3A : memref<!tpu.dma_semaphore, #tpu.memory_space<semaphore_mem>>) src(%dma_wait3A_37 : memref<16x128xf32, #tpu.memory_space<vmem_shared>>) dst(%dma_wait3A_34 : memref<16x128xf32, #tpu.memory_space<hbm>>)
        tpu.yield
      }) : () -> ()
    } else {
    }
    return
  }
}

#map = affine_map<(d0, d1) -> (0, 0)>
#map1 = affine_map<(d0, d1) -> (0)>
module attributes {stable_mosaic.version = 14 : i64} {
  func.func @k(%arg0: i32, %arg1: i32, %arg2: memref<10000x128xf32, #tpu.memory_space<hbm>>, %arg3: memref<320000xi32, #tpu.memory_space<hbm>>, %arg4: memref<320000xi32, #tpu.memory_space<hbm>>, %arg5: memref<10000x128xf32, #tpu.memory_space<hbm>>, %arg6: memref<20000x128xf32, #tpu.memory_space<hbm>>, %arg7: memref<80xi32, #tpu.memory_space<vmem>>, %arg8: memref<80xi32, #tpu.memory_space<vmem>>, %arg9: memref<80xi32, #tpu.memory_space<vmem>>, %arg10: memref<80xi32, #tpu.memory_space<vmem>>, %arg11: memref<80x128xf32, #tpu.memory_space<vmem>>, %arg12: memref<80x128xf32, #tpu.memory_space<vmem>>, %arg13: memref<10016x128xf32, #tpu.memory_space<vmem_shared>>, %arg14: memref<!tpu.dma_semaphore, #tpu.memory_space<semaphore_mem>>, %arg15: memref<!tpu.dma_semaphore, #tpu.memory_space<semaphore_mem>>) attributes {dimension_semantics = [#tpu.dimension_semantics<core_parallel>, #tpu.dimension_semantics<subcore_parallel>], iteration_bounds = array<i64: 2, 16>, scalar_prefetch = 0 : i64, scratch_operands = 9 : i64, tpu.core_type = #tpu.core_type<sc_vector_subcore>, window_params = [{transform_indices = #map}, {transform_indices = #map1}, {transform_indices = #map1}, {transform_indices = #map}, {transform_indices = #map}]} {
    %mul3A = arith.constant 624 : i32
    %mul3A_0 = arith.muli %arg1, %mul3A : i32
    %mul3A_1 = arith.constant 624 : i32
    %mul3A_2 = arith.muli %arg1, %mul3A_1 : i32
    "tpu.region"() ({
      %run_scoped3A = tpu.sem_alloc : memref<!tpu.dma_semaphore, #tpu.memory_space<semaphore_mem>>
      %dma_start3A_34 = arith.constant 0 : i32
      %dma_start3A_35 = tpu.memref_slice %arg13[%mul3A_2, %dma_start3A_34] : memref<10016x128xf32, #tpu.memory_space<vmem_shared>> -> memref<624x128xf32, #tpu.memory_space<vmem_shared>>
      %dma_start3A_36 = arith.constant 0 : i32
      %dma_start3A_37 = tpu.memref_slice %arg5[%mul3A_0, %dma_start3A_36] : memref<10000x128xf32, #tpu.memory_space<hbm>> -> memref<624x128xf32, #tpu.memory_space<hbm>>
      tpu.enqueue_dma source(%dma_start3A_37 : memref<624x128xf32, #tpu.memory_space<hbm>>) target(%dma_start3A_35 : memref<624x128xf32, #tpu.memory_space<vmem_shared>>) target_semaphore(%run_scoped3A : memref<!tpu.dma_semaphore, #tpu.memory_space<semaphore_mem>>)
      %dma_wait3A_38 = arith.constant 0 : i32
      %dma_wait3A_39 = tpu.memref_slice %arg13[%mul3A_2, %dma_wait3A_38] : memref<10016x128xf32, #tpu.memory_space<vmem_shared>> -> memref<624x128xf32, #tpu.memory_space<vmem_shared>>
      %dma_wait3A_40 = arith.constant 0 : i32
      %dma_wait3A_41 = tpu.memref_slice %arg5[%mul3A_0, %dma_wait3A_40] : memref<10000x128xf32, #tpu.memory_space<hbm>> -> memref<624x128xf32, #tpu.memory_space<hbm>>
      tpu.wait_dma2 semaphore(%run_scoped3A : memref<!tpu.dma_semaphore, #tpu.memory_space<semaphore_mem>>) src(%dma_wait3A_41 : memref<624x128xf32, #tpu.memory_space<hbm>>) dst(%dma_wait3A_39 : memref<624x128xf32, #tpu.memory_space<vmem_shared>>)
      tpu.yield
    }) : () -> ()
    %eq3A = arith.constant 15 : i32
    %eq3A_3 = arith.cmpi eq, %arg1, %eq3A : i32
    %convert_element_type3A = arith.extui %eq3A_3 : i1 to i32
    %cond3A = arith.constant 0 : i32
    %cond3A_4 = arith.cmpi ne, %convert_element_type3A, %cond3A : i32
    scf.if %cond3A_4 {
      "tpu.region"() ({
        %run_scoped3A = tpu.sem_alloc : memref<!tpu.dma_semaphore, #tpu.memory_space<semaphore_mem>>
        %dma_start3A_34 = arith.constant 9984 : i32
        %dma_start3A_35 = arith.constant 0 : i32
        %dma_start3A_36 = tpu.memref_slice %arg13[%dma_start3A_34, %dma_start3A_35] : memref<10016x128xf32, #tpu.memory_space<vmem_shared>> -> memref<16x128xf32, #tpu.memory_space<vmem_shared>>
        %dma_start3A_37 = arith.constant 9984 : i32
        %dma_start3A_38 = arith.constant 0 : i32
        %dma_start3A_39 = tpu.memref_slice %arg5[%dma_start3A_37, %dma_start3A_38] : memref<10000x128xf32, #tpu.memory_space<hbm>> -> memref<16x128xf32, #tpu.memory_space<hbm>>
        tpu.enqueue_dma source(%dma_start3A_39 : memref<16x128xf32, #tpu.memory_space<hbm>>) target(%dma_start3A_36 : memref<16x128xf32, #tpu.memory_space<vmem_shared>>) target_semaphore(%run_scoped3A : memref<!tpu.dma_semaphore, #tpu.memory_space<semaphore_mem>>)
        %dma_wait3A_40 = arith.constant 9984 : i32
        %dma_wait3A_41 = arith.constant 0 : i32
        %dma_wait3A_42 = tpu.memref_slice %arg13[%dma_wait3A_40, %dma_wait3A_41] : memref<10016x128xf32, #tpu.memory_space<vmem_shared>> -> memref<16x128xf32, #tpu.memory_space<vmem_shared>>
        %dma_wait3A_43 = arith.constant 9984 : i32
        %dma_wait3A_44 = arith.constant 0 : i32
        %dma_wait3A_45 = tpu.memref_slice %arg5[%dma_wait3A_43, %dma_wait3A_44] : memref<10000x128xf32, #tpu.memory_space<hbm>> -> memref<16x128xf32, #tpu.memory_space<hbm>>
        tpu.wait_dma2 semaphore(%run_scoped3A : memref<!tpu.dma_semaphore, #tpu.memory_space<semaphore_mem>>) src(%dma_wait3A_45 : memref<16x128xf32, #tpu.memory_space<hbm>>) dst(%dma_wait3A_42 : memref<16x128xf32, #tpu.memory_space<vmem_shared>>)
        tpu.yield
      }) : () -> ()
    } else {
    }
    %barrier3A = arith.constant 0 : index
    tpu.barrier barrier_id(%barrier3A)
    %mul3A_5 = arith.constant 16 : i32
    %mul3A_6 = arith.muli %arg0, %mul3A_5 : i32
    %add3A = arith.addi %mul3A_6, %arg1 : i32
    %mul3A_7 = arith.constant 10000 : i32
    %mul3A_8 = arith.muli %add3A, %mul3A_7 : i32
    %add3A_9 = arith.constant 0 : i32
    %add3A_10 = arith.addi %mul3A_8, %add3A_9 : i32
    "tpu.region"() ({
      %run_scoped3A = tpu.sem_alloc : memref<!tpu.dma_semaphore, #tpu.memory_space<semaphore_mem>>
      %dma_start3A_34 = tpu.memref_slice %arg3[%add3A_10] : memref<320000xi32, #tpu.memory_space<hbm>> -> memref<80xi32, #tpu.memory_space<hbm>>
      %dma_start3A_35 = tpu.memref_slice %arg3[%add3A_10] : memref<320000xi32, #tpu.memory_space<hbm>> -> memref<80xi32, #tpu.memory_space<hbm>>
      tpu.enqueue_dma source(%dma_start3A_35 : memref<80xi32, #tpu.memory_space<hbm>>) target(%arg7 : memref<80xi32, #tpu.memory_space<vmem>>) target_semaphore(%run_scoped3A : memref<!tpu.dma_semaphore, #tpu.memory_space<semaphore_mem>>)
      %dma_wait3A_36 = tpu.memref_slice %arg3[%add3A_10] : memref<320000xi32, #tpu.memory_space<hbm>> -> memref<80xi32, #tpu.memory_space<hbm>>
      %dma_wait3A_37 = tpu.memref_slice %arg3[%add3A_10] : memref<320000xi32, #tpu.memory_space<hbm>> -> memref<80xi32, #tpu.memory_space<hbm>>
      tpu.wait_dma2 semaphore(%run_scoped3A : memref<!tpu.dma_semaphore, #tpu.memory_space<semaphore_mem>>) src(%dma_wait3A_37 : memref<80xi32, #tpu.memory_space<hbm>>) dst(%arg7 : memref<80xi32, #tpu.memory_space<vmem>>)
      tpu.yield
    }) : () -> ()
    %add3A_11 = arith.constant 0 : i32
    %add3A_12 = arith.addi %mul3A_8, %add3A_11 : i32
    "tpu.region"() ({
      %run_scoped3A = tpu.sem_alloc : memref<!tpu.dma_semaphore, #tpu.memory_space<semaphore_mem>>
      %dma_start3A_34 = tpu.memref_slice %arg4[%add3A_12] : memref<320000xi32, #tpu.memory_space<hbm>> -> memref<80xi32, #tpu.memory_space<hbm>>
      %dma_start3A_35 = tpu.memref_slice %arg4[%add3A_12] : memref<320000xi32, #tpu.memory_space<hbm>> -> memref<80xi32, #tpu.memory_space<hbm>>
      tpu.enqueue_dma source(%dma_start3A_35 : memref<80xi32, #tpu.memory_space<hbm>>) target(%arg9 : memref<80xi32, #tpu.memory_space<vmem>>) target_semaphore(%run_scoped3A : memref<!tpu.dma_semaphore, #tpu.memory_space<semaphore_mem>>)
      %dma_wait3A_36 = tpu.memref_slice %arg4[%add3A_12] : memref<320000xi32, #tpu.memory_space<hbm>> -> memref<80xi32, #tpu.memory_space<hbm>>
      %dma_wait3A_37 = tpu.memref_slice %arg4[%add3A_12] : memref<320000xi32, #tpu.memory_space<hbm>> -> memref<80xi32, #tpu.memory_space<hbm>>
      tpu.wait_dma2 semaphore(%run_scoped3A : memref<!tpu.dma_semaphore, #tpu.memory_space<semaphore_mem>>) src(%dma_wait3A_37 : memref<80xi32, #tpu.memory_space<hbm>>) dst(%arg9 : memref<80xi32, #tpu.memory_space<vmem>>)
      tpu.yield
    }) : () -> ()
    %dma_start3A = arith.constant 0 : i32
    %dma_start3A_13 = arith.constant 0 : i32
    %dma_start3A_14 = tpu.memref_slice %arg2[%dma_start3A, %dma_start3A_13] : memref<10000x128xf32, #tpu.memory_space<hbm>> -> memref<10000x128xf32, #tpu.memory_space<hbm>>
    tpu.enqueue_indirect_dma source(%dma_start3A_14 : memref<10000x128xf32, #tpu.memory_space<hbm>>) target(%arg11 : memref<80x128xf32, #tpu.memory_space<vmem>>) offsets(%arg7 : memref<80xi32, #tpu.memory_space<vmem>>) semaphore(%arg14 : memref<!tpu.dma_semaphore, #tpu.memory_space<semaphore_mem>>)
    %scan3A = arith.constant 0 : i32
    %scan3A_15 = arith.constant 62 : i32
    %scan3A_16 = arith.addi %scan3A, %scan3A_15 : i32
    %scan3A_17 = arith.constant 1 : i32
    scf.for %scan3A_34 = %scan3A to %scan3A_16 step %scan3A_17  : i32 {
      %mul3A_35 = arith.constant 1 : i32
      %mul3A_36 = arith.muli %scan3A_34, %mul3A_35 : i32
      %add3A_37 = arith.constant 0 : i32
      %add3A_38 = arith.addi %add3A_37, %mul3A_36 : i32
      %mul3A_39 = arith.constant 2 : i32
      %mul3A_40 = arith.muli %mul3A_39, %add3A_38 : i32
      %add3A_41 = arith.constant 0 : i32
      %add3A_42 = arith.addi %mul3A_40, %add3A_41 : i32
      %add3A_43 = arith.constant 1 : i32
      %add3A_44 = arith.addi %add3A_42, %add3A_43 : i32
      %mul3A_45 = arith.constant 80 : i32
      %mul3A_46 = arith.muli %add3A_44, %mul3A_45 : i32
      %add3A_47 = arith.addi %mul3A_8, %mul3A_46 : i32
      "tpu.region"() ({
        %run_scoped3A = tpu.sem_alloc : memref<!tpu.dma_semaphore, #tpu.memory_space<semaphore_mem>>
        %dma_start3A_75 = tpu.memref_slice %arg3[%add3A_47] : memref<320000xi32, #tpu.memory_space<hbm>> -> memref<80xi32, #tpu.memory_space<hbm>>
        %dma_start3A_76 = tpu.memref_slice %arg3[%add3A_47] : memref<320000xi32, #tpu.memory_space<hbm>> -> memref<80xi32, #tpu.memory_space<hbm>>
        tpu.enqueue_dma source(%dma_start3A_76 : memref<80xi32, #tpu.memory_space<hbm>>) target(%arg8 : memref<80xi32, #tpu.memory_space<vmem>>) target_semaphore(%run_scoped3A : memref<!tpu.dma_semaphore, #tpu.memory_space<semaphore_mem>>)
        %dma_wait3A_77 = tpu.memref_slice %arg3[%add3A_47] : memref<320000xi32, #tpu.memory_space<hbm>> -> memref<80xi32, #tpu.memory_space<hbm>>
        %dma_wait3A_78 = tpu.memref_slice %arg3[%add3A_47] : memref<320000xi32, #tpu.memory_space<hbm>> -> memref<80xi32, #tpu.memory_space<hbm>>
        tpu.wait_dma2 semaphore(%run_scoped3A : memref<!tpu.dma_semaphore, #tpu.memory_space<semaphore_mem>>) src(%dma_wait3A_78 : memref<80xi32, #tpu.memory_space<hbm>>) dst(%arg8 : memref<80xi32, #tpu.memory_space<vmem>>)
        tpu.yield
      }) : () -> ()
      %mul3A_48 = arith.constant 80 : i32
      %mul3A_49 = arith.muli %add3A_44, %mul3A_48 : i32
      %add3A_50 = arith.addi %mul3A_8, %mul3A_49 : i32
      "tpu.region"() ({
        %run_scoped3A = tpu.sem_alloc : memref<!tpu.dma_semaphore, #tpu.memory_space<semaphore_mem>>
        %dma_start3A_75 = tpu.memref_slice %arg4[%add3A_50] : memref<320000xi32, #tpu.memory_space<hbm>> -> memref<80xi32, #tpu.memory_space<hbm>>
        %dma_start3A_76 = tpu.memref_slice %arg4[%add3A_50] : memref<320000xi32, #tpu.memory_space<hbm>> -> memref<80xi32, #tpu.memory_space<hbm>>
        tpu.enqueue_dma source(%dma_start3A_76 : memref<80xi32, #tpu.memory_space<hbm>>) target(%arg10 : memref<80xi32, #tpu.memory_space<vmem>>) target_semaphore(%run_scoped3A : memref<!tpu.dma_semaphore, #tpu.memory_space<semaphore_mem>>)
        %dma_wait3A_77 = tpu.memref_slice %arg4[%add3A_50] : memref<320000xi32, #tpu.memory_space<hbm>> -> memref<80xi32, #tpu.memory_space<hbm>>
        %dma_wait3A_78 = tpu.memref_slice %arg4[%add3A_50] : memref<320000xi32, #tpu.memory_space<hbm>> -> memref<80xi32, #tpu.memory_space<hbm>>
        tpu.wait_dma2 semaphore(%run_scoped3A : memref<!tpu.dma_semaphore, #tpu.memory_space<semaphore_mem>>) src(%dma_wait3A_78 : memref<80xi32, #tpu.memory_space<hbm>>) dst(%arg10 : memref<80xi32, #tpu.memory_space<vmem>>)
        tpu.yield
      }) : () -> ()
      %dma_start3A_51 = arith.constant 0 : i32
      %dma_start3A_52 = arith.constant 0 : i32
      %dma_start3A_53 = tpu.memref_slice %arg2[%dma_start3A_51, %dma_start3A_52] : memref<10000x128xf32, #tpu.memory_space<hbm>> -> memref<10000x128xf32, #tpu.memory_space<hbm>>
      tpu.enqueue_indirect_dma source(%dma_start3A_53 : memref<10000x128xf32, #tpu.memory_space<hbm>>) target(%arg12 : memref<80x128xf32, #tpu.memory_space<vmem>>) offsets(%arg8 : memref<80xi32, #tpu.memory_space<vmem>>) semaphore(%arg15 : memref<!tpu.dma_semaphore, #tpu.memory_space<semaphore_mem>>)
      %dma_wait3A_54 = arith.constant 0 : i32
      %dma_wait3A_55 = arith.constant 0 : i32
      %dma_wait3A_56 = tpu.memref_slice %arg2[%dma_wait3A_54, %dma_wait3A_55] : memref<10000x128xf32, #tpu.memory_space<hbm>> -> memref<10000x128xf32, #tpu.memory_space<hbm>>
      tpu.wait_indirect_dma semaphore(%arg14 : memref<!tpu.dma_semaphore, #tpu.memory_space<semaphore_mem>>) src(%dma_wait3A_56 : memref<10000x128xf32, #tpu.memory_space<hbm>>) dst(%arg11 : memref<80x128xf32, #tpu.memory_space<vmem>>)
      "tpu.region"() ({
        %run_scoped3A = tpu.sem_alloc : memref<!tpu.dma_semaphore, #tpu.memory_space<semaphore_mem>>
        %dma_start3A_75 = arith.constant 0 : i32
        %dma_start3A_76 = arith.constant 0 : i32
        %dma_start3A_77 = tpu.memref_slice %arg13[%dma_start3A_75, %dma_start3A_76] : memref<10016x128xf32, #tpu.memory_space<vmem_shared>> -> memref<10016x128xf32, #tpu.memory_space<vmem_shared>>
        tpu.enqueue_indirect_dma source(%arg11 : memref<80x128xf32, #tpu.memory_space<vmem>>) target(%dma_start3A_77 : memref<10016x128xf32, #tpu.memory_space<vmem_shared>>) offsets(%arg9 : memref<80xi32, #tpu.memory_space<vmem>>) semaphore(%run_scoped3A : memref<!tpu.dma_semaphore, #tpu.memory_space<semaphore_mem>>) {add = true}
        %dma_wait3A_78 = arith.constant 0 : i32
        %dma_wait3A_79 = arith.constant 0 : i32
        %dma_wait3A_80 = tpu.memref_slice %arg13[%dma_wait3A_78, %dma_wait3A_79] : memref<10016x128xf32, #tpu.memory_space<vmem_shared>> -> memref<10016x128xf32, #tpu.memory_space<vmem_shared>>
        tpu.wait_indirect_dma semaphore(%run_scoped3A : memref<!tpu.dma_semaphore, #tpu.memory_space<semaphore_mem>>) src(%arg11 : memref<80x128xf32, #tpu.memory_space<vmem>>) dst(%dma_wait3A_80 : memref<10016x128xf32, #tpu.memory_space<vmem_shared>>)
        tpu.yield
      }) : () -> ()
      %mul3A_57 = arith.constant 2 : i32
      %mul3A_58 = arith.muli %mul3A_57, %add3A_38 : i32
      %add3A_59 = arith.constant 1 : i32
      %add3A_60 = arith.addi %mul3A_58, %add3A_59 : i32
      %add3A_61 = arith.constant 1 : i32
      %add3A_62 = arith.addi %add3A_60, %add3A_61 : i32
      %mul3A_63 = arith.constant 80 : i32
      %mul3A_64 = arith.muli %add3A_62, %mul3A_63 : i32
      %add3A_65 = arith.addi %mul3A_8, %mul3A_64 : i32
      "tpu.region"() ({
        %run_scoped3A = tpu.sem_alloc : memref<!tpu.dma_semaphore, #tpu.memory_space<semaphore_mem>>
        %dma_start3A_75 = tpu.memref_slice %arg3[%add3A_65] : memref<320000xi32, #tpu.memory_space<hbm>> -> memref<80xi32, #tpu.memory_space<hbm>>
        %dma_start3A_76 = tpu.memref_slice %arg3[%add3A_65] : memref<320000xi32, #tpu.memory_space<hbm>> -> memref<80xi32, #tpu.memory_space<hbm>>
        tpu.enqueue_dma source(%dma_start3A_76 : memref<80xi32, #tpu.memory_space<hbm>>) target(%arg7 : memref<80xi32, #tpu.memory_space<vmem>>) target_semaphore(%run_scoped3A : memref<!tpu.dma_semaphore, #tpu.memory_space<semaphore_mem>>)
        %dma_wait3A_77 = tpu.memref_slice %arg3[%add3A_65] : memref<320000xi32, #tpu.memory_space<hbm>> -> memref<80xi32, #tpu.memory_space<hbm>>
        %dma_wait3A_78 = tpu.memref_slice %arg3[%add3A_65] : memref<320000xi32, #tpu.memory_space<hbm>> -> memref<80xi32, #tpu.memory_space<hbm>>
        tpu.wait_dma2 semaphore(%run_scoped3A : memref<!tpu.dma_semaphore, #tpu.memory_space<semaphore_mem>>) src(%dma_wait3A_78 : memref<80xi32, #tpu.memory_space<hbm>>) dst(%arg7 : memref<80xi32, #tpu.memory_space<vmem>>)
        tpu.yield
      }) : () -> ()
      %mul3A_66 = arith.constant 80 : i32
      %mul3A_67 = arith.muli %add3A_62, %mul3A_66 : i32
      %add3A_68 = arith.addi %mul3A_8, %mul3A_67 : i32
      "tpu.region"() ({
        %run_scoped3A = tpu.sem_alloc : memref<!tpu.dma_semaphore, #tpu.memory_space<semaphore_mem>>
        %dma_start3A_75 = tpu.memref_slice %arg4[%add3A_68] : memref<320000xi32, #tpu.memory_space<hbm>> -> memref<80xi32, #tpu.memory_space<hbm>>
        %dma_start3A_76 = tpu.memref_slice %arg4[%add3A_68] : memref<320000xi32, #tpu.memory_space<hbm>> -> memref<80xi32, #tpu.memory_space<hbm>>
        tpu.enqueue_dma source(%dma_start3A_76 : memref<80xi32, #tpu.memory_space<hbm>>) target(%arg9 : memref<80xi32, #tpu.memory_space<vmem>>) target_semaphore(%run_scoped3A : memref<!tpu.dma_semaphore, #tpu.memory_space<semaphore_mem>>)
        %dma_wait3A_77 = tpu.memref_slice %arg4[%add3A_68] : memref<320000xi32, #tpu.memory_space<hbm>> -> memref<80xi32, #tpu.memory_space<hbm>>
        %dma_wait3A_78 = tpu.memref_slice %arg4[%add3A_68] : memref<320000xi32, #tpu.memory_space<hbm>> -> memref<80xi32, #tpu.memory_space<hbm>>
        tpu.wait_dma2 semaphore(%run_scoped3A : memref<!tpu.dma_semaphore, #tpu.memory_space<semaphore_mem>>) src(%dma_wait3A_78 : memref<80xi32, #tpu.memory_space<hbm>>) dst(%arg9 : memref<80xi32, #tpu.memory_space<vmem>>)
        tpu.yield
      }) : () -> ()
      %dma_start3A_69 = arith.constant 0 : i32
      %dma_start3A_70 = arith.constant 0 : i32
      %dma_start3A_71 = tpu.memref_slice %arg2[%dma_start3A_69, %dma_start3A_70] : memref<10000x128xf32, #tpu.memory_space<hbm>> -> memref<10000x128xf32, #tpu.memory_space<hbm>>
      tpu.enqueue_indirect_dma source(%dma_start3A_71 : memref<10000x128xf32, #tpu.memory_space<hbm>>) target(%arg11 : memref<80x128xf32, #tpu.memory_space<vmem>>) offsets(%arg7 : memref<80xi32, #tpu.memory_space<vmem>>) semaphore(%arg14 : memref<!tpu.dma_semaphore, #tpu.memory_space<semaphore_mem>>)
      %dma_wait3A_72 = arith.constant 0 : i32
      %dma_wait3A_73 = arith.constant 0 : i32
      %dma_wait3A_74 = tpu.memref_slice %arg2[%dma_wait3A_72, %dma_wait3A_73] : memref<10000x128xf32, #tpu.memory_space<hbm>> -> memref<10000x128xf32, #tpu.memory_space<hbm>>
      tpu.wait_indirect_dma semaphore(%arg15 : memref<!tpu.dma_semaphore, #tpu.memory_space<semaphore_mem>>) src(%dma_wait3A_74 : memref<10000x128xf32, #tpu.memory_space<hbm>>) dst(%arg12 : memref<80x128xf32, #tpu.memory_space<vmem>>)
      "tpu.region"() ({
        %run_scoped3A = tpu.sem_alloc : memref<!tpu.dma_semaphore, #tpu.memory_space<semaphore_mem>>
        %dma_start3A_75 = arith.constant 0 : i32
        %dma_start3A_76 = arith.constant 0 : i32
        %dma_start3A_77 = tpu.memref_slice %arg13[%dma_start3A_75, %dma_start3A_76] : memref<10016x128xf32, #tpu.memory_space<vmem_shared>> -> memref<10016x128xf32, #tpu.memory_space<vmem_shared>>
        tpu.enqueue_indirect_dma source(%arg12 : memref<80x128xf32, #tpu.memory_space<vmem>>) target(%dma_start3A_77 : memref<10016x128xf32, #tpu.memory_space<vmem_shared>>) offsets(%arg10 : memref<80xi32, #tpu.memory_space<vmem>>) semaphore(%run_scoped3A : memref<!tpu.dma_semaphore, #tpu.memory_space<semaphore_mem>>) {add = true}
        %dma_wait3A_78 = arith.constant 0 : i32
        %dma_wait3A_79 = arith.constant 0 : i32
        %dma_wait3A_80 = tpu.memref_slice %arg13[%dma_wait3A_78, %dma_wait3A_79] : memref<10016x128xf32, #tpu.memory_space<vmem_shared>> -> memref<10016x128xf32, #tpu.memory_space<vmem_shared>>
        tpu.wait_indirect_dma semaphore(%run_scoped3A : memref<!tpu.dma_semaphore, #tpu.memory_space<semaphore_mem>>) src(%arg12 : memref<80x128xf32, #tpu.memory_space<vmem>>) dst(%dma_wait3A_80 : memref<10016x128xf32, #tpu.memory_space<vmem_shared>>)
        tpu.yield
      }) : () -> ()
    }
    %scan3A_18 = arith.constant 62 : i32
    %dma_wait3A = arith.constant 0 : i32
    %dma_wait3A_19 = arith.constant 0 : i32
    %dma_wait3A_20 = tpu.memref_slice %arg2[%dma_wait3A, %dma_wait3A_19] : memref<10000x128xf32, #tpu.memory_space<hbm>> -> memref<10000x128xf32, #tpu.memory_space<hbm>>
    tpu.wait_indirect_dma semaphore(%arg14 : memref<!tpu.dma_semaphore, #tpu.memory_space<semaphore_mem>>) src(%dma_wait3A_20 : memref<10000x128xf32, #tpu.memory_space<hbm>>) dst(%arg11 : memref<80x128xf32, #tpu.memory_space<vmem>>)
    "tpu.region"() ({
      %run_scoped3A = tpu.sem_alloc : memref<!tpu.dma_semaphore, #tpu.memory_space<semaphore_mem>>
      %dma_start3A_34 = arith.constant 0 : i32
      %dma_start3A_35 = arith.constant 0 : i32
      %dma_start3A_36 = tpu.memref_slice %arg13[%dma_start3A_34, %dma_start3A_35] : memref<10016x128xf32, #tpu.memory_space<vmem_shared>> -> memref<10016x128xf32, #tpu.memory_space<vmem_shared>>
      tpu.enqueue_indirect_dma source(%arg11 : memref<80x128xf32, #tpu.memory_space<vmem>>) target(%dma_start3A_36 : memref<10016x128xf32, #tpu.memory_space<vmem_shared>>) offsets(%arg9 : memref<80xi32, #tpu.memory_space<vmem>>) semaphore(%run_scoped3A : memref<!tpu.dma_semaphore, #tpu.memory_space<semaphore_mem>>) {add = true}
      %dma_wait3A_37 = arith.constant 0 : i32
      %dma_wait3A_38 = arith.constant 0 : i32
      %dma_wait3A_39 = tpu.memref_slice %arg13[%dma_wait3A_37, %dma_wait3A_38] : memref<10016x128xf32, #tpu.memory_space<vmem_shared>> -> memref<10016x128xf32, #tpu.memory_space<vmem_shared>>
      tpu.wait_indirect_dma semaphore(%run_scoped3A : memref<!tpu.dma_semaphore, #tpu.memory_space<semaphore_mem>>) src(%arg11 : memref<80x128xf32, #tpu.memory_space<vmem>>) dst(%dma_wait3A_39 : memref<10016x128xf32, #tpu.memory_space<vmem_shared>>)
      tpu.yield
    }) : () -> ()
    %barrier3A_21 = arith.constant 0 : index
    tpu.barrier barrier_id(%barrier3A_21)
    %mul3A_22 = arith.constant 624 : i32
    %mul3A_23 = arith.muli %arg1, %mul3A_22 : i32
    %mul3A_24 = arith.constant 10000 : i32
    %mul3A_25 = arith.muli %arg0, %mul3A_24 : i32
    %mul3A_26 = arith.constant 624 : i32
    %mul3A_27 = arith.muli %arg1, %mul3A_26 : i32
    %add3A_28 = arith.addi %mul3A_25, %mul3A_27 : i32
    "tpu.region"() ({
      %run_scoped3A = tpu.sem_alloc : memref<!tpu.dma_semaphore, #tpu.memory_space<semaphore_mem>>
      %dma_start3A_34 = arith.constant 0 : i32
      %dma_start3A_35 = tpu.memref_slice %arg6[%add3A_28, %dma_start3A_34] : memref<20000x128xf32, #tpu.memory_space<hbm>> -> memref<624x128xf32, #tpu.memory_space<hbm>>
      %dma_start3A_36 = arith.constant 0 : i32
      %dma_start3A_37 = tpu.memref_slice %arg13[%mul3A_23, %dma_start3A_36] : memref<10016x128xf32, #tpu.memory_space<vmem_shared>> -> memref<624x128xf32, #tpu.memory_space<vmem_shared>>
      tpu.enqueue_dma source(%dma_start3A_37 : memref<624x128xf32, #tpu.memory_space<vmem_shared>>) target(%dma_start3A_35 : memref<624x128xf32, #tpu.memory_space<hbm>>) target_semaphore(%run_scoped3A : memref<!tpu.dma_semaphore, #tpu.memory_space<semaphore_mem>>)
      %dma_wait3A_38 = arith.constant 0 : i32
      %dma_wait3A_39 = tpu.memref_slice %arg6[%add3A_28, %dma_wait3A_38] : memref<20000x128xf32, #tpu.memory_space<hbm>> -> memref<624x128xf32, #tpu.memory_space<hbm>>
      %dma_wait3A_40 = arith.constant 0 : i32
      %dma_wait3A_41 = tpu.memref_slice %arg13[%mul3A_23, %dma_wait3A_40] : memref<10016x128xf32, #tpu.memory_space<vmem_shared>> -> memref<624x128xf32, #tpu.memory_space<vmem_shared>>
      tpu.wait_dma2 semaphore(%run_scoped3A : memref<!tpu.dma_semaphore, #tpu.memory_space<semaphore_mem>>) src(%dma_wait3A_41 : memref<624x128xf32, #tpu.memory_space<vmem_shared>>) dst(%dma_wait3A_39 : memref<624x128xf32, #tpu.memory_space<hbm>>)
      tpu.yield
    }) : () -> ()
    %eq3A_29 = arith.constant 15 : i32
    %eq3A_30 = arith.cmpi eq, %arg1, %eq3A_29 : i32
    %convert_element_type3A_31 = arith.extui %eq3A_30 : i1 to i32
    %cond3A_32 = arith.constant 0 : i32
    %cond3A_33 = arith.cmpi ne, %convert_element_type3A_31, %cond3A_32 : i32
    scf.if %cond3A_33 {
      %mul3A_34 = arith.constant 10000 : i32
      %mul3A_35 = arith.muli %arg0, %mul3A_34 : i32
      %add3A_36 = arith.constant 9984 : i32
      %add3A_37 = arith.addi %mul3A_35, %add3A_36 : i32
      "tpu.region"() ({
        %run_scoped3A = tpu.sem_alloc : memref<!tpu.dma_semaphore, #tpu.memory_space<semaphore_mem>>
        %dma_start3A_38 = arith.constant 0 : i32
        %dma_start3A_39 = tpu.memref_slice %arg6[%add3A_37, %dma_start3A_38] : memref<20000x128xf32, #tpu.memory_space<hbm>> -> memref<16x128xf32, #tpu.memory_space<hbm>>
        %dma_start3A_40 = arith.constant 9984 : i32
        %dma_start3A_41 = arith.constant 0 : i32
        %dma_start3A_42 = tpu.memref_slice %arg13[%dma_start3A_40, %dma_start3A_41] : memref<10016x128xf32, #tpu.memory_space<vmem_shared>> -> memref<16x128xf32, #tpu.memory_space<vmem_shared>>
        tpu.enqueue_dma source(%dma_start3A_42 : memref<16x128xf32, #tpu.memory_space<vmem_shared>>) target(%dma_start3A_39 : memref<16x128xf32, #tpu.memory_space<hbm>>) target_semaphore(%run_scoped3A : memref<!tpu.dma_semaphore, #tpu.memory_space<semaphore_mem>>)
        %dma_wait3A_43 = arith.constant 0 : i32
        %dma_wait3A_44 = tpu.memref_slice %arg6[%add3A_37, %dma_wait3A_43] : memref<20000x128xf32, #tpu.memory_space<hbm>> -> memref<16x128xf32, #tpu.memory_space<hbm>>
        %dma_wait3A_45 = arith.constant 9984 : i32
        %dma_wait3A_46 = arith.constant 0 : i32
        %dma_wait3A_47 = tpu.memref_slice %arg13[%dma_wait3A_45, %dma_wait3A_46] : memref<10016x128xf32, #tpu.memory_space<vmem_shared>> -> memref<16x128xf32, #tpu.memory_space<vmem_shared>>
        tpu.wait_dma2 semaphore(%run_scoped3A : memref<!tpu.dma_semaphore, #tpu.memory_space<semaphore_mem>>) src(%dma_wait3A_47 : memref<16x128xf32, #tpu.memory_space<vmem_shared>>) dst(%dma_wait3A_44 : memref<16x128xf32, #tpu.memory_space<hbm>>)
        tpu.yield
      }) : () -> ()
    } else {
    }
    return
  }
}

#map = affine_map<(d0, d1) -> (0, 0)>
#map1 = affine_map<(d0, d1) -> (0)>
module attributes {stable_mosaic.version = 14 : i64} {
  func.func @k(%arg0: i32, %arg1: i32, %arg2: memref<10000x128xf32, #tpu.memory_space<hbm>>, %arg3: memref<320000xi32, #tpu.memory_space<hbm>>, %arg4: memref<320000xi32, #tpu.memory_space<hbm>>, %arg5: memref<10000x128xf32, #tpu.memory_space<hbm>>, %arg6: memref<20000x128xf32, #tpu.memory_space<hbm>>, %arg7: memref<80xi32, #tpu.memory_space<vmem>>, %arg8: memref<80xi32, #tpu.memory_space<vmem>>, %arg9: memref<80xi32, #tpu.memory_space<vmem>>, %arg10: memref<80xi32, #tpu.memory_space<vmem>>, %arg11: memref<80x128xf32, #tpu.memory_space<vmem>>, %arg12: memref<80x128xf32, #tpu.memory_space<vmem>>, %arg13: memref<10016x128xf32, #tpu.memory_space<vmem_shared>>, %arg14: memref<!tpu.dma_semaphore, #tpu.memory_space<semaphore_mem>>, %arg15: memref<!tpu.dma_semaphore, #tpu.memory_space<semaphore_mem>>) attributes {dimension_semantics = [#tpu.dimension_semantics<core_parallel>, #tpu.dimension_semantics<subcore_parallel>], iteration_bounds = array<i64: 2, 16>, scalar_prefetch = 0 : i64, scratch_operands = 9 : i64, tpu.core_type = #tpu.core_type<sc_vector_subcore>, window_params = [{transform_indices = #map}, {transform_indices = #map1}, {transform_indices = #map1}, {transform_indices = #map}, {transform_indices = #map}]} {
    %mul3A = arith.constant 624 : i32
    %mul3A_0 = arith.muli %arg1, %mul3A : i32
    %mul3A_1 = arith.constant 624 : i32
    %mul3A_2 = arith.muli %arg1, %mul3A_1 : i32
    "tpu.region"() ({
      %run_scoped3A = tpu.sem_alloc : memref<!tpu.dma_semaphore, #tpu.memory_space<semaphore_mem>>
      %dma_start3A_34 = arith.constant 0 : i32
      %dma_start3A_35 = tpu.memref_slice %arg13[%mul3A_2, %dma_start3A_34] : memref<10016x128xf32, #tpu.memory_space<vmem_shared>> -> memref<624x128xf32, #tpu.memory_space<vmem_shared>>
      %dma_start3A_36 = arith.constant 0 : i32
      %dma_start3A_37 = tpu.memref_slice %arg5[%mul3A_0, %dma_start3A_36] : memref<10000x128xf32, #tpu.memory_space<hbm>> -> memref<624x128xf32, #tpu.memory_space<hbm>>
      tpu.enqueue_dma source(%dma_start3A_37 : memref<624x128xf32, #tpu.memory_space<hbm>>) target(%dma_start3A_35 : memref<624x128xf32, #tpu.memory_space<vmem_shared>>) target_semaphore(%run_scoped3A : memref<!tpu.dma_semaphore, #tpu.memory_space<semaphore_mem>>)
      %dma_wait3A_38 = arith.constant 0 : i32
      %dma_wait3A_39 = tpu.memref_slice %arg13[%mul3A_2, %dma_wait3A_38] : memref<10016x128xf32, #tpu.memory_space<vmem_shared>> -> memref<624x128xf32, #tpu.memory_space<vmem_shared>>
      %dma_wait3A_40 = arith.constant 0 : i32
      %dma_wait3A_41 = tpu.memref_slice %arg5[%mul3A_0, %dma_wait3A_40] : memref<10000x128xf32, #tpu.memory_space<hbm>> -> memref<624x128xf32, #tpu.memory_space<hbm>>
      tpu.wait_dma2 semaphore(%run_scoped3A : memref<!tpu.dma_semaphore, #tpu.memory_space<semaphore_mem>>) src(%dma_wait3A_41 : memref<624x128xf32, #tpu.memory_space<hbm>>) dst(%dma_wait3A_39 : memref<624x128xf32, #tpu.memory_space<vmem_shared>>)
      tpu.yield
    }) : () -> ()
    %eq3A = arith.constant 15 : i32
    %eq3A_3 = arith.cmpi eq, %arg1, %eq3A : i32
    %convert_element_type3A = arith.extui %eq3A_3 : i1 to i32
    %cond3A = arith.constant 0 : i32
    %cond3A_4 = arith.cmpi ne, %convert_element_type3A, %cond3A : i32
    scf.if %cond3A_4 {
      "tpu.region"() ({
        %run_scoped3A = tpu.sem_alloc : memref<!tpu.dma_semaphore, #tpu.memory_space<semaphore_mem>>
        %dma_start3A_34 = arith.constant 9984 : i32
        %dma_start3A_35 = arith.constant 0 : i32
        %dma_start3A_36 = tpu.memref_slice %arg13[%dma_start3A_34, %dma_start3A_35] : memref<10016x128xf32, #tpu.memory_space<vmem_shared>> -> memref<16x128xf32, #tpu.memory_space<vmem_shared>>
        %dma_start3A_37 = arith.constant 9984 : i32
        %dma_start3A_38 = arith.constant 0 : i32
        %dma_start3A_39 = tpu.memref_slice %arg5[%dma_start3A_37, %dma_start3A_38] : memref<10000x128xf32, #tpu.memory_space<hbm>> -> memref<16x128xf32, #tpu.memory_space<hbm>>
        tpu.enqueue_dma source(%dma_start3A_39 : memref<16x128xf32, #tpu.memory_space<hbm>>) target(%dma_start3A_36 : memref<16x128xf32, #tpu.memory_space<vmem_shared>>) target_semaphore(%run_scoped3A : memref<!tpu.dma_semaphore, #tpu.memory_space<semaphore_mem>>)
        %dma_wait3A_40 = arith.constant 9984 : i32
        %dma_wait3A_41 = arith.constant 0 : i32
        %dma_wait3A_42 = tpu.memref_slice %arg13[%dma_wait3A_40, %dma_wait3A_41] : memref<10016x128xf32, #tpu.memory_space<vmem_shared>> -> memref<16x128xf32, #tpu.memory_space<vmem_shared>>
        %dma_wait3A_43 = arith.constant 9984 : i32
        %dma_wait3A_44 = arith.constant 0 : i32
        %dma_wait3A_45 = tpu.memref_slice %arg5[%dma_wait3A_43, %dma_wait3A_44] : memref<10000x128xf32, #tpu.memory_space<hbm>> -> memref<16x128xf32, #tpu.memory_space<hbm>>
        tpu.wait_dma2 semaphore(%run_scoped3A : memref<!tpu.dma_semaphore, #tpu.memory_space<semaphore_mem>>) src(%dma_wait3A_45 : memref<16x128xf32, #tpu.memory_space<hbm>>) dst(%dma_wait3A_42 : memref<16x128xf32, #tpu.memory_space<vmem_shared>>)
        tpu.yield
      }) : () -> ()
    } else {
    }
    %barrier3A = arith.constant 0 : index
    tpu.barrier barrier_id(%barrier3A)
    %mul3A_5 = arith.constant 16 : i32
    %mul3A_6 = arith.muli %arg0, %mul3A_5 : i32
    %add3A = arith.addi %mul3A_6, %arg1 : i32
    %mul3A_7 = arith.constant 10000 : i32
    %mul3A_8 = arith.muli %add3A, %mul3A_7 : i32
    %add3A_9 = arith.constant 0 : i32
    %add3A_10 = arith.addi %mul3A_8, %add3A_9 : i32
    "tpu.region"() ({
      %run_scoped3A = tpu.sem_alloc : memref<!tpu.dma_semaphore, #tpu.memory_space<semaphore_mem>>
      %dma_start3A_34 = tpu.memref_slice %arg3[%add3A_10] : memref<320000xi32, #tpu.memory_space<hbm>> -> memref<80xi32, #tpu.memory_space<hbm>>
      %dma_start3A_35 = tpu.memref_slice %arg3[%add3A_10] : memref<320000xi32, #tpu.memory_space<hbm>> -> memref<80xi32, #tpu.memory_space<hbm>>
      tpu.enqueue_dma source(%dma_start3A_35 : memref<80xi32, #tpu.memory_space<hbm>>) target(%arg7 : memref<80xi32, #tpu.memory_space<vmem>>) target_semaphore(%run_scoped3A : memref<!tpu.dma_semaphore, #tpu.memory_space<semaphore_mem>>)
      %dma_wait3A_36 = tpu.memref_slice %arg3[%add3A_10] : memref<320000xi32, #tpu.memory_space<hbm>> -> memref<80xi32, #tpu.memory_space<hbm>>
      %dma_wait3A_37 = tpu.memref_slice %arg3[%add3A_10] : memref<320000xi32, #tpu.memory_space<hbm>> -> memref<80xi32, #tpu.memory_space<hbm>>
      tpu.wait_dma2 semaphore(%run_scoped3A : memref<!tpu.dma_semaphore, #tpu.memory_space<semaphore_mem>>) src(%dma_wait3A_37 : memref<80xi32, #tpu.memory_space<hbm>>) dst(%arg7 : memref<80xi32, #tpu.memory_space<vmem>>)
      tpu.yield
    }) : () -> ()
    %add3A_11 = arith.constant 0 : i32
    %add3A_12 = arith.addi %mul3A_8, %add3A_11 : i32
    "tpu.region"() ({
      %run_scoped3A = tpu.sem_alloc : memref<!tpu.dma_semaphore, #tpu.memory_space<semaphore_mem>>
      %dma_start3A_34 = tpu.memref_slice %arg4[%add3A_12] : memref<320000xi32, #tpu.memory_space<hbm>> -> memref<80xi32, #tpu.memory_space<hbm>>
      %dma_start3A_35 = tpu.memref_slice %arg4[%add3A_12] : memref<320000xi32, #tpu.memory_space<hbm>> -> memref<80xi32, #tpu.memory_space<hbm>>
      tpu.enqueue_dma source(%dma_start3A_35 : memref<80xi32, #tpu.memory_space<hbm>>) target(%arg9 : memref<80xi32, #tpu.memory_space<vmem>>) target_semaphore(%run_scoped3A : memref<!tpu.dma_semaphore, #tpu.memory_space<semaphore_mem>>)
      %dma_wait3A_36 = tpu.memref_slice %arg4[%add3A_12] : memref<320000xi32, #tpu.memory_space<hbm>> -> memref<80xi32, #tpu.memory_space<hbm>>
      %dma_wait3A_37 = tpu.memref_slice %arg4[%add3A_12] : memref<320000xi32, #tpu.memory_space<hbm>> -> memref<80xi32, #tpu.memory_space<hbm>>
      tpu.wait_dma2 semaphore(%run_scoped3A : memref<!tpu.dma_semaphore, #tpu.memory_space<semaphore_mem>>) src(%dma_wait3A_37 : memref<80xi32, #tpu.memory_space<hbm>>) dst(%arg9 : memref<80xi32, #tpu.memory_space<vmem>>)
      tpu.yield
    }) : () -> ()
    %dma_start3A = arith.constant 0 : i32
    %dma_start3A_13 = arith.constant 0 : i32
    %dma_start3A_14 = tpu.memref_slice %arg2[%dma_start3A, %dma_start3A_13] : memref<10000x128xf32, #tpu.memory_space<hbm>> -> memref<10000x128xf32, #tpu.memory_space<hbm>>
    tpu.enqueue_indirect_dma source(%dma_start3A_14 : memref<10000x128xf32, #tpu.memory_space<hbm>>) target(%arg11 : memref<80x128xf32, #tpu.memory_space<vmem>>) offsets(%arg7 : memref<80xi32, #tpu.memory_space<vmem>>) semaphore(%arg14 : memref<!tpu.dma_semaphore, #tpu.memory_space<semaphore_mem>>)
    %scan3A = arith.constant 0 : i32
    %scan3A_15 = arith.constant 62 : i32
    %scan3A_16 = arith.addi %scan3A, %scan3A_15 : i32
    %scan3A_17 = arith.constant 1 : i32
    scf.for %scan3A_34 = %scan3A to %scan3A_16 step %scan3A_17  : i32 {
      %mul3A_35 = arith.constant 1 : i32
      %mul3A_36 = arith.muli %scan3A_34, %mul3A_35 : i32
      %add3A_37 = arith.constant 0 : i32
      %add3A_38 = arith.addi %add3A_37, %mul3A_36 : i32
      %mul3A_39 = arith.constant 2 : i32
      %mul3A_40 = arith.muli %mul3A_39, %add3A_38 : i32
      %add3A_41 = arith.constant 0 : i32
      %add3A_42 = arith.addi %mul3A_40, %add3A_41 : i32
      %add3A_43 = arith.constant 1 : i32
      %add3A_44 = arith.addi %add3A_42, %add3A_43 : i32
      %mul3A_45 = arith.constant 80 : i32
      %mul3A_46 = arith.muli %add3A_44, %mul3A_45 : i32
      %add3A_47 = arith.addi %mul3A_8, %mul3A_46 : i32
      "tpu.region"() ({
        %run_scoped3A = tpu.sem_alloc : memref<!tpu.dma_semaphore, #tpu.memory_space<semaphore_mem>>
        %dma_start3A_75 = tpu.memref_slice %arg3[%add3A_47] : memref<320000xi32, #tpu.memory_space<hbm>> -> memref<80xi32, #tpu.memory_space<hbm>>
        %dma_start3A_76 = tpu.memref_slice %arg3[%add3A_47] : memref<320000xi32, #tpu.memory_space<hbm>> -> memref<80xi32, #tpu.memory_space<hbm>>
        tpu.enqueue_dma source(%dma_start3A_76 : memref<80xi32, #tpu.memory_space<hbm>>) target(%arg8 : memref<80xi32, #tpu.memory_space<vmem>>) target_semaphore(%run_scoped3A : memref<!tpu.dma_semaphore, #tpu.memory_space<semaphore_mem>>)
        %dma_wait3A_77 = tpu.memref_slice %arg3[%add3A_47] : memref<320000xi32, #tpu.memory_space<hbm>> -> memref<80xi32, #tpu.memory_space<hbm>>
        %dma_wait3A_78 = tpu.memref_slice %arg3[%add3A_47] : memref<320000xi32, #tpu.memory_space<hbm>> -> memref<80xi32, #tpu.memory_space<hbm>>
        tpu.wait_dma2 semaphore(%run_scoped3A : memref<!tpu.dma_semaphore, #tpu.memory_space<semaphore_mem>>) src(%dma_wait3A_78 : memref<80xi32, #tpu.memory_space<hbm>>) dst(%arg8 : memref<80xi32, #tpu.memory_space<vmem>>)
        tpu.yield
      }) : () -> ()
      %mul3A_48 = arith.constant 80 : i32
      %mul3A_49 = arith.muli %add3A_44, %mul3A_48 : i32
      %add3A_50 = arith.addi %mul3A_8, %mul3A_49 : i32
      "tpu.region"() ({
        %run_scoped3A = tpu.sem_alloc : memref<!tpu.dma_semaphore, #tpu.memory_space<semaphore_mem>>
        %dma_start3A_75 = tpu.memref_slice %arg4[%add3A_50] : memref<320000xi32, #tpu.memory_space<hbm>> -> memref<80xi32, #tpu.memory_space<hbm>>
        %dma_start3A_76 = tpu.memref_slice %arg4[%add3A_50] : memref<320000xi32, #tpu.memory_space<hbm>> -> memref<80xi32, #tpu.memory_space<hbm>>
        tpu.enqueue_dma source(%dma_start3A_76 : memref<80xi32, #tpu.memory_space<hbm>>) target(%arg10 : memref<80xi32, #tpu.memory_space<vmem>>) target_semaphore(%run_scoped3A : memref<!tpu.dma_semaphore, #tpu.memory_space<semaphore_mem>>)
        %dma_wait3A_77 = tpu.memref_slice %arg4[%add3A_50] : memref<320000xi32, #tpu.memory_space<hbm>> -> memref<80xi32, #tpu.memory_space<hbm>>
        %dma_wait3A_78 = tpu.memref_slice %arg4[%add3A_50] : memref<320000xi32, #tpu.memory_space<hbm>> -> memref<80xi32, #tpu.memory_space<hbm>>
        tpu.wait_dma2 semaphore(%run_scoped3A : memref<!tpu.dma_semaphore, #tpu.memory_space<semaphore_mem>>) src(%dma_wait3A_78 : memref<80xi32, #tpu.memory_space<hbm>>) dst(%arg10 : memref<80xi32, #tpu.memory_space<vmem>>)
        tpu.yield
      }) : () -> ()
      %dma_start3A_51 = arith.constant 0 : i32
      %dma_start3A_52 = arith.constant 0 : i32
      %dma_start3A_53 = tpu.memref_slice %arg2[%dma_start3A_51, %dma_start3A_52] : memref<10000x128xf32, #tpu.memory_space<hbm>> -> memref<10000x128xf32, #tpu.memory_space<hbm>>
      tpu.enqueue_indirect_dma source(%dma_start3A_53 : memref<10000x128xf32, #tpu.memory_space<hbm>>) target(%arg12 : memref<80x128xf32, #tpu.memory_space<vmem>>) offsets(%arg8 : memref<80xi32, #tpu.memory_space<vmem>>) semaphore(%arg15 : memref<!tpu.dma_semaphore, #tpu.memory_space<semaphore_mem>>)
      %dma_wait3A_54 = arith.constant 0 : i32
      %dma_wait3A_55 = arith.constant 0 : i32
      %dma_wait3A_56 = tpu.memref_slice %arg2[%dma_wait3A_54, %dma_wait3A_55] : memref<10000x128xf32, #tpu.memory_space<hbm>> -> memref<10000x128xf32, #tpu.memory_space<hbm>>
      tpu.wait_indirect_dma semaphore(%arg14 : memref<!tpu.dma_semaphore, #tpu.memory_space<semaphore_mem>>) src(%dma_wait3A_56 : memref<10000x128xf32, #tpu.memory_space<hbm>>) dst(%arg11 : memref<80x128xf32, #tpu.memory_space<vmem>>)
      "tpu.region"() ({
        %run_scoped3A = tpu.sem_alloc : memref<!tpu.dma_semaphore, #tpu.memory_space<semaphore_mem>>
        %dma_start3A_75 = arith.constant 0 : i32
        %dma_start3A_76 = arith.constant 0 : i32
        %dma_start3A_77 = tpu.memref_slice %arg13[%dma_start3A_75, %dma_start3A_76] : memref<10016x128xf32, #tpu.memory_space<vmem_shared>> -> memref<10016x128xf32, #tpu.memory_space<vmem_shared>>
        tpu.enqueue_indirect_dma source(%arg11 : memref<80x128xf32, #tpu.memory_space<vmem>>) target(%dma_start3A_77 : memref<10016x128xf32, #tpu.memory_space<vmem_shared>>) offsets(%arg9 : memref<80xi32, #tpu.memory_space<vmem>>) semaphore(%run_scoped3A : memref<!tpu.dma_semaphore, #tpu.memory_space<semaphore_mem>>) {add = true}
        %dma_wait3A_78 = arith.constant 0 : i32
        %dma_wait3A_79 = arith.constant 0 : i32
        %dma_wait3A_80 = tpu.memref_slice %arg13[%dma_wait3A_78, %dma_wait3A_79] : memref<10016x128xf32, #tpu.memory_space<vmem_shared>> -> memref<10016x128xf32, #tpu.memory_space<vmem_shared>>
        tpu.wait_indirect_dma semaphore(%run_scoped3A : memref<!tpu.dma_semaphore, #tpu.memory_space<semaphore_mem>>) src(%arg11 : memref<80x128xf32, #tpu.memory_space<vmem>>) dst(%dma_wait3A_80 : memref<10016x128xf32, #tpu.memory_space<vmem_shared>>)
        tpu.yield
      }) : () -> ()
      %mul3A_57 = arith.constant 2 : i32
      %mul3A_58 = arith.muli %mul3A_57, %add3A_38 : i32
      %add3A_59 = arith.constant 1 : i32
      %add3A_60 = arith.addi %mul3A_58, %add3A_59 : i32
      %add3A_61 = arith.constant 1 : i32
      %add3A_62 = arith.addi %add3A_60, %add3A_61 : i32
      %mul3A_63 = arith.constant 80 : i32
      %mul3A_64 = arith.muli %add3A_62, %mul3A_63 : i32
      %add3A_65 = arith.addi %mul3A_8, %mul3A_64 : i32
      "tpu.region"() ({
        %run_scoped3A = tpu.sem_alloc : memref<!tpu.dma_semaphore, #tpu.memory_space<semaphore_mem>>
        %dma_start3A_75 = tpu.memref_slice %arg3[%add3A_65] : memref<320000xi32, #tpu.memory_space<hbm>> -> memref<80xi32, #tpu.memory_space<hbm>>
        %dma_start3A_76 = tpu.memref_slice %arg3[%add3A_65] : memref<320000xi32, #tpu.memory_space<hbm>> -> memref<80xi32, #tpu.memory_space<hbm>>
        tpu.enqueue_dma source(%dma_start3A_76 : memref<80xi32, #tpu.memory_space<hbm>>) target(%arg7 : memref<80xi32, #tpu.memory_space<vmem>>) target_semaphore(%run_scoped3A : memref<!tpu.dma_semaphore, #tpu.memory_space<semaphore_mem>>)
        %dma_wait3A_77 = tpu.memref_slice %arg3[%add3A_65] : memref<320000xi32, #tpu.memory_space<hbm>> -> memref<80xi32, #tpu.memory_space<hbm>>
        %dma_wait3A_78 = tpu.memref_slice %arg3[%add3A_65] : memref<320000xi32, #tpu.memory_space<hbm>> -> memref<80xi32, #tpu.memory_space<hbm>>
        tpu.wait_dma2 semaphore(%run_scoped3A : memref<!tpu.dma_semaphore, #tpu.memory_space<semaphore_mem>>) src(%dma_wait3A_78 : memref<80xi32, #tpu.memory_space<hbm>>) dst(%arg7 : memref<80xi32, #tpu.memory_space<vmem>>)
        tpu.yield
      }) : () -> ()
      %mul3A_66 = arith.constant 80 : i32
      %mul3A_67 = arith.muli %add3A_62, %mul3A_66 : i32
      %add3A_68 = arith.addi %mul3A_8, %mul3A_67 : i32
      "tpu.region"() ({
        %run_scoped3A = tpu.sem_alloc : memref<!tpu.dma_semaphore, #tpu.memory_space<semaphore_mem>>
        %dma_start3A_75 = tpu.memref_slice %arg4[%add3A_68] : memref<320000xi32, #tpu.memory_space<hbm>> -> memref<80xi32, #tpu.memory_space<hbm>>
        %dma_start3A_76 = tpu.memref_slice %arg4[%add3A_68] : memref<320000xi32, #tpu.memory_space<hbm>> -> memref<80xi32, #tpu.memory_space<hbm>>
        tpu.enqueue_dma source(%dma_start3A_76 : memref<80xi32, #tpu.memory_space<hbm>>) target(%arg9 : memref<80xi32, #tpu.memory_space<vmem>>) target_semaphore(%run_scoped3A : memref<!tpu.dma_semaphore, #tpu.memory_space<semaphore_mem>>)
        %dma_wait3A_77 = tpu.memref_slice %arg4[%add3A_68] : memref<320000xi32, #tpu.memory_space<hbm>> -> memref<80xi32, #tpu.memory_space<hbm>>
        %dma_wait3A_78 = tpu.memref_slice %arg4[%add3A_68] : memref<320000xi32, #tpu.memory_space<hbm>> -> memref<80xi32, #tpu.memory_space<hbm>>
        tpu.wait_dma2 semaphore(%run_scoped3A : memref<!tpu.dma_semaphore, #tpu.memory_space<semaphore_mem>>) src(%dma_wait3A_78 : memref<80xi32, #tpu.memory_space<hbm>>) dst(%arg9 : memref<80xi32, #tpu.memory_space<vmem>>)
        tpu.yield
      }) : () -> ()
      %dma_start3A_69 = arith.constant 0 : i32
      %dma_start3A_70 = arith.constant 0 : i32
      %dma_start3A_71 = tpu.memref_slice %arg2[%dma_start3A_69, %dma_start3A_70] : memref<10000x128xf32, #tpu.memory_space<hbm>> -> memref<10000x128xf32, #tpu.memory_space<hbm>>
      tpu.enqueue_indirect_dma source(%dma_start3A_71 : memref<10000x128xf32, #tpu.memory_space<hbm>>) target(%arg11 : memref<80x128xf32, #tpu.memory_space<vmem>>) offsets(%arg7 : memref<80xi32, #tpu.memory_space<vmem>>) semaphore(%arg14 : memref<!tpu.dma_semaphore, #tpu.memory_space<semaphore_mem>>)
      %dma_wait3A_72 = arith.constant 0 : i32
      %dma_wait3A_73 = arith.constant 0 : i32
      %dma_wait3A_74 = tpu.memref_slice %arg2[%dma_wait3A_72, %dma_wait3A_73] : memref<10000x128xf32, #tpu.memory_space<hbm>> -> memref<10000x128xf32, #tpu.memory_space<hbm>>
      tpu.wait_indirect_dma semaphore(%arg15 : memref<!tpu.dma_semaphore, #tpu.memory_space<semaphore_mem>>) src(%dma_wait3A_74 : memref<10000x128xf32, #tpu.memory_space<hbm>>) dst(%arg12 : memref<80x128xf32, #tpu.memory_space<vmem>>)
      "tpu.region"() ({
        %run_scoped3A = tpu.sem_alloc : memref<!tpu.dma_semaphore, #tpu.memory_space<semaphore_mem>>
        %dma_start3A_75 = arith.constant 0 : i32
        %dma_start3A_76 = arith.constant 0 : i32
        %dma_start3A_77 = tpu.memref_slice %arg13[%dma_start3A_75, %dma_start3A_76] : memref<10016x128xf32, #tpu.memory_space<vmem_shared>> -> memref<10016x128xf32, #tpu.memory_space<vmem_shared>>
        tpu.enqueue_indirect_dma source(%arg12 : memref<80x128xf32, #tpu.memory_space<vmem>>) target(%dma_start3A_77 : memref<10016x128xf32, #tpu.memory_space<vmem_shared>>) offsets(%arg10 : memref<80xi32, #tpu.memory_space<vmem>>) semaphore(%run_scoped3A : memref<!tpu.dma_semaphore, #tpu.memory_space<semaphore_mem>>) {add = true}
        %dma_wait3A_78 = arith.constant 0 : i32
        %dma_wait3A_79 = arith.constant 0 : i32
        %dma_wait3A_80 = tpu.memref_slice %arg13[%dma_wait3A_78, %dma_wait3A_79] : memref<10016x128xf32, #tpu.memory_space<vmem_shared>> -> memref<10016x128xf32, #tpu.memory_space<vmem_shared>>
        tpu.wait_indirect_dma semaphore(%run_scoped3A : memref<!tpu.dma_semaphore, #tpu.memory_space<semaphore_mem>>) src(%arg12 : memref<80x128xf32, #tpu.memory_space<vmem>>) dst(%dma_wait3A_80 : memref<10016x128xf32, #tpu.memory_space<vmem_shared>>)
        tpu.yield
      }) : () -> ()
    }
    %scan3A_18 = arith.constant 62 : i32
    %dma_wait3A = arith.constant 0 : i32
    %dma_wait3A_19 = arith.constant 0 : i32
    %dma_wait3A_20 = tpu.memref_slice %arg2[%dma_wait3A, %dma_wait3A_19] : memref<10000x128xf32, #tpu.memory_space<hbm>> -> memref<10000x128xf32, #tpu.memory_space<hbm>>
    tpu.wait_indirect_dma semaphore(%arg14 : memref<!tpu.dma_semaphore, #tpu.memory_space<semaphore_mem>>) src(%dma_wait3A_20 : memref<10000x128xf32, #tpu.memory_space<hbm>>) dst(%arg11 : memref<80x128xf32, #tpu.memory_space<vmem>>)
    "tpu.region"() ({
      %run_scoped3A = tpu.sem_alloc : memref<!tpu.dma_semaphore, #tpu.memory_space<semaphore_mem>>
      %dma_start3A_34 = arith.constant 0 : i32
      %dma_start3A_35 = arith.constant 0 : i32
      %dma_start3A_36 = tpu.memref_slice %arg13[%dma_start3A_34, %dma_start3A_35] : memref<10016x128xf32, #tpu.memory_space<vmem_shared>> -> memref<10016x128xf32, #tpu.memory_space<vmem_shared>>
      tpu.enqueue_indirect_dma source(%arg11 : memref<80x128xf32, #tpu.memory_space<vmem>>) target(%dma_start3A_36 : memref<10016x128xf32, #tpu.memory_space<vmem_shared>>) offsets(%arg9 : memref<80xi32, #tpu.memory_space<vmem>>) semaphore(%run_scoped3A : memref<!tpu.dma_semaphore, #tpu.memory_space<semaphore_mem>>) {add = true}
      %dma_wait3A_37 = arith.constant 0 : i32
      %dma_wait3A_38 = arith.constant 0 : i32
      %dma_wait3A_39 = tpu.memref_slice %arg13[%dma_wait3A_37, %dma_wait3A_38] : memref<10016x128xf32, #tpu.memory_space<vmem_shared>> -> memref<10016x128xf32, #tpu.memory_space<vmem_shared>>
      tpu.wait_indirect_dma semaphore(%run_scoped3A : memref<!tpu.dma_semaphore, #tpu.memory_space<semaphore_mem>>) src(%arg11 : memref<80x128xf32, #tpu.memory_space<vmem>>) dst(%dma_wait3A_39 : memref<10016x128xf32, #tpu.memory_space<vmem_shared>>)
      tpu.yield
    }) : () -> ()
    %barrier3A_21 = arith.constant 0 : index
    tpu.barrier barrier_id(%barrier3A_21)
    %mul3A_22 = arith.constant 624 : i32
    %mul3A_23 = arith.muli %arg1, %mul3A_22 : i32
    %mul3A_24 = arith.constant 10000 : i32
    %mul3A_25 = arith.muli %arg0, %mul3A_24 : i32
    %mul3A_26 = arith.constant 624 : i32
    %mul3A_27 = arith.muli %arg1, %mul3A_26 : i32
    %add3A_28 = arith.addi %mul3A_25, %mul3A_27 : i32
    "tpu.region"() ({
      %run_scoped3A = tpu.sem_alloc : memref<!tpu.dma_semaphore, #tpu.memory_space<semaphore_mem>>
      %dma_start3A_34 = arith.constant 0 : i32
      %dma_start3A_35 = tpu.memref_slice %arg6[%add3A_28, %dma_start3A_34] : memref<20000x128xf32, #tpu.memory_space<hbm>> -> memref<624x128xf32, #tpu.memory_space<hbm>>
      %dma_start3A_36 = arith.constant 0 : i32
      %dma_start3A_37 = tpu.memref_slice %arg13[%mul3A_23, %dma_start3A_36] : memref<10016x128xf32, #tpu.memory_space<vmem_shared>> -> memref<624x128xf32, #tpu.memory_space<vmem_shared>>
      tpu.enqueue_dma source(%dma_start3A_37 : memref<624x128xf32, #tpu.memory_space<vmem_shared>>) target(%dma_start3A_35 : memref<624x128xf32, #tpu.memory_space<hbm>>) target_semaphore(%run_scoped3A : memref<!tpu.dma_semaphore, #tpu.memory_space<semaphore_mem>>)
      %dma_wait3A_38 = arith.constant 0 : i32
      %dma_wait3A_39 = tpu.memref_slice %arg6[%add3A_28, %dma_wait3A_38] : memref<20000x128xf32, #tpu.memory_space<hbm>> -> memref<624x128xf32, #tpu.memory_space<hbm>>
      %dma_wait3A_40 = arith.constant 0 : i32
      %dma_wait3A_41 = tpu.memref_slice %arg13[%mul3A_23, %dma_wait3A_40] : memref<10016x128xf32, #tpu.memory_space<vmem_shared>> -> memref<624x128xf32, #tpu.memory_space<vmem_shared>>
      tpu.wait_dma2 semaphore(%run_scoped3A : memref<!tpu.dma_semaphore, #tpu.memory_space<semaphore_mem>>) src(%dma_wait3A_41 : memref<624x128xf32, #tpu.memory_space<vmem_shared>>) dst(%dma_wait3A_39 : memref<624x128xf32, #tpu.memory_space<hbm>>)
      tpu.yield
    }) : () -> ()
    %eq3A_29 = arith.constant 15 : i32
    %eq3A_30 = arith.cmpi eq, %arg1, %eq3A_29 : i32
    %convert_element_type3A_31 = arith.extui %eq3A_30 : i1 to i32
    %cond3A_32 = arith.constant 0 : i32
    %cond3A_33 = arith.cmpi ne, %convert_element_type3A_31, %cond3A_32 : i32
    scf.if %cond3A_33 {
      %mul3A_34 = arith.constant 10000 : i32
      %mul3A_35 = arith.muli %arg0, %mul3A_34 : i32
      %add3A_36 = arith.constant 9984 : i32
      %add3A_37 = arith.addi %mul3A_35, %add3A_36 : i32
      "tpu.region"() ({
        %run_scoped3A = tpu.sem_alloc : memref<!tpu.dma_semaphore, #tpu.memory_space<semaphore_mem>>
        %dma_start3A_38 = arith.constant 0 : i32
        %dma_start3A_39 = tpu.memref_slice %arg6[%add3A_37, %dma_start3A_38] : memref<20000x128xf32, #tpu.memory_space<hbm>> -> memref<16x128xf32, #tpu.memory_space<hbm>>
        %dma_start3A_40 = arith.constant 9984 : i32
        %dma_start3A_41 = arith.constant 0 : i32
        %dma_start3A_42 = tpu.memref_slice %arg13[%dma_start3A_40, %dma_start3A_41] : memref<10016x128xf32, #tpu.memory_space<vmem_shared>> -> memref<16x128xf32, #tpu.memory_space<vmem_shared>>
        tpu.enqueue_dma source(%dma_start3A_42 : memref<16x128xf32, #tpu.memory_space<vmem_shared>>) target(%dma_start3A_39 : memref<16x128xf32, #tpu.memory_space<hbm>>) target_semaphore(%run_scoped3A : memref<!tpu.dma_semaphore, #tpu.memory_space<semaphore_mem>>)
        %dma_wait3A_43 = arith.constant 0 : i32
        %dma_wait3A_44 = tpu.memref_slice %arg6[%add3A_37, %dma_wait3A_43] : memref<20000x128xf32, #tpu.memory_space<hbm>> -> memref<16x128xf32, #tpu.memory_space<hbm>>
        %dma_wait3A_45 = arith.constant 9984 : i32
        %dma_wait3A_46 = arith.constant 0 : i32
        %dma_wait3A_47 = tpu.memref_slice %arg13[%dma_wait3A_45, %dma_wait3A_46] : memref<10016x128xf32, #tpu.memory_space<vmem_shared>> -> memref<16x128xf32, #tpu.memory_space<vmem_shared>>
        tpu.wait_dma2 semaphore(%run_scoped3A : memref<!tpu.dma_semaphore, #tpu.memory_space<semaphore_mem>>) src(%dma_wait3A_47 : memref<16x128xf32, #tpu.memory_space<vmem_shared>>) dst(%dma_wait3A_44 : memref<16x128xf32, #tpu.memory_space<hbm>>)
        tpu.yield
      }) : () -> ()
    } else {
    }
    return
  }
}

#map = affine_map<(d0, d1) -> (0, 0)>
#map1 = affine_map<(d0, d1) -> (0)>
module attributes {stable_mosaic.version = 14 : i64} {
  func.func @k(%arg0: i32, %arg1: i32, %arg2: memref<10000x128xf32, #tpu.memory_space<hbm>>, %arg3: memref<320000xi32, #tpu.memory_space<hbm>>, %arg4: memref<320000xi32, #tpu.memory_space<hbm>>, %arg5: memref<10000x128xf32, #tpu.memory_space<hbm>>, %arg6: memref<20000x128xf32, #tpu.memory_space<hbm>>, %arg7: memref<80xi32, #tpu.memory_space<vmem>>, %arg8: memref<80xi32, #tpu.memory_space<vmem>>, %arg9: memref<80xi32, #tpu.memory_space<vmem>>, %arg10: memref<80xi32, #tpu.memory_space<vmem>>, %arg11: memref<80x128xf32, #tpu.memory_space<vmem>>, %arg12: memref<80x128xf32, #tpu.memory_space<vmem>>, %arg13: memref<10016x128xf32, #tpu.memory_space<vmem_shared>>, %arg14: memref<!tpu.dma_semaphore, #tpu.memory_space<semaphore_mem>>, %arg15: memref<!tpu.dma_semaphore, #tpu.memory_space<semaphore_mem>>) attributes {dimension_semantics = [#tpu.dimension_semantics<core_parallel>, #tpu.dimension_semantics<subcore_parallel>], iteration_bounds = array<i64: 2, 16>, scalar_prefetch = 0 : i64, scratch_operands = 9 : i64, tpu.core_type = #tpu.core_type<sc_vector_subcore>, window_params = [{transform_indices = #map}, {transform_indices = #map1}, {transform_indices = #map1}, {transform_indices = #map}, {transform_indices = #map}]} {
    %mul3A = arith.constant 624 : i32
    %mul3A_0 = arith.muli %arg1, %mul3A : i32
    %mul3A_1 = arith.constant 624 : i32
    %mul3A_2 = arith.muli %arg1, %mul3A_1 : i32
    "tpu.region"() ({
      %run_scoped3A = tpu.sem_alloc : memref<!tpu.dma_semaphore, #tpu.memory_space<semaphore_mem>>
      %dma_start3A_34 = arith.constant 0 : i32
      %dma_start3A_35 = tpu.memref_slice %arg13[%mul3A_2, %dma_start3A_34] : memref<10016x128xf32, #tpu.memory_space<vmem_shared>> -> memref<624x128xf32, #tpu.memory_space<vmem_shared>>
      %dma_start3A_36 = arith.constant 0 : i32
      %dma_start3A_37 = tpu.memref_slice %arg5[%mul3A_0, %dma_start3A_36] : memref<10000x128xf32, #tpu.memory_space<hbm>> -> memref<624x128xf32, #tpu.memory_space<hbm>>
      tpu.enqueue_dma source(%dma_start3A_37 : memref<624x128xf32, #tpu.memory_space<hbm>>) target(%dma_start3A_35 : memref<624x128xf32, #tpu.memory_space<vmem_shared>>) target_semaphore(%run_scoped3A : memref<!tpu.dma_semaphore, #tpu.memory_space<semaphore_mem>>)
      %dma_wait3A_38 = arith.constant 0 : i32
      %dma_wait3A_39 = tpu.memref_slice %arg13[%mul3A_2, %dma_wait3A_38] : memref<10016x128xf32, #tpu.memory_space<vmem_shared>> -> memref<624x128xf32, #tpu.memory_space<vmem_shared>>
      %dma_wait3A_40 = arith.constant 0 : i32
      %dma_wait3A_41 = tpu.memref_slice %arg5[%mul3A_0, %dma_wait3A_40] : memref<10000x128xf32, #tpu.memory_space<hbm>> -> memref<624x128xf32, #tpu.memory_space<hbm>>
      tpu.wait_dma2 semaphore(%run_scoped3A : memref<!tpu.dma_semaphore, #tpu.memory_space<semaphore_mem>>) src(%dma_wait3A_41 : memref<624x128xf32, #tpu.memory_space<hbm>>) dst(%dma_wait3A_39 : memref<624x128xf32, #tpu.memory_space<vmem_shared>>)
      tpu.yield
    }) : () -> ()
    %eq3A = arith.constant 15 : i32
    %eq3A_3 = arith.cmpi eq, %arg1, %eq3A : i32
    %convert_element_type3A = arith.extui %eq3A_3 : i1 to i32
    %cond3A = arith.constant 0 : i32
    %cond3A_4 = arith.cmpi ne, %convert_element_type3A, %cond3A : i32
    scf.if %cond3A_4 {
      "tpu.region"() ({
        %run_scoped3A = tpu.sem_alloc : memref<!tpu.dma_semaphore, #tpu.memory_space<semaphore_mem>>
        %dma_start3A_34 = arith.constant 9984 : i32
        %dma_start3A_35 = arith.constant 0 : i32
        %dma_start3A_36 = tpu.memref_slice %arg13[%dma_start3A_34, %dma_start3A_35] : memref<10016x128xf32, #tpu.memory_space<vmem_shared>> -> memref<16x128xf32, #tpu.memory_space<vmem_shared>>
        %dma_start3A_37 = arith.constant 9984 : i32
        %dma_start3A_38 = arith.constant 0 : i32
        %dma_start3A_39 = tpu.memref_slice %arg5[%dma_start3A_37, %dma_start3A_38] : memref<10000x128xf32, #tpu.memory_space<hbm>> -> memref<16x128xf32, #tpu.memory_space<hbm>>
        tpu.enqueue_dma source(%dma_start3A_39 : memref<16x128xf32, #tpu.memory_space<hbm>>) target(%dma_start3A_36 : memref<16x128xf32, #tpu.memory_space<vmem_shared>>) target_semaphore(%run_scoped3A : memref<!tpu.dma_semaphore, #tpu.memory_space<semaphore_mem>>)
        %dma_wait3A_40 = arith.constant 9984 : i32
        %dma_wait3A_41 = arith.constant 0 : i32
        %dma_wait3A_42 = tpu.memref_slice %arg13[%dma_wait3A_40, %dma_wait3A_41] : memref<10016x128xf32, #tpu.memory_space<vmem_shared>> -> memref<16x128xf32, #tpu.memory_space<vmem_shared>>
        %dma_wait3A_43 = arith.constant 9984 : i32
        %dma_wait3A_44 = arith.constant 0 : i32
        %dma_wait3A_45 = tpu.memref_slice %arg5[%dma_wait3A_43, %dma_wait3A_44] : memref<10000x128xf32, #tpu.memory_space<hbm>> -> memref<16x128xf32, #tpu.memory_space<hbm>>
        tpu.wait_dma2 semaphore(%run_scoped3A : memref<!tpu.dma_semaphore, #tpu.memory_space<semaphore_mem>>) src(%dma_wait3A_45 : memref<16x128xf32, #tpu.memory_space<hbm>>) dst(%dma_wait3A_42 : memref<16x128xf32, #tpu.memory_space<vmem_shared>>)
        tpu.yield
      }) : () -> ()
    } else {
    }
    %barrier3A = arith.constant 0 : index
    tpu.barrier barrier_id(%barrier3A)
    %mul3A_5 = arith.constant 16 : i32
    %mul3A_6 = arith.muli %arg0, %mul3A_5 : i32
    %add3A = arith.addi %mul3A_6, %arg1 : i32
    %mul3A_7 = arith.constant 10000 : i32
    %mul3A_8 = arith.muli %add3A, %mul3A_7 : i32
    %add3A_9 = arith.constant 0 : i32
    %add3A_10 = arith.addi %mul3A_8, %add3A_9 : i32
    "tpu.region"() ({
      %run_scoped3A = tpu.sem_alloc : memref<!tpu.dma_semaphore, #tpu.memory_space<semaphore_mem>>
      %dma_start3A_34 = tpu.memref_slice %arg3[%add3A_10] : memref<320000xi32, #tpu.memory_space<hbm>> -> memref<80xi32, #tpu.memory_space<hbm>>
      %dma_start3A_35 = tpu.memref_slice %arg3[%add3A_10] : memref<320000xi32, #tpu.memory_space<hbm>> -> memref<80xi32, #tpu.memory_space<hbm>>
      tpu.enqueue_dma source(%dma_start3A_35 : memref<80xi32, #tpu.memory_space<hbm>>) target(%arg7 : memref<80xi32, #tpu.memory_space<vmem>>) target_semaphore(%run_scoped3A : memref<!tpu.dma_semaphore, #tpu.memory_space<semaphore_mem>>)
      %dma_wait3A_36 = tpu.memref_slice %arg3[%add3A_10] : memref<320000xi32, #tpu.memory_space<hbm>> -> memref<80xi32, #tpu.memory_space<hbm>>
      %dma_wait3A_37 = tpu.memref_slice %arg3[%add3A_10] : memref<320000xi32, #tpu.memory_space<hbm>> -> memref<80xi32, #tpu.memory_space<hbm>>
      tpu.wait_dma2 semaphore(%run_scoped3A : memref<!tpu.dma_semaphore, #tpu.memory_space<semaphore_mem>>) src(%dma_wait3A_37 : memref<80xi32, #tpu.memory_space<hbm>>) dst(%arg7 : memref<80xi32, #tpu.memory_space<vmem>>)
      tpu.yield
    }) : () -> ()
    %add3A_11 = arith.constant 0 : i32
    %add3A_12 = arith.addi %mul3A_8, %add3A_11 : i32
    "tpu.region"() ({
      %run_scoped3A = tpu.sem_alloc : memref<!tpu.dma_semaphore, #tpu.memory_space<semaphore_mem>>
      %dma_start3A_34 = tpu.memref_slice %arg4[%add3A_12] : memref<320000xi32, #tpu.memory_space<hbm>> -> memref<80xi32, #tpu.memory_space<hbm>>
      %dma_start3A_35 = tpu.memref_slice %arg4[%add3A_12] : memref<320000xi32, #tpu.memory_space<hbm>> -> memref<80xi32, #tpu.memory_space<hbm>>
      tpu.enqueue_dma source(%dma_start3A_35 : memref<80xi32, #tpu.memory_space<hbm>>) target(%arg9 : memref<80xi32, #tpu.memory_space<vmem>>) target_semaphore(%run_scoped3A : memref<!tpu.dma_semaphore, #tpu.memory_space<semaphore_mem>>)
      %dma_wait3A_36 = tpu.memref_slice %arg4[%add3A_12] : memref<320000xi32, #tpu.memory_space<hbm>> -> memref<80xi32, #tpu.memory_space<hbm>>
      %dma_wait3A_37 = tpu.memref_slice %arg4[%add3A_12] : memref<320000xi32, #tpu.memory_space<hbm>> -> memref<80xi32, #tpu.memory_space<hbm>>
      tpu.wait_dma2 semaphore(%run_scoped3A : memref<!tpu.dma_semaphore, #tpu.memory_space<semaphore_mem>>) src(%dma_wait3A_37 : memref<80xi32, #tpu.memory_space<hbm>>) dst(%arg9 : memref<80xi32, #tpu.memory_space<vmem>>)
      tpu.yield
    }) : () -> ()
    %dma_start3A = arith.constant 0 : i32
    %dma_start3A_13 = arith.constant 0 : i32
    %dma_start3A_14 = tpu.memref_slice %arg2[%dma_start3A, %dma_start3A_13] : memref<10000x128xf32, #tpu.memory_space<hbm>> -> memref<10000x128xf32, #tpu.memory_space<hbm>>
    tpu.enqueue_indirect_dma source(%dma_start3A_14 : memref<10000x128xf32, #tpu.memory_space<hbm>>) target(%arg11 : memref<80x128xf32, #tpu.memory_space<vmem>>) offsets(%arg7 : memref<80xi32, #tpu.memory_space<vmem>>) semaphore(%arg14 : memref<!tpu.dma_semaphore, #tpu.memory_space<semaphore_mem>>)
    %scan3A = arith.constant 0 : i32
    %scan3A_15 = arith.constant 62 : i32
    %scan3A_16 = arith.addi %scan3A, %scan3A_15 : i32
    %scan3A_17 = arith.constant 1 : i32
    scf.for %scan3A_34 = %scan3A to %scan3A_16 step %scan3A_17  : i32 {
      %mul3A_35 = arith.constant 1 : i32
      %mul3A_36 = arith.muli %scan3A_34, %mul3A_35 : i32
      %add3A_37 = arith.constant 0 : i32
      %add3A_38 = arith.addi %add3A_37, %mul3A_36 : i32
      %mul3A_39 = arith.constant 2 : i32
      %mul3A_40 = arith.muli %mul3A_39, %add3A_38 : i32
      %add3A_41 = arith.constant 0 : i32
      %add3A_42 = arith.addi %mul3A_40, %add3A_41 : i32
      %add3A_43 = arith.constant 1 : i32
      %add3A_44 = arith.addi %add3A_42, %add3A_43 : i32
      %mul3A_45 = arith.constant 80 : i32
      %mul3A_46 = arith.muli %add3A_44, %mul3A_45 : i32
      %add3A_47 = arith.addi %mul3A_8, %mul3A_46 : i32
      "tpu.region"() ({
        %run_scoped3A = tpu.sem_alloc : memref<!tpu.dma_semaphore, #tpu.memory_space<semaphore_mem>>
        %dma_start3A_75 = tpu.memref_slice %arg3[%add3A_47] : memref<320000xi32, #tpu.memory_space<hbm>> -> memref<80xi32, #tpu.memory_space<hbm>>
        %dma_start3A_76 = tpu.memref_slice %arg3[%add3A_47] : memref<320000xi32, #tpu.memory_space<hbm>> -> memref<80xi32, #tpu.memory_space<hbm>>
        tpu.enqueue_dma source(%dma_start3A_76 : memref<80xi32, #tpu.memory_space<hbm>>) target(%arg8 : memref<80xi32, #tpu.memory_space<vmem>>) target_semaphore(%run_scoped3A : memref<!tpu.dma_semaphore, #tpu.memory_space<semaphore_mem>>)
        %dma_wait3A_77 = tpu.memref_slice %arg3[%add3A_47] : memref<320000xi32, #tpu.memory_space<hbm>> -> memref<80xi32, #tpu.memory_space<hbm>>
        %dma_wait3A_78 = tpu.memref_slice %arg3[%add3A_47] : memref<320000xi32, #tpu.memory_space<hbm>> -> memref<80xi32, #tpu.memory_space<hbm>>
        tpu.wait_dma2 semaphore(%run_scoped3A : memref<!tpu.dma_semaphore, #tpu.memory_space<semaphore_mem>>) src(%dma_wait3A_78 : memref<80xi32, #tpu.memory_space<hbm>>) dst(%arg8 : memref<80xi32, #tpu.memory_space<vmem>>)
        tpu.yield
      }) : () -> ()
      %mul3A_48 = arith.constant 80 : i32
      %mul3A_49 = arith.muli %add3A_44, %mul3A_48 : i32
      %add3A_50 = arith.addi %mul3A_8, %mul3A_49 : i32
      "tpu.region"() ({
        %run_scoped3A = tpu.sem_alloc : memref<!tpu.dma_semaphore, #tpu.memory_space<semaphore_mem>>
        %dma_start3A_75 = tpu.memref_slice %arg4[%add3A_50] : memref<320000xi32, #tpu.memory_space<hbm>> -> memref<80xi32, #tpu.memory_space<hbm>>
        %dma_start3A_76 = tpu.memref_slice %arg4[%add3A_50] : memref<320000xi32, #tpu.memory_space<hbm>> -> memref<80xi32, #tpu.memory_space<hbm>>
        tpu.enqueue_dma source(%dma_start3A_76 : memref<80xi32, #tpu.memory_space<hbm>>) target(%arg10 : memref<80xi32, #tpu.memory_space<vmem>>) target_semaphore(%run_scoped3A : memref<!tpu.dma_semaphore, #tpu.memory_space<semaphore_mem>>)
        %dma_wait3A_77 = tpu.memref_slice %arg4[%add3A_50] : memref<320000xi32, #tpu.memory_space<hbm>> -> memref<80xi32, #tpu.memory_space<hbm>>
        %dma_wait3A_78 = tpu.memref_slice %arg4[%add3A_50] : memref<320000xi32, #tpu.memory_space<hbm>> -> memref<80xi32, #tpu.memory_space<hbm>>
        tpu.wait_dma2 semaphore(%run_scoped3A : memref<!tpu.dma_semaphore, #tpu.memory_space<semaphore_mem>>) src(%dma_wait3A_78 : memref<80xi32, #tpu.memory_space<hbm>>) dst(%arg10 : memref<80xi32, #tpu.memory_space<vmem>>)
        tpu.yield
      }) : () -> ()
      %dma_start3A_51 = arith.constant 0 : i32
      %dma_start3A_52 = arith.constant 0 : i32
      %dma_start3A_53 = tpu.memref_slice %arg2[%dma_start3A_51, %dma_start3A_52] : memref<10000x128xf32, #tpu.memory_space<hbm>> -> memref<10000x128xf32, #tpu.memory_space<hbm>>
      tpu.enqueue_indirect_dma source(%dma_start3A_53 : memref<10000x128xf32, #tpu.memory_space<hbm>>) target(%arg12 : memref<80x128xf32, #tpu.memory_space<vmem>>) offsets(%arg8 : memref<80xi32, #tpu.memory_space<vmem>>) semaphore(%arg15 : memref<!tpu.dma_semaphore, #tpu.memory_space<semaphore_mem>>)
      %dma_wait3A_54 = arith.constant 0 : i32
      %dma_wait3A_55 = arith.constant 0 : i32
      %dma_wait3A_56 = tpu.memref_slice %arg2[%dma_wait3A_54, %dma_wait3A_55] : memref<10000x128xf32, #tpu.memory_space<hbm>> -> memref<10000x128xf32, #tpu.memory_space<hbm>>
      tpu.wait_indirect_dma semaphore(%arg14 : memref<!tpu.dma_semaphore, #tpu.memory_space<semaphore_mem>>) src(%dma_wait3A_56 : memref<10000x128xf32, #tpu.memory_space<hbm>>) dst(%arg11 : memref<80x128xf32, #tpu.memory_space<vmem>>)
      "tpu.region"() ({
        %run_scoped3A = tpu.sem_alloc : memref<!tpu.dma_semaphore, #tpu.memory_space<semaphore_mem>>
        %dma_start3A_75 = arith.constant 0 : i32
        %dma_start3A_76 = arith.constant 0 : i32
        %dma_start3A_77 = tpu.memref_slice %arg13[%dma_start3A_75, %dma_start3A_76] : memref<10016x128xf32, #tpu.memory_space<vmem_shared>> -> memref<10016x128xf32, #tpu.memory_space<vmem_shared>>
        tpu.enqueue_indirect_dma source(%arg11 : memref<80x128xf32, #tpu.memory_space<vmem>>) target(%dma_start3A_77 : memref<10016x128xf32, #tpu.memory_space<vmem_shared>>) offsets(%arg9 : memref<80xi32, #tpu.memory_space<vmem>>) semaphore(%run_scoped3A : memref<!tpu.dma_semaphore, #tpu.memory_space<semaphore_mem>>) {add = true}
        %dma_wait3A_78 = arith.constant 0 : i32
        %dma_wait3A_79 = arith.constant 0 : i32
        %dma_wait3A_80 = tpu.memref_slice %arg13[%dma_wait3A_78, %dma_wait3A_79] : memref<10016x128xf32, #tpu.memory_space<vmem_shared>> -> memref<10016x128xf32, #tpu.memory_space<vmem_shared>>
        tpu.wait_indirect_dma semaphore(%run_scoped3A : memref<!tpu.dma_semaphore, #tpu.memory_space<semaphore_mem>>) src(%arg11 : memref<80x128xf32, #tpu.memory_space<vmem>>) dst(%dma_wait3A_80 : memref<10016x128xf32, #tpu.memory_space<vmem_shared>>)
        tpu.yield
      }) : () -> ()
      %mul3A_57 = arith.constant 2 : i32
      %mul3A_58 = arith.muli %mul3A_57, %add3A_38 : i32
      %add3A_59 = arith.constant 1 : i32
      %add3A_60 = arith.addi %mul3A_58, %add3A_59 : i32
      %add3A_61 = arith.constant 1 : i32
      %add3A_62 = arith.addi %add3A_60, %add3A_61 : i32
      %mul3A_63 = arith.constant 80 : i32
      %mul3A_64 = arith.muli %add3A_62, %mul3A_63 : i32
      %add3A_65 = arith.addi %mul3A_8, %mul3A_64 : i32
      "tpu.region"() ({
        %run_scoped3A = tpu.sem_alloc : memref<!tpu.dma_semaphore, #tpu.memory_space<semaphore_mem>>
        %dma_start3A_75 = tpu.memref_slice %arg3[%add3A_65] : memref<320000xi32, #tpu.memory_space<hbm>> -> memref<80xi32, #tpu.memory_space<hbm>>
        %dma_start3A_76 = tpu.memref_slice %arg3[%add3A_65] : memref<320000xi32, #tpu.memory_space<hbm>> -> memref<80xi32, #tpu.memory_space<hbm>>
        tpu.enqueue_dma source(%dma_start3A_76 : memref<80xi32, #tpu.memory_space<hbm>>) target(%arg7 : memref<80xi32, #tpu.memory_space<vmem>>) target_semaphore(%run_scoped3A : memref<!tpu.dma_semaphore, #tpu.memory_space<semaphore_mem>>)
        %dma_wait3A_77 = tpu.memref_slice %arg3[%add3A_65] : memref<320000xi32, #tpu.memory_space<hbm>> -> memref<80xi32, #tpu.memory_space<hbm>>
        %dma_wait3A_78 = tpu.memref_slice %arg3[%add3A_65] : memref<320000xi32, #tpu.memory_space<hbm>> -> memref<80xi32, #tpu.memory_space<hbm>>
        tpu.wait_dma2 semaphore(%run_scoped3A : memref<!tpu.dma_semaphore, #tpu.memory_space<semaphore_mem>>) src(%dma_wait3A_78 : memref<80xi32, #tpu.memory_space<hbm>>) dst(%arg7 : memref<80xi32, #tpu.memory_space<vmem>>)
        tpu.yield
      }) : () -> ()
      %mul3A_66 = arith.constant 80 : i32
      %mul3A_67 = arith.muli %add3A_62, %mul3A_66 : i32
      %add3A_68 = arith.addi %mul3A_8, %mul3A_67 : i32
      "tpu.region"() ({
        %run_scoped3A = tpu.sem_alloc : memref<!tpu.dma_semaphore, #tpu.memory_space<semaphore_mem>>
        %dma_start3A_75 = tpu.memref_slice %arg4[%add3A_68] : memref<320000xi32, #tpu.memory_space<hbm>> -> memref<80xi32, #tpu.memory_space<hbm>>
        %dma_start3A_76 = tpu.memref_slice %arg4[%add3A_68] : memref<320000xi32, #tpu.memory_space<hbm>> -> memref<80xi32, #tpu.memory_space<hbm>>
        tpu.enqueue_dma source(%dma_start3A_76 : memref<80xi32, #tpu.memory_space<hbm>>) target(%arg9 : memref<80xi32, #tpu.memory_space<vmem>>) target_semaphore(%run_scoped3A : memref<!tpu.dma_semaphore, #tpu.memory_space<semaphore_mem>>)
        %dma_wait3A_77 = tpu.memref_slice %arg4[%add3A_68] : memref<320000xi32, #tpu.memory_space<hbm>> -> memref<80xi32, #tpu.memory_space<hbm>>
        %dma_wait3A_78 = tpu.memref_slice %arg4[%add3A_68] : memref<320000xi32, #tpu.memory_space<hbm>> -> memref<80xi32, #tpu.memory_space<hbm>>
        tpu.wait_dma2 semaphore(%run_scoped3A : memref<!tpu.dma_semaphore, #tpu.memory_space<semaphore_mem>>) src(%dma_wait3A_78 : memref<80xi32, #tpu.memory_space<hbm>>) dst(%arg9 : memref<80xi32, #tpu.memory_space<vmem>>)
        tpu.yield
      }) : () -> ()
      %dma_start3A_69 = arith.constant 0 : i32
      %dma_start3A_70 = arith.constant 0 : i32
      %dma_start3A_71 = tpu.memref_slice %arg2[%dma_start3A_69, %dma_start3A_70] : memref<10000x128xf32, #tpu.memory_space<hbm>> -> memref<10000x128xf32, #tpu.memory_space<hbm>>
      tpu.enqueue_indirect_dma source(%dma_start3A_71 : memref<10000x128xf32, #tpu.memory_space<hbm>>) target(%arg11 : memref<80x128xf32, #tpu.memory_space<vmem>>) offsets(%arg7 : memref<80xi32, #tpu.memory_space<vmem>>) semaphore(%arg14 : memref<!tpu.dma_semaphore, #tpu.memory_space<semaphore_mem>>)
      %dma_wait3A_72 = arith.constant 0 : i32
      %dma_wait3A_73 = arith.constant 0 : i32
      %dma_wait3A_74 = tpu.memref_slice %arg2[%dma_wait3A_72, %dma_wait3A_73] : memref<10000x128xf32, #tpu.memory_space<hbm>> -> memref<10000x128xf32, #tpu.memory_space<hbm>>
      tpu.wait_indirect_dma semaphore(%arg15 : memref<!tpu.dma_semaphore, #tpu.memory_space<semaphore_mem>>) src(%dma_wait3A_74 : memref<10000x128xf32, #tpu.memory_space<hbm>>) dst(%arg12 : memref<80x128xf32, #tpu.memory_space<vmem>>)
      "tpu.region"() ({
        %run_scoped3A = tpu.sem_alloc : memref<!tpu.dma_semaphore, #tpu.memory_space<semaphore_mem>>
        %dma_start3A_75 = arith.constant 0 : i32
        %dma_start3A_76 = arith.constant 0 : i32
        %dma_start3A_77 = tpu.memref_slice %arg13[%dma_start3A_75, %dma_start3A_76] : memref<10016x128xf32, #tpu.memory_space<vmem_shared>> -> memref<10016x128xf32, #tpu.memory_space<vmem_shared>>
        tpu.enqueue_indirect_dma source(%arg12 : memref<80x128xf32, #tpu.memory_space<vmem>>) target(%dma_start3A_77 : memref<10016x128xf32, #tpu.memory_space<vmem_shared>>) offsets(%arg10 : memref<80xi32, #tpu.memory_space<vmem>>) semaphore(%run_scoped3A : memref<!tpu.dma_semaphore, #tpu.memory_space<semaphore_mem>>) {add = true}
        %dma_wait3A_78 = arith.constant 0 : i32
        %dma_wait3A_79 = arith.constant 0 : i32
        %dma_wait3A_80 = tpu.memref_slice %arg13[%dma_wait3A_78, %dma_wait3A_79] : memref<10016x128xf32, #tpu.memory_space<vmem_shared>> -> memref<10016x128xf32, #tpu.memory_space<vmem_shared>>
        tpu.wait_indirect_dma semaphore(%run_scoped3A : memref<!tpu.dma_semaphore, #tpu.memory_space<semaphore_mem>>) src(%arg12 : memref<80x128xf32, #tpu.memory_space<vmem>>) dst(%dma_wait3A_80 : memref<10016x128xf32, #tpu.memory_space<vmem_shared>>)
        tpu.yield
      }) : () -> ()
    }
    %scan3A_18 = arith.constant 62 : i32
    %dma_wait3A = arith.constant 0 : i32
    %dma_wait3A_19 = arith.constant 0 : i32
    %dma_wait3A_20 = tpu.memref_slice %arg2[%dma_wait3A, %dma_wait3A_19] : memref<10000x128xf32, #tpu.memory_space<hbm>> -> memref<10000x128xf32, #tpu.memory_space<hbm>>
    tpu.wait_indirect_dma semaphore(%arg14 : memref<!tpu.dma_semaphore, #tpu.memory_space<semaphore_mem>>) src(%dma_wait3A_20 : memref<10000x128xf32, #tpu.memory_space<hbm>>) dst(%arg11 : memref<80x128xf32, #tpu.memory_space<vmem>>)
    "tpu.region"() ({
      %run_scoped3A = tpu.sem_alloc : memref<!tpu.dma_semaphore, #tpu.memory_space<semaphore_mem>>
      %dma_start3A_34 = arith.constant 0 : i32
      %dma_start3A_35 = arith.constant 0 : i32
      %dma_start3A_36 = tpu.memref_slice %arg13[%dma_start3A_34, %dma_start3A_35] : memref<10016x128xf32, #tpu.memory_space<vmem_shared>> -> memref<10016x128xf32, #tpu.memory_space<vmem_shared>>
      tpu.enqueue_indirect_dma source(%arg11 : memref<80x128xf32, #tpu.memory_space<vmem>>) target(%dma_start3A_36 : memref<10016x128xf32, #tpu.memory_space<vmem_shared>>) offsets(%arg9 : memref<80xi32, #tpu.memory_space<vmem>>) semaphore(%run_scoped3A : memref<!tpu.dma_semaphore, #tpu.memory_space<semaphore_mem>>) {add = true}
      %dma_wait3A_37 = arith.constant 0 : i32
      %dma_wait3A_38 = arith.constant 0 : i32
      %dma_wait3A_39 = tpu.memref_slice %arg13[%dma_wait3A_37, %dma_wait3A_38] : memref<10016x128xf32, #tpu.memory_space<vmem_shared>> -> memref<10016x128xf32, #tpu.memory_space<vmem_shared>>
      tpu.wait_indirect_dma semaphore(%run_scoped3A : memref<!tpu.dma_semaphore, #tpu.memory_space<semaphore_mem>>) src(%arg11 : memref<80x128xf32, #tpu.memory_space<vmem>>) dst(%dma_wait3A_39 : memref<10016x128xf32, #tpu.memory_space<vmem_shared>>)
      tpu.yield
    }) : () -> ()
    %barrier3A_21 = arith.constant 0 : index
    tpu.barrier barrier_id(%barrier3A_21)
    %mul3A_22 = arith.constant 624 : i32
    %mul3A_23 = arith.muli %arg1, %mul3A_22 : i32
    %mul3A_24 = arith.constant 10000 : i32
    %mul3A_25 = arith.muli %arg0, %mul3A_24 : i32
    %mul3A_26 = arith.constant 624 : i32
    %mul3A_27 = arith.muli %arg1, %mul3A_26 : i32
    %add3A_28 = arith.addi %mul3A_25, %mul3A_27 : i32
    "tpu.region"() ({
      %run_scoped3A = tpu.sem_alloc : memref<!tpu.dma_semaphore, #tpu.memory_space<semaphore_mem>>
      %dma_start3A_34 = arith.constant 0 : i32
      %dma_start3A_35 = tpu.memref_slice %arg6[%add3A_28, %dma_start3A_34] : memref<20000x128xf32, #tpu.memory_space<hbm>> -> memref<624x128xf32, #tpu.memory_space<hbm>>
      %dma_start3A_36 = arith.constant 0 : i32
      %dma_start3A_37 = tpu.memref_slice %arg13[%mul3A_23, %dma_start3A_36] : memref<10016x128xf32, #tpu.memory_space<vmem_shared>> -> memref<624x128xf32, #tpu.memory_space<vmem_shared>>
      tpu.enqueue_dma source(%dma_start3A_37 : memref<624x128xf32, #tpu.memory_space<vmem_shared>>) target(%dma_start3A_35 : memref<624x128xf32, #tpu.memory_space<hbm>>) target_semaphore(%run_scoped3A : memref<!tpu.dma_semaphore, #tpu.memory_space<semaphore_mem>>)
      %dma_wait3A_38 = arith.constant 0 : i32
      %dma_wait3A_39 = tpu.memref_slice %arg6[%add3A_28, %dma_wait3A_38] : memref<20000x128xf32, #tpu.memory_space<hbm>> -> memref<624x128xf32, #tpu.memory_space<hbm>>
      %dma_wait3A_40 = arith.constant 0 : i32
      %dma_wait3A_41 = tpu.memref_slice %arg13[%mul3A_23, %dma_wait3A_40] : memref<10016x128xf32, #tpu.memory_space<vmem_shared>> -> memref<624x128xf32, #tpu.memory_space<vmem_shared>>
      tpu.wait_dma2 semaphore(%run_scoped3A : memref<!tpu.dma_semaphore, #tpu.memory_space<semaphore_mem>>) src(%dma_wait3A_41 : memref<624x128xf32, #tpu.memory_space<vmem_shared>>) dst(%dma_wait3A_39 : memref<624x128xf32, #tpu.memory_space<hbm>>)
      tpu.yield
    }) : () -> ()
    %eq3A_29 = arith.constant 15 : i32
    %eq3A_30 = arith.cmpi eq, %arg1, %eq3A_29 : i32
    %convert_element_type3A_31 = arith.extui %eq3A_30 : i1 to i32
    %cond3A_32 = arith.constant 0 : i32
    %cond3A_33 = arith.cmpi ne, %convert_element_type3A_31, %cond3A_32 : i32
    scf.if %cond3A_33 {
      %mul3A_34 = arith.constant 10000 : i32
      %mul3A_35 = arith.muli %arg0, %mul3A_34 : i32
      %add3A_36 = arith.constant 9984 : i32
      %add3A_37 = arith.addi %mul3A_35, %add3A_36 : i32
      "tpu.region"() ({
        %run_scoped3A = tpu.sem_alloc : memref<!tpu.dma_semaphore, #tpu.memory_space<semaphore_mem>>
        %dma_start3A_38 = arith.constant 0 : i32
        %dma_start3A_39 = tpu.memref_slice %arg6[%add3A_37, %dma_start3A_38] : memref<20000x128xf32, #tpu.memory_space<hbm>> -> memref<16x128xf32, #tpu.memory_space<hbm>>
        %dma_start3A_40 = arith.constant 9984 : i32
        %dma_start3A_41 = arith.constant 0 : i32
        %dma_start3A_42 = tpu.memref_slice %arg13[%dma_start3A_40, %dma_start3A_41] : memref<10016x128xf32, #tpu.memory_space<vmem_shared>> -> memref<16x128xf32, #tpu.memory_space<vmem_shared>>
        tpu.enqueue_dma source(%dma_start3A_42 : memref<16x128xf32, #tpu.memory_space<vmem_shared>>) target(%dma_start3A_39 : memref<16x128xf32, #tpu.memory_space<hbm>>) target_semaphore(%run_scoped3A : memref<!tpu.dma_semaphore, #tpu.memory_space<semaphore_mem>>)
        %dma_wait3A_43 = arith.constant 0 : i32
        %dma_wait3A_44 = tpu.memref_slice %arg6[%add3A_37, %dma_wait3A_43] : memref<20000x128xf32, #tpu.memory_space<hbm>> -> memref<16x128xf32, #tpu.memory_space<hbm>>
        %dma_wait3A_45 = arith.constant 9984 : i32
        %dma_wait3A_46 = arith.constant 0 : i32
        %dma_wait3A_47 = tpu.memref_slice %arg13[%dma_wait3A_45, %dma_wait3A_46] : memref<10016x128xf32, #tpu.memory_space<vmem_shared>> -> memref<16x128xf32, #tpu.memory_space<vmem_shared>>
        tpu.wait_dma2 semaphore(%run_scoped3A : memref<!tpu.dma_semaphore, #tpu.memory_space<semaphore_mem>>) src(%dma_wait3A_47 : memref<16x128xf32, #tpu.memory_space<vmem_shared>>) dst(%dma_wait3A_44 : memref<16x128xf32, #tpu.memory_space<hbm>>)
        tpu.yield
      }) : () -> ()
    } else {
    }
    return
  }
}

#map = affine_map<(d0, d1) -> (0, 0)>
#map1 = affine_map<(d0, d1) -> (0)>
module attributes {stable_mosaic.version = 14 : i64} {
  func.func @k(%arg0: i32, %arg1: i32, %arg2: memref<10000x128xf32, #tpu.memory_space<hbm>>, %arg3: memref<10000x128xf32, #tpu.memory_space<hbm>>, %arg4: memref<320000xi32, #tpu.memory_space<hbm>>, %arg5: memref<320000xi32, #tpu.memory_space<hbm>>, %arg6: memref<320000x128xf32, #tpu.memory_space<hbm>>, %arg7: memref<320000x128xf32, #tpu.memory_space<hbm>>, %arg8: memref<80xi32, #tpu.memory_space<vmem>>, %arg9: memref<80xi32, #tpu.memory_space<vmem>>, %arg10: memref<80xi32, #tpu.memory_space<vmem>>, %arg11: memref<80xi32, #tpu.memory_space<vmem>>, %arg12: memref<80x128xf32, #tpu.memory_space<vmem>>, %arg13: memref<80x128xf32, #tpu.memory_space<vmem>>, %arg14: memref<80x128xf32, #tpu.memory_space<vmem>>, %arg15: memref<80x128xf32, #tpu.memory_space<vmem>>, %arg16: memref<!tpu.dma_semaphore, #tpu.memory_space<semaphore_mem>>, %arg17: memref<!tpu.dma_semaphore, #tpu.memory_space<semaphore_mem>>, %arg18: memref<!tpu.dma_semaphore, #tpu.memory_space<semaphore_mem>>, %arg19: memref<!tpu.dma_semaphore, #tpu.memory_space<semaphore_mem>>) attributes {dimension_semantics = [#tpu.dimension_semantics<core_parallel>, #tpu.dimension_semantics<subcore_parallel>], iteration_bounds = array<i64: 2, 16>, scalar_prefetch = 0 : i64, scratch_operands = 12 : i64, tpu.core_type = #tpu.core_type<sc_vector_subcore>, window_params = [{transform_indices = #map}, {transform_indices = #map}, {transform_indices = #map1}, {transform_indices = #map1}, {transform_indices = #map}, {transform_indices = #map}]} {
    %mul3A = arith.constant 16 : i32
    %mul3A_0 = arith.muli %arg0, %mul3A : i32
    %add3A = arith.addi %mul3A_0, %arg1 : i32
    %mul3A_1 = arith.constant 10000 : i32
    %mul3A_2 = arith.muli %add3A, %mul3A_1 : i32
    %add3A_3 = arith.constant 0 : i32
    %add3A_4 = arith.addi %mul3A_2, %add3A_3 : i32
    "tpu.region"() ({
      %run_scoped3A = tpu.sem_alloc : memref<!tpu.dma_semaphore, #tpu.memory_space<semaphore_mem>>
      %dma_start3A_113 = tpu.memref_slice %arg4[%add3A_4] : memref<320000xi32, #tpu.memory_space<hbm>> -> memref<80xi32, #tpu.memory_space<hbm>>
      %dma_start3A_114 = tpu.memref_slice %arg4[%add3A_4] : memref<320000xi32, #tpu.memory_space<hbm>> -> memref<80xi32, #tpu.memory_space<hbm>>
      tpu.enqueue_dma source(%dma_start3A_114 : memref<80xi32, #tpu.memory_space<hbm>>) target(%arg8 : memref<80xi32, #tpu.memory_space<vmem>>) target_semaphore(%run_scoped3A : memref<!tpu.dma_semaphore, #tpu.memory_space<semaphore_mem>>)
      %dma_wait3A_115 = tpu.memref_slice %arg4[%add3A_4] : memref<320000xi32, #tpu.memory_space<hbm>> -> memref<80xi32, #tpu.memory_space<hbm>>
      %dma_wait3A_116 = tpu.memref_slice %arg4[%add3A_4] : memref<320000xi32, #tpu.memory_space<hbm>> -> memref<80xi32, #tpu.memory_space<hbm>>
      tpu.wait_dma2 semaphore(%run_scoped3A : memref<!tpu.dma_semaphore, #tpu.memory_space<semaphore_mem>>) src(%dma_wait3A_116 : memref<80xi32, #tpu.memory_space<hbm>>) dst(%arg8 : memref<80xi32, #tpu.memory_space<vmem>>)
      tpu.yield
    }) : () -> ()
    %add3A_5 = arith.constant 0 : i32
    %add3A_6 = arith.addi %mul3A_2, %add3A_5 : i32
    "tpu.region"() ({
      %run_scoped3A = tpu.sem_alloc : memref<!tpu.dma_semaphore, #tpu.memory_space<semaphore_mem>>
      %dma_start3A_113 = tpu.memref_slice %arg5[%add3A_6] : memref<320000xi32, #tpu.memory_space<hbm>> -> memref<80xi32, #tpu.memory_space<hbm>>
      %dma_start3A_114 = tpu.memref_slice %arg5[%add3A_6] : memref<320000xi32, #tpu.memory_space<hbm>> -> memref<80xi32, #tpu.memory_space<hbm>>
      tpu.enqueue_dma source(%dma_start3A_114 : memref<80xi32, #tpu.memory_space<hbm>>) target(%arg10 : memref<80xi32, #tpu.memory_space<vmem>>) target_semaphore(%run_scoped3A : memref<!tpu.dma_semaphore, #tpu.memory_space<semaphore_mem>>)
      %dma_wait3A_115 = tpu.memref_slice %arg5[%add3A_6] : memref<320000xi32, #tpu.memory_space<hbm>> -> memref<80xi32, #tpu.memory_space<hbm>>
      %dma_wait3A_116 = tpu.memref_slice %arg5[%add3A_6] : memref<320000xi32, #tpu.memory_space<hbm>> -> memref<80xi32, #tpu.memory_space<hbm>>
      tpu.wait_dma2 semaphore(%run_scoped3A : memref<!tpu.dma_semaphore, #tpu.memory_space<semaphore_mem>>) src(%dma_wait3A_116 : memref<80xi32, #tpu.memory_space<hbm>>) dst(%arg10 : memref<80xi32, #tpu.memory_space<vmem>>)
      tpu.yield
    }) : () -> ()
    %dma_start3A = arith.constant 0 : i32
    %dma_start3A_7 = arith.constant 0 : i32
    %dma_start3A_8 = tpu.memref_slice %arg2[%dma_start3A, %dma_start3A_7] : memref<10000x128xf32, #tpu.memory_space<hbm>> -> memref<10000x128xf32, #tpu.memory_space<hbm>>
    tpu.enqueue_indirect_dma source(%dma_start3A_8 : memref<10000x128xf32, #tpu.memory_space<hbm>>) target(%arg12 : memref<80x128xf32, #tpu.memory_space<vmem>>) offsets(%arg8 : memref<80xi32, #tpu.memory_space<vmem>>) semaphore(%arg16 : memref<!tpu.dma_semaphore, #tpu.memory_space<semaphore_mem>>)
    %dma_start3A_9 = arith.constant 0 : i32
    %dma_start3A_10 = arith.constant 0 : i32
    %dma_start3A_11 = tpu.memref_slice %arg3[%dma_start3A_9, %dma_start3A_10] : memref<10000x128xf32, #tpu.memory_space<hbm>> -> memref<10000x128xf32, #tpu.memory_space<hbm>>
    tpu.enqueue_indirect_dma source(%dma_start3A_11 : memref<10000x128xf32, #tpu.memory_space<hbm>>) target(%arg14 : memref<80x128xf32, #tpu.memory_space<vmem>>) offsets(%arg10 : memref<80xi32, #tpu.memory_space<vmem>>) semaphore(%arg16 : memref<!tpu.dma_semaphore, #tpu.memory_space<semaphore_mem>>)
    %add3A_12 = arith.constant 80 : i32
    %add3A_13 = arith.addi %mul3A_2, %add3A_12 : i32
    "tpu.region"() ({
      %run_scoped3A = tpu.sem_alloc : memref<!tpu.dma_semaphore, #tpu.memory_space<semaphore_mem>>
      %dma_start3A_113 = tpu.memref_slice %arg4[%add3A_13] : memref<320000xi32, #tpu.memory_space<hbm>> -> memref<80xi32, #tpu.memory_space<hbm>>
      %dma_start3A_114 = tpu.memref_slice %arg4[%add3A_13] : memref<320000xi32, #tpu.memory_space<hbm>> -> memref<80xi32, #tpu.memory_space<hbm>>
      tpu.enqueue_dma source(%dma_start3A_114 : memref<80xi32, #tpu.memory_space<hbm>>) target(%arg9 : memref<80xi32, #tpu.memory_space<vmem>>) target_semaphore(%run_scoped3A : memref<!tpu.dma_semaphore, #tpu.memory_space<semaphore_mem>>)
      %dma_wait3A_115 = tpu.memref_slice %arg4[%add3A_13] : memref<320000xi32, #tpu.memory_space<hbm>> -> memref<80xi32, #tpu.memory_space<hbm>>
      %dma_wait3A_116 = tpu.memref_slice %arg4[%add3A_13] : memref<320000xi32, #tpu.memory_space<hbm>> -> memref<80xi32, #tpu.memory_space<hbm>>
      tpu.wait_dma2 semaphore(%run_scoped3A : memref<!tpu.dma_semaphore, #tpu.memory_space<semaphore_mem>>) src(%dma_wait3A_116 : memref<80xi32, #tpu.memory_space<hbm>>) dst(%arg9 : memref<80xi32, #tpu.memory_space<vmem>>)
      tpu.yield
    }) : () -> ()
    %add3A_14 = arith.constant 80 : i32
    %add3A_15 = arith.addi %mul3A_2, %add3A_14 : i32
    "tpu.region"() ({
      %run_scoped3A = tpu.sem_alloc : memref<!tpu.dma_semaphore, #tpu.memory_space<semaphore_mem>>
      %dma_start3A_113 = tpu.memref_slice %arg5[%add3A_15] : memref<320000xi32, #tpu.memory_space<hbm>> -> memref<80xi32, #tpu.memory_space<hbm>>
      %dma_start3A_114 = tpu.memref_slice %arg5[%add3A_15] : memref<320000xi32, #tpu.memory_space<hbm>> -> memref<80xi32, #tpu.memory_space<hbm>>
      tpu.enqueue_dma source(%dma_start3A_114 : memref<80xi32, #tpu.memory_space<hbm>>) target(%arg11 : memref<80xi32, #tpu.memory_space<vmem>>) target_semaphore(%run_scoped3A : memref<!tpu.dma_semaphore, #tpu.memory_space<semaphore_mem>>)
      %dma_wait3A_115 = tpu.memref_slice %arg5[%add3A_15] : memref<320000xi32, #tpu.memory_space<hbm>> -> memref<80xi32, #tpu.memory_space<hbm>>
      %dma_wait3A_116 = tpu.memref_slice %arg5[%add3A_15] : memref<320000xi32, #tpu.memory_space<hbm>> -> memref<80xi32, #tpu.memory_space<hbm>>
      tpu.wait_dma2 semaphore(%run_scoped3A : memref<!tpu.dma_semaphore, #tpu.memory_space<semaphore_mem>>) src(%dma_wait3A_116 : memref<80xi32, #tpu.memory_space<hbm>>) dst(%arg11 : memref<80xi32, #tpu.memory_space<vmem>>)
      tpu.yield
    }) : () -> ()
    %dma_start3A_16 = arith.constant 0 : i32
    %dma_start3A_17 = arith.constant 0 : i32
    %dma_start3A_18 = tpu.memref_slice %arg2[%dma_start3A_16, %dma_start3A_17] : memref<10000x128xf32, #tpu.memory_space<hbm>> -> memref<10000x128xf32, #tpu.memory_space<hbm>>
    tpu.enqueue_indirect_dma source(%dma_start3A_18 : memref<10000x128xf32, #tpu.memory_space<hbm>>) target(%arg13 : memref<80x128xf32, #tpu.memory_space<vmem>>) offsets(%arg9 : memref<80xi32, #tpu.memory_space<vmem>>) semaphore(%arg17 : memref<!tpu.dma_semaphore, #tpu.memory_space<semaphore_mem>>)
    %dma_start3A_19 = arith.constant 0 : i32
    %dma_start3A_20 = arith.constant 0 : i32
    %dma_start3A_21 = tpu.memref_slice %arg3[%dma_start3A_19, %dma_start3A_20] : memref<10000x128xf32, #tpu.memory_space<hbm>> -> memref<10000x128xf32, #tpu.memory_space<hbm>>
    tpu.enqueue_indirect_dma source(%dma_start3A_21 : memref<10000x128xf32, #tpu.memory_space<hbm>>) target(%arg15 : memref<80x128xf32, #tpu.memory_space<vmem>>) offsets(%arg11 : memref<80xi32, #tpu.memory_space<vmem>>) semaphore(%arg17 : memref<!tpu.dma_semaphore, #tpu.memory_space<semaphore_mem>>)
    %dma_wait3A = arith.constant 0 : i32
    %dma_wait3A_22 = arith.constant 0 : i32
    %dma_wait3A_23 = tpu.memref_slice %arg2[%dma_wait3A, %dma_wait3A_22] : memref<10000x128xf32, #tpu.memory_space<hbm>> -> memref<10000x128xf32, #tpu.memory_space<hbm>>
    tpu.wait_indirect_dma semaphore(%arg16 : memref<!tpu.dma_semaphore, #tpu.memory_space<semaphore_mem>>) src(%dma_wait3A_23 : memref<10000x128xf32, #tpu.memory_space<hbm>>) dst(%arg12 : memref<80x128xf32, #tpu.memory_space<vmem>>)
    %dma_wait3A_24 = arith.constant 0 : i32
    %dma_wait3A_25 = arith.constant 0 : i32
    %dma_wait3A_26 = tpu.memref_slice %arg3[%dma_wait3A_24, %dma_wait3A_25] : memref<10000x128xf32, #tpu.memory_space<hbm>> -> memref<10000x128xf32, #tpu.memory_space<hbm>>
    tpu.wait_indirect_dma semaphore(%arg16 : memref<!tpu.dma_semaphore, #tpu.memory_space<semaphore_mem>>) src(%dma_wait3A_26 : memref<10000x128xf32, #tpu.memory_space<hbm>>) dst(%arg14 : memref<80x128xf32, #tpu.memory_space<vmem>>)
    %add3A_27 = arith.constant 0 : i32
    %add3A_28 = arith.addi %mul3A_2, %add3A_27 : i32
    %dma_start3A_29 = arith.constant 0 : i32
    %dma_start3A_30 = tpu.memref_slice %arg6[%add3A_28, %dma_start3A_29] : memref<320000x128xf32, #tpu.memory_space<hbm>> -> memref<80x128xf32, #tpu.memory_space<hbm>>
    %dma_start3A_31 = arith.constant 0 : i32
    %dma_start3A_32 = tpu.memref_slice %arg6[%add3A_28, %dma_start3A_31] : memref<320000x128xf32, #tpu.memory_space<hbm>> -> memref<80x128xf32, #tpu.memory_space<hbm>>
    tpu.enqueue_dma source(%arg12 : memref<80x128xf32, #tpu.memory_space<vmem>>) target(%dma_start3A_32 : memref<80x128xf32, #tpu.memory_space<hbm>>) target_semaphore(%arg18 : memref<!tpu.dma_semaphore, #tpu.memory_space<semaphore_mem>>)
    %add3A_33 = arith.constant 0 : i32
    %add3A_34 = arith.addi %mul3A_2, %add3A_33 : i32
    %dma_start3A_35 = arith.constant 0 : i32
    %dma_start3A_36 = tpu.memref_slice %arg7[%add3A_34, %dma_start3A_35] : memref<320000x128xf32, #tpu.memory_space<hbm>> -> memref<80x128xf32, #tpu.memory_space<hbm>>
    %dma_start3A_37 = arith.constant 0 : i32
    %dma_start3A_38 = tpu.memref_slice %arg7[%add3A_34, %dma_start3A_37] : memref<320000x128xf32, #tpu.memory_space<hbm>> -> memref<80x128xf32, #tpu.memory_space<hbm>>
    tpu.enqueue_dma source(%arg14 : memref<80x128xf32, #tpu.memory_space<vmem>>) target(%dma_start3A_38 : memref<80x128xf32, #tpu.memory_space<hbm>>) target_semaphore(%arg18 : memref<!tpu.dma_semaphore, #tpu.memory_space<semaphore_mem>>)
    %add3A_39 = arith.constant 160 : i32
    %add3A_40 = arith.addi %mul3A_2, %add3A_39 : i32
    "tpu.region"() ({
      %run_scoped3A = tpu.sem_alloc : memref<!tpu.dma_semaphore, #tpu.memory_space<semaphore_mem>>
      %dma_start3A_113 = tpu.memref_slice %arg4[%add3A_40] : memref<320000xi32, #tpu.memory_space<hbm>> -> memref<80xi32, #tpu.memory_space<hbm>>
      %dma_start3A_114 = tpu.memref_slice %arg4[%add3A_40] : memref<320000xi32, #tpu.memory_space<hbm>> -> memref<80xi32, #tpu.memory_space<hbm>>
      tpu.enqueue_dma source(%dma_start3A_114 : memref<80xi32, #tpu.memory_space<hbm>>) target(%arg8 : memref<80xi32, #tpu.memory_space<vmem>>) target_semaphore(%run_scoped3A : memref<!tpu.dma_semaphore, #tpu.memory_space<semaphore_mem>>)
      %dma_wait3A_115 = tpu.memref_slice %arg4[%add3A_40] : memref<320000xi32, #tpu.memory_space<hbm>> -> memref<80xi32, #tpu.memory_space<hbm>>
      %dma_wait3A_116 = tpu.memref_slice %arg4[%add3A_40] : memref<320000xi32, #tpu.memory_space<hbm>> -> memref<80xi32, #tpu.memory_space<hbm>>
      tpu.wait_dma2 semaphore(%run_scoped3A : memref<!tpu.dma_semaphore, #tpu.memory_space<semaphore_mem>>) src(%dma_wait3A_116 : memref<80xi32, #tpu.memory_space<hbm>>) dst(%arg8 : memref<80xi32, #tpu.memory_space<vmem>>)
      tpu.yield
    }) : () -> ()
    %add3A_41 = arith.constant 160 : i32
    %add3A_42 = arith.addi %mul3A_2, %add3A_41 : i32
    "tpu.region"() ({
      %run_scoped3A = tpu.sem_alloc : memref<!tpu.dma_semaphore, #tpu.memory_space<semaphore_mem>>
      %dma_start3A_113 = tpu.memref_slice %arg5[%add3A_42] : memref<320000xi32, #tpu.memory_space<hbm>> -> memref<80xi32, #tpu.memory_space<hbm>>
      %dma_start3A_114 = tpu.memref_slice %arg5[%add3A_42] : memref<320000xi32, #tpu.memory_space<hbm>> -> memref<80xi32, #tpu.memory_space<hbm>>
      tpu.enqueue_dma source(%dma_start3A_114 : memref<80xi32, #tpu.memory_space<hbm>>) target(%arg10 : memref<80xi32, #tpu.memory_space<vmem>>) target_semaphore(%run_scoped3A : memref<!tpu.dma_semaphore, #tpu.memory_space<semaphore_mem>>)
      %dma_wait3A_115 = tpu.memref_slice %arg5[%add3A_42] : memref<320000xi32, #tpu.memory_space<hbm>> -> memref<80xi32, #tpu.memory_space<hbm>>
      %dma_wait3A_116 = tpu.memref_slice %arg5[%add3A_42] : memref<320000xi32, #tpu.memory_space<hbm>> -> memref<80xi32, #tpu.memory_space<hbm>>
      tpu.wait_dma2 semaphore(%run_scoped3A : memref<!tpu.dma_semaphore, #tpu.memory_space<semaphore_mem>>) src(%dma_wait3A_116 : memref<80xi32, #tpu.memory_space<hbm>>) dst(%arg10 : memref<80xi32, #tpu.memory_space<vmem>>)
      tpu.yield
    }) : () -> ()
    %dma_wait3A_43 = arith.constant 0 : i32
    %dma_wait3A_44 = tpu.memref_slice %arg6[%mul3A_2, %dma_wait3A_43] : memref<320000x128xf32, #tpu.memory_space<hbm>> -> memref<80x128xf32, #tpu.memory_space<hbm>>
    %dma_wait3A_45 = arith.constant 0 : i32
    %dma_wait3A_46 = tpu.memref_slice %arg6[%mul3A_2, %dma_wait3A_45] : memref<320000x128xf32, #tpu.memory_space<hbm>> -> memref<80x128xf32, #tpu.memory_space<hbm>>
    tpu.wait_dma2 semaphore(%arg18 : memref<!tpu.dma_semaphore, #tpu.memory_space<semaphore_mem>>) src(%arg12 : memref<80x128xf32, #tpu.memory_space<vmem>>) dst(%dma_wait3A_46 : memref<80x128xf32, #tpu.memory_space<hbm>>)
    %dma_wait3A_47 = arith.constant 0 : i32
    %dma_wait3A_48 = tpu.memref_slice %arg7[%mul3A_2, %dma_wait3A_47] : memref<320000x128xf32, #tpu.memory_space<hbm>> -> memref<80x128xf32, #tpu.memory_space<hbm>>
    %dma_wait3A_49 = arith.constant 0 : i32
    %dma_wait3A_50 = tpu.memref_slice %arg7[%mul3A_2, %dma_wait3A_49] : memref<320000x128xf32, #tpu.memory_space<hbm>> -> memref<80x128xf32, #tpu.memory_space<hbm>>
    tpu.wait_dma2 semaphore(%arg18 : memref<!tpu.dma_semaphore, #tpu.memory_space<semaphore_mem>>) src(%arg14 : memref<80x128xf32, #tpu.memory_space<vmem>>) dst(%dma_wait3A_50 : memref<80x128xf32, #tpu.memory_space<hbm>>)
    %dma_start3A_51 = arith.constant 0 : i32
    %dma_start3A_52 = arith.constant 0 : i32
    %dma_start3A_53 = tpu.memref_slice %arg2[%dma_start3A_51, %dma_start3A_52] : memref<10000x128xf32, #tpu.memory_space<hbm>> -> memref<10000x128xf32, #tpu.memory_space<hbm>>
    tpu.enqueue_indirect_dma source(%dma_start3A_53 : memref<10000x128xf32, #tpu.memory_space<hbm>>) target(%arg12 : memref<80x128xf32, #tpu.memory_space<vmem>>) offsets(%arg8 : memref<80xi32, #tpu.memory_space<vmem>>) semaphore(%arg16 : memref<!tpu.dma_semaphore, #tpu.memory_space<semaphore_mem>>)
    %dma_start3A_54 = arith.constant 0 : i32
    %dma_start3A_55 = arith.constant 0 : i32
    %dma_start3A_56 = tpu.memref_slice %arg3[%dma_start3A_54, %dma_start3A_55] : memref<10000x128xf32, #tpu.memory_space<hbm>> -> memref<10000x128xf32, #tpu.memory_space<hbm>>
    tpu.enqueue_indirect_dma source(%dma_start3A_56 : memref<10000x128xf32, #tpu.memory_space<hbm>>) target(%arg14 : memref<80x128xf32, #tpu.memory_space<vmem>>) offsets(%arg10 : memref<80xi32, #tpu.memory_space<vmem>>) semaphore(%arg16 : memref<!tpu.dma_semaphore, #tpu.memory_space<semaphore_mem>>)
    %dma_wait3A_57 = arith.constant 0 : i32
    %dma_wait3A_58 = arith.constant 0 : i32
    %dma_wait3A_59 = tpu.memref_slice %arg2[%dma_wait3A_57, %dma_wait3A_58] : memref<10000x128xf32, #tpu.memory_space<hbm>> -> memref<10000x128xf32, #tpu.memory_space<hbm>>
    tpu.wait_indirect_dma semaphore(%arg17 : memref<!tpu.dma_semaphore, #tpu.memory_space<semaphore_mem>>) src(%dma_wait3A_59 : memref<10000x128xf32, #tpu.memory_space<hbm>>) dst(%arg13 : memref<80x128xf32, #tpu.memory_space<vmem>>)
    %dma_wait3A_60 = arith.constant 0 : i32
    %dma_wait3A_61 = arith.constant 0 : i32
    %dma_wait3A_62 = tpu.memref_slice %arg3[%dma_wait3A_60, %dma_wait3A_61] : memref<10000x128xf32, #tpu.memory_space<hbm>> -> memref<10000x128xf32, #tpu.memory_space<hbm>>
    tpu.wait_indirect_dma semaphore(%arg17 : memref<!tpu.dma_semaphore, #tpu.memory_space<semaphore_mem>>) src(%dma_wait3A_62 : memref<10000x128xf32, #tpu.memory_space<hbm>>) dst(%arg15 : memref<80x128xf32, #tpu.memory_space<vmem>>)
    %add3A_63 = arith.constant 80 : i32
    %add3A_64 = arith.addi %mul3A_2, %add3A_63 : i32
    %dma_start3A_65 = arith.constant 0 : i32
    %dma_start3A_66 = tpu.memref_slice %arg6[%add3A_64, %dma_start3A_65] : memref<320000x128xf32, #tpu.memory_space<hbm>> -> memref<80x128xf32, #tpu.memory_space<hbm>>
    %dma_start3A_67 = arith.constant 0 : i32
    %dma_start3A_68 = tpu.memref_slice %arg6[%add3A_64, %dma_start3A_67] : memref<320000x128xf32, #tpu.memory_space<hbm>> -> memref<80x128xf32, #tpu.memory_space<hbm>>
    tpu.enqueue_dma source(%arg13 : memref<80x128xf32, #tpu.memory_space<vmem>>) target(%dma_start3A_68 : memref<80x128xf32, #tpu.memory_space<hbm>>) target_semaphore(%arg19 : memref<!tpu.dma_semaphore, #tpu.memory_space<semaphore_mem>>)
    %add3A_69 = arith.constant 80 : i32
    %add3A_70 = arith.addi %mul3A_2, %add3A_69 : i32
    %dma_start3A_71 = arith.constant 0 : i32
    %dma_start3A_72 = tpu.memref_slice %arg7[%add3A_70, %dma_start3A_71] : memref<320000x128xf32, #tpu.memory_space<hbm>> -> memref<80x128xf32, #tpu.memory_space<hbm>>
    %dma_start3A_73 = arith.constant 0 : i32
    %dma_start3A_74 = tpu.memref_slice %arg7[%add3A_70, %dma_start3A_73] : memref<320000x128xf32, #tpu.memory_space<hbm>> -> memref<80x128xf32, #tpu.memory_space<hbm>>
    tpu.enqueue_dma source(%arg15 : memref<80x128xf32, #tpu.memory_space<vmem>>) target(%dma_start3A_74 : memref<80x128xf32, #tpu.memory_space<hbm>>) target_semaphore(%arg19 : memref<!tpu.dma_semaphore, #tpu.memory_space<semaphore_mem>>)
    %scan3A = arith.constant 0 : i32
    %scan3A_75 = arith.constant 61 : i32
    %scan3A_76 = arith.addi %scan3A, %scan3A_75 : i32
    %scan3A_77 = arith.constant 1 : i32
    scf.for %scan3A_113 = %scan3A to %scan3A_76 step %scan3A_77  : i32 {
      %mul3A_114 = arith.constant 1 : i32
      %mul3A_115 = arith.muli %scan3A_113, %mul3A_114 : i32
      %add3A_116 = arith.constant 0 : i32
      %add3A_117 = arith.addi %add3A_116, %mul3A_115 : i32
      %mul3A_118 = arith.constant 2 : i32
      %mul3A_119 = arith.muli %mul3A_118, %add3A_117 : i32
      %add3A_120 = arith.constant 2 : i32
      %add3A_121 = arith.addi %mul3A_119, %add3A_120 : i32
      %add3A_122 = arith.constant 0 : i32
      %add3A_123 = arith.addi %add3A_121, %add3A_122 : i32
      %add3A_124 = arith.constant 1 : i32
      %add3A_125 = arith.addi %add3A_123, %add3A_124 : i32
      %mul3A_126 = arith.constant 80 : i32
      %mul3A_127 = arith.muli %add3A_125, %mul3A_126 : i32
      %add3A_128 = arith.addi %mul3A_2, %mul3A_127 : i32
      "tpu.region"() ({
        %run_scoped3A = tpu.sem_alloc : memref<!tpu.dma_semaphore, #tpu.memory_space<semaphore_mem>>
        %dma_start3A_214 = tpu.memref_slice %arg4[%add3A_128] : memref<320000xi32, #tpu.memory_space<hbm>> -> memref<80xi32, #tpu.memory_space<hbm>>
        %dma_start3A_215 = tpu.memref_slice %arg4[%add3A_128] : memref<320000xi32, #tpu.memory_space<hbm>> -> memref<80xi32, #tpu.memory_space<hbm>>
        tpu.enqueue_dma source(%dma_start3A_215 : memref<80xi32, #tpu.memory_space<hbm>>) target(%arg9 : memref<80xi32, #tpu.memory_space<vmem>>) target_semaphore(%run_scoped3A : memref<!tpu.dma_semaphore, #tpu.memory_space<semaphore_mem>>)
        %dma_wait3A_216 = tpu.memref_slice %arg4[%add3A_128] : memref<320000xi32, #tpu.memory_space<hbm>> -> memref<80xi32, #tpu.memory_space<hbm>>
        %dma_wait3A_217 = tpu.memref_slice %arg4[%add3A_128] : memref<320000xi32, #tpu.memory_space<hbm>> -> memref<80xi32, #tpu.memory_space<hbm>>
        tpu.wait_dma2 semaphore(%run_scoped3A : memref<!tpu.dma_semaphore, #tpu.memory_space<semaphore_mem>>) src(%dma_wait3A_217 : memref<80xi32, #tpu.memory_space<hbm>>) dst(%arg9 : memref<80xi32, #tpu.memory_space<vmem>>)
        tpu.yield
      }) : () -> ()
      %mul3A_129 = arith.constant 80 : i32
      %mul3A_130 = arith.muli %add3A_125, %mul3A_129 : i32
      %add3A_131 = arith.addi %mul3A_2, %mul3A_130 : i32
      "tpu.region"() ({
        %run_scoped3A = tpu.sem_alloc : memref<!tpu.dma_semaphore, #tpu.memory_space<semaphore_mem>>
        %dma_start3A_214 = tpu.memref_slice %arg5[%add3A_131] : memref<320000xi32, #tpu.memory_space<hbm>> -> memref<80xi32, #tpu.memory_space<hbm>>
        %dma_start3A_215 = tpu.memref_slice %arg5[%add3A_131] : memref<320000xi32, #tpu.memory_space<hbm>> -> memref<80xi32, #tpu.memory_space<hbm>>
        tpu.enqueue_dma source(%dma_start3A_215 : memref<80xi32, #tpu.memory_space<hbm>>) target(%arg11 : memref<80xi32, #tpu.memory_space<vmem>>) target_semaphore(%run_scoped3A : memref<!tpu.dma_semaphore, #tpu.memory_space<semaphore_mem>>)
        %dma_wait3A_216 = tpu.memref_slice %arg5[%add3A_131] : memref<320000xi32, #tpu.memory_space<hbm>> -> memref<80xi32, #tpu.memory_space<hbm>>
        %dma_wait3A_217 = tpu.memref_slice %arg5[%add3A_131] : memref<320000xi32, #tpu.memory_space<hbm>> -> memref<80xi32, #tpu.memory_space<hbm>>
        tpu.wait_dma2 semaphore(%run_scoped3A : memref<!tpu.dma_semaphore, #tpu.memory_space<semaphore_mem>>) src(%dma_wait3A_217 : memref<80xi32, #tpu.memory_space<hbm>>) dst(%arg11 : memref<80xi32, #tpu.memory_space<vmem>>)
        tpu.yield
      }) : () -> ()
      %dma_wait3A_132 = arith.constant 0 : i32
      %dma_wait3A_133 = tpu.memref_slice %arg6[%mul3A_2, %dma_wait3A_132] : memref<320000x128xf32, #tpu.memory_space<hbm>> -> memref<80x128xf32, #tpu.memory_space<hbm>>
      %dma_wait3A_134 = arith.constant 0 : i32
      %dma_wait3A_135 = tpu.memref_slice %arg6[%mul3A_2, %dma_wait3A_134] : memref<320000x128xf32, #tpu.memory_space<hbm>> -> memref<80x128xf32, #tpu.memory_space<hbm>>
      tpu.wait_dma2 semaphore(%arg19 : memref<!tpu.dma_semaphore, #tpu.memory_space<semaphore_mem>>) src(%arg13 : memref<80x128xf32, #tpu.memory_space<vmem>>) dst(%dma_wait3A_135 : memref<80x128xf32, #tpu.memory_space<hbm>>)
      %dma_wait3A_136 = arith.constant 0 : i32
      %dma_wait3A_137 = tpu.memref_slice %arg7[%mul3A_2, %dma_wait3A_136] : memref<320000x128xf32, #tpu.memory_space<hbm>> -> memref<80x128xf32, #tpu.memory_space<hbm>>
      %dma_wait3A_138 = arith.constant 0 : i32
      %dma_wait3A_139 = tpu.memref_slice %arg7[%mul3A_2, %dma_wait3A_138] : memref<320000x128xf32, #tpu.memory_space<hbm>> -> memref<80x128xf32, #tpu.memory_space<hbm>>
      tpu.wait_dma2 semaphore(%arg19 : memref<!tpu.dma_semaphore, #tpu.memory_space<semaphore_mem>>) src(%arg15 : memref<80x128xf32, #tpu.memory_space<vmem>>) dst(%dma_wait3A_139 : memref<80x128xf32, #tpu.memory_space<hbm>>)
      %dma_start3A_140 = arith.constant 0 : i32
      %dma_start3A_141 = arith.constant 0 : i32
      %dma_start3A_142 = tpu.memref_slice %arg2[%dma_start3A_140, %dma_start3A_141] : memref<10000x128xf32, #tpu.memory_space<hbm>> -> memref<10000x128xf32, #tpu.memory_space<hbm>>
      tpu.enqueue_indirect_dma source(%dma_start3A_142 : memref<10000x128xf32, #tpu.memory_space<hbm>>) target(%arg13 : memref<80x128xf32, #tpu.memory_space<vmem>>) offsets(%arg9 : memref<80xi32, #tpu.memory_space<vmem>>) semaphore(%arg17 : memref<!tpu.dma_semaphore, #tpu.memory_space<semaphore_mem>>)
      %dma_start3A_143 = arith.constant 0 : i32
      %dma_start3A_144 = arith.constant 0 : i32
      %dma_start3A_145 = tpu.memref_slice %arg3[%dma_start3A_143, %dma_start3A_144] : memref<10000x128xf32, #tpu.memory_space<hbm>> -> memref<10000x128xf32, #tpu.memory_space<hbm>>
      tpu.enqueue_indirect_dma source(%dma_start3A_145 : memref<10000x128xf32, #tpu.memory_space<hbm>>) target(%arg15 : memref<80x128xf32, #tpu.memory_space<vmem>>) offsets(%arg11 : memref<80xi32, #tpu.memory_space<vmem>>) semaphore(%arg17 : memref<!tpu.dma_semaphore, #tpu.memory_space<semaphore_mem>>)
      %dma_wait3A_146 = arith.constant 0 : i32
      %dma_wait3A_147 = arith.constant 0 : i32
      %dma_wait3A_148 = tpu.memref_slice %arg2[%dma_wait3A_146, %dma_wait3A_147] : memref<10000x128xf32, #tpu.memory_space<hbm>> -> memref<10000x128xf32, #tpu.memory_space<hbm>>
      tpu.wait_indirect_dma semaphore(%arg16 : memref<!tpu.dma_semaphore, #tpu.memory_space<semaphore_mem>>) src(%dma_wait3A_148 : memref<10000x128xf32, #tpu.memory_space<hbm>>) dst(%arg12 : memref<80x128xf32, #tpu.memory_space<vmem>>)
      %dma_wait3A_149 = arith.constant 0 : i32
      %dma_wait3A_150 = arith.constant 0 : i32
      %dma_wait3A_151 = tpu.memref_slice %arg3[%dma_wait3A_149, %dma_wait3A_150] : memref<10000x128xf32, #tpu.memory_space<hbm>> -> memref<10000x128xf32, #tpu.memory_space<hbm>>
      tpu.wait_indirect_dma semaphore(%arg16 : memref<!tpu.dma_semaphore, #tpu.memory_space<semaphore_mem>>) src(%dma_wait3A_151 : memref<10000x128xf32, #tpu.memory_space<hbm>>) dst(%arg14 : memref<80x128xf32, #tpu.memory_space<vmem>>)
      %mul3A_152 = arith.constant 80 : i32
      %mul3A_153 = arith.muli %add3A_123, %mul3A_152 : i32
      %add3A_154 = arith.addi %mul3A_2, %mul3A_153 : i32
      %dma_start3A_155 = arith.constant 0 : i32
      %dma_start3A_156 = tpu.memref_slice %arg6[%add3A_154, %dma_start3A_155] : memref<320000x128xf32, #tpu.memory_space<hbm>> -> memref<80x128xf32, #tpu.memory_space<hbm>>
      %dma_start3A_157 = arith.constant 0 : i32
      %dma_start3A_158 = tpu.memref_slice %arg6[%add3A_154, %dma_start3A_157] : memref<320000x128xf32, #tpu.memory_space<hbm>> -> memref<80x128xf32, #tpu.memory_space<hbm>>
      tpu.enqueue_dma source(%arg12 : memref<80x128xf32, #tpu.memory_space<vmem>>) target(%dma_start3A_158 : memref<80x128xf32, #tpu.memory_space<hbm>>) target_semaphore(%arg18 : memref<!tpu.dma_semaphore, #tpu.memory_space<semaphore_mem>>)
      %mul3A_159 = arith.constant 80 : i32
      %mul3A_160 = arith.muli %add3A_123, %mul3A_159 : i32
      %add3A_161 = arith.addi %mul3A_2, %mul3A_160 : i32
      %dma_start3A_162 = arith.constant 0 : i32
      %dma_start3A_163 = tpu.memref_slice %arg7[%add3A_161, %dma_start3A_162] : memref<320000x128xf32, #tpu.memory_space<hbm>> -> memref<80x128xf32, #tpu.memory_space<hbm>>
      %dma_start3A_164 = arith.constant 0 : i32
      %dma_start3A_165 = tpu.memref_slice %arg7[%add3A_161, %dma_start3A_164] : memref<320000x128xf32, #tpu.memory_space<hbm>> -> memref<80x128xf32, #tpu.memory_space<hbm>>
      tpu.enqueue_dma source(%arg14 : memref<80x128xf32, #tpu.memory_space<vmem>>) target(%dma_start3A_165 : memref<80x128xf32, #tpu.memory_space<hbm>>) target_semaphore(%arg18 : memref<!tpu.dma_semaphore, #tpu.memory_space<semaphore_mem>>)
      %mul3A_166 = arith.constant 2 : i32
      %mul3A_167 = arith.muli %mul3A_166, %add3A_117 : i32
      %add3A_168 = arith.constant 2 : i32
      %add3A_169 = arith.addi %mul3A_167, %add3A_168 : i32
      %add3A_170 = arith.constant 1 : i32
      %add3A_171 = arith.addi %add3A_169, %add3A_170 : i32
      %add3A_172 = arith.constant 1 : i32
      %add3A_173 = arith.addi %add3A_171, %add3A_172 : i32
      %mul3A_174 = arith.constant 80 : i32
      %mul3A_175 = arith.muli %add3A_173, %mul3A_174 : i32
      %add3A_176 = arith.addi %mul3A_2, %mul3A_175 : i32
      "tpu.region"() ({
        %run_scoped3A = tpu.sem_alloc : memref<!tpu.dma_semaphore, #tpu.memory_space<semaphore_mem>>
        %dma_start3A_214 = tpu.memref_slice %arg4[%add3A_176] : memref<320000xi32, #tpu.memory_space<hbm>> -> memref<80xi32, #tpu.memory_space<hbm>>
        %dma_start3A_215 = tpu.memref_slice %arg4[%add3A_176] : memref<320000xi32, #tpu.memory_space<hbm>> -> memref<80xi32, #tpu.memory_space<hbm>>
        tpu.enqueue_dma source(%dma_start3A_215 : memref<80xi32, #tpu.memory_space<hbm>>) target(%arg8 : memref<80xi32, #tpu.memory_space<vmem>>) target_semaphore(%run_scoped3A : memref<!tpu.dma_semaphore, #tpu.memory_space<semaphore_mem>>)
        %dma_wait3A_216 = tpu.memref_slice %arg4[%add3A_176] : memref<320000xi32, #tpu.memory_space<hbm>> -> memref<80xi32, #tpu.memory_space<hbm>>
        %dma_wait3A_217 = tpu.memref_slice %arg4[%add3A_176] : memref<320000xi32, #tpu.memory_space<hbm>> -> memref<80xi32, #tpu.memory_space<hbm>>
        tpu.wait_dma2 semaphore(%run_scoped3A : memref<!tpu.dma_semaphore, #tpu.memory_space<semaphore_mem>>) src(%dma_wait3A_217 : memref<80xi32, #tpu.memory_space<hbm>>) dst(%arg8 : memref<80xi32, #tpu.memory_space<vmem>>)
        tpu.yield
      }) : () -> ()
      %mul3A_177 = arith.constant 80 : i32
      %mul3A_178 = arith.muli %add3A_173, %mul3A_177 : i32
      %add3A_179 = arith.addi %mul3A_2, %mul3A_178 : i32
      "tpu.region"() ({
        %run_scoped3A = tpu.sem_alloc : memref<!tpu.dma_semaphore, #tpu.memory_space<semaphore_mem>>
        %dma_start3A_214 = tpu.memref_slice %arg5[%add3A_179] : memref<320000xi32, #tpu.memory_space<hbm>> -> memref<80xi32, #tpu.memory_space<hbm>>
        %dma_start3A_215 = tpu.memref_slice %arg5[%add3A_179] : memref<320000xi32, #tpu.memory_space<hbm>> -> memref<80xi32, #tpu.memory_space<hbm>>
        tpu.enqueue_dma source(%dma_start3A_215 : memref<80xi32, #tpu.memory_space<hbm>>) target(%arg10 : memref<80xi32, #tpu.memory_space<vmem>>) target_semaphore(%run_scoped3A : memref<!tpu.dma_semaphore, #tpu.memory_space<semaphore_mem>>)
        %dma_wait3A_216 = tpu.memref_slice %arg5[%add3A_179] : memref<320000xi32, #tpu.memory_space<hbm>> -> memref<80xi32, #tpu.memory_space<hbm>>
        %dma_wait3A_217 = tpu.memref_slice %arg5[%add3A_179] : memref<320000xi32, #tpu.memory_space<hbm>> -> memref<80xi32, #tpu.memory_space<hbm>>
        tpu.wait_dma2 semaphore(%run_scoped3A : memref<!tpu.dma_semaphore, #tpu.memory_space<semaphore_mem>>) src(%dma_wait3A_217 : memref<80xi32, #tpu.memory_space<hbm>>) dst(%arg10 : memref<80xi32, #tpu.memory_space<vmem>>)
        tpu.yield
      }) : () -> ()
      %dma_wait3A_180 = arith.constant 0 : i32
      %dma_wait3A_181 = tpu.memref_slice %arg6[%mul3A_2, %dma_wait3A_180] : memref<320000x128xf32, #tpu.memory_space<hbm>> -> memref<80x128xf32, #tpu.memory_space<hbm>>
      %dma_wait3A_182 = arith.constant 0 : i32
      %dma_wait3A_183 = tpu.memref_slice %arg6[%mul3A_2, %dma_wait3A_182] : memref<320000x128xf32, #tpu.memory_space<hbm>> -> memref<80x128xf32, #tpu.memory_space<hbm>>
      tpu.wait_dma2 semaphore(%arg18 : memref<!tpu.dma_semaphore, #tpu.memory_space<semaphore_mem>>) src(%arg12 : memref<80x128xf32, #tpu.memory_space<vmem>>) dst(%dma_wait3A_183 : memref<80x128xf32, #tpu.memory_space<hbm>>)
      %dma_wait3A_184 = arith.constant 0 : i32
      %dma_wait3A_185 = tpu.memref_slice %arg7[%mul3A_2, %dma_wait3A_184] : memref<320000x128xf32, #tpu.memory_space<hbm>> -> memref<80x128xf32, #tpu.memory_space<hbm>>
      %dma_wait3A_186 = arith.constant 0 : i32
      %dma_wait3A_187 = tpu.memref_slice %arg7[%mul3A_2, %dma_wait3A_186] : memref<320000x128xf32, #tpu.memory_space<hbm>> -> memref<80x128xf32, #tpu.memory_space<hbm>>
      tpu.wait_dma2 semaphore(%arg18 : memref<!tpu.dma_semaphore, #tpu.memory_space<semaphore_mem>>) src(%arg14 : memref<80x128xf32, #tpu.memory_space<vmem>>) dst(%dma_wait3A_187 : memref<80x128xf32, #tpu.memory_space<hbm>>)
      %dma_start3A_188 = arith.constant 0 : i32
      %dma_start3A_189 = arith.constant 0 : i32
      %dma_start3A_190 = tpu.memref_slice %arg2[%dma_start3A_188, %dma_start3A_189] : memref<10000x128xf32, #tpu.memory_space<hbm>> -> memref<10000x128xf32, #tpu.memory_space<hbm>>
      tpu.enqueue_indirect_dma source(%dma_start3A_190 : memref<10000x128xf32, #tpu.memory_space<hbm>>) target(%arg12 : memref<80x128xf32, #tpu.memory_space<vmem>>) offsets(%arg8 : memref<80xi32, #tpu.memory_space<vmem>>) semaphore(%arg16 : memref<!tpu.dma_semaphore, #tpu.memory_space<semaphore_mem>>)
      %dma_start3A_191 = arith.constant 0 : i32
      %dma_start3A_192 = arith.constant 0 : i32
      %dma_start3A_193 = tpu.memref_slice %arg3[%dma_start3A_191, %dma_start3A_192] : memref<10000x128xf32, #tpu.memory_space<hbm>> -> memref<10000x128xf32, #tpu.memory_space<hbm>>
      tpu.enqueue_indirect_dma source(%dma_start3A_193 : memref<10000x128xf32, #tpu.memory_space<hbm>>) target(%arg14 : memref<80x128xf32, #tpu.memory_space<vmem>>) offsets(%arg10 : memref<80xi32, #tpu.memory_space<vmem>>) semaphore(%arg16 : memref<!tpu.dma_semaphore, #tpu.memory_space<semaphore_mem>>)
      %dma_wait3A_194 = arith.constant 0 : i32
      %dma_wait3A_195 = arith.constant 0 : i32
      %dma_wait3A_196 = tpu.memref_slice %arg2[%dma_wait3A_194, %dma_wait3A_195] : memref<10000x128xf32, #tpu.memory_space<hbm>> -> memref<10000x128xf32, #tpu.memory_space<hbm>>
      tpu.wait_indirect_dma semaphore(%arg17 : memref<!tpu.dma_semaphore, #tpu.memory_space<semaphore_mem>>) src(%dma_wait3A_196 : memref<10000x128xf32, #tpu.memory_space<hbm>>) dst(%arg13 : memref<80x128xf32, #tpu.memory_space<vmem>>)
      %dma_wait3A_197 = arith.constant 0 : i32
      %dma_wait3A_198 = arith.constant 0 : i32
      %dma_wait3A_199 = tpu.memref_slice %arg3[%dma_wait3A_197, %dma_wait3A_198] : memref<10000x128xf32, #tpu.memory_space<hbm>> -> memref<10000x128xf32, #tpu.memory_space<hbm>>
      tpu.wait_indirect_dma semaphore(%arg17 : memref<!tpu.dma_semaphore, #tpu.memory_space<semaphore_mem>>) src(%dma_wait3A_199 : memref<10000x128xf32, #tpu.memory_space<hbm>>) dst(%arg15 : memref<80x128xf32, #tpu.memory_space<vmem>>)
      %mul3A_200 = arith.constant 80 : i32
      %mul3A_201 = arith.muli %add3A_171, %mul3A_200 : i32
      %add3A_202 = arith.addi %mul3A_2, %mul3A_201 : i32
      %dma_start3A_203 = arith.constant 0 : i32
      %dma_start3A_204 = tpu.memref_slice %arg6[%add3A_202, %dma_start3A_203] : memref<320000x128xf32, #tpu.memory_space<hbm>> -> memref<80x128xf32, #tpu.memory_space<hbm>>
      %dma_start3A_205 = arith.constant 0 : i32
      %dma_start3A_206 = tpu.memref_slice %arg6[%add3A_202, %dma_start3A_205] : memref<320000x128xf32, #tpu.memory_space<hbm>> -> memref<80x128xf32, #tpu.memory_space<hbm>>
      tpu.enqueue_dma source(%arg13 : memref<80x128xf32, #tpu.memory_space<vmem>>) target(%dma_start3A_206 : memref<80x128xf32, #tpu.memory_space<hbm>>) target_semaphore(%arg19 : memref<!tpu.dma_semaphore, #tpu.memory_space<semaphore_mem>>)
      %mul3A_207 = arith.constant 80 : i32
      %mul3A_208 = arith.muli %add3A_171, %mul3A_207 : i32
      %add3A_209 = arith.addi %mul3A_2, %mul3A_208 : i32
      %dma_start3A_210 = arith.constant 0 : i32
      %dma_start3A_211 = tpu.memref_slice %arg7[%add3A_209, %dma_start3A_210] : memref<320000x128xf32, #tpu.memory_space<hbm>> -> memref<80x128xf32, #tpu.memory_space<hbm>>
      %dma_start3A_212 = arith.constant 0 : i32
      %dma_start3A_213 = tpu.memref_slice %arg7[%add3A_209, %dma_start3A_212] : memref<320000x128xf32, #tpu.memory_space<hbm>> -> memref<80x128xf32, #tpu.memory_space<hbm>>
      tpu.enqueue_dma source(%arg15 : memref<80x128xf32, #tpu.memory_space<vmem>>) target(%dma_start3A_213 : memref<80x128xf32, #tpu.memory_space<hbm>>) target_semaphore(%arg19 : memref<!tpu.dma_semaphore, #tpu.memory_space<semaphore_mem>>)
    }
    %scan3A_78 = arith.constant 61 : i32
    %dma_wait3A_79 = arith.constant 0 : i32
    %dma_wait3A_80 = arith.constant 0 : i32
    %dma_wait3A_81 = tpu.memref_slice %arg2[%dma_wait3A_79, %dma_wait3A_80] : memref<10000x128xf32, #tpu.memory_space<hbm>> -> memref<10000x128xf32, #tpu.memory_space<hbm>>
    tpu.wait_indirect_dma semaphore(%arg16 : memref<!tpu.dma_semaphore, #tpu.memory_space<semaphore_mem>>) src(%dma_wait3A_81 : memref<10000x128xf32, #tpu.memory_space<hbm>>) dst(%arg12 : memref<80x128xf32, #tpu.memory_space<vmem>>)
    %dma_wait3A_82 = arith.constant 0 : i32
    %dma_wait3A_83 = arith.constant 0 : i32
    %dma_wait3A_84 = tpu.memref_slice %arg3[%dma_wait3A_82, %dma_wait3A_83] : memref<10000x128xf32, #tpu.memory_space<hbm>> -> memref<10000x128xf32, #tpu.memory_space<hbm>>
    tpu.wait_indirect_dma semaphore(%arg16 : memref<!tpu.dma_semaphore, #tpu.memory_space<semaphore_mem>>) src(%dma_wait3A_84 : memref<10000x128xf32, #tpu.memory_space<hbm>>) dst(%arg14 : memref<80x128xf32, #tpu.memory_space<vmem>>)
    %add3A_85 = arith.constant 9920 : i32
    %add3A_86 = arith.addi %mul3A_2, %add3A_85 : i32
    %dma_start3A_87 = arith.constant 0 : i32
    %dma_start3A_88 = tpu.memref_slice %arg6[%add3A_86, %dma_start3A_87] : memref<320000x128xf32, #tpu.memory_space<hbm>> -> memref<80x128xf32, #tpu.memory_space<hbm>>
    %dma_start3A_89 = arith.constant 0 : i32
    %dma_start3A_90 = tpu.memref_slice %arg6[%add3A_86, %dma_start3A_89] : memref<320000x128xf32, #tpu.memory_space<hbm>> -> memref<80x128xf32, #tpu.memory_space<hbm>>
    tpu.enqueue_dma source(%arg12 : memref<80x128xf32, #tpu.memory_space<vmem>>) target(%dma_start3A_90 : memref<80x128xf32, #tpu.memory_space<hbm>>) target_semaphore(%arg18 : memref<!tpu.dma_semaphore, #tpu.memory_space<semaphore_mem>>)
    %add3A_91 = arith.constant 9920 : i32
    %add3A_92 = arith.addi %mul3A_2, %add3A_91 : i32
    %dma_start3A_93 = arith.constant 0 : i32
    %dma_start3A_94 = tpu.memref_slice %arg7[%add3A_92, %dma_start3A_93] : memref<320000x128xf32, #tpu.memory_space<hbm>> -> memref<80x128xf32, #tpu.memory_space<hbm>>
    %dma_start3A_95 = arith.constant 0 : i32
    %dma_start3A_96 = tpu.memref_slice %arg7[%add3A_92, %dma_start3A_95] : memref<320000x128xf32, #tpu.memory_space<hbm>> -> memref<80x128xf32, #tpu.memory_space<hbm>>
    tpu.enqueue_dma source(%arg14 : memref<80x128xf32, #tpu.memory_space<vmem>>) target(%dma_start3A_96 : memref<80x128xf32, #tpu.memory_space<hbm>>) target_semaphore(%arg18 : memref<!tpu.dma_semaphore, #tpu.memory_space<semaphore_mem>>)
    %dma_wait3A_97 = arith.constant 0 : i32
    %dma_wait3A_98 = tpu.memref_slice %arg6[%mul3A_2, %dma_wait3A_97] : memref<320000x128xf32, #tpu.memory_space<hbm>> -> memref<80x128xf32, #tpu.memory_space<hbm>>
    %dma_wait3A_99 = arith.constant 0 : i32
    %dma_wait3A_100 = tpu.memref_slice %arg6[%mul3A_2, %dma_wait3A_99] : memref<320000x128xf32, #tpu.memory_space<hbm>> -> memref<80x128xf32, #tpu.memory_space<hbm>>
    tpu.wait_dma2 semaphore(%arg19 : memref<!tpu.dma_semaphore, #tpu.memory_space<semaphore_mem>>) src(%arg13 : memref<80x128xf32, #tpu.memory_space<vmem>>) dst(%dma_wait3A_100 : memref<80x128xf32, #tpu.memory_space<hbm>>)
    %dma_wait3A_101 = arith.constant 0 : i32
    %dma_wait3A_102 = tpu.memref_slice %arg7[%mul3A_2, %dma_wait3A_101] : memref<320000x128xf32, #tpu.memory_space<hbm>> -> memref<80x128xf32, #tpu.memory_space<hbm>>
    %dma_wait3A_103 = arith.constant 0 : i32
    %dma_wait3A_104 = tpu.memref_slice %arg7[%mul3A_2, %dma_wait3A_103] : memref<320000x128xf32, #tpu.memory_space<hbm>> -> memref<80x128xf32, #tpu.memory_space<hbm>>
    tpu.wait_dma2 semaphore(%arg19 : memref<!tpu.dma_semaphore, #tpu.memory_space<semaphore_mem>>) src(%arg15 : memref<80x128xf32, #tpu.memory_space<vmem>>) dst(%dma_wait3A_104 : memref<80x128xf32, #tpu.memory_space<hbm>>)
    %dma_wait3A_105 = arith.constant 0 : i32
    %dma_wait3A_106 = tpu.memref_slice %arg6[%mul3A_2, %dma_wait3A_105] : memref<320000x128xf32, #tpu.memory_space<hbm>> -> memref<80x128xf32, #tpu.memory_space<hbm>>
    %dma_wait3A_107 = arith.constant 0 : i32
    %dma_wait3A_108 = tpu.memref_slice %arg6[%mul3A_2, %dma_wait3A_107] : memref<320000x128xf32, #tpu.memory_space<hbm>> -> memref<80x128xf32, #tpu.memory_space<hbm>>
    tpu.wait_dma2 semaphore(%arg18 : memref<!tpu.dma_semaphore, #tpu.memory_space<semaphore_mem>>) src(%arg12 : memref<80x128xf32, #tpu.memory_space<vmem>>) dst(%dma_wait3A_108 : memref<80x128xf32, #tpu.memory_space<hbm>>)
    %dma_wait3A_109 = arith.constant 0 : i32
    %dma_wait3A_110 = tpu.memref_slice %arg7[%mul3A_2, %dma_wait3A_109] : memref<320000x128xf32, #tpu.memory_space<hbm>> -> memref<80x128xf32, #tpu.memory_space<hbm>>
    %dma_wait3A_111 = arith.constant 0 : i32
    %dma_wait3A_112 = tpu.memref_slice %arg7[%mul3A_2, %dma_wait3A_111] : memref<320000x128xf32, #tpu.memory_space<hbm>> -> memref<80x128xf32, #tpu.memory_space<hbm>>
    tpu.wait_dma2 semaphore(%arg18 : memref<!tpu.dma_semaphore, #tpu.memory_space<semaphore_mem>>) src(%arg14 : memref<80x128xf32, #tpu.memory_space<vmem>>) dst(%dma_wait3A_112 : memref<80x128xf32, #tpu.memory_space<hbm>>)
    return
  }
}

module attributes {stable_mosaic.version = 14 : i64} {
  func.func @body(%arg0: i32, %arg1: memref<5000x128xf32, #tpu.memory_space<vmem>>, %arg2: memref<128x128xf32, #tpu.memory_space<vmem>>, %arg3: memref<1x128xf32, #tpu.memory_space<vmem>>, %arg4: memref<1x128xf32, #tpu.memory_space<vmem>>, %arg5: memref<1x128xf32, #tpu.memory_space<vmem>>, %arg6: memref<5000x128xf32, #tpu.memory_space<vmem>>, %arg7: memref<5000x128xf32, #tpu.memory_space<vmem>>) attributes {dimension_semantics = [#tpu.dimension_semantics<arbitrary>], iteration_bounds = array<i64: 2>, scalar_prefetch = 0 : i64, scratch_operands = 0 : i64, tpu.core_type = #tpu.core_type<tc>, window_params = [{transform_indices = @transform_0, window_bounds = array<i64: 5000, 128>}, {pipeline_mode = #tpu.pipeline_mode<synchronous>, transform_indices = @transform_1, window_bounds = array<i64: 128, 128>}, {pipeline_mode = #tpu.pipeline_mode<synchronous>, transform_indices = @transform_2, window_bounds = array<i64: 1, 128>}, {pipeline_mode = #tpu.pipeline_mode<synchronous>, transform_indices = @transform_3, window_bounds = array<i64: 1, 128>}, {pipeline_mode = #tpu.pipeline_mode<synchronous>, transform_indices = @transform_4, window_bounds = array<i64: 1, 128>}, {transform_indices = @transform_5, window_bounds = array<i64: 5000, 128>}, {transform_indices = @transform_6, window_bounds = array<i64: 5000, 128>}]} {
    %get3A = arith.constant 0 : index
    %get3A_0 = arith.constant 0 : index
    %get3A_1 = vector.load %arg1[%get3A, %get3A_0] : memref<5000x128xf32, #tpu.memory_space<vmem>>, vector<5000x128xf32>
    %get3A_2 = arith.constant 0 : index
    %get3A_3 = arith.constant 0 : index
    %get3A_4 = vector.load %arg2[%get3A_2, %get3A_3] : memref<128x128xf32, #tpu.memory_space<vmem>>, vector<128x128xf32>
    %dot_general3A = arith.constant dense<0.000000e+00> : vector<5000x128xf32>
    %dot_general3A_5 = tpu.matmul %get3A_1, %get3A_4, %dot_general3A {dimension_numbers = #tpu.dot_dimension_numbers<[1], [0], [0], [1], [0, 0, 1, 1], [], []>, transpose_lhs_hint = false} : vector<5000x128xf32>, vector<128x128xf32>, vector<5000x128xf32> -> vector<5000x128xf32>
    %get3A_6 = arith.constant 0 : index
    %get3A_7 = arith.constant 0 : index
    %get3A_8 = vector.load %arg3[%get3A_6, %get3A_7] : memref<1x128xf32, #tpu.memory_space<vmem>>, vector<1x128xf32>
    %add3A = vector.broadcast %get3A_8 : vector<1x128xf32> to vector<5000x128xf32>
    %add3A_9 = arith.addf %dot_general3A_5, %add3A : vector<5000x128xf32>
    %swap3A = arith.constant 0 : index
    %swap3A_10 = arith.constant 0 : index
    %swap3A_11 = vector.load %arg6[%swap3A, %swap3A_10] : memref<5000x128xf32, #tpu.memory_space<vmem>>, vector<5000x128xf32>
    tpu.vector_store %arg6[%swap3A, %swap3A_10], %add3A_9 {strides = array<i32>} : memref<5000x128xf32, #tpu.memory_space<vmem>>, vector<5000x128xf32>,
    %get3A_12 = arith.constant 0 : index
    %get3A_13 = arith.constant 0 : index
    %get3A_14 = vector.load %arg4[%get3A_12, %get3A_13] : memref<1x128xf32, #tpu.memory_space<vmem>>, vector<1x128xf32>
    %get3A_15 = arith.constant 0 : index
    %get3A_16 = arith.constant 0 : index
    %get3A_17 = vector.load %arg5[%get3A_15, %get3A_16] : memref<1x128xf32, #tpu.memory_space<vmem>>, vector<1x128xf32>
    %reduce_sum3A = arith.constant dense<0.000000e+00> : vector<5000xf32>
    %reduce_sum3A_18 = vector.multi_reduction <add>, %add3A_9, %reduce_sum3A [1] : vector<5000x128xf32> to vector<5000xf32>
    %broadcast_in_dim3A = vector.shape_cast %reduce_sum3A_18 : vector<5000xf32> to vector<5000x1xf32>
    %div3A = arith.constant 1.280000e+02 : f32
    %div3A_19 = vector.broadcast %div3A : f32 to vector<5000x1xf32>
    %div3A_20 = arith.divf %broadcast_in_dim3A, %div3A_19 : vector<5000x1xf32>
    %sub3A = vector.broadcast %div3A_20 : vector<5000x1xf32> to vector<5000x128xf32>
    %sub3A_21 = arith.subf %add3A_9, %sub3A : vector<5000x128xf32>
    %mul3A = arith.mulf %sub3A_21, %sub3A_21 : vector<5000x128xf32>
    %reduce_sum3A_22 = arith.constant dense<0.000000e+00> : vector<5000xf32>
    %reduce_sum3A_23 = vector.multi_reduction <add>, %mul3A, %reduce_sum3A_22 [1] : vector<5000x128xf32> to vector<5000xf32>
    %broadcast_in_dim3A_24 = vector.shape_cast %reduce_sum3A_23 : vector<5000xf32> to vector<5000x1xf32>
    %div3A_25 = arith.constant 1.280000e+02 : f32
    %div3A_26 = vector.broadcast %div3A_25 : f32 to vector<5000x1xf32>
    %div3A_27 = arith.divf %broadcast_in_dim3A_24, %div3A_26 : vector<5000x1xf32>
    %add3A_28 = arith.constant 9.99999974E-6 : f32
    %add3A_29 = vector.broadcast %add3A_28 : f32 to vector<5000x1xf32>
    %add3A_30 = arith.addf %div3A_27, %add3A_29 : vector<5000x1xf32>
    %rsqrt3A = math.rsqrt %add3A_30 : vector<5000x1xf32>
    %mul3A_31 = vector.broadcast %rsqrt3A : vector<5000x1xf32> to vector<5000x128xf32>
    %mul3A_32 = arith.mulf %sub3A_21, %mul3A_31 : vector<5000x128xf32>
    %mul3A_33 = vector.broadcast %get3A_14 : vector<1x128xf32> to vector<5000x128xf32>
    %mul3A_34 = arith.mulf %mul3A_32, %mul3A_33 : vector<5000x128xf32>
    %add3A_35 = vector.broadcast %get3A_17 : vector<1x128xf32> to vector<5000x128xf32>
    %add3A_36 = arith.addf %mul3A_34, %add3A_35 : vector<5000x128xf32>
    %max3A = arith.constant 0.000000e+00 : f32
    %max3A_37 = vector.broadcast %max3A : f32 to vector<5000x128xf32>
    %max3A_38 = arith.maximumf %add3A_36, %max3A_37 : vector<5000x128xf32>
    %swap3A_39 = arith.constant 0 : index
    %swap3A_40 = arith.constant 0 : index
    %swap3A_41 = vector.load %arg7[%swap3A_39, %swap3A_40] : memref<5000x128xf32, #tpu.memory_space<vmem>>, vector<5000x128xf32>
    tpu.vector_store %arg7[%swap3A_39, %swap3A_40], %max3A_38 {strides = array<i32>} : memref<5000x128xf32, #tpu.memory_space<vmem>>, vector<5000x128xf32>,
    return
  }
  func.func @transform_0(%arg0: i32) -> (i32, i32) {
    %c0_i32 = arith.constant 0 : i32
    %c0_i32_0 = arith.constant 0 : i32
    return %arg0, %c0_i32 : i32, i32
  }
  func.func @transform_1(%arg0: i32) -> (i32, i32) {
    %c0_i32 = arith.constant 0 : i32
    %c0_i32_0 = arith.constant 0 : i32
    %c0_i32_1 = arith.constant 0 : i32
    return %c0_i32, %c0_i32_0 : i32, i32
  }
  func.func @transform_2(%arg0: i32) -> (i32, i32) {
    %c0_i32 = arith.constant 0 : i32
    %c0_i32_0 = arith.constant 0 : i32
    %c0_i32_1 = arith.constant 0 : i32
    return %c0_i32, %c0_i32_0 : i32, i32
  }
  func.func @transform_3(%arg0: i32) -> (i32, i32) {
    %c0_i32 = arith.constant 0 : i32
    %c0_i32_0 = arith.constant 0 : i32
    %c0_i32_1 = arith.constant 0 : i32
    return %c0_i32, %c0_i32_0 : i32, i32
  }
  func.func @transform_4(%arg0: i32) -> (i32, i32) {
    %c0_i32 = arith.constant 0 : i32
    %c0_i32_0 = arith.constant 0 : i32
    %c0_i32_1 = arith.constant 0 : i32
    return %c0_i32, %c0_i32_0 : i32, i32
  }
  func.func @transform_5(%arg0: i32) -> (i32, i32) {
    %c0_i32 = arith.constant 0 : i32
    %c0_i32_0 = arith.constant 0 : i32
    return %arg0, %c0_i32 : i32, i32
  }
  func.func @transform_6(%arg0: i32) -> (i32, i32) {
    %c0_i32 = arith.constant 0 : i32
    %c0_i32_0 = arith.constant 0 : i32
    return %arg0, %c0_i32 : i32, i32
  }
}

module attributes {stable_mosaic.version = 14 : i64} {
  func.func @body(%arg0: i32, %arg1: memref<2x5000x128xf32, #tpu.memory_space<vmem>>, %arg2: memref<2x5000x128xf32, #tpu.memory_space<vmem>>, %arg3: memref<5000x128xf32, #tpu.memory_space<vmem>>, %arg4: memref<128x128xf32, #tpu.memory_space<vmem>>, %arg5: memref<1x128xf32, #tpu.memory_space<vmem>>, %arg6: memref<1x128xf32, #tpu.memory_space<vmem>>, %arg7: memref<1x128xf32, #tpu.memory_space<vmem>>, %arg8: memref<5000x128xf32, #tpu.memory_space<vmem>>, %arg9: memref<5000x128xf32, #tpu.memory_space<vmem>>) attributes {dimension_semantics = [#tpu.dimension_semantics<arbitrary>], iteration_bounds = array<i64: 2>, scalar_prefetch = 0 : i64, scratch_operands = 0 : i64, tpu.core_type = #tpu.core_type<tc>, window_params = [{transform_indices = @transform_0, window_bounds = array<i64: 2, 5000, 128>}, {transform_indices = @transform_1, window_bounds = array<i64: 2, 5000, 128>}, {transform_indices = @transform_2, window_bounds = array<i64: 5000, 128>}, {pipeline_mode = #tpu.pipeline_mode<synchronous>, transform_indices = @transform_3, window_bounds = array<i64: 128, 128>}, {pipeline_mode = #tpu.pipeline_mode<synchronous>, transform_indices = @transform_4, window_bounds = array<i64: 1, 128>}, {pipeline_mode = #tpu.pipeline_mode<synchronous>, transform_indices = @transform_5, window_bounds = array<i64: 1, 128>}, {pipeline_mode = #tpu.pipeline_mode<synchronous>, transform_indices = @transform_6, window_bounds = array<i64: 1, 128>}, {transform_indices = @transform_7, window_bounds = array<i64: 5000, 128>}, {transform_indices = @transform_8, window_bounds = array<i64: 5000, 128>}]} {
    %get3A = arith.constant 0 : index
    %get3A_0 = arith.constant 0 : index
    %get3A_1 = arith.constant 0 : index
    %get3A_2 = vector.load %arg1[%get3A, %get3A_0, %get3A_1] : memref<2x5000x128xf32, #tpu.memory_space<vmem>>, vector<1x5000x128xf32>
    %get3A_3 = vector.shape_cast %get3A_2 : vector<1x5000x128xf32> to vector<5000x128xf32>
    %get3A_4 = arith.constant 1 : index
    %get3A_5 = arith.constant 0 : index
    %get3A_6 = arith.constant 0 : index
    %get3A_7 = vector.load %arg1[%get3A_4, %get3A_5, %get3A_6] : memref<2x5000x128xf32, #tpu.memory_space<vmem>>, vector<1x5000x128xf32>
    %get3A_8 = vector.shape_cast %get3A_7 : vector<1x5000x128xf32> to vector<5000x128xf32>
    %add3A = arith.addf %get3A_3, %get3A_8 : vector<5000x128xf32>
    %get3A_9 = arith.constant 0 : index
    %get3A_10 = arith.constant 0 : index
    %get3A_11 = arith.constant 0 : index
    %get3A_12 = vector.load %arg2[%get3A_9, %get3A_10, %get3A_11] : memref<2x5000x128xf32, #tpu.memory_space<vmem>>, vector<1x5000x1xf32>
    %get3A_13 = vector.shape_cast %get3A_12 : vector<1x5000x1xf32> to vector<5000x1xf32>
    %get3A_14 = arith.constant 1 : index
    %get3A_15 = arith.constant 0 : index
    %get3A_16 = arith.constant 0 : index
    %get3A_17 = vector.load %arg2[%get3A_14, %get3A_15, %get3A_16] : memref<2x5000x128xf32, #tpu.memory_space<vmem>>, vector<1x5000x1xf32>
    %get3A_18 = vector.shape_cast %get3A_17 : vector<1x5000x1xf32> to vector<5000x1xf32>
    %add3A_19 = arith.addf %get3A_13, %get3A_18 : vector<5000x1xf32>
    %max3A = arith.constant 1.000000e+00 : f32
    %max3A_20 = vector.broadcast %max3A : f32 to vector<5000x1xf32>
    %max3A_21 = arith.maximumf %add3A_19, %max3A_20 : vector<5000x1xf32>
    %div3A = arith.constant 1.000000e+00 : f32
    %div3A_22 = vector.broadcast %div3A : f32 to vector<5000x1xf32>
    %div3A_23 = arith.divf %div3A_22, %max3A_21 : vector<5000x1xf32>
    %gt3A = arith.constant 0.000000e+00 : f32
    %gt3A_24 = vector.broadcast %gt3A : f32 to vector<5000x1xf32>
    %gt3A_25 = arith.cmpf ogt, %add3A_19, %gt3A_24 : vector<5000x1xf32>
    %convert_element_type3A = arith.extui %gt3A_25 : vector<5000x1xi1> to vector<5000x1xi32>
    %convert_element_type3A_26 = arith.sitofp %convert_element_type3A : vector<5000x1xi32> to vector<5000x1xf32>
    %mul3A = arith.constant 1.000000e-07 : f32
    %mul3A_27 = vector.broadcast %mul3A : f32 to vector<5000x1xf32>
    %mul3A_28 = arith.mulf %mul3A_27, %convert_element_type3A_26 : vector<5000x1xf32>
    %mul3A_29 = vector.broadcast %div3A_23 : vector<5000x1xf32> to vector<5000x128xf32>
    %mul3A_30 = arith.mulf %add3A, %mul3A_29 : vector<5000x128xf32>
    %add3A_31 = vector.broadcast %mul3A_28 : vector<5000x1xf32> to vector<5000x128xf32>
    %add3A_32 = arith.addf %mul3A_30, %add3A_31 : vector<5000x128xf32>
    %get3A_33 = arith.constant 0 : index
    %get3A_34 = arith.constant 0 : index
    %get3A_35 = vector.load %arg3[%get3A_33, %get3A_34] : memref<5000x128xf32, #tpu.memory_space<vmem>>, vector<5000x128xf32>
    %get3A_36 = arith.constant 0 : index
    %get3A_37 = arith.constant 0 : index
    %get3A_38 = vector.load %arg4[%get3A_36, %get3A_37] : memref<128x128xf32, #tpu.memory_space<vmem>>, vector<128x128xf32>
    %dot_general3A = arith.constant dense<0.000000e+00> : vector<5000x128xf32>
    %dot_general3A_39 = tpu.matmul %add3A_32, %get3A_38, %dot_general3A {dimension_numbers = #tpu.dot_dimension_numbers<[1], [0], [0], [1], [0, 0, 1, 1], [], []>, transpose_lhs_hint = false} : vector<5000x128xf32>, vector<128x128xf32>, vector<5000x128xf32> -> vector<5000x128xf32>
    %add3A_40 = arith.addf %get3A_35, %dot_general3A_39 : vector<5000x128xf32>
    %get3A_41 = arith.constant 0 : index
    %get3A_42 = arith.constant 0 : index
    %get3A_43 = vector.load %arg5[%get3A_41, %get3A_42] : memref<1x128xf32, #tpu.memory_space<vmem>>, vector<1x128xf32>
    %add3A_44 = vector.broadcast %get3A_43 : vector<1x128xf32> to vector<5000x128xf32>
    %add3A_45 = arith.addf %add3A_40, %add3A_44 : vector<5000x128xf32>
    %swap3A = arith.constant 0 : index
    %swap3A_46 = arith.constant 0 : index
    %swap3A_47 = vector.load %arg8[%swap3A, %swap3A_46] : memref<5000x128xf32, #tpu.memory_space<vmem>>, vector<5000x128xf32>
    tpu.vector_store %arg8[%swap3A, %swap3A_46], %add3A_45 {strides = array<i32>} : memref<5000x128xf32, #tpu.memory_space<vmem>>, vector<5000x128xf32>,
    %get3A_48 = arith.constant 0 : index
    %get3A_49 = arith.constant 0 : index
    %get3A_50 = vector.load %arg6[%get3A_48, %get3A_49] : memref<1x128xf32, #tpu.memory_space<vmem>>, vector<1x128xf32>
    %get3A_51 = arith.constant 0 : index
    %get3A_52 = arith.constant 0 : index
    %get3A_53 = vector.load %arg7[%get3A_51, %get3A_52] : memref<1x128xf32, #tpu.memory_space<vmem>>, vector<1x128xf32>
    %reduce_sum3A = arith.constant dense<0.000000e+00> : vector<5000xf32>
    %reduce_sum3A_54 = vector.multi_reduction <add>, %add3A_45, %reduce_sum3A [1] : vector<5000x128xf32> to vector<5000xf32>
    %broadcast_in_dim3A = vector.shape_cast %reduce_sum3A_54 : vector<5000xf32> to vector<5000x1xf32>
    %div3A_55 = arith.constant 1.280000e+02 : f32
    %div3A_56 = vector.broadcast %div3A_55 : f32 to vector<5000x1xf32>
    %div3A_57 = arith.divf %broadcast_in_dim3A, %div3A_56 : vector<5000x1xf32>
    %sub3A = vector.broadcast %div3A_57 : vector<5000x1xf32> to vector<5000x128xf32>
    %sub3A_58 = arith.subf %add3A_45, %sub3A : vector<5000x128xf32>
    %mul3A_59 = arith.mulf %sub3A_58, %sub3A_58 : vector<5000x128xf32>
    %reduce_sum3A_60 = arith.constant dense<0.000000e+00> : vector<5000xf32>
    %reduce_sum3A_61 = vector.multi_reduction <add>, %mul3A_59, %reduce_sum3A_60 [1] : vector<5000x128xf32> to vector<5000xf32>
    %broadcast_in_dim3A_62 = vector.shape_cast %reduce_sum3A_61 : vector<5000xf32> to vector<5000x1xf32>
    %div3A_63 = arith.constant 1.280000e+02 : f32
    %div3A_64 = vector.broadcast %div3A_63 : f32 to vector<5000x1xf32>
    %div3A_65 = arith.divf %broadcast_in_dim3A_62, %div3A_64 : vector<5000x1xf32>
    %add3A_66 = arith.constant 9.99999974E-6 : f32
    %add3A_67 = vector.broadcast %add3A_66 : f32 to vector<5000x1xf32>
    %add3A_68 = arith.addf %div3A_65, %add3A_67 : vector<5000x1xf32>
    %rsqrt3A = math.rsqrt %add3A_68 : vector<5000x1xf32>
    %mul3A_69 = vector.broadcast %rsqrt3A : vector<5000x1xf32> to vector<5000x128xf32>
    %mul3A_70 = arith.mulf %sub3A_58, %mul3A_69 : vector<5000x128xf32>
    %mul3A_71 = vector.broadcast %get3A_50 : vector<1x128xf32> to vector<5000x128xf32>
    %mul3A_72 = arith.mulf %mul3A_70, %mul3A_71 : vector<5000x128xf32>
    %add3A_73 = vector.broadcast %get3A_53 : vector<1x128xf32> to vector<5000x128xf32>
    %add3A_74 = arith.addf %mul3A_72, %add3A_73 : vector<5000x128xf32>
    %max3A_75 = arith.constant 0.000000e+00 : f32
    %max3A_76 = vector.broadcast %max3A_75 : f32 to vector<5000x128xf32>
    %max3A_77 = arith.maximumf %add3A_74, %max3A_76 : vector<5000x128xf32>
    %swap3A_78 = arith.constant 0 : index
    %swap3A_79 = arith.constant 0 : index
    %swap3A_80 = vector.load %arg9[%swap3A_78, %swap3A_79] : memref<5000x128xf32, #tpu.memory_space<vmem>>, vector<5000x128xf32>
    tpu.vector_store %arg9[%swap3A_78, %swap3A_79], %max3A_77 {strides = array<i32>} : memref<5000x128xf32, #tpu.memory_space<vmem>>, vector<5000x128xf32>,
    return
  }
  func.func @transform_0(%arg0: i32) -> (i32, i32, i32) {
    %c0_i32 = arith.constant 0 : i32
    %c0_i32_0 = arith.constant 0 : i32
    %c0_i32_1 = arith.constant 0 : i32
    return %c0_i32, %arg0, %c0_i32_0 : i32, i32, i32
  }
  func.func @transform_1(%arg0: i32) -> (i32, i32, i32) {
    %c0_i32 = arith.constant 0 : i32
    %c0_i32_0 = arith.constant 0 : i32
    %c0_i32_1 = arith.constant 0 : i32
    return %c0_i32, %arg0, %c0_i32_0 : i32, i32, i32
  }
  func.func @transform_2(%arg0: i32) -> (i32, i32) {
    %c0_i32 = arith.constant 0 : i32
    %c0_i32_0 = arith.constant 0 : i32
    return %arg0, %c0_i32 : i32, i32
  }
  func.func @transform_3(%arg0: i32) -> (i32, i32) {
    %c0_i32 = arith.constant 0 : i32
    %c0_i32_0 = arith.constant 0 : i32
    %c0_i32_1 = arith.constant 0 : i32
    return %c0_i32, %c0_i32_0 : i32, i32
  }
  func.func @transform_4(%arg0: i32) -> (i32, i32) {
    %c0_i32 = arith.constant 0 : i32
    %c0_i32_0 = arith.constant 0 : i32
    %c0_i32_1 = arith.constant 0 : i32
    return %c0_i32, %c0_i32_0 : i32, i32
  }
  func.func @transform_5(%arg0: i32) -> (i32, i32) {
    %c0_i32 = arith.constant 0 : i32
    %c0_i32_0 = arith.constant 0 : i32
    %c0_i32_1 = arith.constant 0 : i32
    return %c0_i32, %c0_i32_0 : i32, i32
  }
  func.func @transform_6(%arg0: i32) -> (i32, i32) {
    %c0_i32 = arith.constant 0 : i32
    %c0_i32_0 = arith.constant 0 : i32
    %c0_i32_1 = arith.constant 0 : i32
    return %c0_i32, %c0_i32_0 : i32, i32
  }
  func.func @transform_7(%arg0: i32) -> (i32, i32) {
    %c0_i32 = arith.constant 0 : i32
    %c0_i32_0 = arith.constant 0 : i32
    return %arg0, %c0_i32 : i32, i32
  }
  func.func @transform_8(%arg0: i32) -> (i32, i32) {
    %c0_i32 = arith.constant 0 : i32
    %c0_i32_0 = arith.constant 0 : i32
    return %arg0, %c0_i32 : i32, i32
  }
}

module attributes {stable_mosaic.version = 14 : i64} {
  func.func @body(%arg0: i32, %arg1: memref<2x5000x128xf32, #tpu.memory_space<vmem>>, %arg2: memref<2x5000x128xf32, #tpu.memory_space<vmem>>, %arg3: memref<5000x128xf32, #tpu.memory_space<vmem>>, %arg4: memref<128x128xf32, #tpu.memory_space<vmem>>, %arg5: memref<1x128xf32, #tpu.memory_space<vmem>>, %arg6: memref<1x128xf32, #tpu.memory_space<vmem>>, %arg7: memref<1x128xf32, #tpu.memory_space<vmem>>, %arg8: memref<128x128xf32, #tpu.memory_space<vmem>>, %arg9: memref<128x128xf32, #tpu.memory_space<vmem>>, %arg10: memref<1x128xf32, #tpu.memory_space<vmem>>, %arg11: memref<5000x128xf32, #tpu.memory_space<vmem>>, %arg12: memref<5000x128xf32, #tpu.memory_space<vmem>>) attributes {dimension_semantics = [#tpu.dimension_semantics<arbitrary>], iteration_bounds = array<i64: 2>, scalar_prefetch = 0 : i64, scratch_operands = 0 : i64, tpu.core_type = #tpu.core_type<tc>, window_params = [{transform_indices = @transform_0, window_bounds = array<i64: 2, 5000, 128>}, {transform_indices = @transform_1, window_bounds = array<i64: 2, 5000, 128>}, {transform_indices = @transform_2, window_bounds = array<i64: 5000, 128>}, {pipeline_mode = #tpu.pipeline_mode<synchronous>, transform_indices = @transform_3, window_bounds = array<i64: 128, 128>}, {pipeline_mode = #tpu.pipeline_mode<synchronous>, transform_indices = @transform_4, window_bounds = array<i64: 1, 128>}, {pipeline_mode = #tpu.pipeline_mode<synchronous>, transform_indices = @transform_5, window_bounds = array<i64: 1, 128>}, {pipeline_mode = #tpu.pipeline_mode<synchronous>, transform_indices = @transform_6, window_bounds = array<i64: 1, 128>}, {pipeline_mode = #tpu.pipeline_mode<synchronous>, transform_indices = @transform_7, window_bounds = array<i64: 128, 128>}, {pipeline_mode = #tpu.pipeline_mode<synchronous>, transform_indices = @transform_8, window_bounds = array<i64: 128, 128>}, {pipeline_mode = #tpu.pipeline_mode<synchronous>, transform_indices = @transform_9, window_bounds = array<i64: 1, 128>}, {transform_indices = @transform_10, window_bounds = array<i64: 5000, 128>}, {transform_indices = @transform_11, window_bounds = array<i64: 5000, 128>}]} {
    %get3A = arith.constant 0 : index
    %get3A_0 = arith.constant 0 : index
    %get3A_1 = arith.constant 0 : index
    %get3A_2 = vector.load %arg1[%get3A, %get3A_0, %get3A_1] : memref<2x5000x128xf32, #tpu.memory_space<vmem>>, vector<1x5000x128xf32>
    %get3A_3 = vector.shape_cast %get3A_2 : vector<1x5000x128xf32> to vector<5000x128xf32>
    %get3A_4 = arith.constant 1 : index
    %get3A_5 = arith.constant 0 : index
    %get3A_6 = arith.constant 0 : index
    %get3A_7 = vector.load %arg1[%get3A_4, %get3A_5, %get3A_6] : memref<2x5000x128xf32, #tpu.memory_space<vmem>>, vector<1x5000x128xf32>
    %get3A_8 = vector.shape_cast %get3A_7 : vector<1x5000x128xf32> to vector<5000x128xf32>
    %add3A = arith.addf %get3A_3, %get3A_8 : vector<5000x128xf32>
    %get3A_9 = arith.constant 0 : index
    %get3A_10 = arith.constant 0 : index
    %get3A_11 = arith.constant 0 : index
    %get3A_12 = vector.load %arg2[%get3A_9, %get3A_10, %get3A_11] : memref<2x5000x128xf32, #tpu.memory_space<vmem>>, vector<1x5000x1xf32>
    %get3A_13 = vector.shape_cast %get3A_12 : vector<1x5000x1xf32> to vector<5000x1xf32>
    %get3A_14 = arith.constant 1 : index
    %get3A_15 = arith.constant 0 : index
    %get3A_16 = arith.constant 0 : index
    %get3A_17 = vector.load %arg2[%get3A_14, %get3A_15, %get3A_16] : memref<2x5000x128xf32, #tpu.memory_space<vmem>>, vector<1x5000x1xf32>
    %get3A_18 = vector.shape_cast %get3A_17 : vector<1x5000x1xf32> to vector<5000x1xf32>
    %add3A_19 = arith.addf %get3A_13, %get3A_18 : vector<5000x1xf32>
    %max3A = arith.constant 1.000000e+00 : f32
    %max3A_20 = vector.broadcast %max3A : f32 to vector<5000x1xf32>
    %max3A_21 = arith.maximumf %add3A_19, %max3A_20 : vector<5000x1xf32>
    %div3A = arith.constant 1.000000e+00 : f32
    %div3A_22 = vector.broadcast %div3A : f32 to vector<5000x1xf32>
    %div3A_23 = arith.divf %div3A_22, %max3A_21 : vector<5000x1xf32>
    %gt3A = arith.constant 0.000000e+00 : f32
    %gt3A_24 = vector.broadcast %gt3A : f32 to vector<5000x1xf32>
    %gt3A_25 = arith.cmpf ogt, %add3A_19, %gt3A_24 : vector<5000x1xf32>
    %convert_element_type3A = arith.extui %gt3A_25 : vector<5000x1xi1> to vector<5000x1xi32>
    %convert_element_type3A_26 = arith.sitofp %convert_element_type3A : vector<5000x1xi32> to vector<5000x1xf32>
    %mul3A = arith.constant 1.000000e-07 : f32
    %mul3A_27 = vector.broadcast %mul3A : f32 to vector<5000x1xf32>
    %mul3A_28 = arith.mulf %mul3A_27, %convert_element_type3A_26 : vector<5000x1xf32>
    %mul3A_29 = vector.broadcast %div3A_23 : vector<5000x1xf32> to vector<5000x128xf32>
    %mul3A_30 = arith.mulf %add3A, %mul3A_29 : vector<5000x128xf32>
    %add3A_31 = vector.broadcast %mul3A_28 : vector<5000x1xf32> to vector<5000x128xf32>
    %add3A_32 = arith.addf %mul3A_30, %add3A_31 : vector<5000x128xf32>
    %get3A_33 = arith.constant 0 : index
    %get3A_34 = arith.constant 0 : index
    %get3A_35 = vector.load %arg3[%get3A_33, %get3A_34] : memref<5000x128xf32, #tpu.memory_space<vmem>>, vector<5000x128xf32>
    %get3A_36 = arith.constant 0 : index
    %get3A_37 = arith.constant 0 : index
    %get3A_38 = vector.load %arg4[%get3A_36, %get3A_37] : memref<128x128xf32, #tpu.memory_space<vmem>>, vector<128x128xf32>
    %dot_general3A = arith.constant dense<0.000000e+00> : vector<5000x128xf32>
    %dot_general3A_39 = tpu.matmul %add3A_32, %get3A_38, %dot_general3A {dimension_numbers = #tpu.dot_dimension_numbers<[1], [0], [0], [1], [0, 0, 1, 1], [], []>, transpose_lhs_hint = false} : vector<5000x128xf32>, vector<128x128xf32>, vector<5000x128xf32> -> vector<5000x128xf32>
    %add3A_40 = arith.addf %get3A_35, %dot_general3A_39 : vector<5000x128xf32>
    %get3A_41 = arith.constant 0 : index
    %get3A_42 = arith.constant 0 : index
    %get3A_43 = vector.load %arg5[%get3A_41, %get3A_42] : memref<1x128xf32, #tpu.memory_space<vmem>>, vector<1x128xf32>
    %add3A_44 = vector.broadcast %get3A_43 : vector<1x128xf32> to vector<5000x128xf32>
    %add3A_45 = arith.addf %add3A_40, %add3A_44 : vector<5000x128xf32>
    %get3A_46 = arith.constant 0 : index
    %get3A_47 = arith.constant 0 : index
    %get3A_48 = vector.load %arg6[%get3A_46, %get3A_47] : memref<1x128xf32, #tpu.memory_space<vmem>>, vector<1x128xf32>
    %get3A_49 = arith.constant 0 : index
    %get3A_50 = arith.constant 0 : index
    %get3A_51 = vector.load %arg7[%get3A_49, %get3A_50] : memref<1x128xf32, #tpu.memory_space<vmem>>, vector<1x128xf32>
    %reduce_sum3A = arith.constant dense<0.000000e+00> : vector<5000xf32>
    %reduce_sum3A_52 = vector.multi_reduction <add>, %add3A_45, %reduce_sum3A [1] : vector<5000x128xf32> to vector<5000xf32>
    %broadcast_in_dim3A = vector.shape_cast %reduce_sum3A_52 : vector<5000xf32> to vector<5000x1xf32>
    %div3A_53 = arith.constant 1.280000e+02 : f32
    %div3A_54 = vector.broadcast %div3A_53 : f32 to vector<5000x1xf32>
    %div3A_55 = arith.divf %broadcast_in_dim3A, %div3A_54 : vector<5000x1xf32>
    %sub3A = vector.broadcast %div3A_55 : vector<5000x1xf32> to vector<5000x128xf32>
    %sub3A_56 = arith.subf %add3A_45, %sub3A : vector<5000x128xf32>
    %mul3A_57 = arith.mulf %sub3A_56, %sub3A_56 : vector<5000x128xf32>
    %reduce_sum3A_58 = arith.constant dense<0.000000e+00> : vector<5000xf32>
    %reduce_sum3A_59 = vector.multi_reduction <add>, %mul3A_57, %reduce_sum3A_58 [1] : vector<5000x128xf32> to vector<5000xf32>
    %broadcast_in_dim3A_60 = vector.shape_cast %reduce_sum3A_59 : vector<5000xf32> to vector<5000x1xf32>
    %div3A_61 = arith.constant 1.280000e+02 : f32
    %div3A_62 = vector.broadcast %div3A_61 : f32 to vector<5000x1xf32>
    %div3A_63 = arith.divf %broadcast_in_dim3A_60, %div3A_62 : vector<5000x1xf32>
    %add3A_64 = arith.constant 9.99999974E-6 : f32
    %add3A_65 = vector.broadcast %add3A_64 : f32 to vector<5000x1xf32>
    %add3A_66 = arith.addf %div3A_63, %add3A_65 : vector<5000x1xf32>
    %rsqrt3A = math.rsqrt %add3A_66 : vector<5000x1xf32>
    %mul3A_67 = vector.broadcast %rsqrt3A : vector<5000x1xf32> to vector<5000x128xf32>
    %mul3A_68 = arith.mulf %sub3A_56, %mul3A_67 : vector<5000x128xf32>
    %mul3A_69 = vector.broadcast %get3A_48 : vector<1x128xf32> to vector<5000x128xf32>
    %mul3A_70 = arith.mulf %mul3A_68, %mul3A_69 : vector<5000x128xf32>
    %add3A_71 = vector.broadcast %get3A_51 : vector<1x128xf32> to vector<5000x128xf32>
    %add3A_72 = arith.addf %mul3A_70, %add3A_71 : vector<5000x128xf32>
    %max3A_73 = arith.constant 0.000000e+00 : f32
    %max3A_74 = vector.broadcast %max3A_73 : f32 to vector<5000x128xf32>
    %max3A_75 = arith.maximumf %add3A_72, %max3A_74 : vector<5000x128xf32>
    %get3A_76 = arith.constant 0 : index
    %get3A_77 = arith.constant 0 : index
    %get3A_78 = vector.load %arg8[%get3A_76, %get3A_77] : memref<128x128xf32, #tpu.memory_space<vmem>>, vector<128x128xf32>
    %dot_general3A_79 = arith.constant dense<0.000000e+00> : vector<5000x128xf32>
    %dot_general3A_80 = tpu.matmul %max3A_75, %get3A_78, %dot_general3A_79 {dimension_numbers = #tpu.dot_dimension_numbers<[1], [0], [0], [1], [0, 0, 1, 1], [], []>, transpose_lhs_hint = false} : vector<5000x128xf32>, vector<128x128xf32>, vector<5000x128xf32> -> vector<5000x128xf32>
    %get3A_81 = arith.constant 0 : index
    %get3A_82 = arith.constant 0 : index
    %get3A_83 = vector.load %arg10[%get3A_81, %get3A_82] : memref<1x128xf32, #tpu.memory_space<vmem>>, vector<1x128xf32>
    %add3A_84 = vector.broadcast %get3A_83 : vector<1x128xf32> to vector<5000x128xf32>
    %add3A_85 = arith.addf %dot_general3A_80, %add3A_84 : vector<5000x128xf32>
    %swap3A = arith.constant 0 : index
    %swap3A_86 = arith.constant 0 : index
    %swap3A_87 = vector.load %arg11[%swap3A, %swap3A_86] : memref<5000x128xf32, #tpu.memory_space<vmem>>, vector<5000x128xf32>
    tpu.vector_store %arg11[%swap3A, %swap3A_86], %add3A_85 {strides = array<i32>} : memref<5000x128xf32, #tpu.memory_space<vmem>>, vector<5000x128xf32>,
    %get3A_88 = arith.constant 0 : index
    %get3A_89 = arith.constant 0 : index
    %get3A_90 = vector.load %arg9[%get3A_88, %get3A_89] : memref<128x128xf32, #tpu.memory_space<vmem>>, vector<128x128xf32>
    %dot_general3A_91 = arith.constant dense<0.000000e+00> : vector<5000x128xf32>
    %dot_general3A_92 = tpu.matmul %max3A_75, %get3A_90, %dot_general3A_91 {dimension_numbers = #tpu.dot_dimension_numbers<[1], [0], [0], [1], [0, 0, 1, 1], [], []>, transpose_lhs_hint = false} : vector<5000x128xf32>, vector<128x128xf32>, vector<5000x128xf32> -> vector<5000x128xf32>
    %swap3A_93 = arith.constant 0 : index
    %swap3A_94 = arith.constant 0 : index
    %swap3A_95 = vector.load %arg12[%swap3A_93, %swap3A_94] : memref<5000x128xf32, #tpu.memory_space<vmem>>, vector<5000x128xf32>
    tpu.vector_store %arg12[%swap3A_93, %swap3A_94], %dot_general3A_92 {strides = array<i32>} : memref<5000x128xf32, #tpu.memory_space<vmem>>, vector<5000x128xf32>,
    return
  }
  func.func @transform_0(%arg0: i32) -> (i32, i32, i32) {
    %c0_i32 = arith.constant 0 : i32
    %c0_i32_0 = arith.constant 0 : i32
    %c0_i32_1 = arith.constant 0 : i32
    return %c0_i32, %arg0, %c0_i32_0 : i32, i32, i32
  }
  func.func @transform_1(%arg0: i32) -> (i32, i32, i32) {
    %c0_i32 = arith.constant 0 : i32
    %c0_i32_0 = arith.constant 0 : i32
    %c0_i32_1 = arith.constant 0 : i32
    return %c0_i32, %arg0, %c0_i32_0 : i32, i32, i32
  }
  func.func @transform_2(%arg0: i32) -> (i32, i32) {
    %c0_i32 = arith.constant 0 : i32
    %c0_i32_0 = arith.constant 0 : i32
    return %arg0, %c0_i32 : i32, i32
  }
  func.func @transform_3(%arg0: i32) -> (i32, i32) {
    %c0_i32 = arith.constant 0 : i32
    %c0_i32_0 = arith.constant 0 : i32
    %c0_i32_1 = arith.constant 0 : i32
    return %c0_i32, %c0_i32_0 : i32, i32
  }
  func.func @transform_4(%arg0: i32) -> (i32, i32) {
    %c0_i32 = arith.constant 0 : i32
    %c0_i32_0 = arith.constant 0 : i32
    %c0_i32_1 = arith.constant 0 : i32
    return %c0_i32, %c0_i32_0 : i32, i32
  }
  func.func @transform_5(%arg0: i32) -> (i32, i32) {
    %c0_i32 = arith.constant 0 : i32
    %c0_i32_0 = arith.constant 0 : i32
    %c0_i32_1 = arith.constant 0 : i32
    return %c0_i32, %c0_i32_0 : i32, i32
  }
  func.func @transform_6(%arg0: i32) -> (i32, i32) {
    %c0_i32 = arith.constant 0 : i32
    %c0_i32_0 = arith.constant 0 : i32
    %c0_i32_1 = arith.constant 0 : i32
    return %c0_i32, %c0_i32_0 : i32, i32
  }
  func.func @transform_7(%arg0: i32) -> (i32, i32) {
    %c0_i32 = arith.constant 0 : i32
    %c0_i32_0 = arith.constant 0 : i32
    %c0_i32_1 = arith.constant 0 : i32
    return %c0_i32, %c0_i32_0 : i32, i32
  }
  func.func @transform_8(%arg0: i32) -> (i32, i32) {
    %c0_i32 = arith.constant 0 : i32
    %c0_i32_0 = arith.constant 0 : i32
    %c0_i32_1 = arith.constant 0 : i32
    return %c0_i32, %c0_i32_0 : i32, i32
  }
  func.func @transform_9(%arg0: i32) -> (i32, i32) {
    %c0_i32 = arith.constant 0 : i32
    %c0_i32_0 = arith.constant 0 : i32
    %c0_i32_1 = arith.constant 0 : i32
    return %c0_i32, %c0_i32_0 : i32, i32
  }
  func.func @transform_10(%arg0: i32) -> (i32, i32) {
    %c0_i32 = arith.constant 0 : i32
    %c0_i32_0 = arith.constant 0 : i32
    return %arg0, %c0_i32 : i32, i32
  }
  func.func @transform_11(%arg0: i32) -> (i32, i32) {
    %c0_i32 = arith.constant 0 : i32
    %c0_i32_0 = arith.constant 0 : i32
    return %arg0, %c0_i32 : i32, i32
  }
}

module attributes {stable_mosaic.version = 14 : i64} {
  func.func @body(%arg0: i32, %arg1: memref<8000x128xf32, #tpu.memory_space<vmem>>, %arg2: memref<8000x128xf32, #tpu.memory_space<vmem>>, %arg3: memref<128x128xf32, #tpu.memory_space<vmem>>, %arg4: memref<1x128xf32, #tpu.memory_space<vmem>>, %arg5: memref<8000x128xf32, #tpu.memory_space<vmem>>) attributes {dimension_semantics = [#tpu.dimension_semantics<arbitrary>], iteration_bounds = array<i64: 40>, scalar_prefetch = 0 : i64, scratch_operands = 0 : i64, tpu.core_type = #tpu.core_type<tc>, window_params = [{transform_indices = @transform_0, window_bounds = array<i64: 8000, 128>}, {transform_indices = @transform_1, window_bounds = array<i64: 8000, 128>}, {pipeline_mode = #tpu.pipeline_mode<synchronous>, transform_indices = @transform_2, window_bounds = array<i64: 128, 128>}, {pipeline_mode = #tpu.pipeline_mode<synchronous>, transform_indices = @transform_3, window_bounds = array<i64: 1, 128>}, {transform_indices = @transform_4, window_bounds = array<i64: 8000, 128>}]} {
    %get3A = arith.constant 0 : index
    %get3A_0 = arith.constant 0 : index
    %get3A_1 = vector.load %arg1[%get3A, %get3A_0] : memref<8000x128xf32, #tpu.memory_space<vmem>>, vector<8000x128xf32>
    %get3A_2 = arith.constant 0 : index
    %get3A_3 = arith.constant 0 : index
    %get3A_4 = vector.load %arg2[%get3A_2, %get3A_3] : memref<8000x128xf32, #tpu.memory_space<vmem>>, vector<8000x128xf32>
    %add3A = arith.addf %get3A_1, %get3A_4 : vector<8000x128xf32>
    %max3A = arith.constant 0.000000e+00 : f32
    %max3A_5 = vector.broadcast %max3A : f32 to vector<8000x128xf32>
    %max3A_6 = arith.maximumf %add3A, %max3A_5 : vector<8000x128xf32>
    %get3A_7 = arith.constant 0 : index
    %get3A_8 = arith.constant 0 : index
    %get3A_9 = vector.load %arg3[%get3A_7, %get3A_8] : memref<128x128xf32, #tpu.memory_space<vmem>>, vector<128x128xf32>
    %dot_general3A = arith.constant dense<0.000000e+00> : vector<8000x128xf32>
    %dot_general3A_10 = tpu.matmul %max3A_6, %get3A_9, %dot_general3A {dimension_numbers = #tpu.dot_dimension_numbers<[1], [0], [0], [1], [0, 0, 1, 1], [], []>, transpose_lhs_hint = false} : vector<8000x128xf32>, vector<128x128xf32>, vector<8000x128xf32> -> vector<8000x128xf32>
    %get3A_11 = arith.constant 0 : index
    %get3A_12 = arith.constant 0 : index
    %get3A_13 = vector.load %arg4[%get3A_11, %get3A_12] : memref<1x128xf32, #tpu.memory_space<vmem>>, vector<1x128xf32>
    %add3A_14 = vector.broadcast %get3A_13 : vector<1x128xf32> to vector<8000x128xf32>
    %add3A_15 = arith.addf %dot_general3A_10, %add3A_14 : vector<8000x128xf32>
    %swap3A = arith.constant 0 : index
    %swap3A_16 = arith.constant 0 : index
    %swap3A_17 = vector.load %arg5[%swap3A, %swap3A_16] : memref<8000x128xf32, #tpu.memory_space<vmem>>, vector<8000x128xf32>
    tpu.vector_store %arg5[%swap3A, %swap3A_16], %add3A_15 {strides = array<i32>} : memref<8000x128xf32, #tpu.memory_space<vmem>>, vector<8000x128xf32>,
    return
  }
  func.func @transform_0(%arg0: i32) -> (i32, i32) {
    %c0_i32 = arith.constant 0 : i32
    %c0_i32_0 = arith.constant 0 : i32
    return %arg0, %c0_i32 : i32, i32
  }
  func.func @transform_1(%arg0: i32) -> (i32, i32) {
    %c0_i32 = arith.constant 0 : i32
    %c0_i32_0 = arith.constant 0 : i32
    return %arg0, %c0_i32 : i32, i32
  }
  func.func @transform_2(%arg0: i32) -> (i32, i32) {
    %c0_i32 = arith.constant 0 : i32
    %c0_i32_0 = arith.constant 0 : i32
    %c0_i32_1 = arith.constant 0 : i32
    return %c0_i32, %c0_i32_0 : i32, i32
  }
  func.func @transform_3(%arg0: i32) -> (i32, i32) {
    %c0_i32 = arith.constant 0 : i32
    %c0_i32_0 = arith.constant 0 : i32
    %c0_i32_1 = arith.constant 0 : i32
    return %c0_i32, %c0_i32_0 : i32, i32
  }
  func.func @transform_4(%arg0: i32) -> (i32, i32) {
    %c0_i32 = arith.constant 0 : i32
    %c0_i32_0 = arith.constant 0 : i32
    return %arg0, %c0_i32 : i32, i32
  }
}

</mosaic_0001>

<sc_bundles>
// kernel: kernel.14.cloned.1.call-start
scs
__scs_entry_jumppad:
0x0: {  	(pc) =	sbr.rel $0x88, $3  }
0x1: {  	(tag) =	ssettag $0x0;
	lr =	simm.s32 $0x1  }
0x2: {  	[smem:$0x3F93] =	sst lr;
	_ =	strace $0xD0000000  }
0x3: {  	_ = 	snop  }
0x4: {  	_ = 	snop  }
0x5: {  	_ = 	snop  }
0x6: {  	_ = 	snop  }
0x7: {  	_ = 	snop  }
__scs_overlays_trampoline_lowered:
0x8: {  	[smem:$0x3FA2] =	sst s0  }
0x9: {  	[smem:$0x3FA3] =	sst s1  }
0xa: {  	[smem:$0x3FA4] =	sst s2  }
0xb: {  	[smem:$0x3FA5] =	sst s3  }
0xc: {  	[smem:$0x3FA6] =	sst s4  }
0xd: {  	[smem:$0x3FA7] =	sst s5  }
0xe: {  	[smem:$0x3FA8] =	sst s6  }
0xf: {  	[smem:$0x3FA9] =	sst s7  }
0x10: {  	[smem:$0x3FAA] =	sst s8  }
0x11: {  	[smem:$0x3FAB] =	sst s9;
	s0 =	simm.s32 @!p0 $0x0  }
0x12: {  	s1 =	sld [smem:$0x3F91];
	s0 =	simm.s32 @p0 $0x1  }
0x13: {  	[smem:$0x3FAC] =	sst s0;
	s0 =	simm.s32 @!p1 $0x0  }
0x14: {  	s2 =	sld [smem:$0x3F90];
	s0 =	simm.s32 @p1 $0x1  }
0x15: {  	[smem:$0x3FAD] =	sst s0;
	s0 =	simm.s32 @!p2 $0x0  }
0x16: {  	s3 =	sld [smem:$0x3FDB];
	s0 =	simm.s32 @p2 $0x1  }
0x17: {  	s4 =	simm.s32 $0x1BF5;
	[smem:$0x3FAF] =	sst s0  }
0x18: {  	s0 =	sld [smem:$0x3F92];
	_ =	swait.ge [sflag:s4], $0x0  }
0x19: {  	s7 =	sld [smem:$0x3F93]  }
0x1a: {  	s8 =	sadd.s32 $0xFFFFE003, lr  }
0x1b: {  	s9 =	sadd.s32 $0xFFFFFEF7, lr;
	s5 =	simm.s32 $0xFFFFFFFF;
	p2 =	slt.u32 s8, $0xFFFFF086  }
0x1c: {  	p1 =	slt.u32 s9, $0xF7A;
	s5 =	simm.s32 @!p2 $0x0  }
0x1d: {  	s5 =	simm.s32 @p1 $0x1;
	p0 =	seq.s32 s7, s2  }
0x1e: {  	s7 =	smul.u32 @!p0 $0xF7A, s2;
	p2 =	seq.s32 @!p0 s5, $0x0  }
0x1f: {  	s9 =	smul.u32 $0xF7A, s1;
	s8 =	simm.s32 @!p0 $0x1BF5;
	p2 =	por !p2, p0  }
0x20: {  	[sflag:s8] =	ssyncset.s32 @!p0 $0xFFFFF086;
	s6 =	sadd.s32 @!p0 s3, s7;
	s7 =	simm.s32 @!p0 $0x108  }
0x21: {  	s3 =	sadd.s32 s3, s9;
	s6 =	sadd.s32 @!p0 $0x88, s6;
	s7 =	simm.s32 @p2 $0x1082  }
0x22: {  	[simem:s7], [sflag:s8] =	dma.local @!p0 [hbm:s6], $0xF7A  }
0x23: {  	s9 =	sor.u32 $0xD0000000, s2;
	s6 =	simm.s32 $0x108;
	_ =	swait.ge @!p0 [sflag:s8], $0x0  }
0x24: {  	s3 =	sadd.s32 $0x88, s3;
	s6 =	simm.s32 @!p1 $0x1082;
	[sflag:s4] =	ssyncset.s32 $0xFFFFF086  }
0x25: {  	[simem:s6], [sflag:s4] =	dma.local [hbm:s3], $0xF7A  }
0x26: {  	[smem:$0x3F93] =	sst s1;
	(tag) =	ssettag s2;
	_ =	strace s9  }
0x27: {  	s1 =	sld [smem:$0x3FA3]  }
0x28: {  	s2 =	sld [smem:$0x3FA4]  }
0x29: {  	s4 =	sld [smem:$0x3FA6]  }
0x2a: {  	p0 =	seq.s32 s5, $0x0;
	s5 =	sld [smem:$0x3FA7]  }
0x2b: {  	s6 =	sld [smem:$0x3FA8]  }
0x2c: {  	s7 =	sld [smem:$0x3FA9]  }
0x2d: {  	s3 =	simm.s32 $0x108;
	s8 =	sld [smem:$0x3FAA]  }
0x2e: {  	s3 =	simm.s32 @!p0 $0x1082;
	s9 =	sld [smem:$0x3FAB]  }
0x2f: {  	lr =	sadd.s32 s0, s3;
	s0 =	sld [smem:$0x3FA2]  }
0x30: {  	s3 =	sld [smem:$0x3FA5]  }
0x31: {  	[smem:$0x3FAE] =	sst s10  }
0x32: {  	s10 =	sld [smem:$0x3FAC];
	_ =	sdelay $0x3  }
0x33: {  	p0 =	seq.s32 s10, $0x1;
	s10 =	sld [smem:$0x3FAE];
	_ =	sdelay $0x3  }
0x34: {  	[smem:$0x3FAE] =	sst s10  }
0x35: {  	s10 =	sld [smem:$0x3FAD];
	_ =	sdelay $0x3  }
0x36: {  	p1 =	seq.s32 s10, $0x1;
	s10 =	sld [smem:$0x3FAE];
	_ =	sdelay $0x3  }
0x37: {  	[smem:$0x3FAE] =	sst s10  }
0x38: {  	s10 =	sld [smem:$0x3FAF]  }
0x39: {  	_ = 	snop;
	(pc) =	sbr.ind lr, $3  }
0x3a: {  	_ = 	snop  }
0x3b: {  	_ = 	snop  }
0x3c: {  	p2 =	seq.s32 s10, $0x1;
	s10 =	sld [smem:$0x3FAE]  }
0x3d: {  	_ =	shalt  }
0x3e: {  	_ =	shalt  }
0x3f: {  	_ =	shalt  }
0x40: {  	_ =	shalt  }
0x41: {  	_ =	shalt  }
0x42: {  	_ =	shalt  }
0x43: {  	_ =	shalt  }
0x44: {  	_ =	shalt  }
0x45: {  	_ =	shalt  }
0x46: {  	_ =	shalt  }
0x47: {  	_ =	shalt  }
0x48: {  	_ =	shalt  }
0x49: {  	_ =	shalt  }
0x4a: {  	_ =	shalt  }
0x4b: {  	_ =	shalt  }
0x4c: {  	_ =	shalt  }
0x4d: {  	_ =	shalt  }
0x4e: {  	_ =	shalt  }
0x4f: {  	_ =	shalt  }
0x50: {  	_ =	shalt  }
0x51: {  	_ =	shalt  }
0x52: {  	_ =	shalt  }
0x53: {  	_ =	shalt  }
0x54: {  	_ =	shalt  }
0x55: {  	_ =	shalt  }
0x56: {  	_ =	shalt  }
0x57: {  	_ =	shalt  }
0x58: {  	_ =	shalt  }
0x59: {  	_ =	shalt  }
0x5a: {  	_ =	shalt  }
0x5b: {  	_ =	shalt  }
0x5c: {  	_ =	shalt  }
0x5d: {  	_ =	shalt  }
0x5e: {  	_ =	shalt  }
0x5f: {  	_ =	shalt  }
0x60: {  	_ =	shalt  }
0x61: {  	_ =	shalt  }
0x62: {  	_ =	shalt  }
0x63: {  	_ =	shalt  }
0x64: {  	_ =	shalt  }
0x65: {  	_ =	shalt  }
0x66: {  	_ =	shalt  }
0x67: {  	_ =	shalt  }
0x68: {  	_ =	shalt  }
0x69: {  	_ =	shalt  }
0x6a: {  	_ =	shalt  }
0x6b: {  	_ =	shalt  }
0x6c: {  	_ =	shalt  }
0x6d: {  	_ =	shalt  }
0x6e: {  	_ =	shalt  }
0x6f: {  	_ =	shalt  }
0x70: {  	_ =	shalt  }
0x71: {  	_ =	shalt  }
0x72: {  	_ =	shalt  }
0x73: {  	_ =	shalt  }
0x74: {  	_ =	shalt  }
0x75: {  	_ =	shalt  }
0x76: {  	_ =	shalt  }
0x77: {  	_ =	shalt  }
0x78: {  	_ =	shalt  }
0x79: {  	_ =	shalt  }
0x7a: {  	_ =	shalt  }
0x7b: {  	_ =	shalt  }
0x7c: {  	_ =	shalt  }
0x7d: {  	_ =	shalt  }
0x7e: {  	_ =	shalt  }
0x7f: {  	_ =	shalt  }
0x80: {  	_ =	shalt  }
0x81: {  	_ =	shalt  }
0x82: {  	_ =	shalt  }
0x83: {  	_ =	shalt  }
0x84: {  	_ =	shalt  }
0x85: {  	_ =	shalt  }
0x86: {  	_ =	shalt  }
0x87: {  	_ =	shalt  }
.Lfunc_end0:
.L_simem_size_0:
called_computation_lowered:
.L_overlay_start_0:
0x88: {  	s2 =	sld [smem:$0x3FD9]  }
0x89: {  	s3 =	sld [smem:$0x3FFE];
	_ =	sdelay $0x1  }
0x8a: {  	s1 =	srdreg.scid  }
0x8b: {  	s0 =	sand.u32 $0x1, s1  }
0x8c: {  	s17 =	sshll.u32 s0, $0xA;
	s2 =	sadd.s32 s3, s2  }
0x8d: {  	s2 =	sadd.s32 s2, s17  }
0x8e: {  	[smem:$0x3FBA] =	sst s2  }
0x8f: {  	_ = 	snop  }
0x90: {  	(tm) =	ssettm $0x1  }
0x91: {  	s18 =	sld [smem:$0x3FFB];
	_ =	sdelay $0x3  }
0x92: {  	_ =	strace s18  }
0x93: {  	s2 =	sld [smem:$0x3FFC];
	_ =	sdelay $0x3  }
0x94: {  	_ =	strace s2  }
0x95: {  	s2 =	sld [smem:$0x3FFD];
	_ =	sdelay $0x3  }
0x96: {  	_ =	strace s2  }
0x97: {  	_ =	strace $0x8FFFFFFF  }
0x98: {  	s19 =	sld [smem:$0x3FDB];
	_ =	sdelay $0x1  }
0x99: {  	s20 =	simm.s32 $_scs_section_size  }
0x9a: {  	s4 =	simm.s32 $_size__tile_overlayer_lowered;
	s5 =	simm.s32 $_tile_overlayer_lowered  }
0x9b: {  	s6 =	simm.s32 $0x1BFF;
	s21 =	sshll.u32 s5, $0x1;
	s3 =	sadd.s32 s20, s19  }
0x9c: {  	s22 =	simm.s32 $0x0;
	s4 =	sshll.u32 s4, $0x1;
	s5 =	sadd.s32 s21, s3  }
0x9d: {  	[timem:s22], [sflag:s6] =	dma.local [hbm:s5], s4  }
0x9e: {  	_ =	swait.ge [sflag:s6], s4  }
0x9f: {  	s4 =	ssub.s32 $0x0, s4;
	[sflag:s6] =	ssyncset.done $0x0  }
0xa0: {  	[sflag:s6] =	ssyncadd.s32 s4;
	_ =	sdelay $0x1  }
0xa1: {  	s23 =	simm.s32 $0x1B8B  }
0xa2: {  	_ =	swait.ge [sflag:s23], $0x1  }
0xa3: {  	[sflag:s23] =	ssyncset.done $0x0  }
0xa4: {  	[sflag:s23] =	ssyncadd.s32 $0xFFFFFFFF  }
0xa5: {  	s4 =	sld [smem:$0x0]  }
0xa6: {  	s5 =	sand.u32 $0xFFFFFFFE, s1  }
0xa7: {  	p0 =	sne.s32 s1, s5  }
0xa8: {  	s5 =	sshll.u32 @p0 s5, $0xE  }
0xa9: {  	s5 =	sadd.s32 @p0 $0x11B8D, s5;
	s6 =	sshll.u32 @p0 s4, $0x11  }
0xaa: {  	s5 =	sor.u32 @p0 s6, s5  }
0xab: {  	[sflag:s5] =	ssyncadd.remote.s32 @p0 $0x1;
	_ =	sdelay $0x1  }
0xac: {  	s5 =	simm.s32 @p0 $0x1B8D  }
0xad: {  	_ =	swait.eq @p0 [sflag:s5], $0x1  }
0xae: {  	[sflag:s5] =	ssyncadd.s32 @p0 $0xFFFFFFFF  }
0xaf: {  	s6 =	sshll.u32 @!p0 s1, $0xE  }
0xb0: {  	s6 =	sor.u32 @!p0 $0x4000, s6;
	s5 =	simm.s32 @!p0 $0x1B8D  }
0xb1: {  	s4 =	sshll.u32 @!p0 s4, $0x11;
	s6 =	sadd.s32 @!p0 $0x11B8D, s6;
	_ =	swait.eq @!p0 [sflag:s5], $0x1  }
0xb2: {  	s4 =	sor.u32 @!p0 s4, s6;
	[sflag:s5] =	ssyncadd.s32 @!p0 $0xFFFFFFFF  }
0xb3: {  	s25 =	simm.s32 $0x1B8E;
	s24 =	sld [smem:$0x3FFE];
	[sflag:s4] =	ssyncadd.remote.s32 @!p0 $0x1  }
0xb4: {  	s26 =	simm.s32 $execute0_lowered;
	[smem:$0x3FD2] =	sst s25  }
0xb5: {  	s5 =	sshll.u32 s26, $0x1;
	_ =	strace $0x80000049;
	[dreg:$0x1] =	wrdreg $0xFFFFFFFF  }
0xb6: {  	s28 =	simm.s32 $_size_execute0_lowered;
	s3 =	sadd.s32 s3, s5;
	[dreg:$0x0] =	wrdreg $0x0  }
0xb7: {  	s5 =	sshll.u32 s28, $0x1;
	[dreg:$0x2] =	wrdreg s3  }
0xb8: {  	[dreg:$0x3] =	wrdreg s5  }
0xb9: {  	[dreg:$0x4] =	wrdreg $0xC0  }
0xba: {  	_ =	task [dreg:s22], $0x5FFFF  }
0xbb: {  	[dreg:$0x1] =	wrdreg $0xFFFFFFFF  }
0xbc: {  	[dreg:$0x0] =	wrdreg $0x60  }
0xbd: {  	[dreg:$0x2] =	wrdreg s24  }
0xbe: {  	[dreg:$0x3] =	wrdreg $0x28800  }
0xbf: {  	[dreg:$0x4] =	wrdreg $0x9  }
0xc0: {  	_ =	task.clear_ibuf [dreg:s22], $0x5FFFF;
	_ =	strace $0x90000049  }
0xc1: {  	s29 =	simm.s32 $0x9;
	_ =	strace $0x8000004B  }
0xc2: {  	_ =	swait.ge [sflag:s29], $0x1  }
0xc3: {  	[sflag:s29] =	ssyncadd.s32 $0xFFFFFFFF  }
0xc4: {  	_ =	strace $0x9000004B  }
0xc5: {  	_ =	sfence  }
0xc6: {  	s30 =	sld [smem:$0x0];
	_ =	sdelay $0x2  }
0xc7: {  	s31 =	sshll.u32 s1, $0xD;
	s1 =	sshrl.u32 s1, $0x2  }
0xc8: {  	s4 =	sand.u32 $0x4000, s31;
	s1 =	sadd.s32 s1, s30  }
0xc9: {  	s0 =	sor.u32 s4, s0;
	s1 =	sshll.u32 s1, $0x11  }
0xca: {  	s0 =	sor.u32 s1, s0  }
0xcb: {  	s0 =	sadd.s32 $0x8F2B, s0  }
0xcc: {  	[sflag:s0] =	ssyncadd.remote.s32 $0x1  }
0xcd: {  	_ =	sfence.sel $0xFFFF  }
0xce: {  	[dreg:$0x0] =	wrdreg $0xFFFFFFFF;
	(pc) =	sbr.abs _section_cstart, $3  }
0xcf: {  	[dreg:$0x1] =	wrdreg $0xFFFFFFFF  }
0xd0: {  	_ =	task.clear_ibuf [dreg:s22], $0x2FFFF;
	_ =	strace $0x9FFFFFFF  }
0xd1: {  	(tm) =	ssettm $0x7FFFFFFF  }
tec
execute0_lowered:
.L_overlay_start_1:
0x0: {  	(tag) =	ssettag $0x1  }
0x1: {  	s6 =	rddreg [dreg:$0x0]  }
0x2: {  	s0 =	srdreg.scid;
	s2 =	rddreg [dreg:$0x1]  }
0x3: {  	s1 =	rddreg [dreg:$0x2];
	s5 =	sand.u32 $0x1, s0  }
0x4: {  	s3 =	simm.s32 $0x0;
	s0 =	stileid.u32;
	s7 =	smul.u32 $0x27100, s5  }
0x5: {  	s17 =	simm.s32 $0x0;
	[smem:$0x7FF] =	sst s3;
	s4 =	smul.u32 $0x2710, s0  }
0x6: {  	s12 =	sadd.s32 $0x67200, s6;
	s16 =	sadd.s32 $0x138000, s2;
	s8 =	smul.u32 $0x2700, s0  }
0x7: {  	_ =	strace $0x8000004A;
	s9 =	smul.u32 $0x4E000, s0;
	s13 =	ssub.s32 $0x2, s5  }
0x8: {  	s15 =	smul.u32 $0x138800, s5;
	p0 =	sne.s32 s0, $0xF;
	s31 =	sshll.u32 s0, $0x6  }
0x9: {  	s14 =	sshrl.u32 s13, $0x1;
	s4 =	sadd.s32 s4, s7;
	s11 =	sadd.s32 s8, s6  }
0xa: {  	s9 =	sshrl.u32 s9, $0x2;
	s13 =	ssub.s32 s13, s14;
	s7 =	sadd.s32 s8, s7  }
0xb: {  	s30 =	sshrl.u32 s15, $0x3;
	s15 =	sshrl.u32 @!p0 s16, $0x3;
	s16 =	simm.s32 $0x50  }
0xc: {  	s4 =	sshrl.u32 s4, $0x3;
	s29 =	sadd.s32 s9, s2;
	s5 =	sadd.s32 $0x3FA00, s11  }
0xd: {  	s7 =	sadd.s32 s12, s7;
	s8 =	sadd.s32 s12, s30;
	s9 =	smax.u32 s13, $0x1  }
0xe: {  	s11 =	simm.s32 $0x80;
	s12 =	simm.s32 $0x1;
	s13 =	sor.u32 $0x1C01, s31  }
0xf: {  	s10 =	sadd.s32 s4, s6;
	s4 =	sadd.s32 $0x66C00, s6;
	s6 =	sadd.s32 $0x66A00, s6  }
0x10: {  	s8 =	sadd.s32 $0x27000, s8;
	s14 =	sshrl.u32 s29, $0x3;
	s10 =	sadd.s32 $0x4C00, s10  }
.LBB2_1:
0x11: {  	[tilespmem:s11], [sflag:$0x1] =	stream.linear.gather [hbm4b:s4+s3], $0x2800, $0x38;
	[tilespmem:$0x16180] =	vst v63  }
0x12: {  	_ =	swait.ge [sflag:s12], $0x2800  }
0x13: {  	[sflag:s12] =	ssyncset.done $0x0  }
0x14: {  	[sflag:s12] =	ssyncadd.s32 $0xFFFFD800  }
0x15: {  	[spmem:s14], [sflag:s13] =	dma.local [hbm:s5], $0x2700  }
0x16: {  	_ =	swait.ge [sflag:s12], $0x2700  }
0x17: {  	[sflag:s12] =	ssyncset.done $0x0  }
0x18: {  	s18 =	simm.s32 @!p0 $0x1;
	[sflag:s12] =	ssyncadd.s32 $0xFFFFD900  }
0x19: {  	[spmem:s15], [sflag:s13] =	dma.local @!p0 [hbm:s6], $0x100  }
0x1a: {  	_ =	swait.ge @!p0 [sflag:s18], $0x100  }
0x1b: {  	[sflag:s18] =	ssyncset.done @!p0 $0x0  }
0x1c: {  	[sflag:s18] =	ssyncadd.s32 @!p0 $0xFFFFFF00  }
0x1d: {  	s31 =	sadd.s32 $0x0, s10;
	[bflag:$0x0] =	sbarrier.arrive $0xFFFF  }
0x1e: {  	[tilespmem:s3], [sflag:$0x1] =	stream.linear.gather [hbm4b:s31+s3], $0x50, $0x38;
	[tilespmem:$0x16180] =	vst v63  }
0x1f: {  	_ =	swait.ge [sflag:s12], $0x50  }
0x20: {  	[sflag:s12] =	ssyncset.done $0x0  }
0x21: {  	[sflag:s12] =	ssyncadd.s32 $0xFFFFFFB0  }
0x22: {  	[spmem:s2] =	stream.indirect.scatter.add.f32 [tilespmem:s11], [sflag:$0x1], $0x80, s3, s16, $0xb8;
	[tilespmem:$0x16180] =	vst v63  }
0x23: {  	_ =	swait.ge [sflag:s12], $0x2800  }
0x24: {  	s19 =	simm.s32 $0x14;
	s18 =	simm.s32 $0xA;
	[sflag:s12] =	ssyncset.done $0x0  }
.LBB2_2:
0x25: {  	s20 =	sadd.s32 s18, s10  }
0x26: {  	[sflag:s12] =	ssyncadd.s32 $0xFFFFD800;
	s18 =	smov.u32 s19;
	s21 =	sadd.s32 $0xA, s19  }
0x27: {  	[tilespmem:s3], [sflag:$0x1] =	stream.linear.gather [hbm4b:s20+s3], $0x50, $0x38;
	[tilespmem:$0x16180] =	vst v63  }
0x28: {  	p1 =	sne.s32 s19, $0x4D8;
	_ =	swait.ge [sflag:s12], $0x50  }
.Ltmp0:
0x29: {  	[sflag:s12] =	ssyncset.done $0x0;
	(pc) =	sbr.rel @p1 .LBB2_2-.Ltmp0, $4  }
0x2a: {  	[sflag:s12] =	ssyncadd.s32 $0xFFFFFFB0  }
0x2b: {  	[spmem:s2] =	stream.indirect.scatter.add.f32 [tilespmem:s11], [sflag:$0x1], $0x80, s3, s16, $0xb8;
	[tilespmem:$0x16180] =	vst v63  }
0x2c: {  	_ =	swait.ge [sflag:s12], $0x2800  }
0x2d: {  	s19 =	smov.u32 s21;
	[sflag:s12] =	ssyncset.done $0x0  }
0x2e: {  	s18 =	sadd.s32 s18, s10;
	[sflag:s12] =	ssyncadd.s32 $0xFFFFD800  }
0x2f: {  	[tilespmem:s3], [sflag:$0x1] =	stream.linear.gather [hbm4b:s18+s3], $0x50, $0x38;
	[tilespmem:$0x16180] =	vst v63  }
0x30: {  	_ =	swait.ge [sflag:s12], $0x50  }
0x31: {  	[sflag:s12] =	ssyncset.done $0x0  }
0x32: {  	[sflag:s12] =	ssyncadd.s32 $0xFFFFFFB0  }
0x33: {  	[spmem:s2] =	stream.indirect.scatter.add.f32 [tilespmem:s11], [sflag:$0x1], $0x80, s3, s16, $0xb8;
	[tilespmem:$0x16180] =	vst v63  }
0x34: {  	_ =	swait.ge [sflag:s12], $0x2800  }
0x35: {  	[sflag:s12] =	ssyncset.done $0x0  }
0x36: {  	[sflag:s12] =	ssyncadd.s32 $0xFFFFD800  }
0x37: {  	[bflag:$0x0] =	sbarrier.arrive $0xFFFF  }
0x38: {  	[hbm:s7], [sflag:s13] =	dma.local [spmem:s14], $0x2700  }
0x39: {  	s17 =	sadd.s32 $0x1, s17;
	_ =	swait.ge [sflag:s12], $0x2700  }
0x3a: {  	p1 =	sne.s32 s17, s9;
	[sflag:s12] =	ssyncset.done $0x0  }
.Ltmp1:
0x3b: {  	s18 =	simm.s32 @!p0 $0x1;
	[sflag:s12] =	ssyncadd.s32 $0xFFFFD900;
	(pc) =	sbr.rel @p1 .LBB2_1-.Ltmp1, $4  }
0x3c: {  	[hbm:s8], [sflag:s13] =	dma.local @!p0 [spmem:s15], $0x100  }
0x3d: {  	_ =	swait.ge @!p0 [sflag:s18], $0x100  }
0x3e: {  	[sflag:s18] =	ssyncset.done @!p0 $0x0  }
0x3f: {  	[sflag:s18] =	ssyncadd.s32 @!p0 $0xFFFFFF00  }
0x40: {  	_ =	sfence.sel $0x180000  }
0x41: {  	[bflag:$0x0] =	sbarrier.arrive $0xFFFF  }
0x42: {  	p0 =	sne.s32 s0, $0x0;
	_ =	strace $0x9000004A  }
0x43: {  	s0 =	sadd.s32 @!p0 $0x100000, s1;
	[bflag:$0x2] =	sbarrier.arrive $0xFFFF  }
0x44: {  	[sflag:s0] =	ssyncadd.tile.s32 @!p0 $0x1;
	_ =	shalt  }
.Lfunc_end2:
_tile_overlayer_lowered:
.L_overlay_start_2:
0x45: {  	(tag) =	ssettag $0x2  }
0x46: {  	s0 =	rddreg [dreg:$0x0];
	s2 =	stileid.u32  }
0x47: {  	s1 =	rddreg [dreg:$0x1];
	p0 =	sne.s32 s2, $0x0  }
0x48: {  	s3 =	rddreg [dreg:$0x2];
	[bflag:$0x3] =	sbarrier.arrive $0xFFFF;
	s2 =	simm.s32 @!p0 $0x1C01  }
0x49: {  	[timem:s3], [sflag:s2] =	dma.local @!p0 [hbm:s0], s1  }
0x4a: {  	s0 =	simm.s32 @!p0 $0x1  }
0x4b: {  	_ =	swait.ge @!p0 [sflag:s0], s1  }
0x4c: {  	s1 =	ssub.s32 @!p0 $0x0, s1;
	[sflag:s0] =	ssyncset.done @!p0 $0x0  }
0x4d: {  	[sflag:s0] =	ssyncadd.s32 @!p0 s1  }
0x4e: {  	[bflag:$0x3] =	sbarrier.arrive $0xFFFF  }
0x4f: {  	_ =	shalt  }

// kernel: kernel.17.cloned.1.call-start
scs
__scs_entry_jumppad:
0x0: {  	(pc) =	sbr.rel $0x88, $3  }
0x1: {  	(tag) =	ssettag $0x0;
	lr =	simm.s32 $0x1  }
0x2: {  	[smem:$0x3F93] =	sst lr;
	_ =	strace $0xD0000000  }
0x3: {  	_ = 	snop  }
0x4: {  	_ = 	snop  }
0x5: {  	_ = 	snop  }
0x6: {  	_ = 	snop  }
0x7: {  	_ = 	snop  }
__scs_overlays_trampoline_lowered:
0x8: {  	[smem:$0x3FA2] =	sst s0  }
0x9: {  	[smem:$0x3FA3] =	sst s1  }
0xa: {  	[smem:$0x3FA4] =	sst s2  }
0xb: {  	[smem:$0x3FA5] =	sst s3  }
0xc: {  	[smem:$0x3FA6] =	sst s4  }
0xd: {  	[smem:$0x3FA7] =	sst s5  }
0xe: {  	[smem:$0x3FA8] =	sst s6  }
0xf: {  	[smem:$0x3FA9] =	sst s7  }
0x10: {  	[smem:$0x3FAA] =	sst s8  }
0x11: {  	[smem:$0x3FAB] =	sst s9;
	s0 =	simm.s32 @!p0 $0x0  }
0x12: {  	s1 =	sld [smem:$0x3F91];
	s0 =	simm.s32 @p0 $0x1  }
0x13: {  	[smem:$0x3FAC] =	sst s0;
	s0 =	simm.s32 @!p1 $0x0  }
0x14: {  	s2 =	sld [smem:$0x3F90];
	s0 =	simm.s32 @p1 $0x1  }
0x15: {  	[smem:$0x3FAD] =	sst s0;
	s0 =	simm.s32 @!p2 $0x0  }
0x16: {  	s3 =	sld [smem:$0x3FDB];
	s0 =	simm.s32 @p2 $0x1  }
0x17: {  	s4 =	simm.s32 $0x1BF5;
	[smem:$0x3FAF] =	sst s0  }
0x18: {  	s0 =	sld [smem:$0x3F92];
	_ =	swait.ge [sflag:s4], $0x0  }
0x19: {  	s7 =	sld [smem:$0x3F93]  }
0x1a: {  	s8 =	sadd.s32 $0xFFFFE003, lr  }
0x1b: {  	s9 =	sadd.s32 $0xFFFFFEF7, lr;
	s5 =	simm.s32 $0xFFFFFFFF;
	p2 =	slt.u32 s8, $0xFFFFF086  }
0x1c: {  	p1 =	slt.u32 s9, $0xF7A;
	s5 =	simm.s32 @!p2 $0x0  }
0x1d: {  	s5 =	simm.s32 @p1 $0x1;
	p0 =	seq.s32 s7, s2  }
0x1e: {  	s7 =	smul.u32 @!p0 $0xF7A, s2;
	p2 =	seq.s32 @!p0 s5, $0x0  }
0x1f: {  	s9 =	smul.u32 $0xF7A, s1;
	s8 =	simm.s32 @!p0 $0x1BF5;
	p2 =	por !p2, p0  }
0x20: {  	[sflag:s8] =	ssyncset.s32 @!p0 $0xFFFFF086;
	s6 =	sadd.s32 @!p0 s3, s7;
	s7 =	simm.s32 @!p0 $0x108  }
0x21: {  	s3 =	sadd.s32 s3, s9;
	s6 =	sadd.s32 @!p0 $0x88, s6;
	s7 =	simm.s32 @p2 $0x1082  }
0x22: {  	[simem:s7], [sflag:s8] =	dma.local @!p0 [hbm:s6], $0xF7A  }
0x23: {  	s9 =	sor.u32 $0xD0000000, s2;
	s6 =	simm.s32 $0x108;
	_ =	swait.ge @!p0 [sflag:s8], $0x0  }
0x24: {  	s3 =	sadd.s32 $0x88, s3;
	s6 =	simm.s32 @!p1 $0x1082;
	[sflag:s4] =	ssyncset.s32 $0xFFFFF086  }
0x25: {  	[simem:s6], [sflag:s4] =	dma.local [hbm:s3], $0xF7A  }
0x26: {  	[smem:$0x3F93] =	sst s1;
	(tag) =	ssettag s2;
	_ =	strace s9  }
0x27: {  	s1 =	sld [smem:$0x3FA3]  }
0x28: {  	s2 =	sld [smem:$0x3FA4]  }
0x29: {  	s4 =	sld [smem:$0x3FA6]  }
0x2a: {  	p0 =	seq.s32 s5, $0x0;
	s5 =	sld [smem:$0x3FA7]  }
0x2b: {  	s6 =	sld [smem:$0x3FA8]  }
0x2c: {  	s7 =	sld [smem:$0x3FA9]  }
0x2d: {  	s3 =	simm.s32 $0x108;
	s8 =	sld [smem:$0x3FAA]  }
0x2e: {  	s3 =	simm.s32 @!p0 $0x1082;
	s9 =	sld [smem:$0x3FAB]  }
0x2f: {  	lr =	sadd.s32 s0, s3;
	s0 =	sld [smem:$0x3FA2]  }
0x30: {  	s3 =	sld [smem:$0x3FA5]  }
0x31: {  	[smem:$0x3FAE] =	sst s10  }
0x32: {  	s10 =	sld [smem:$0x3FAC];
	_ =	sdelay $0x3  }
0x33: {  	p0 =	seq.s32 s10, $0x1;
	s10 =	sld [smem:$0x3FAE];
	_ =	sdelay $0x3  }
0x34: {  	[smem:$0x3FAE] =	sst s10  }
0x35: {  	s10 =	sld [smem:$0x3FAD];
	_ =	sdelay $0x3  }
0x36: {  	p1 =	seq.s32 s10, $0x1;
	s10 =	sld [smem:$0x3FAE];
	_ =	sdelay $0x3  }
0x37: {  	[smem:$0x3FAE] =	sst s10  }
0x38: {  	s10 =	sld [smem:$0x3FAF]  }
0x39: {  	_ = 	snop;
	(pc) =	sbr.ind lr, $3  }
0x3a: {  	_ = 	snop  }
0x3b: {  	_ = 	snop  }
0x3c: {  	p2 =	seq.s32 s10, $0x1;
	s10 =	sld [smem:$0x3FAE]  }
0x3d: {  	_ =	shalt  }
0x3e: {  	_ =	shalt  }
0x3f: {  	_ =	shalt  }
0x40: {  	_ =	shalt  }
0x41: {  	_ =	shalt  }
0x42: {  	_ =	shalt  }
0x43: {  	_ =	shalt  }
0x44: {  	_ =	shalt  }
0x45: {  	_ =	shalt  }
0x46: {  	_ =	shalt  }
0x47: {  	_ =	shalt  }
0x48: {  	_ =	shalt  }
0x49: {  	_ =	shalt  }
0x4a: {  	_ =	shalt  }
0x4b: {  	_ =	shalt  }
0x4c: {  	_ =	shalt  }
0x4d: {  	_ =	shalt  }
0x4e: {  	_ =	shalt  }
0x4f: {  	_ =	shalt  }
0x50: {  	_ =	shalt  }
0x51: {  	_ =	shalt  }
0x52: {  	_ =	shalt  }
0x53: {  	_ =	shalt  }
0x54: {  	_ =	shalt  }
0x55: {  	_ =	shalt  }
0x56: {  	_ =	shalt  }
0x57: {  	_ =	shalt  }
0x58: {  	_ =	shalt  }
0x59: {  	_ =	shalt  }
0x5a: {  	_ =	shalt  }
0x5b: {  	_ =	shalt  }
0x5c: {  	_ =	shalt  }
0x5d: {  	_ =	shalt  }
0x5e: {  	_ =	shalt  }
0x5f: {  	_ =	shalt  }
0x60: {  	_ =	shalt  }
0x61: {  	_ =	shalt  }
0x62: {  	_ =	shalt  }
0x63: {  	_ =	shalt  }
0x64: {  	_ =	shalt  }
0x65: {  	_ =	shalt  }
0x66: {  	_ =	shalt  }
0x67: {  	_ =	shalt  }
0x68: {  	_ =	shalt  }
0x69: {  	_ =	shalt  }
0x6a: {  	_ =	shalt  }
0x6b: {  	_ =	shalt  }
0x6c: {  	_ =	shalt  }
0x6d: {  	_ =	shalt  }
0x6e: {  	_ =	shalt  }
0x6f: {  	_ =	shalt  }
0x70: {  	_ =	shalt  }
0x71: {  	_ =	shalt  }
0x72: {  	_ =	shalt  }
0x73: {  	_ =	shalt  }
0x74: {  	_ =	shalt  }
0x75: {  	_ =	shalt  }
0x76: {  	_ =	shalt  }
0x77: {  	_ =	shalt  }
0x78: {  	_ =	shalt  }
0x79: {  	_ =	shalt  }
0x7a: {  	_ =	shalt  }
0x7b: {  	_ =	shalt  }
0x7c: {  	_ =	shalt  }
0x7d: {  	_ =	shalt  }
0x7e: {  	_ =	shalt  }
0x7f: {  	_ =	shalt  }
0x80: {  	_ =	shalt  }
0x81: {  	_ =	shalt  }
0x82: {  	_ =	shalt  }
0x83: {  	_ =	shalt  }
0x84: {  	_ =	shalt  }
0x85: {  	_ =	shalt  }
0x86: {  	_ =	shalt  }
0x87: {  	_ =	shalt  }
.Lfunc_end0:
.L_simem_size_0:
called_computation.1_lowered:
.L_overlay_start_0:
0x88: {  	s2 =	sld [smem:$0x3FD9]  }
0x89: {  	s3 =	sld [smem:$0x3FFE];
	_ =	sdelay $0x1  }
0x8a: {  	s1 =	srdreg.scid  }
0x8b: {  	s0 =	sand.u32 $0x1, s1  }
0x8c: {  	s17 =	sshll.u32 s0, $0xA;
	s2 =	sadd.s32 s3, s2  }
0x8d: {  	s2 =	sadd.s32 s2, s17  }
0x8e: {  	[smem:$0x3FBA] =	sst s2  }
0x8f: {  	_ = 	snop  }
0x90: {  	s2 =	sld [smem:$0x3FD0];
	(tm) =	ssettm $0x1  }
0x91: {  	s18 =	sld [smem:$0x3FFB];
	_ =	sdelay $0x3  }
0x92: {  	_ =	strace s18  }
0x93: {  	s3 =	sld [smem:$0x3FFC];
	_ =	sdelay $0x3  }
0x94: {  	_ =	strace s3  }
0x95: {  	s3 =	sld [smem:$0x3FFD];
	_ =	sdelay $0x3  }
0x96: {  	_ =	strace s3  }
0x97: {  	_ =	strace $0x8FFFFFFF  }
0x98: {  	s19 =	sld [smem:$0x3FDB];
	_ =	sdelay $0x1  }
0x99: {  	s4 =	simm.s32 $_scs_section_size  }
0x9a: {  	s5 =	simm.s32 $_size__tile_overlayer_lowered;
	s6 =	simm.s32 $_tile_overlayer_lowered  }
0x9b: {  	s22 =	simm.s32 $0x1BFF;
	s21 =	sshll.u32 s6, $0x1;
	s3 =	sadd.s32 s4, s19  }
0x9c: {  	s7 =	simm.s32 $0x0;
	s20 =	sshll.u32 s5, $0x1;
	s5 =	sadd.s32 s21, s3  }
0x9d: {  	[timem:s7], [sflag:s22] =	dma.local [hbm:s5], s20  }
0x9e: {  	_ =	swait.ge [sflag:s22], s20  }
0x9f: {  	s4 =	ssub.s32 $0x0, s20;
	[sflag:s22] =	ssyncset.done $0x0  }
0xa0: {  	[sflag:s22] =	ssyncadd.s32 s4;
	_ =	sdelay $0x1  }
0xa1: {  	s23 =	simm.s32 $0x1B8B  }
0xa2: {  	_ =	swait.ge [sflag:s23], $0x1  }
0xa3: {  	[sflag:s23] =	ssyncset.done $0x0  }
0xa4: {  	s25 =	simm.s32 $0x1B8E;
	s24 =	sld [smem:$0x3FFE];
	[sflag:s23] =	ssyncadd.s32 $0xFFFFFFFF  }
0xa5: {  	s26 =	simm.s32 $execute0_lowered;
	[smem:$0x3FD2] =	sst s25  }
0xa6: {  	s5 =	sshll.u32 s26, $0x1;
	_ =	strace $0x80000046;
	[dreg:$0x1] =	wrdreg $0xFFFFFFFF  }
0xa7: {  	s28 =	simm.s32 $_size_execute0_lowered;
	s3 =	sadd.s32 s3, s5;
	[dreg:$0x0] =	wrdreg $0x0  }
0xa8: {  	s5 =	sshll.u32 s28, $0x1;
	[dreg:$0x2] =	wrdreg s3  }
0xa9: {  	[dreg:$0x3] =	wrdreg s5  }
0xaa: {  	[dreg:$0x4] =	wrdreg $0xC0  }
0xab: {  	_ =	task [dreg:s7], $0x5FFFF  }
0xac: {  	[dreg:$0x1] =	wrdreg $0xFFFFFFFF  }
0xad: {  	[dreg:$0x0] =	wrdreg $0x60  }
0xae: {  	[dreg:$0x2] =	wrdreg s24  }
0xaf: {  	[dreg:$0x3] =	wrdreg s2  }
0xb0: {  	[dreg:$0x4] =	wrdreg $0x52000  }
0xb1: {  	[dreg:$0x5] =	wrdreg $0xA  }
0xb2: {  	_ =	task.clear_ibuf [dreg:s7], $0x6FFFF;
	_ =	strace $0x90000046  }
0xb3: {  	s29 =	simm.s32 $0xA;
	_ =	strace $0x80000048  }
0xb4: {  	_ =	swait.ge [sflag:s29], $0x1  }
0xb5: {  	[sflag:s29] =	ssyncadd.s32 $0xFFFFFFFF  }
0xb6: {  	_ =	strace $0x90000048  }
0xb7: {  	_ =	sfence  }
0xb8: {  	s30 =	sld [smem:$0x0];
	_ =	sdelay $0x2  }
0xb9: {  	s31 =	sshll.u32 s1, $0xD;
	s1 =	sshrl.u32 s1, $0x2  }
0xba: {  	s3 =	sand.u32 $0x4000, s31;
	s1 =	sadd.s32 s1, s30  }
0xbb: {  	s0 =	sor.u32 s3, s0;
	s1 =	sshll.u32 s1, $0x11  }
0xbc: {  	s0 =	sor.u32 s1, s0  }
0xbd: {  	s0 =	sadd.s32 $0x8F2B, s0  }
0xbe: {  	[sflag:s0] =	ssyncadd.remote.s32 $0x1  }
0xbf: {  	_ =	sfence.sel $0xFFFF  }
0xc0: {  	[dreg:$0x0] =	wrdreg $0xFFFFFFFF;
	(pc) =	sbr.abs _section_cstart, $3  }
0xc1: {  	[dreg:$0x1] =	wrdreg $0xFFFFFFFF  }
0xc2: {  	_ =	task.clear_ibuf [dreg:s7], $0x2FFFF;
	_ =	strace $0x9FFFFFFF  }
0xc3: {  	(tm) =	ssettm $0x7FFFFFFF  }
tec
execute0_lowered:
.L_overlay_start_1:
0x0: {  	(tag) =	ssettag $0x1  }
0x1: {  	s0 =	rddreg [dreg:$0x0]  }
0x2: {  	s3 =	rddreg [dreg:$0x1]  }
0x3: {  	s1 =	rddreg [dreg:$0x2];
	s2 =	simm.s32 $0x0;
	s20 =	stileid.u32  }
0x4: {  	s7 =	srdreg.scid;
	s28 =	simm.s32 $0x1;
	s29 =	simm.s32 $0x2  }
0x5: {  	s30 =	simm.s32 $0x0;
	[smem:$0x7FF] =	sst s2;
	s4 =	sadd.s32 $0x18800, s0  }
0x6: {  	s5 =	sadd.s32 $0xEA00, s0;
	s6 =	sadd.s32 $0x4C00, s0;
	s9 =	smul.u32 $0x2700, s20  }
0x7: {  	s7 =	sand.u32 $0x1, s7;
	s10 =	smul.u32 $0x4E000, s20;
	s14 =	sshll.u32 s20, $0x6  }
0x8: {  	s18 =	sadd.s32 $0x138000, s1;
	p0 =	sne.s32 s20, $0xF;
	_ =	strace $0x80000047  }
0x9: {  	s8 =	ssub.s32 $0x2, s7;
	s11 =	sshll.u32 s7, $0x4;
	s16 =	smul.u32 $0x27100, s7  }
0xa: {  	s7 =	smul.u32 $0x138800, s7;
	[dreg:$0x5] =	wrdreg s18;
	s12 =	sadd.s32 s9, s0  }
0xb: {  	s13 =	sshrl.u32 s8, $0x1;
	s11 =	sor.u32 s20, s11;
	s10 =	sshrl.u32 s10, $0x2  }
0xc: {  	s0 =	sadd.s32 $0x66A00, s0;
	s15 =	ssub.s32 s8, s13;
	s13 =	smul.u32 $0x2710, s11  }
0xd: {  	s19 =	sadd.s32 s10, s1;
	s17 =	sadd.s32 $0x3FA00, s12;
	s8 =	sor.u32 $0x1C03, s14  }
0xe: {  	s14 =	smul.u32 $0x2710, s20;
	[dreg:$0x6] =	wrdreg s0;
	s23 =	sadd.s32 s9, s16  }
0xf: {  	s7 =	sshrl.u32 s7, $0x3;
	s20 =	simm.s32 $0x3;
	[dreg:$0x4] =	wrdreg s17  }
0x10: {  	s25 =	sadd.s32 s3, s7;
	s15 =	smax.u32 s15, $0x1;
	s19 =	sshrl.u32 s19, $0x3  }
0x11: {  	s21 =	sshrl.u32 s13, $0x3;
	s24 =	sadd.s32 s14, s16;
	s13 =	sadd.s32 s3, s23  }
0x12: {  	s14 =	sadd.s32 $0x27000, s25;
	s23 =	simm.s32 $0x200;
	s25 =	simm.s32 $0x180  }
0x13: {  	s22 =	sadd.s32 s5, s21;
	s12 =	sadd.s32 s6, s21;
	s26 =	sadd.s32 $0x50, s24  }
0x14: {  	s16 =	sadd.s32 $0xA0, s24;
	s21 =	simm.s32 $0x100;
	s24 =	simm.s32 $0x80  }
0x15: {  	[dreg:$0x7] =	wrdreg s22;
	s31 =	sshrl.u32 s26, $0x3;
	s22 =	simm.s32 $0x50  }
0x16: {  	s26 =	simm.s32 $0x2A00;
	s17 =	sadd.s32 s31, s6;
	s18 =	sadd.s32 s31, s5  }
.LBB2_1:
0x17: {  	s0 =	rddreg [dreg:$0x4]  }
0x18: {  	[spmem:s19], [sflag:s8] =	dma.local [hbm:s0], $0x2700  }
0x19: {  	_ =	swait.ge [sflag:s20], $0x2700  }
0x1a: {  	[sflag:s20] =	ssyncset.done $0x0;
	s0 =	rddreg [dreg:$0x5]  }
0x1b: {  	[sflag:s20] =	ssyncadd.s32 $0xFFFFD900;
	s31 =	sshrl.u32 @!p0 s0, $0x3;
	s0 =	rddreg [dreg:$0x6]  }
0x1c: {  	[spmem:s31], [sflag:s8] =	dma.local @!p0 [hbm:s0], $0x100  }
0x1d: {  	s0 =	simm.s32 @!p0 $0x3  }
0x1e: {  	_ =	swait.ge @!p0 [sflag:s0], $0x100  }
0x1f: {  	[sflag:s0] =	ssyncset.done @!p0 $0x0  }
0x20: {  	[sflag:s0] =	ssyncadd.s32 @!p0 $0xFFFFFF00  }
0x21: {  	[bflag:$0x0] =	sbarrier.arrive $0xFFFF  }
0x22: {  	s7 =	rddreg [dreg:$0x7]  }
0x23: {  	[tilespmem:s2], [sflag:$0x3] =	stream.linear.gather [hbm4b:s7+s2], $0x50, $0x38;
	[tilespmem:$0x18B00] =	vst v63  }
0x24: {  	_ =	swait.ge [sflag:s20], $0x50  }
0x25: {  	[sflag:s20] =	ssyncset.done $0x0  }
0x26: {  	[sflag:s20] =	ssyncadd.s32 $0xFFFFFFB0  }
0x27: {  	[tilespmem:s21], [sflag:$0x3] =	stream.linear.gather [hbm4b:s12+s2], $0x50, $0x38;
	[tilespmem:$0x18B00] =	vst v63  }
0x28: {  	_ =	swait.ge [sflag:s20], $0x50  }
0x29: {  	[sflag:s20] =	ssyncset.done $0x0  }
0x2a: {  	[sflag:s20] =	ssyncadd.s32 $0xFFFFFFB0  }
0x2b: {  	[tilespmem:s23], [sflag:$0x1] =	stream.indirect.gather [hbm4b:s4+s22], $0x80, s2, s22, $0xb8;
	[tilespmem:$0x18B00] =	vst v63  }
0x2c: {  	s9 =	sadd.s32 $0x0, s18  }
0x2d: {  	[tilespmem:s24], [sflag:$0x3] =	stream.linear.gather [hbm4b:s9+s2], $0x50, $0x38;
	[tilespmem:$0x18B00] =	vst v63  }
0x2e: {  	_ =	swait.ge [sflag:s20], $0x50  }
0x2f: {  	[sflag:s20] =	ssyncset.done $0x0  }
0x30: {  	s10 =	sadd.s32 $0x0, s17;
	[sflag:s20] =	ssyncadd.s32 $0xFFFFFFB0  }
0x31: {  	[tilespmem:s25], [sflag:$0x3] =	stream.linear.gather [hbm4b:s10+s2], $0x50, $0x38;
	[tilespmem:$0x18B00] =	vst v63  }
0x32: {  	_ =	swait.ge [sflag:s20], $0x50  }
0x33: {  	[sflag:s20] =	ssyncset.done $0x0  }
0x34: {  	[sflag:s20] =	ssyncadd.s32 $0xFFFFFFB0  }
0x35: {  	[tilespmem:s26], [sflag:$0x2] =	stream.indirect.gather [hbm4b:s4+s22], $0x80, s24, s22, $0xb8;
	[tilespmem:$0x18B00] =	vst v63  }
0x36: {  	_ =	swait.ge [sflag:s28], $0x2800  }
0x37: {  	[sflag:s28] =	ssyncset.done $0x0  }
0x38: {  	[sflag:s28] =	ssyncadd.s32 $0xFFFFD800  }
0x39: {  	[spmem:s1] =	stream.indirect.scatter.add.f32 [tilespmem:s23], [sflag:$0x3], $0x80, s21, s22, $0xb8;
	[tilespmem:$0x18B00] =	vst v63  }
0x3a: {  	_ =	swait.ge [sflag:s20], $0x2800  }
0x3b: {  	s11 =	sshrl.u32 s16, $0x3;
	[sflag:s20] =	ssyncset.done $0x0  }
0x3c: {  	s3 =	sadd.s32 s5, s11;
	[sflag:s20] =	ssyncadd.s32 $0xFFFFD800  }
0x3d: {  	[tilespmem:s2], [sflag:$0x3] =	stream.linear.gather [hbm4b:s3+s2], $0x50, $0x38;
	[tilespmem:$0x18B00] =	vst v63  }
0x3e: {  	_ =	swait.ge [sflag:s20], $0x50  }
0x3f: {  	[sflag:s20] =	ssyncset.done $0x0  }
0x40: {  	s0 =	sadd.s32 s6, s11;
	[sflag:s20] =	ssyncadd.s32 $0xFFFFFFB0  }
0x41: {  	[tilespmem:s21], [sflag:$0x3] =	stream.linear.gather [hbm4b:s0+s2], $0x50, $0x38;
	[tilespmem:$0x18B00] =	vst v63  }
0x42: {  	_ =	swait.ge [sflag:s20], $0x50  }
0x43: {  	[sflag:s20] =	ssyncset.done $0x0  }
0x44: {  	[sflag:s20] =	ssyncadd.s32 $0xFFFFFFB0  }
0x45: {  	[tilespmem:s23], [sflag:$0x1] =	stream.indirect.gather [hbm4b:s4+s22], $0x80, s2, s22, $0xb8;
	[tilespmem:$0x18B00] =	vst v63  }
0x46: {  	_ =	swait.ge [sflag:s29], $0x2800  }
0x47: {  	[sflag:s29] =	ssyncset.done $0x0  }
0x48: {  	[sflag:s29] =	ssyncadd.s32 $0xFFFFD800  }
0x49: {  	[spmem:s1] =	stream.indirect.scatter.add.f32 [tilespmem:s26], [sflag:$0x3], $0x80, s25, s22, $0xb8;
	[tilespmem:$0x18B00] =	vst v63  }
0x4a: {  	s7 =	simm.s32 $0x28;
	_ =	swait.ge [sflag:s20], $0x2800  }
0x4b: {  	s3 =	simm.s32 $0x14;
	s0 =	sadd.s32 $0xA0, s16;
	[sflag:s20] =	ssyncset.done $0x0  }
.LBB2_2:
0x4c: {  	s10 =	sadd.s32 s3, s18  }
0x4d: {  	[sflag:s20] =	ssyncadd.s32 $0xFFFFD800;
	s11 =	smov.u32 s7;
	s9 =	sadd.s32 $0x14, s7  }
0x4e: {  	[tilespmem:s24], [sflag:$0x3] =	stream.linear.gather [hbm4b:s10+s2], $0x50, $0x38;
	[tilespmem:$0x18B00] =	vst v63  }
0x4f: {  	p1 =	sne.s32 s7, $0x4C4;
	_ =	swait.ge [sflag:s20], $0x50  }
0x50: {  	[sflag:s20] =	ssyncset.done $0x0  }
0x51: {  	s7 =	sadd.s32 s3, s17;
	s3 =	smov.u32 s11;
	[sflag:s20] =	ssyncadd.s32 $0xFFFFFFB0  }
0x52: {  	[tilespmem:s25], [sflag:$0x3] =	stream.linear.gather [hbm4b:s7+s2], $0x50, $0x38;
	[tilespmem:$0x18B00] =	vst v63  }
0x53: {  	_ =	swait.ge [sflag:s20], $0x50  }
0x54: {  	[sflag:s20] =	ssyncset.done $0x0  }
0x55: {  	[sflag:s20] =	ssyncadd.s32 $0xFFFFFFB0  }
0x56: {  	[tilespmem:s26], [sflag:$0x2] =	stream.indirect.gather [hbm4b:s4+s22], $0x80, s24, s22, $0xb8;
	[tilespmem:$0x18B00] =	vst v63  }
0x57: {  	_ =	swait.ge [sflag:s28], $0x2800  }
0x58: {  	[sflag:s28] =	ssyncset.done $0x0  }
0x59: {  	[sflag:s28] =	ssyncadd.s32 $0xFFFFD800  }
0x5a: {  	[spmem:s1] =	stream.indirect.scatter.add.f32 [tilespmem:s23], [sflag:$0x3], $0x80, s21, s22, $0xb8;
	[tilespmem:$0x18B00] =	vst v63  }
0x5b: {  	_ =	swait.ge [sflag:s20], $0x2800  }
0x5c: {  	s7 =	sshrl.u32 s0, $0x3;
	[sflag:s20] =	ssyncset.done $0x0  }
0x5d: {  	s10 =	sadd.s32 s5, s7;
	[sflag:s20] =	ssyncadd.s32 $0xFFFFD800  }
0x5e: {  	[tilespmem:s2], [sflag:$0x3] =	stream.linear.gather [hbm4b:s10+s2], $0x50, $0x38;
	[tilespmem:$0x18B00] =	vst v63  }
0x5f: {  	_ =	swait.ge [sflag:s20], $0x50  }
0x60: {  	[sflag:s20] =	ssyncset.done $0x0  }
0x61: {  	s7 =	sadd.s32 s6, s7;
	[sflag:s20] =	ssyncadd.s32 $0xFFFFFFB0  }
0x62: {  	[tilespmem:s21], [sflag:$0x3] =	stream.linear.gather [hbm4b:s7+s2], $0x50, $0x38;
	[tilespmem:$0x18B00] =	vst v63  }
0x63: {  	_ =	swait.ge [sflag:s20], $0x50  }
0x64: {  	[sflag:s20] =	ssyncset.done $0x0  }
0x65: {  	[sflag:s20] =	ssyncadd.s32 $0xFFFFFFB0  }
0x66: {  	[tilespmem:s23], [sflag:$0x1] =	stream.indirect.gather [hbm4b:s4+s22], $0x80, s2, s22, $0xb8;
	[tilespmem:$0x18B00] =	vst v63  }
0x67: {  	_ =	swait.ge [sflag:s29], $0x2800  }
.Ltmp0:
0x68: {  	[sflag:s29] =	ssyncset.done $0x0;
	(pc) =	sbr.rel @p1 .LBB2_2-.Ltmp0, $4  }
0x69: {  	[sflag:s29] =	ssyncadd.s32 $0xFFFFD800  }
0x6a: {  	[spmem:s1] =	stream.indirect.scatter.add.f32 [tilespmem:s26], [sflag:$0x3], $0x80, s25, s22, $0xb8;
	[tilespmem:$0x18B00] =	vst v63  }
0x6b: {  	_ =	swait.ge [sflag:s20], $0x2800  }
0x6c: {  	s0 =	sadd.s32 $0xA0, s0;
	s7 =	smov.u32 s9;
	[sflag:s20] =	ssyncset.done $0x0  }
0x6d: {  	s7 =	sadd.s32 s3, s18;
	[sflag:s20] =	ssyncadd.s32 $0xFFFFD800  }
0x6e: {  	[tilespmem:s24], [sflag:$0x3] =	stream.linear.gather [hbm4b:s7+s2], $0x50, $0x38;
	[tilespmem:$0x18B00] =	vst v63  }
0x6f: {  	_ =	swait.ge [sflag:s20], $0x50  }
0x70: {  	[sflag:s20] =	ssyncset.done $0x0  }
0x71: {  	s10 =	sadd.s32 s3, s17;
	[sflag:s20] =	ssyncadd.s32 $0xFFFFFFB0  }
0x72: {  	[tilespmem:s25], [sflag:$0x3] =	stream.linear.gather [hbm4b:s10+s2], $0x50, $0x38;
	[tilespmem:$0x18B00] =	vst v63  }
0x73: {  	_ =	swait.ge [sflag:s20], $0x50  }
0x74: {  	[sflag:s20] =	ssyncset.done $0x0  }
0x75: {  	[sflag:s20] =	ssyncadd.s32 $0xFFFFFFB0  }
0x76: {  	[tilespmem:s26], [sflag:$0x2] =	stream.indirect.gather [hbm4b:s4+s22], $0x80, s24, s22, $0xb8;
	[tilespmem:$0x18B00] =	vst v63  }
0x77: {  	_ =	swait.ge [sflag:s28], $0x2800  }
0x78: {  	[sflag:s28] =	ssyncset.done $0x0  }
0x79: {  	[sflag:s28] =	ssyncadd.s32 $0xFFFFD800  }
0x7a: {  	[spmem:s1] =	stream.indirect.scatter.add.f32 [tilespmem:s23], [sflag:$0x3], $0x80, s21, s22, $0xb8;
	[tilespmem:$0x18B00] =	vst v63  }
0x7b: {  	_ =	swait.ge [sflag:s20], $0x2800  }
0x7c: {  	s0 =	sshrl.u32 s0, $0x3;
	[sflag:s20] =	ssyncset.done $0x0  }
0x7d: {  	s11 =	sadd.s32 s5, s0;
	[sflag:s20] =	ssyncadd.s32 $0xFFFFD800  }
0x7e: {  	[tilespmem:s2], [sflag:$0x3] =	stream.linear.gather [hbm4b:s11+s2], $0x50, $0x38;
	[tilespmem:$0x18B00] =	vst v63  }
0x7f: {  	_ =	swait.ge [sflag:s20], $0x50  }
0x80: {  	[sflag:s20] =	ssyncset.done $0x0  }
0x81: {  	s0 =	sadd.s32 s6, s0;
	[sflag:s20] =	ssyncadd.s32 $0xFFFFFFB0  }
0x82: {  	[tilespmem:s21], [sflag:$0x3] =	stream.linear.gather [hbm4b:s0+s2], $0x50, $0x38;
	[tilespmem:$0x18B00] =	vst v63  }
0x83: {  	_ =	swait.ge [sflag:s20], $0x50  }
0x84: {  	[sflag:s20] =	ssyncset.done $0x0  }
0x85: {  	[sflag:s20] =	ssyncadd.s32 $0xFFFFFFB0  }
0x86: {  	[tilespmem:s23], [sflag:$0x1] =	stream.indirect.gather [hbm4b:s4+s22], $0x80, s2, s22, $0xb8;
	[tilespmem:$0x18B00] =	vst v63  }
0x87: {  	_ =	swait.ge [sflag:s29], $0x2800  }
0x88: {  	[sflag:s29] =	ssyncset.done $0x0  }
0x89: {  	[sflag:s29] =	ssyncadd.s32 $0xFFFFD800  }
0x8a: {  	[spmem:s1] =	stream.indirect.scatter.add.f32 [tilespmem:s26], [sflag:$0x3], $0x80, s25, s22, $0xb8;
	[tilespmem:$0x18B00] =	vst v63  }
0x8b: {  	_ =	swait.ge [sflag:s20], $0x2800  }
0x8c: {  	[sflag:s20] =	ssyncset.done $0x0  }
0x8d: {  	[sflag:s20] =	ssyncadd.s32 $0xFFFFD800  }
0x8e: {  	_ =	swait.ge [sflag:s28], $0x2800  }
0x8f: {  	[sflag:s28] =	ssyncset.done $0x0  }
0x90: {  	[sflag:s28] =	ssyncadd.s32 $0xFFFFD800  }
0x91: {  	[spmem:s1] =	stream.indirect.scatter.add.f32 [tilespmem:s23], [sflag:$0x3], $0x80, s21, s22, $0xb8;
	[tilespmem:$0x18B00] =	vst v63  }
0x92: {  	_ =	swait.ge [sflag:s20], $0x2800  }
0x93: {  	[sflag:s20] =	ssyncset.done $0x0  }
0x94: {  	[sflag:s20] =	ssyncadd.s32 $0xFFFFD800  }
0x95: {  	[bflag:$0x0] =	sbarrier.arrive $0xFFFF  }
0x96: {  	[hbm:s13], [sflag:s8] =	dma.local [spmem:s19], $0x2700  }
0x97: {  	s30 =	sadd.s32 $0x1, s30;
	_ =	swait.ge [sflag:s20], $0x2700  }
0x98: {  	p1 =	sne.s32 s30, s15;
	[sflag:s20] =	ssyncset.done $0x0  }
.Ltmp1:
0x99: {  	s0 =	simm.s32 @!p0 $0x3;
	[sflag:s20] =	ssyncadd.s32 $0xFFFFD900;
	(pc) =	sbr.rel @p1 .LBB2_1-.Ltmp1, $4  }
0x9a: {  	[hbm:s14], [sflag:s8] =	dma.local @!p0 [spmem:s31], $0x100  }
0x9b: {  	_ =	swait.ge @!p0 [sflag:s0], $0x100  }
0x9c: {  	[sflag:s0] =	ssyncset.done @!p0 $0x0  }
0x9d: {  	[sflag:s0] =	ssyncadd.s32 @!p0 $0xFFFFFF00  }
0x9e: {  	_ =	sfence.sel $0x180000  }
0x9f: {  	[bflag:$0x0] =	sbarrier.arrive $0xFFFF  }
0xa0: {  	_ =	strace $0x90000047  }
0xa1: {  	s0 =	stileid.u32;
	[bflag:$0x2] =	sbarrier.arrive $0xFFFF  }
0xa2: {  	p0 =	sne.s32 s0, $0x0;
	s0 =	rddreg [dreg:$0x3]  }
0xa3: {  	s0 =	sadd.s32 @!p0 $0x100000, s0  }
0xa4: {  	[sflag:s0] =	ssyncadd.tile.s32 @!p0 $0x1;
	_ =	shalt  }
.Lfunc_end2:
_tile_overlayer_lowered:
.L_overlay_start_2:
0xa5: {  	(tag) =	ssettag $0x2  }
0xa6: {  	s0 =	rddreg [dreg:$0x0];
	s2 =	stileid.u32  }
0xa7: {  	s1 =	rddreg [dreg:$0x1];
	p0 =	sne.s32 s2, $0x0  }
0xa8: {  	s3 =	rddreg [dreg:$0x2];
	[bflag:$0x3] =	sbarrier.arrive $0xFFFF;
	s2 =	simm.s32 @!p0 $0x1C03  }
0xa9: {  	[timem:s3], [sflag:s2] =	dma.local @!p0 [hbm:s0], s1  }
0xaa: {  	s0 =	simm.s32 @!p0 $0x3  }
0xab: {  	_ =	swait.ge @!p0 [sflag:s0], s1  }
0xac: {  	s1 =	ssub.s32 @!p0 $0x0, s1;
	[sflag:s0] =	ssyncset.done @!p0 $0x0  }
0xad: {  	[sflag:s0] =	ssyncadd.s32 @!p0 s1  }
0xae: {  	[bflag:$0x3] =	sbarrier.arrive $0xFFFF  }
0xaf: {  	_ =	shalt  }

// kernel: kernel.20.cloned.1.call-start
scs
__scs_entry_jumppad:
0x0: {  	(pc) =	sbr.rel $0x88, $3  }
0x1: {  	(tag) =	ssettag $0x0;
	lr =	simm.s32 $0x1  }
0x2: {  	[smem:$0x3F93] =	sst lr;
	_ =	strace $0xD0000000  }
0x3: {  	_ = 	snop  }
0x4: {  	_ = 	snop  }
0x5: {  	_ = 	snop  }
0x6: {  	_ = 	snop  }
0x7: {  	_ = 	snop  }
__scs_overlays_trampoline_lowered:
0x8: {  	[smem:$0x3FA2] =	sst s0  }
0x9: {  	[smem:$0x3FA3] =	sst s1  }
0xa: {  	[smem:$0x3FA4] =	sst s2  }
0xb: {  	[smem:$0x3FA5] =	sst s3  }
0xc: {  	[smem:$0x3FA6] =	sst s4  }
0xd: {  	[smem:$0x3FA7] =	sst s5  }
0xe: {  	[smem:$0x3FA8] =	sst s6  }
0xf: {  	[smem:$0x3FA9] =	sst s7  }
0x10: {  	[smem:$0x3FAA] =	sst s8  }
0x11: {  	[smem:$0x3FAB] =	sst s9;
	s0 =	simm.s32 @!p0 $0x0  }
0x12: {  	s1 =	sld [smem:$0x3F91];
	s0 =	simm.s32 @p0 $0x1  }
0x13: {  	[smem:$0x3FAC] =	sst s0;
	s0 =	simm.s32 @!p1 $0x0  }
0x14: {  	s2 =	sld [smem:$0x3F90];
	s0 =	simm.s32 @p1 $0x1  }
0x15: {  	[smem:$0x3FAD] =	sst s0;
	s0 =	simm.s32 @!p2 $0x0  }
0x16: {  	s3 =	sld [smem:$0x3FDB];
	s0 =	simm.s32 @p2 $0x1  }
0x17: {  	s4 =	simm.s32 $0x1BF5;
	[smem:$0x3FAF] =	sst s0  }
0x18: {  	s0 =	sld [smem:$0x3F92];
	_ =	swait.ge [sflag:s4], $0x0  }
0x19: {  	s7 =	sld [smem:$0x3F93]  }
0x1a: {  	s8 =	sadd.s32 $0xFFFFE003, lr  }
0x1b: {  	s9 =	sadd.s32 $0xFFFFFEF7, lr;
	s5 =	simm.s32 $0xFFFFFFFF;
	p2 =	slt.u32 s8, $0xFFFFF086  }
0x1c: {  	p1 =	slt.u32 s9, $0xF7A;
	s5 =	simm.s32 @!p2 $0x0  }
0x1d: {  	s5 =	simm.s32 @p1 $0x1;
	p0 =	seq.s32 s7, s2  }
0x1e: {  	s7 =	smul.u32 @!p0 $0xF7A, s2;
	p2 =	seq.s32 @!p0 s5, $0x0  }
0x1f: {  	s9 =	smul.u32 $0xF7A, s1;
	s8 =	simm.s32 @!p0 $0x1BF5;
	p2 =	por !p2, p0  }
0x20: {  	[sflag:s8] =	ssyncset.s32 @!p0 $0xFFFFF086;
	s6 =	sadd.s32 @!p0 s3, s7;
	s7 =	simm.s32 @!p0 $0x108  }
0x21: {  	s3 =	sadd.s32 s3, s9;
	s6 =	sadd.s32 @!p0 $0x88, s6;
	s7 =	simm.s32 @p2 $0x1082  }
0x22: {  	[simem:s7], [sflag:s8] =	dma.local @!p0 [hbm:s6], $0xF7A  }
0x23: {  	s9 =	sor.u32 $0xD0000000, s2;
	s6 =	simm.s32 $0x108;
	_ =	swait.ge @!p0 [sflag:s8], $0x0  }
0x24: {  	s3 =	sadd.s32 $0x88, s3;
	s6 =	simm.s32 @!p1 $0x1082;
	[sflag:s4] =	ssyncset.s32 $0xFFFFF086  }
0x25: {  	[simem:s6], [sflag:s4] =	dma.local [hbm:s3], $0xF7A  }
0x26: {  	[smem:$0x3F93] =	sst s1;
	(tag) =	ssettag s2;
	_ =	strace s9  }
0x27: {  	s1 =	sld [smem:$0x3FA3]  }
0x28: {  	s2 =	sld [smem:$0x3FA4]  }
0x29: {  	s4 =	sld [smem:$0x3FA6]  }
0x2a: {  	p0 =	seq.s32 s5, $0x0;
	s5 =	sld [smem:$0x3FA7]  }
0x2b: {  	s6 =	sld [smem:$0x3FA8]  }
0x2c: {  	s7 =	sld [smem:$0x3FA9]  }
0x2d: {  	s3 =	simm.s32 $0x108;
	s8 =	sld [smem:$0x3FAA]  }
0x2e: {  	s3 =	simm.s32 @!p0 $0x1082;
	s9 =	sld [smem:$0x3FAB]  }
0x2f: {  	lr =	sadd.s32 s0, s3;
	s0 =	sld [smem:$0x3FA2]  }
0x30: {  	s3 =	sld [smem:$0x3FA5]  }
0x31: {  	[smem:$0x3FAE] =	sst s10  }
0x32: {  	s10 =	sld [smem:$0x3FAC];
	_ =	sdelay $0x3  }
0x33: {  	p0 =	seq.s32 s10, $0x1;
	s10 =	sld [smem:$0x3FAE];
	_ =	sdelay $0x3  }
0x34: {  	[smem:$0x3FAE] =	sst s10  }
0x35: {  	s10 =	sld [smem:$0x3FAD];
	_ =	sdelay $0x3  }
0x36: {  	p1 =	seq.s32 s10, $0x1;
	s10 =	sld [smem:$0x3FAE];
	_ =	sdelay $0x3  }
0x37: {  	[smem:$0x3FAE] =	sst s10  }
0x38: {  	s10 =	sld [smem:$0x3FAF]  }
0x39: {  	_ = 	snop;
	(pc) =	sbr.ind lr, $3  }
0x3a: {  	_ = 	snop  }
0x3b: {  	_ = 	snop  }
0x3c: {  	p2 =	seq.s32 s10, $0x1;
	s10 =	sld [smem:$0x3FAE]  }
0x3d: {  	_ =	shalt  }
0x3e: {  	_ =	shalt  }
0x3f: {  	_ =	shalt  }
0x40: {  	_ =	shalt  }
0x41: {  	_ =	shalt  }
0x42: {  	_ =	shalt  }
0x43: {  	_ =	shalt  }
0x44: {  	_ =	shalt  }
0x45: {  	_ =	shalt  }
0x46: {  	_ =	shalt  }
0x47: {  	_ =	shalt  }
0x48: {  	_ =	shalt  }
0x49: {  	_ =	shalt  }
0x4a: {  	_ =	shalt  }
0x4b: {  	_ =	shalt  }
0x4c: {  	_ =	shalt  }
0x4d: {  	_ =	shalt  }
0x4e: {  	_ =	shalt  }
0x4f: {  	_ =	shalt  }
0x50: {  	_ =	shalt  }
0x51: {  	_ =	shalt  }
0x52: {  	_ =	shalt  }
0x53: {  	_ =	shalt  }
0x54: {  	_ =	shalt  }
0x55: {  	_ =	shalt  }
0x56: {  	_ =	shalt  }
0x57: {  	_ =	shalt  }
0x58: {  	_ =	shalt  }
0x59: {  	_ =	shalt  }
0x5a: {  	_ =	shalt  }
0x5b: {  	_ =	shalt  }
0x5c: {  	_ =	shalt  }
0x5d: {  	_ =	shalt  }
0x5e: {  	_ =	shalt  }
0x5f: {  	_ =	shalt  }
0x60: {  	_ =	shalt  }
0x61: {  	_ =	shalt  }
0x62: {  	_ =	shalt  }
0x63: {  	_ =	shalt  }
0x64: {  	_ =	shalt  }
0x65: {  	_ =	shalt  }
0x66: {  	_ =	shalt  }
0x67: {  	_ =	shalt  }
0x68: {  	_ =	shalt  }
0x69: {  	_ =	shalt  }
0x6a: {  	_ =	shalt  }
0x6b: {  	_ =	shalt  }
0x6c: {  	_ =	shalt  }
0x6d: {  	_ =	shalt  }
0x6e: {  	_ =	shalt  }
0x6f: {  	_ =	shalt  }
0x70: {  	_ =	shalt  }
0x71: {  	_ =	shalt  }
0x72: {  	_ =	shalt  }
0x73: {  	_ =	shalt  }
0x74: {  	_ =	shalt  }
0x75: {  	_ =	shalt  }
0x76: {  	_ =	shalt  }
0x77: {  	_ =	shalt  }
0x78: {  	_ =	shalt  }
0x79: {  	_ =	shalt  }
0x7a: {  	_ =	shalt  }
0x7b: {  	_ =	shalt  }
0x7c: {  	_ =	shalt  }
0x7d: {  	_ =	shalt  }
0x7e: {  	_ =	shalt  }
0x7f: {  	_ =	shalt  }
0x80: {  	_ =	shalt  }
0x81: {  	_ =	shalt  }
0x82: {  	_ =	shalt  }
0x83: {  	_ =	shalt  }
0x84: {  	_ =	shalt  }
0x85: {  	_ =	shalt  }
0x86: {  	_ =	shalt  }
0x87: {  	_ =	shalt  }
.Lfunc_end0:
.L_simem_size_0:
called_computation.2_lowered:
.L_overlay_start_0:
0x88: {  	s2 =	sld [smem:$0x3FD9]  }
0x89: {  	s3 =	sld [smem:$0x3FFE];
	_ =	sdelay $0x1  }
0x8a: {  	s1 =	srdreg.scid  }
0x8b: {  	s0 =	sand.u32 $0x1, s1  }
0x8c: {  	s17 =	sshll.u32 s0, $0xA;
	s2 =	sadd.s32 s3, s2  }
0x8d: {  	s2 =	sadd.s32 s2, s17  }
0x8e: {  	[smem:$0x3FBA] =	sst s2  }
0x8f: {  	_ = 	snop  }
0x90: {  	s2 =	sld [smem:$0x3FD0];
	(tm) =	ssettm $0x1  }
0x91: {  	s18 =	sld [smem:$0x3FFB];
	_ =	sdelay $0x3  }
0x92: {  	_ =	strace s18  }
0x93: {  	s3 =	sld [smem:$0x3FFC];
	_ =	sdelay $0x3  }
0x94: {  	_ =	strace s3  }
0x95: {  	s3 =	sld [smem:$0x3FFD];
	_ =	sdelay $0x3  }
0x96: {  	_ =	strace s3  }
0x97: {  	_ =	strace $0x8FFFFFFF  }
0x98: {  	s19 =	sld [smem:$0x3FDB];
	_ =	sdelay $0x1  }
0x99: {  	s4 =	simm.s32 $_scs_section_size  }
0x9a: {  	s5 =	simm.s32 $_size__tile_overlayer_lowered;
	s6 =	simm.s32 $_tile_overlayer_lowered  }
0x9b: {  	s22 =	simm.s32 $0x1BFF;
	s21 =	sshll.u32 s6, $0x1;
	s3 =	sadd.s32 s4, s19  }
0x9c: {  	s7 =	simm.s32 $0x0;
	s20 =	sshll.u32 s5, $0x1;
	s5 =	sadd.s32 s21, s3  }
0x9d: {  	[timem:s7], [sflag:s22] =	dma.local [hbm:s5], s20  }
0x9e: {  	_ =	swait.ge [sflag:s22], s20  }
0x9f: {  	s4 =	ssub.s32 $0x0, s20;
	[sflag:s22] =	ssyncset.done $0x0  }
0xa0: {  	[sflag:s22] =	ssyncadd.s32 s4;
	_ =	sdelay $0x1  }
0xa1: {  	s23 =	simm.s32 $0x1B8B  }
0xa2: {  	_ =	swait.ge [sflag:s23], $0x1  }
0xa3: {  	[sflag:s23] =	ssyncset.done $0x0  }
0xa4: {  	s25 =	simm.s32 $0x1B8E;
	s24 =	sld [smem:$0x3FFE];
	[sflag:s23] =	ssyncadd.s32 $0xFFFFFFFF  }
0xa5: {  	s26 =	simm.s32 $execute0_lowered;
	[smem:$0x3FD2] =	sst s25  }
0xa6: {  	s5 =	sshll.u32 s26, $0x1;
	_ =	strace $0x8000004C;
	[dreg:$0x1] =	wrdreg $0xFFFFFFFF  }
0xa7: {  	s28 =	simm.s32 $_size_execute0_lowered;
	s3 =	sadd.s32 s3, s5;
	[dreg:$0x0] =	wrdreg $0x0  }
0xa8: {  	s5 =	sshll.u32 s28, $0x1;
	[dreg:$0x2] =	wrdreg s3  }
0xa9: {  	[dreg:$0x3] =	wrdreg s5  }
0xaa: {  	[dreg:$0x4] =	wrdreg $0xC0  }
0xab: {  	_ =	task [dreg:s7], $0x5FFFF  }
0xac: {  	[dreg:$0x1] =	wrdreg $0xFFFFFFFF  }
0xad: {  	[dreg:$0x0] =	wrdreg $0x60  }
0xae: {  	[dreg:$0x2] =	wrdreg s24  }
0xaf: {  	[dreg:$0x3] =	wrdreg s2  }
0xb0: {  	[dreg:$0x4] =	wrdreg $0x52000  }
0xb1: {  	[dreg:$0x5] =	wrdreg $0x9  }
0xb2: {  	_ =	task.clear_ibuf [dreg:s7], $0x6FFFF;
	_ =	strace $0x9000004C  }
0xb3: {  	s29 =	simm.s32 $0x9;
	_ =	strace $0x8000004E  }
0xb4: {  	_ =	swait.ge [sflag:s29], $0x1  }
0xb5: {  	[sflag:s29] =	ssyncadd.s32 $0xFFFFFFFF  }
0xb6: {  	_ =	strace $0x9000004E  }
0xb7: {  	_ =	sfence  }
0xb8: {  	s30 =	sld [smem:$0x0];
	_ =	sdelay $0x2  }
0xb9: {  	s31 =	sshll.u32 s1, $0xD;
	s1 =	sshrl.u32 s1, $0x2  }
0xba: {  	s3 =	sand.u32 $0x4000, s31;
	s1 =	sadd.s32 s1, s30  }
0xbb: {  	s0 =	sor.u32 s3, s0;
	s1 =	sshll.u32 s1, $0x11  }
0xbc: {  	s0 =	sor.u32 s1, s0  }
0xbd: {  	s0 =	sadd.s32 $0x8F2B, s0  }
0xbe: {  	[sflag:s0] =	ssyncadd.remote.s32 $0x1  }
0xbf: {  	_ =	sfence.sel $0xFFFF  }
0xc0: {  	[dreg:$0x0] =	wrdreg $0xFFFFFFFF;
	(pc) =	sbr.abs _section_cstart, $3  }
0xc1: {  	[dreg:$0x1] =	wrdreg $0xFFFFFFFF  }
0xc2: {  	_ =	task.clear_ibuf [dreg:s7], $0x2FFFF;
	_ =	strace $0x9FFFFFFF  }
0xc3: {  	(tm) =	ssettm $0x7FFFFFFF  }
tec
execute0_lowered:
.L_overlay_start_1:
0x0: {  	(tag) =	ssettag $0x1  }
0x1: {  	s0 =	rddreg [dreg:$0x0]  }
0x2: {  	s3 =	rddreg [dreg:$0x1]  }
0x3: {  	s1 =	rddreg [dreg:$0x2];
	s2 =	simm.s32 $0x0;
	s20 =	stileid.u32  }
0x4: {  	s7 =	srdreg.scid;
	s28 =	simm.s32 $0x1;
	s29 =	simm.s32 $0x2  }
0x5: {  	s30 =	simm.s32 $0x0;
	[smem:$0x7FF] =	sst s2;
	s4 =	sadd.s32 $0x18800, s0  }
0x6: {  	s5 =	sadd.s32 $0xEA00, s0;
	s6 =	sadd.s32 $0x4C00, s0;
	s9 =	smul.u32 $0x2700, s20  }
0x7: {  	s7 =	sand.u32 $0x1, s7;
	s10 =	smul.u32 $0x4E000, s20;
	s14 =	sshll.u32 s20, $0x6  }
0x8: {  	s18 =	sadd.s32 $0x138000, s1;
	p0 =	sne.s32 s20, $0xF;
	_ =	strace $0x8000004D  }
0x9: {  	s8 =	ssub.s32 $0x2, s7;
	s11 =	sshll.u32 s7, $0x4;
	s16 =	smul.u32 $0x27100, s7  }
0xa: {  	s7 =	smul.u32 $0x138800, s7;
	[dreg:$0x5] =	wrdreg s18;
	s12 =	sadd.s32 s9, s0  }
0xb: {  	s13 =	sshrl.u32 s8, $0x1;
	s11 =	sor.u32 s20, s11;
	s10 =	sshrl.u32 s10, $0x2  }
0xc: {  	s0 =	sadd.s32 $0x66A00, s0;
	s15 =	ssub.s32 s8, s13;
	s13 =	smul.u32 $0x2710, s11  }
0xd: {  	s19 =	sadd.s32 s10, s1;
	s17 =	sadd.s32 $0x3FA00, s12;
	s8 =	sor.u32 $0x1C03, s14  }
0xe: {  	s14 =	smul.u32 $0x2710, s20;
	[dreg:$0x6] =	wrdreg s0;
	s23 =	sadd.s32 s9, s16  }
0xf: {  	s7 =	sshrl.u32 s7, $0x3;
	s20 =	simm.s32 $0x3;
	[dreg:$0x4] =	wrdreg s17  }
0x10: {  	s25 =	sadd.s32 s3, s7;
	s15 =	smax.u32 s15, $0x1;
	s19 =	sshrl.u32 s19, $0x3  }
0x11: {  	s21 =	sshrl.u32 s13, $0x3;
	s24 =	sadd.s32 s14, s16;
	s13 =	sadd.s32 s3, s23  }
0x12: {  	s14 =	sadd.s32 $0x27000, s25;
	s23 =	simm.s32 $0x200;
	s25 =	simm.s32 $0x180  }
0x13: {  	s22 =	sadd.s32 s5, s21;
	s12 =	sadd.s32 s6, s21;
	s26 =	sadd.s32 $0x50, s24  }
0x14: {  	s16 =	sadd.s32 $0xA0, s24;
	s21 =	simm.s32 $0x100;
	s24 =	simm.s32 $0x80  }
0x15: {  	[dreg:$0x7] =	wrdreg s22;
	s31 =	sshrl.u32 s26, $0x3;
	s22 =	simm.s32 $0x50  }
0x16: {  	s26 =	simm.s32 $0x2A00;
	s17 =	sadd.s32 s31, s6;
	s18 =	sadd.s32 s31, s5  }
.LBB2_1:
0x17: {  	s0 =	rddreg [dreg:$0x4]  }
0x18: {  	[spmem:s19], [sflag:s8] =	dma.local [hbm:s0], $0x2700  }
0x19: {  	_ =	swait.ge [sflag:s20], $0x2700  }
0x1a: {  	[sflag:s20] =	ssyncset.done $0x0;
	s0 =	rddreg [dreg:$0x5]  }
0x1b: {  	[sflag:s20] =	ssyncadd.s32 $0xFFFFD900;
	s31 =	sshrl.u32 @!p0 s0, $0x3;
	s0 =	rddreg [dreg:$0x6]  }
0x1c: {  	[spmem:s31], [sflag:s8] =	dma.local @!p0 [hbm:s0], $0x100  }
0x1d: {  	s0 =	simm.s32 @!p0 $0x3  }
0x1e: {  	_ =	swait.ge @!p0 [sflag:s0], $0x100  }
0x1f: {  	[sflag:s0] =	ssyncset.done @!p0 $0x0  }
0x20: {  	[sflag:s0] =	ssyncadd.s32 @!p0 $0xFFFFFF00  }
0x21: {  	[bflag:$0x0] =	sbarrier.arrive $0xFFFF  }
0x22: {  	s7 =	rddreg [dreg:$0x7]  }
0x23: {  	[tilespmem:s2], [sflag:$0x3] =	stream.linear.gather [hbm4b:s7+s2], $0x50, $0x38;
	[tilespmem:$0x18B00] =	vst v63  }
0x24: {  	_ =	swait.ge [sflag:s20], $0x50  }
0x25: {  	[sflag:s20] =	ssyncset.done $0x0  }
0x26: {  	[sflag:s20] =	ssyncadd.s32 $0xFFFFFFB0  }
0x27: {  	[tilespmem:s21], [sflag:$0x3] =	stream.linear.gather [hbm4b:s12+s2], $0x50, $0x38;
	[tilespmem:$0x18B00] =	vst v63  }
0x28: {  	_ =	swait.ge [sflag:s20], $0x50  }
0x29: {  	[sflag:s20] =	ssyncset.done $0x0  }
0x2a: {  	[sflag:s20] =	ssyncadd.s32 $0xFFFFFFB0  }
0x2b: {  	[tilespmem:s23], [sflag:$0x1] =	stream.indirect.gather [hbm4b:s4+s22], $0x80, s2, s22, $0xb8;
	[tilespmem:$0x18B00] =	vst v63  }
0x2c: {  	s9 =	sadd.s32 $0x0, s18  }
0x2d: {  	[tilespmem:s24], [sflag:$0x3] =	stream.linear.gather [hbm4b:s9+s2], $0x50, $0x38;
	[tilespmem:$0x18B00] =	vst v63  }
0x2e: {  	_ =	swait.ge [sflag:s20], $0x50  }
0x2f: {  	[sflag:s20] =	ssyncset.done $0x0  }
0x30: {  	s10 =	sadd.s32 $0x0, s17;
	[sflag:s20] =	ssyncadd.s32 $0xFFFFFFB0  }
0x31: {  	[tilespmem:s25], [sflag:$0x3] =	stream.linear.gather [hbm4b:s10+s2], $0x50, $0x38;
	[tilespmem:$0x18B00] =	vst v63  }
0x32: {  	_ =	swait.ge [sflag:s20], $0x50  }
0x33: {  	[sflag:s20] =	ssyncset.done $0x0  }
0x34: {  	[sflag:s20] =	ssyncadd.s32 $0xFFFFFFB0  }
0x35: {  	[tilespmem:s26], [sflag:$0x2] =	stream.indirect.gather [hbm4b:s4+s22], $0x80, s24, s22, $0xb8;
	[tilespmem:$0x18B00] =	vst v63  }
0x36: {  	_ =	swait.ge [sflag:s28], $0x2800  }
0x37: {  	[sflag:s28] =	ssyncset.done $0x0  }
0x38: {  	[sflag:s28] =	ssyncadd.s32 $0xFFFFD800  }
0x39: {  	[spmem:s1] =	stream.indirect.scatter.add.f32 [tilespmem:s23], [sflag:$0x3], $0x80, s21, s22, $0xb8;
	[tilespmem:$0x18B00] =	vst v63  }
0x3a: {  	_ =	swait.ge [sflag:s20], $0x2800  }
0x3b: {  	s11 =	sshrl.u32 s16, $0x3;
	[sflag:s20] =	ssyncset.done $0x0  }
0x3c: {  	s3 =	sadd.s32 s5, s11;
	[sflag:s20] =	ssyncadd.s32 $0xFFFFD800  }
0x3d: {  	[tilespmem:s2], [sflag:$0x3] =	stream.linear.gather [hbm4b:s3+s2], $0x50, $0x38;
	[tilespmem:$0x18B00] =	vst v63  }
0x3e: {  	_ =	swait.ge [sflag:s20], $0x50  }
0x3f: {  	[sflag:s20] =	ssyncset.done $0x0  }
0x40: {  	s0 =	sadd.s32 s6, s11;
	[sflag:s20] =	ssyncadd.s32 $0xFFFFFFB0  }
0x41: {  	[tilespmem:s21], [sflag:$0x3] =	stream.linear.gather [hbm4b:s0+s2], $0x50, $0x38;
	[tilespmem:$0x18B00] =	vst v63  }
0x42: {  	_ =	swait.ge [sflag:s20], $0x50  }
0x43: {  	[sflag:s20] =	ssyncset.done $0x0  }
0x44: {  	[sflag:s20] =	ssyncadd.s32 $0xFFFFFFB0  }
0x45: {  	[tilespmem:s23], [sflag:$0x1] =	stream.indirect.gather [hbm4b:s4+s22], $0x80, s2, s22, $0xb8;
	[tilespmem:$0x18B00] =	vst v63  }
0x46: {  	_ =	swait.ge [sflag:s29], $0x2800  }
0x47: {  	[sflag:s29] =	ssyncset.done $0x0  }
0x48: {  	[sflag:s29] =	ssyncadd.s32 $0xFFFFD800  }
0x49: {  	[spmem:s1] =	stream.indirect.scatter.add.f32 [tilespmem:s26], [sflag:$0x3], $0x80, s25, s22, $0xb8;
	[tilespmem:$0x18B00] =	vst v63  }
0x4a: {  	s7 =	simm.s32 $0x28;
	_ =	swait.ge [sflag:s20], $0x2800  }
0x4b: {  	s3 =	simm.s32 $0x14;
	s0 =	sadd.s32 $0xA0, s16;
	[sflag:s20] =	ssyncset.done $0x0  }
.LBB2_2:
0x4c: {  	s10 =	sadd.s32 s3, s18  }
0x4d: {  	[sflag:s20] =	ssyncadd.s32 $0xFFFFD800;
	s11 =	smov.u32 s7;
	s9 =	sadd.s32 $0x14, s7  }
0x4e: {  	[tilespmem:s24], [sflag:$0x3] =	stream.linear.gather [hbm4b:s10+s2], $0x50, $0x38;
	[tilespmem:$0x18B00] =	vst v63  }
0x4f: {  	p1 =	sne.s32 s7, $0x4C4;
	_ =	swait.ge [sflag:s20], $0x50  }
0x50: {  	[sflag:s20] =	ssyncset.done $0x0  }
0x51: {  	s7 =	sadd.s32 s3, s17;
	s3 =	smov.u32 s11;
	[sflag:s20] =	ssyncadd.s32 $0xFFFFFFB0  }
0x52: {  	[tilespmem:s25], [sflag:$0x3] =	stream.linear.gather [hbm4b:s7+s2], $0x50, $0x38;
	[tilespmem:$0x18B00] =	vst v63  }
0x53: {  	_ =	swait.ge [sflag:s20], $0x50  }
0x54: {  	[sflag:s20] =	ssyncset.done $0x0  }
0x55: {  	[sflag:s20] =	ssyncadd.s32 $0xFFFFFFB0  }
0x56: {  	[tilespmem:s26], [sflag:$0x2] =	stream.indirect.gather [hbm4b:s4+s22], $0x80, s24, s22, $0xb8;
	[tilespmem:$0x18B00] =	vst v63  }
0x57: {  	_ =	swait.ge [sflag:s28], $0x2800  }
0x58: {  	[sflag:s28] =	ssyncset.done $0x0  }
0x59: {  	[sflag:s28] =	ssyncadd.s32 $0xFFFFD800  }
0x5a: {  	[spmem:s1] =	stream.indirect.scatter.add.f32 [tilespmem:s23], [sflag:$0x3], $0x80, s21, s22, $0xb8;
	[tilespmem:$0x18B00] =	vst v63  }
0x5b: {  	_ =	swait.ge [sflag:s20], $0x2800  }
0x5c: {  	s7 =	sshrl.u32 s0, $0x3;
	[sflag:s20] =	ssyncset.done $0x0  }
0x5d: {  	s10 =	sadd.s32 s5, s7;
	[sflag:s20] =	ssyncadd.s32 $0xFFFFD800  }
0x5e: {  	[tilespmem:s2], [sflag:$0x3] =	stream.linear.gather [hbm4b:s10+s2], $0x50, $0x38;
	[tilespmem:$0x18B00] =	vst v63  }
0x5f: {  	_ =	swait.ge [sflag:s20], $0x50  }
0x60: {  	[sflag:s20] =	ssyncset.done $0x0  }
0x61: {  	s7 =	sadd.s32 s6, s7;
	[sflag:s20] =	ssyncadd.s32 $0xFFFFFFB0  }
0x62: {  	[tilespmem:s21], [sflag:$0x3] =	stream.linear.gather [hbm4b:s7+s2], $0x50, $0x38;
	[tilespmem:$0x18B00] =	vst v63  }
0x63: {  	_ =	swait.ge [sflag:s20], $0x50  }
0x64: {  	[sflag:s20] =	ssyncset.done $0x0  }
0x65: {  	[sflag:s20] =	ssyncadd.s32 $0xFFFFFFB0  }
0x66: {  	[tilespmem:s23], [sflag:$0x1] =	stream.indirect.gather [hbm4b:s4+s22], $0x80, s2, s22, $0xb8;
	[tilespmem:$0x18B00] =	vst v63  }
0x67: {  	_ =	swait.ge [sflag:s29], $0x2800  }
.Ltmp0:
0x68: {  	[sflag:s29] =	ssyncset.done $0x0;
	(pc) =	sbr.rel @p1 .LBB2_2-.Ltmp0, $4  }
0x69: {  	[sflag:s29] =	ssyncadd.s32 $0xFFFFD800  }
0x6a: {  	[spmem:s1] =	stream.indirect.scatter.add.f32 [tilespmem:s26], [sflag:$0x3], $0x80, s25, s22, $0xb8;
	[tilespmem:$0x18B00] =	vst v63  }
0x6b: {  	_ =	swait.ge [sflag:s20], $0x2800  }
0x6c: {  	s0 =	sadd.s32 $0xA0, s0;
	s7 =	smov.u32 s9;
	[sflag:s20] =	ssyncset.done $0x0  }
0x6d: {  	s7 =	sadd.s32 s3, s18;
	[sflag:s20] =	ssyncadd.s32 $0xFFFFD800  }
0x6e: {  	[tilespmem:s24], [sflag:$0x3] =	stream.linear.gather [hbm4b:s7+s2], $0x50, $0x38;
	[tilespmem:$0x18B00] =	vst v63  }
0x6f: {  	_ =	swait.ge [sflag:s20], $0x50  }
0x70: {  	[sflag:s20] =	ssyncset.done $0x0  }
0x71: {  	s10 =	sadd.s32 s3, s17;
	[sflag:s20] =	ssyncadd.s32 $0xFFFFFFB0  }
0x72: {  	[tilespmem:s25], [sflag:$0x3] =	stream.linear.gather [hbm4b:s10+s2], $0x50, $0x38;
	[tilespmem:$0x18B00] =	vst v63  }
0x73: {  	_ =	swait.ge [sflag:s20], $0x50  }
0x74: {  	[sflag:s20] =	ssyncset.done $0x0  }
0x75: {  	[sflag:s20] =	ssyncadd.s32 $0xFFFFFFB0  }
0x76: {  	[tilespmem:s26], [sflag:$0x2] =	stream.indirect.gather [hbm4b:s4+s22], $0x80, s24, s22, $0xb8;
	[tilespmem:$0x18B00] =	vst v63  }
0x77: {  	_ =	swait.ge [sflag:s28], $0x2800  }
0x78: {  	[sflag:s28] =	ssyncset.done $0x0  }
0x79: {  	[sflag:s28] =	ssyncadd.s32 $0xFFFFD800  }
0x7a: {  	[spmem:s1] =	stream.indirect.scatter.add.f32 [tilespmem:s23], [sflag:$0x3], $0x80, s21, s22, $0xb8;
	[tilespmem:$0x18B00] =	vst v63  }
0x7b: {  	_ =	swait.ge [sflag:s20], $0x2800  }
0x7c: {  	s0 =	sshrl.u32 s0, $0x3;
	[sflag:s20] =	ssyncset.done $0x0  }
0x7d: {  	s11 =	sadd.s32 s5, s0;
	[sflag:s20] =	ssyncadd.s32 $0xFFFFD800  }
0x7e: {  	[tilespmem:s2], [sflag:$0x3] =	stream.linear.gather [hbm4b:s11+s2], $0x50, $0x38;
	[tilespmem:$0x18B00] =	vst v63  }
0x7f: {  	_ =	swait.ge [sflag:s20], $0x50  }
0x80: {  	[sflag:s20] =	ssyncset.done $0x0  }
0x81: {  	s0 =	sadd.s32 s6, s0;
	[sflag:s20] =	ssyncadd.s32 $0xFFFFFFB0  }
0x82: {  	[tilespmem:s21], [sflag:$0x3] =	stream.linear.gather [hbm4b:s0+s2], $0x50, $0x38;
	[tilespmem:$0x18B00] =	vst v63  }
0x83: {  	_ =	swait.ge [sflag:s20], $0x50  }
0x84: {  	[sflag:s20] =	ssyncset.done $0x0  }
0x85: {  	[sflag:s20] =	ssyncadd.s32 $0xFFFFFFB0  }
0x86: {  	[tilespmem:s23], [sflag:$0x1] =	stream.indirect.gather [hbm4b:s4+s22], $0x80, s2, s22, $0xb8;
	[tilespmem:$0x18B00] =	vst v63  }
0x87: {  	_ =	swait.ge [sflag:s29], $0x2800  }
0x88: {  	[sflag:s29] =	ssyncset.done $0x0  }
0x89: {  	[sflag:s29] =	ssyncadd.s32 $0xFFFFD800  }
0x8a: {  	[spmem:s1] =	stream.indirect.scatter.add.f32 [tilespmem:s26], [sflag:$0x3], $0x80, s25, s22, $0xb8;
	[tilespmem:$0x18B00] =	vst v63  }
0x8b: {  	_ =	swait.ge [sflag:s20], $0x2800  }
0x8c: {  	[sflag:s20] =	ssyncset.done $0x0  }
0x8d: {  	[sflag:s20] =	ssyncadd.s32 $0xFFFFD800  }
0x8e: {  	_ =	swait.ge [sflag:s28], $0x2800  }
0x8f: {  	[sflag:s28] =	ssyncset.done $0x0  }
0x90: {  	[sflag:s28] =	ssyncadd.s32 $0xFFFFD800  }
0x91: {  	[spmem:s1] =	stream.indirect.scatter.add.f32 [tilespmem:s23], [sflag:$0x3], $0x80, s21, s22, $0xb8;
	[tilespmem:$0x18B00] =	vst v63  }
0x92: {  	_ =	swait.ge [sflag:s20], $0x2800  }
0x93: {  	[sflag:s20] =	ssyncset.done $0x0  }
0x94: {  	[sflag:s20] =	ssyncadd.s32 $0xFFFFD800  }
0x95: {  	[bflag:$0x0] =	sbarrier.arrive $0xFFFF  }
0x96: {  	[hbm:s13], [sflag:s8] =	dma.local [spmem:s19], $0x2700  }
0x97: {  	s30 =	sadd.s32 $0x1, s30;
	_ =	swait.ge [sflag:s20], $0x2700  }
0x98: {  	p1 =	sne.s32 s30, s15;
	[sflag:s20] =	ssyncset.done $0x0  }
.Ltmp1:
0x99: {  	s0 =	simm.s32 @!p0 $0x3;
	[sflag:s20] =	ssyncadd.s32 $0xFFFFD900;
	(pc) =	sbr.rel @p1 .LBB2_1-.Ltmp1, $4  }
0x9a: {  	[hbm:s14], [sflag:s8] =	dma.local @!p0 [spmem:s31], $0x100  }
0x9b: {  	_ =	swait.ge @!p0 [sflag:s0], $0x100  }
0x9c: {  	[sflag:s0] =	ssyncset.done @!p0 $0x0  }
0x9d: {  	[sflag:s0] =	ssyncadd.s32 @!p0 $0xFFFFFF00  }
0x9e: {  	_ =	sfence.sel $0x180000  }
0x9f: {  	[bflag:$0x0] =	sbarrier.arrive $0xFFFF  }
0xa0: {  	_ =	strace $0x9000004D  }
0xa1: {  	s0 =	stileid.u32;
	[bflag:$0x2] =	sbarrier.arrive $0xFFFF  }
0xa2: {  	p0 =	sne.s32 s0, $0x0;
	s0 =	rddreg [dreg:$0x3]  }
0xa3: {  	s0 =	sadd.s32 @!p0 $0x100000, s0  }
0xa4: {  	[sflag:s0] =	ssyncadd.tile.s32 @!p0 $0x1;
	_ =	shalt  }
.Lfunc_end2:
_tile_overlayer_lowered:
.L_overlay_start_2:
0xa5: {  	(tag) =	ssettag $0x2  }
0xa6: {  	s0 =	rddreg [dreg:$0x0];
	s2 =	stileid.u32  }
0xa7: {  	s1 =	rddreg [dreg:$0x1];
	p0 =	sne.s32 s2, $0x0  }
0xa8: {  	s3 =	rddreg [dreg:$0x2];
	[bflag:$0x3] =	sbarrier.arrive $0xFFFF;
	s2 =	simm.s32 @!p0 $0x1C03  }
0xa9: {  	[timem:s3], [sflag:s2] =	dma.local @!p0 [hbm:s0], s1  }
0xaa: {  	s0 =	simm.s32 @!p0 $0x3  }
0xab: {  	_ =	swait.ge @!p0 [sflag:s0], s1  }
0xac: {  	s1 =	ssub.s32 @!p0 $0x0, s1;
	[sflag:s0] =	ssyncset.done @!p0 $0x0  }
0xad: {  	[sflag:s0] =	ssyncadd.s32 @!p0 s1  }
0xae: {  	[bflag:$0x3] =	sbarrier.arrive $0xFFFF  }
0xaf: {  	_ =	shalt  }

// kernel: kernel.23.cloned.1.call-start
scs
__scs_entry_jumppad:
0x0: {  	(pc) =	sbr.rel $0x88, $3  }
0x1: {  	(tag) =	ssettag $0x0;
	lr =	simm.s32 $0x1  }
0x2: {  	[smem:$0x3F93] =	sst lr;
	_ =	strace $0xD0000000  }
0x3: {  	_ = 	snop  }
0x4: {  	_ = 	snop  }
0x5: {  	_ = 	snop  }
0x6: {  	_ = 	snop  }
0x7: {  	_ = 	snop  }
__scs_overlays_trampoline_lowered:
0x8: {  	[smem:$0x3FA2] =	sst s0  }
0x9: {  	[smem:$0x3FA3] =	sst s1  }
0xa: {  	[smem:$0x3FA4] =	sst s2  }
0xb: {  	[smem:$0x3FA5] =	sst s3  }
0xc: {  	[smem:$0x3FA6] =	sst s4  }
0xd: {  	[smem:$0x3FA7] =	sst s5  }
0xe: {  	[smem:$0x3FA8] =	sst s6  }
0xf: {  	[smem:$0x3FA9] =	sst s7  }
0x10: {  	[smem:$0x3FAA] =	sst s8  }
0x11: {  	[smem:$0x3FAB] =	sst s9;
	s0 =	simm.s32 @!p0 $0x0  }
0x12: {  	s1 =	sld [smem:$0x3F91];
	s0 =	simm.s32 @p0 $0x1  }
0x13: {  	[smem:$0x3FAC] =	sst s0;
	s0 =	simm.s32 @!p1 $0x0  }
0x14: {  	s2 =	sld [smem:$0x3F90];
	s0 =	simm.s32 @p1 $0x1  }
0x15: {  	[smem:$0x3FAD] =	sst s0;
	s0 =	simm.s32 @!p2 $0x0  }
0x16: {  	s3 =	sld [smem:$0x3FDB];
	s0 =	simm.s32 @p2 $0x1  }
0x17: {  	s4 =	simm.s32 $0x1BF5;
	[smem:$0x3FAF] =	sst s0  }
0x18: {  	s0 =	sld [smem:$0x3F92];
	_ =	swait.ge [sflag:s4], $0x0  }
0x19: {  	s7 =	sld [smem:$0x3F93]  }
0x1a: {  	s8 =	sadd.s32 $0xFFFFE003, lr  }
0x1b: {  	s9 =	sadd.s32 $0xFFFFFEF7, lr;
	s5 =	simm.s32 $0xFFFFFFFF;
	p2 =	slt.u32 s8, $0xFFFFF086  }
0x1c: {  	p1 =	slt.u32 s9, $0xF7A;
	s5 =	simm.s32 @!p2 $0x0  }
0x1d: {  	s5 =	simm.s32 @p1 $0x1;
	p0 =	seq.s32 s7, s2  }
0x1e: {  	s7 =	smul.u32 @!p0 $0xF7A, s2;
	p2 =	seq.s32 @!p0 s5, $0x0  }
0x1f: {  	s9 =	smul.u32 $0xF7A, s1;
	s8 =	simm.s32 @!p0 $0x1BF5;
	p2 =	por !p2, p0  }
0x20: {  	[sflag:s8] =	ssyncset.s32 @!p0 $0xFFFFF086;
	s6 =	sadd.s32 @!p0 s3, s7;
	s7 =	simm.s32 @!p0 $0x108  }
0x21: {  	s3 =	sadd.s32 s3, s9;
	s6 =	sadd.s32 @!p0 $0x88, s6;
	s7 =	simm.s32 @p2 $0x1082  }
0x22: {  	[simem:s7], [sflag:s8] =	dma.local @!p0 [hbm:s6], $0xF7A  }
0x23: {  	s9 =	sor.u32 $0xD0000000, s2;
	s6 =	simm.s32 $0x108;
	_ =	swait.ge @!p0 [sflag:s8], $0x0  }
0x24: {  	s3 =	sadd.s32 $0x88, s3;
	s6 =	simm.s32 @!p1 $0x1082;
	[sflag:s4] =	ssyncset.s32 $0xFFFFF086  }
0x25: {  	[simem:s6], [sflag:s4] =	dma.local [hbm:s3], $0xF7A  }
0x26: {  	[smem:$0x3F93] =	sst s1;
	(tag) =	ssettag s2;
	_ =	strace s9  }
0x27: {  	s1 =	sld [smem:$0x3FA3]  }
0x28: {  	s2 =	sld [smem:$0x3FA4]  }
0x29: {  	s4 =	sld [smem:$0x3FA6]  }
0x2a: {  	p0 =	seq.s32 s5, $0x0;
	s5 =	sld [smem:$0x3FA7]  }
0x2b: {  	s6 =	sld [smem:$0x3FA8]  }
0x2c: {  	s7 =	sld [smem:$0x3FA9]  }
0x2d: {  	s3 =	simm.s32 $0x108;
	s8 =	sld [smem:$0x3FAA]  }
0x2e: {  	s3 =	simm.s32 @!p0 $0x1082;
	s9 =	sld [smem:$0x3FAB]  }
0x2f: {  	lr =	sadd.s32 s0, s3;
	s0 =	sld [smem:$0x3FA2]  }
0x30: {  	s3 =	sld [smem:$0x3FA5]  }
0x31: {  	[smem:$0x3FAE] =	sst s10  }
0x32: {  	s10 =	sld [smem:$0x3FAC];
	_ =	sdelay $0x3  }
0x33: {  	p0 =	seq.s32 s10, $0x1;
	s10 =	sld [smem:$0x3FAE];
	_ =	sdelay $0x3  }
0x34: {  	[smem:$0x3FAE] =	sst s10  }
0x35: {  	s10 =	sld [smem:$0x3FAD];
	_ =	sdelay $0x3  }
0x36: {  	p1 =	seq.s32 s10, $0x1;
	s10 =	sld [smem:$0x3FAE];
	_ =	sdelay $0x3  }
0x37: {  	[smem:$0x3FAE] =	sst s10  }
0x38: {  	s10 =	sld [smem:$0x3FAF]  }
0x39: {  	_ = 	snop;
	(pc) =	sbr.ind lr, $3  }
0x3a: {  	_ = 	snop  }
0x3b: {  	_ = 	snop  }
0x3c: {  	p2 =	seq.s32 s10, $0x1;
	s10 =	sld [smem:$0x3FAE]  }
0x3d: {  	_ =	shalt  }
0x3e: {  	_ =	shalt  }
0x3f: {  	_ =	shalt  }
0x40: {  	_ =	shalt  }
0x41: {  	_ =	shalt  }
0x42: {  	_ =	shalt  }
0x43: {  	_ =	shalt  }
0x44: {  	_ =	shalt  }
0x45: {  	_ =	shalt  }
0x46: {  	_ =	shalt  }
0x47: {  	_ =	shalt  }
0x48: {  	_ =	shalt  }
0x49: {  	_ =	shalt  }
0x4a: {  	_ =	shalt  }
0x4b: {  	_ =	shalt  }
0x4c: {  	_ =	shalt  }
0x4d: {  	_ =	shalt  }
0x4e: {  	_ =	shalt  }
0x4f: {  	_ =	shalt  }
0x50: {  	_ =	shalt  }
0x51: {  	_ =	shalt  }
0x52: {  	_ =	shalt  }
0x53: {  	_ =	shalt  }
0x54: {  	_ =	shalt  }
0x55: {  	_ =	shalt  }
0x56: {  	_ =	shalt  }
0x57: {  	_ =	shalt  }
0x58: {  	_ =	shalt  }
0x59: {  	_ =	shalt  }
0x5a: {  	_ =	shalt  }
0x5b: {  	_ =	shalt  }
0x5c: {  	_ =	shalt  }
0x5d: {  	_ =	shalt  }
0x5e: {  	_ =	shalt  }
0x5f: {  	_ =	shalt  }
0x60: {  	_ =	shalt  }
0x61: {  	_ =	shalt  }
0x62: {  	_ =	shalt  }
0x63: {  	_ =	shalt  }
0x64: {  	_ =	shalt  }
0x65: {  	_ =	shalt  }
0x66: {  	_ =	shalt  }
0x67: {  	_ =	shalt  }
0x68: {  	_ =	shalt  }
0x69: {  	_ =	shalt  }
0x6a: {  	_ =	shalt  }
0x6b: {  	_ =	shalt  }
0x6c: {  	_ =	shalt  }
0x6d: {  	_ =	shalt  }
0x6e: {  	_ =	shalt  }
0x6f: {  	_ =	shalt  }
0x70: {  	_ =	shalt  }
0x71: {  	_ =	shalt  }
0x72: {  	_ =	shalt  }
0x73: {  	_ =	shalt  }
0x74: {  	_ =	shalt  }
0x75: {  	_ =	shalt  }
0x76: {  	_ =	shalt  }
0x77: {  	_ =	shalt  }
0x78: {  	_ =	shalt  }
0x79: {  	_ =	shalt  }
0x7a: {  	_ =	shalt  }
0x7b: {  	_ =	shalt  }
0x7c: {  	_ =	shalt  }
0x7d: {  	_ =	shalt  }
0x7e: {  	_ =	shalt  }
0x7f: {  	_ =	shalt  }
0x80: {  	_ =	shalt  }
0x81: {  	_ =	shalt  }
0x82: {  	_ =	shalt  }
0x83: {  	_ =	shalt  }
0x84: {  	_ =	shalt  }
0x85: {  	_ =	shalt  }
0x86: {  	_ =	shalt  }
0x87: {  	_ =	shalt  }
.Lfunc_end0:
.L_simem_size_0:
called_computation.3_lowered:
.L_overlay_start_0:
0x88: {  	s2 =	sld [smem:$0x3FD9]  }
0x89: {  	s3 =	sld [smem:$0x3FFE];
	_ =	sdelay $0x1  }
0x8a: {  	s1 =	srdreg.scid  }
0x8b: {  	s0 =	sand.u32 $0x1, s1  }
0x8c: {  	s17 =	sshll.u32 s0, $0xA;
	s2 =	sadd.s32 s3, s2  }
0x8d: {  	s2 =	sadd.s32 s2, s17  }
0x8e: {  	[smem:$0x3FBA] =	sst s2  }
0x8f: {  	_ = 	snop  }
0x90: {  	s2 =	sld [smem:$0x3FD0];
	(tm) =	ssettm $0x1  }
0x91: {  	s18 =	sld [smem:$0x3FFB];
	_ =	sdelay $0x3  }
0x92: {  	_ =	strace s18  }
0x93: {  	s3 =	sld [smem:$0x3FFC];
	_ =	sdelay $0x3  }
0x94: {  	_ =	strace s3  }
0x95: {  	s3 =	sld [smem:$0x3FFD];
	_ =	sdelay $0x3  }
0x96: {  	_ =	strace s3  }
0x97: {  	_ =	strace $0x8FFFFFFF  }
0x98: {  	s19 =	sld [smem:$0x3FDB];
	_ =	sdelay $0x1  }
0x99: {  	s4 =	simm.s32 $_scs_section_size  }
0x9a: {  	s5 =	simm.s32 $_size__tile_overlayer_lowered;
	s6 =	simm.s32 $_tile_overlayer_lowered  }
0x9b: {  	s22 =	simm.s32 $0x1BFF;
	s21 =	sshll.u32 s6, $0x1;
	s3 =	sadd.s32 s4, s19  }
0x9c: {  	s7 =	simm.s32 $0x0;
	s20 =	sshll.u32 s5, $0x1;
	s5 =	sadd.s32 s21, s3  }
0x9d: {  	[timem:s7], [sflag:s22] =	dma.local [hbm:s5], s20  }
0x9e: {  	_ =	swait.ge [sflag:s22], s20  }
0x9f: {  	s4 =	ssub.s32 $0x0, s20;
	[sflag:s22] =	ssyncset.done $0x0  }
0xa0: {  	[sflag:s22] =	ssyncadd.s32 s4;
	_ =	sdelay $0x1  }
0xa1: {  	s23 =	simm.s32 $0x1B8B  }
0xa2: {  	_ =	swait.ge [sflag:s23], $0x1  }
0xa3: {  	[sflag:s23] =	ssyncset.done $0x0  }
0xa4: {  	s25 =	simm.s32 $0x1B8E;
	s24 =	sld [smem:$0x3FFE];
	[sflag:s23] =	ssyncadd.s32 $0xFFFFFFFF  }
0xa5: {  	s26 =	simm.s32 $execute0_lowered;
	[smem:$0x3FD2] =	sst s25  }
0xa6: {  	s5 =	sshll.u32 s26, $0x1;
	_ =	strace $0x8000004F;
	[dreg:$0x1] =	wrdreg $0xFFFFFFFF  }
0xa7: {  	s28 =	simm.s32 $_size_execute0_lowered;
	s3 =	sadd.s32 s3, s5;
	[dreg:$0x0] =	wrdreg $0x0  }
0xa8: {  	s5 =	sshll.u32 s28, $0x1;
	[dreg:$0x2] =	wrdreg s3  }
0xa9: {  	[dreg:$0x3] =	wrdreg s5  }
0xaa: {  	[dreg:$0x4] =	wrdreg $0xC0  }
0xab: {  	_ =	task [dreg:s7], $0x5FFFF  }
0xac: {  	[dreg:$0x1] =	wrdreg $0xFFFFFFFF  }
0xad: {  	[dreg:$0x0] =	wrdreg $0x60  }
0xae: {  	[dreg:$0x2] =	wrdreg s24  }
0xaf: {  	[dreg:$0x3] =	wrdreg s2  }
0xb0: {  	[dreg:$0x4] =	wrdreg $0x52000  }
0xb1: {  	[dreg:$0x5] =	wrdreg $0x9  }
0xb2: {  	_ =	task.clear_ibuf [dreg:s7], $0x6FFFF;
	_ =	strace $0x9000004F  }
0xb3: {  	s29 =	simm.s32 $0x9;
	_ =	strace $0x80000051  }
0xb4: {  	_ =	swait.ge [sflag:s29], $0x1  }
0xb5: {  	[sflag:s29] =	ssyncadd.s32 $0xFFFFFFFF  }
0xb6: {  	_ =	strace $0x90000051  }
0xb7: {  	_ =	sfence  }
0xb8: {  	s30 =	sld [smem:$0x0];
	_ =	sdelay $0x2  }
0xb9: {  	s31 =	sshll.u32 s1, $0xD;
	s1 =	sshrl.u32 s1, $0x2  }
0xba: {  	s3 =	sand.u32 $0x4000, s31;
	s1 =	sadd.s32 s1, s30  }
0xbb: {  	s0 =	sor.u32 s3, s0;
	s1 =	sshll.u32 s1, $0x11  }
0xbc: {  	s0 =	sor.u32 s1, s0  }
0xbd: {  	s0 =	sadd.s32 $0x8F2B, s0  }
0xbe: {  	[sflag:s0] =	ssyncadd.remote.s32 $0x1  }
0xbf: {  	_ =	sfence.sel $0xFFFF  }
0xc0: {  	[dreg:$0x0] =	wrdreg $0xFFFFFFFF;
	(pc) =	sbr.abs _section_cstart, $3  }
0xc1: {  	[dreg:$0x1] =	wrdreg $0xFFFFFFFF  }
0xc2: {  	_ =	task.clear_ibuf [dreg:s7], $0x2FFFF;
	_ =	strace $0x9FFFFFFF  }
0xc3: {  	(tm) =	ssettm $0x7FFFFFFF  }
tec
execute0_lowered:
.L_overlay_start_1:
0x0: {  	(tag) =	ssettag $0x1  }
0x1: {  	s0 =	rddreg [dreg:$0x0]  }
0x2: {  	s3 =	rddreg [dreg:$0x1]  }
0x3: {  	s1 =	rddreg [dreg:$0x2];
	s2 =	simm.s32 $0x0;
	s20 =	stileid.u32  }
0x4: {  	s7 =	srdreg.scid;
	s28 =	simm.s32 $0x1;
	s29 =	simm.s32 $0x2  }
0x5: {  	s30 =	simm.s32 $0x0;
	[smem:$0x7FF] =	sst s2;
	s4 =	sadd.s32 $0x18800, s0  }
0x6: {  	s5 =	sadd.s32 $0xEA00, s0;
	s6 =	sadd.s32 $0x4C00, s0;
	s9 =	smul.u32 $0x2700, s20  }
0x7: {  	s7 =	sand.u32 $0x1, s7;
	s10 =	smul.u32 $0x4E000, s20;
	s14 =	sshll.u32 s20, $0x6  }
0x8: {  	s18 =	sadd.s32 $0x138000, s1;
	p0 =	sne.s32 s20, $0xF;
	_ =	strace $0x80000050  }
0x9: {  	s8 =	ssub.s32 $0x2, s7;
	s11 =	sshll.u32 s7, $0x4;
	s16 =	smul.u32 $0x27100, s7  }
0xa: {  	s7 =	smul.u32 $0x138800, s7;
	[dreg:$0x5] =	wrdreg s18;
	s12 =	sadd.s32 s9, s0  }
0xb: {  	s13 =	sshrl.u32 s8, $0x1;
	s11 =	sor.u32 s20, s11;
	s10 =	sshrl.u32 s10, $0x2  }
0xc: {  	s0 =	sadd.s32 $0x66A00, s0;
	s15 =	ssub.s32 s8, s13;
	s13 =	smul.u32 $0x2710, s11  }
0xd: {  	s19 =	sadd.s32 s10, s1;
	s17 =	sadd.s32 $0x3FA00, s12;
	s8 =	sor.u32 $0x1C03, s14  }
0xe: {  	s14 =	smul.u32 $0x2710, s20;
	[dreg:$0x6] =	wrdreg s0;
	s23 =	sadd.s32 s9, s16  }
0xf: {  	s7 =	sshrl.u32 s7, $0x3;
	s20 =	simm.s32 $0x3;
	[dreg:$0x4] =	wrdreg s17  }
0x10: {  	s25 =	sadd.s32 s3, s7;
	s15 =	smax.u32 s15, $0x1;
	s19 =	sshrl.u32 s19, $0x3  }
0x11: {  	s21 =	sshrl.u32 s13, $0x3;
	s24 =	sadd.s32 s14, s16;
	s13 =	sadd.s32 s3, s23  }
0x12: {  	s14 =	sadd.s32 $0x27000, s25;
	s23 =	simm.s32 $0x200;
	s25 =	simm.s32 $0x180  }
0x13: {  	s22 =	sadd.s32 s5, s21;
	s12 =	sadd.s32 s6, s21;
	s26 =	sadd.s32 $0x50, s24  }
0x14: {  	s16 =	sadd.s32 $0xA0, s24;
	s21 =	simm.s32 $0x100;
	s24 =	simm.s32 $0x80  }
0x15: {  	[dreg:$0x7] =	wrdreg s22;
	s31 =	sshrl.u32 s26, $0x3;
	s22 =	simm.s32 $0x50  }
0x16: {  	s26 =	simm.s32 $0x2A00;
	s17 =	sadd.s32 s31, s6;
	s18 =	sadd.s32 s31, s5  }
.LBB2_1:
0x17: {  	s0 =	rddreg [dreg:$0x4]  }
0x18: {  	[spmem:s19], [sflag:s8] =	dma.local [hbm:s0], $0x2700  }
0x19: {  	_ =	swait.ge [sflag:s20], $0x2700  }
0x1a: {  	[sflag:s20] =	ssyncset.done $0x0;
	s0 =	rddreg [dreg:$0x5]  }
0x1b: {  	[sflag:s20] =	ssyncadd.s32 $0xFFFFD900;
	s31 =	sshrl.u32 @!p0 s0, $0x3;
	s0 =	rddreg [dreg:$0x6]  }
0x1c: {  	[spmem:s31], [sflag:s8] =	dma.local @!p0 [hbm:s0], $0x100  }
0x1d: {  	s0 =	simm.s32 @!p0 $0x3  }
0x1e: {  	_ =	swait.ge @!p0 [sflag:s0], $0x100  }
0x1f: {  	[sflag:s0] =	ssyncset.done @!p0 $0x0  }
0x20: {  	[sflag:s0] =	ssyncadd.s32 @!p0 $0xFFFFFF00  }
0x21: {  	[bflag:$0x0] =	sbarrier.arrive $0xFFFF  }
0x22: {  	s7 =	rddreg [dreg:$0x7]  }
0x23: {  	[tilespmem:s2], [sflag:$0x3] =	stream.linear.gather [hbm4b:s7+s2], $0x50, $0x38;
	[tilespmem:$0x18B00] =	vst v63  }
0x24: {  	_ =	swait.ge [sflag:s20], $0x50  }
0x25: {  	[sflag:s20] =	ssyncset.done $0x0  }
0x26: {  	[sflag:s20] =	ssyncadd.s32 $0xFFFFFFB0  }
0x27: {  	[tilespmem:s21], [sflag:$0x3] =	stream.linear.gather [hbm4b:s12+s2], $0x50, $0x38;
	[tilespmem:$0x18B00] =	vst v63  }
0x28: {  	_ =	swait.ge [sflag:s20], $0x50  }
0x29: {  	[sflag:s20] =	ssyncset.done $0x0  }
0x2a: {  	[sflag:s20] =	ssyncadd.s32 $0xFFFFFFB0  }
0x2b: {  	[tilespmem:s23], [sflag:$0x1] =	stream.indirect.gather [hbm4b:s4+s22], $0x80, s2, s22, $0xb8;
	[tilespmem:$0x18B00] =	vst v63  }
0x2c: {  	s9 =	sadd.s32 $0x0, s18  }
0x2d: {  	[tilespmem:s24], [sflag:$0x3] =	stream.linear.gather [hbm4b:s9+s2], $0x50, $0x38;
	[tilespmem:$0x18B00] =	vst v63  }
0x2e: {  	_ =	swait.ge [sflag:s20], $0x50  }
0x2f: {  	[sflag:s20] =	ssyncset.done $0x0  }
0x30: {  	s10 =	sadd.s32 $0x0, s17;
	[sflag:s20] =	ssyncadd.s32 $0xFFFFFFB0  }
0x31: {  	[tilespmem:s25], [sflag:$0x3] =	stream.linear.gather [hbm4b:s10+s2], $0x50, $0x38;
	[tilespmem:$0x18B00] =	vst v63  }
0x32: {  	_ =	swait.ge [sflag:s20], $0x50  }
0x33: {  	[sflag:s20] =	ssyncset.done $0x0  }
0x34: {  	[sflag:s20] =	ssyncadd.s32 $0xFFFFFFB0  }
0x35: {  	[tilespmem:s26], [sflag:$0x2] =	stream.indirect.gather [hbm4b:s4+s22], $0x80, s24, s22, $0xb8;
	[tilespmem:$0x18B00] =	vst v63  }
0x36: {  	_ =	swait.ge [sflag:s28], $0x2800  }
0x37: {  	[sflag:s28] =	ssyncset.done $0x0  }
0x38: {  	[sflag:s28] =	ssyncadd.s32 $0xFFFFD800  }
0x39: {  	[spmem:s1] =	stream.indirect.scatter.add.f32 [tilespmem:s23], [sflag:$0x3], $0x80, s21, s22, $0xb8;
	[tilespmem:$0x18B00] =	vst v63  }
0x3a: {  	_ =	swait.ge [sflag:s20], $0x2800  }
0x3b: {  	s11 =	sshrl.u32 s16, $0x3;
	[sflag:s20] =	ssyncset.done $0x0  }
0x3c: {  	s3 =	sadd.s32 s5, s11;
	[sflag:s20] =	ssyncadd.s32 $0xFFFFD800  }
0x3d: {  	[tilespmem:s2], [sflag:$0x3] =	stream.linear.gather [hbm4b:s3+s2], $0x50, $0x38;
	[tilespmem:$0x18B00] =	vst v63  }
0x3e: {  	_ =	swait.ge [sflag:s20], $0x50  }
0x3f: {  	[sflag:s20] =	ssyncset.done $0x0  }
0x40: {  	s0 =	sadd.s32 s6, s11;
	[sflag:s20] =	ssyncadd.s32 $0xFFFFFFB0  }
0x41: {  	[tilespmem:s21], [sflag:$0x3] =	stream.linear.gather [hbm4b:s0+s2], $0x50, $0x38;
	[tilespmem:$0x18B00] =	vst v63  }
0x42: {  	_ =	swait.ge [sflag:s20], $0x50  }
0x43: {  	[sflag:s20] =	ssyncset.done $0x0  }
0x44: {  	[sflag:s20] =	ssyncadd.s32 $0xFFFFFFB0  }
0x45: {  	[tilespmem:s23], [sflag:$0x1] =	stream.indirect.gather [hbm4b:s4+s22], $0x80, s2, s22, $0xb8;
	[tilespmem:$0x18B00] =	vst v63  }
0x46: {  	_ =	swait.ge [sflag:s29], $0x2800  }
0x47: {  	[sflag:s29] =	ssyncset.done $0x0  }
0x48: {  	[sflag:s29] =	ssyncadd.s32 $0xFFFFD800  }
0x49: {  	[spmem:s1] =	stream.indirect.scatter.add.f32 [tilespmem:s26], [sflag:$0x3], $0x80, s25, s22, $0xb8;
	[tilespmem:$0x18B00] =	vst v63  }
0x4a: {  	s7 =	simm.s32 $0x28;
	_ =	swait.ge [sflag:s20], $0x2800  }
0x4b: {  	s3 =	simm.s32 $0x14;
	s0 =	sadd.s32 $0xA0, s16;
	[sflag:s20] =	ssyncset.done $0x0  }
.LBB2_2:
0x4c: {  	s10 =	sadd.s32 s3, s18  }
0x4d: {  	[sflag:s20] =	ssyncadd.s32 $0xFFFFD800;
	s11 =	smov.u32 s7;
	s9 =	sadd.s32 $0x14, s7  }
0x4e: {  	[tilespmem:s24], [sflag:$0x3] =	stream.linear.gather [hbm4b:s10+s2], $0x50, $0x38;
	[tilespmem:$0x18B00] =	vst v63  }
0x4f: {  	p1 =	sne.s32 s7, $0x4C4;
	_ =	swait.ge [sflag:s20], $0x50  }
0x50: {  	[sflag:s20] =	ssyncset.done $0x0  }
0x51: {  	s7 =	sadd.s32 s3, s17;
	s3 =	smov.u32 s11;
	[sflag:s20] =	ssyncadd.s32 $0xFFFFFFB0  }
0x52: {  	[tilespmem:s25], [sflag:$0x3] =	stream.linear.gather [hbm4b:s7+s2], $0x50, $0x38;
	[tilespmem:$0x18B00] =	vst v63  }
0x53: {  	_ =	swait.ge [sflag:s20], $0x50  }
0x54: {  	[sflag:s20] =	ssyncset.done $0x0  }
0x55: {  	[sflag:s20] =	ssyncadd.s32 $0xFFFFFFB0  }
0x56: {  	[tilespmem:s26], [sflag:$0x2] =	stream.indirect.gather [hbm4b:s4+s22], $0x80, s24, s22, $0xb8;
	[tilespmem:$0x18B00] =	vst v63  }
0x57: {  	_ =	swait.ge [sflag:s28], $0x2800  }
0x58: {  	[sflag:s28] =	ssyncset.done $0x0  }
0x59: {  	[sflag:s28] =	ssyncadd.s32 $0xFFFFD800  }
0x5a: {  	[spmem:s1] =	stream.indirect.scatter.add.f32 [tilespmem:s23], [sflag:$0x3], $0x80, s21, s22, $0xb8;
	[tilespmem:$0x18B00] =	vst v63  }
0x5b: {  	_ =	swait.ge [sflag:s20], $0x2800  }
0x5c: {  	s7 =	sshrl.u32 s0, $0x3;
	[sflag:s20] =	ssyncset.done $0x0  }
0x5d: {  	s10 =	sadd.s32 s5, s7;
	[sflag:s20] =	ssyncadd.s32 $0xFFFFD800  }
0x5e: {  	[tilespmem:s2], [sflag:$0x3] =	stream.linear.gather [hbm4b:s10+s2], $0x50, $0x38;
	[tilespmem:$0x18B00] =	vst v63  }
0x5f: {  	_ =	swait.ge [sflag:s20], $0x50  }
0x60: {  	[sflag:s20] =	ssyncset.done $0x0  }
0x61: {  	s7 =	sadd.s32 s6, s7;
	[sflag:s20] =	ssyncadd.s32 $0xFFFFFFB0  }
0x62: {  	[tilespmem:s21], [sflag:$0x3] =	stream.linear.gather [hbm4b:s7+s2], $0x50, $0x38;
	[tilespmem:$0x18B00] =	vst v63  }
0x63: {  	_ =	swait.ge [sflag:s20], $0x50  }
0x64: {  	[sflag:s20] =	ssyncset.done $0x0  }
0x65: {  	[sflag:s20] =	ssyncadd.s32 $0xFFFFFFB0  }
0x66: {  	[tilespmem:s23], [sflag:$0x1] =	stream.indirect.gather [hbm4b:s4+s22], $0x80, s2, s22, $0xb8;
	[tilespmem:$0x18B00] =	vst v63  }
0x67: {  	_ =	swait.ge [sflag:s29], $0x2800  }
.Ltmp0:
0x68: {  	[sflag:s29] =	ssyncset.done $0x0;
	(pc) =	sbr.rel @p1 .LBB2_2-.Ltmp0, $4  }
0x69: {  	[sflag:s29] =	ssyncadd.s32 $0xFFFFD800  }
0x6a: {  	[spmem:s1] =	stream.indirect.scatter.add.f32 [tilespmem:s26], [sflag:$0x3], $0x80, s25, s22, $0xb8;
	[tilespmem:$0x18B00] =	vst v63  }
0x6b: {  	_ =	swait.ge [sflag:s20], $0x2800  }
0x6c: {  	s0 =	sadd.s32 $0xA0, s0;
	s7 =	smov.u32 s9;
	[sflag:s20] =	ssyncset.done $0x0  }
0x6d: {  	s7 =	sadd.s32 s3, s18;
	[sflag:s20] =	ssyncadd.s32 $0xFFFFD800  }
0x6e: {  	[tilespmem:s24], [sflag:$0x3] =	stream.linear.gather [hbm4b:s7+s2], $0x50, $0x38;
	[tilespmem:$0x18B00] =	vst v63  }
0x6f: {  	_ =	swait.ge [sflag:s20], $0x50  }
0x70: {  	[sflag:s20] =	ssyncset.done $0x0  }
0x71: {  	s10 =	sadd.s32 s3, s17;
	[sflag:s20] =	ssyncadd.s32 $0xFFFFFFB0  }
0x72: {  	[tilespmem:s25], [sflag:$0x3] =	stream.linear.gather [hbm4b:s10+s2], $0x50, $0x38;
	[tilespmem:$0x18B00] =	vst v63  }
0x73: {  	_ =	swait.ge [sflag:s20], $0x50  }
0x74: {  	[sflag:s20] =	ssyncset.done $0x0  }
0x75: {  	[sflag:s20] =	ssyncadd.s32 $0xFFFFFFB0  }
0x76: {  	[tilespmem:s26], [sflag:$0x2] =	stream.indirect.gather [hbm4b:s4+s22], $0x80, s24, s22, $0xb8;
	[tilespmem:$0x18B00] =	vst v63  }
0x77: {  	_ =	swait.ge [sflag:s28], $0x2800  }
0x78: {  	[sflag:s28] =	ssyncset.done $0x0  }
0x79: {  	[sflag:s28] =	ssyncadd.s32 $0xFFFFD800  }
0x7a: {  	[spmem:s1] =	stream.indirect.scatter.add.f32 [tilespmem:s23], [sflag:$0x3], $0x80, s21, s22, $0xb8;
	[tilespmem:$0x18B00] =	vst v63  }
0x7b: {  	_ =	swait.ge [sflag:s20], $0x2800  }
0x7c: {  	s0 =	sshrl.u32 s0, $0x3;
	[sflag:s20] =	ssyncset.done $0x0  }
0x7d: {  	s11 =	sadd.s32 s5, s0;
	[sflag:s20] =	ssyncadd.s32 $0xFFFFD800  }
0x7e: {  	[tilespmem:s2], [sflag:$0x3] =	stream.linear.gather [hbm4b:s11+s2], $0x50, $0x38;
	[tilespmem:$0x18B00] =	vst v63  }
0x7f: {  	_ =	swait.ge [sflag:s20], $0x50  }
0x80: {  	[sflag:s20] =	ssyncset.done $0x0  }
0x81: {  	s0 =	sadd.s32 s6, s0;
	[sflag:s20] =	ssyncadd.s32 $0xFFFFFFB0  }
0x82: {  	[tilespmem:s21], [sflag:$0x3] =	stream.linear.gather [hbm4b:s0+s2], $0x50, $0x38;
	[tilespmem:$0x18B00] =	vst v63  }
0x83: {  	_ =	swait.ge [sflag:s20], $0x50  }
0x84: {  	[sflag:s20] =	ssyncset.done $0x0  }
0x85: {  	[sflag:s20] =	ssyncadd.s32 $0xFFFFFFB0  }
0x86: {  	[tilespmem:s23], [sflag:$0x1] =	stream.indirect.gather [hbm4b:s4+s22], $0x80, s2, s22, $0xb8;
	[tilespmem:$0x18B00] =	vst v63  }
0x87: {  	_ =	swait.ge [sflag:s29], $0x2800  }
0x88: {  	[sflag:s29] =	ssyncset.done $0x0  }
0x89: {  	[sflag:s29] =	ssyncadd.s32 $0xFFFFD800  }
0x8a: {  	[spmem:s1] =	stream.indirect.scatter.add.f32 [tilespmem:s26], [sflag:$0x3], $0x80, s25, s22, $0xb8;
	[tilespmem:$0x18B00] =	vst v63  }
0x8b: {  	_ =	swait.ge [sflag:s20], $0x2800  }
0x8c: {  	[sflag:s20] =	ssyncset.done $0x0  }
0x8d: {  	[sflag:s20] =	ssyncadd.s32 $0xFFFFD800  }
0x8e: {  	_ =	swait.ge [sflag:s28], $0x2800  }
0x8f: {  	[sflag:s28] =	ssyncset.done $0x0  }
0x90: {  	[sflag:s28] =	ssyncadd.s32 $0xFFFFD800  }
0x91: {  	[spmem:s1] =	stream.indirect.scatter.add.f32 [tilespmem:s23], [sflag:$0x3], $0x80, s21, s22, $0xb8;
	[tilespmem:$0x18B00] =	vst v63  }
0x92: {  	_ =	swait.ge [sflag:s20], $0x2800  }
0x93: {  	[sflag:s20] =	ssyncset.done $0x0  }
0x94: {  	[sflag:s20] =	ssyncadd.s32 $0xFFFFD800  }
0x95: {  	[bflag:$0x0] =	sbarrier.arrive $0xFFFF  }
0x96: {  	[hbm:s13], [sflag:s8] =	dma.local [spmem:s19], $0x2700  }
0x97: {  	s30 =	sadd.s32 $0x1, s30;
	_ =	swait.ge [sflag:s20], $0x2700  }
0x98: {  	p1 =	sne.s32 s30, s15;
	[sflag:s20] =	ssyncset.done $0x0  }
.Ltmp1:
0x99: {  	s0 =	simm.s32 @!p0 $0x3;
	[sflag:s20] =	ssyncadd.s32 $0xFFFFD900;
	(pc) =	sbr.rel @p1 .LBB2_1-.Ltmp1, $4  }
0x9a: {  	[hbm:s14], [sflag:s8] =	dma.local @!p0 [spmem:s31], $0x100  }
0x9b: {  	_ =	swait.ge @!p0 [sflag:s0], $0x100  }
0x9c: {  	[sflag:s0] =	ssyncset.done @!p0 $0x0  }
0x9d: {  	[sflag:s0] =	ssyncadd.s32 @!p0 $0xFFFFFF00  }
0x9e: {  	_ =	sfence.sel $0x180000  }
0x9f: {  	[bflag:$0x0] =	sbarrier.arrive $0xFFFF  }
0xa0: {  	_ =	strace $0x90000050  }
0xa1: {  	s0 =	stileid.u32;
	[bflag:$0x2] =	sbarrier.arrive $0xFFFF  }
0xa2: {  	p0 =	sne.s32 s0, $0x0;
	s0 =	rddreg [dreg:$0x3]  }
0xa3: {  	s0 =	sadd.s32 @!p0 $0x100000, s0  }
0xa4: {  	[sflag:s0] =	ssyncadd.tile.s32 @!p0 $0x1;
	_ =	shalt  }
.Lfunc_end2:
_tile_overlayer_lowered:
.L_overlay_start_2:
0xa5: {  	(tag) =	ssettag $0x2  }
0xa6: {  	s0 =	rddreg [dreg:$0x0];
	s2 =	stileid.u32  }
0xa7: {  	s1 =	rddreg [dreg:$0x1];
	p0 =	sne.s32 s2, $0x0  }
0xa8: {  	s3 =	rddreg [dreg:$0x2];
	[bflag:$0x3] =	sbarrier.arrive $0xFFFF;
	s2 =	simm.s32 @!p0 $0x1C03  }
0xa9: {  	[timem:s3], [sflag:s2] =	dma.local @!p0 [hbm:s0], s1  }
0xaa: {  	s0 =	simm.s32 @!p0 $0x3  }
0xab: {  	_ =	swait.ge @!p0 [sflag:s0], s1  }
0xac: {  	s1 =	ssub.s32 @!p0 $0x0, s1;
	[sflag:s0] =	ssyncset.done @!p0 $0x0  }
0xad: {  	[sflag:s0] =	ssyncadd.s32 @!p0 s1  }
0xae: {  	[bflag:$0x3] =	sbarrier.arrive $0xFFFF  }
0xaf: {  	_ =	shalt  }

// kernel: kernel.26.cloned.1.call-start
scs
__scs_entry_jumppad:
0x0: {  	(pc) =	sbr.rel $0x88, $3  }
0x1: {  	(tag) =	ssettag $0x0;
	lr =	simm.s32 $0x1  }
0x2: {  	[smem:$0x3F93] =	sst lr;
	_ =	strace $0xD0000000  }
0x3: {  	_ = 	snop  }
0x4: {  	_ = 	snop  }
0x5: {  	_ = 	snop  }
0x6: {  	_ = 	snop  }
0x7: {  	_ = 	snop  }
__scs_overlays_trampoline_lowered:
0x8: {  	[smem:$0x3FA2] =	sst s0  }
0x9: {  	[smem:$0x3FA3] =	sst s1  }
0xa: {  	[smem:$0x3FA4] =	sst s2  }
0xb: {  	[smem:$0x3FA5] =	sst s3  }
0xc: {  	[smem:$0x3FA6] =	sst s4  }
0xd: {  	[smem:$0x3FA7] =	sst s5  }
0xe: {  	[smem:$0x3FA8] =	sst s6  }
0xf: {  	[smem:$0x3FA9] =	sst s7  }
0x10: {  	[smem:$0x3FAA] =	sst s8  }
0x11: {  	[smem:$0x3FAB] =	sst s9;
	s0 =	simm.s32 @!p0 $0x0  }
0x12: {  	s1 =	sld [smem:$0x3F91];
	s0 =	simm.s32 @p0 $0x1  }
0x13: {  	[smem:$0x3FAC] =	sst s0;
	s0 =	simm.s32 @!p1 $0x0  }
0x14: {  	s2 =	sld [smem:$0x3F90];
	s0 =	simm.s32 @p1 $0x1  }
0x15: {  	[smem:$0x3FAD] =	sst s0;
	s0 =	simm.s32 @!p2 $0x0  }
0x16: {  	s3 =	sld [smem:$0x3FDB];
	s0 =	simm.s32 @p2 $0x1  }
0x17: {  	s4 =	simm.s32 $0x1BF5;
	[smem:$0x3FAF] =	sst s0  }
0x18: {  	s0 =	sld [smem:$0x3F92];
	_ =	swait.ge [sflag:s4], $0x0  }
0x19: {  	s7 =	sld [smem:$0x3F93]  }
0x1a: {  	s8 =	sadd.s32 $0xFFFFE003, lr  }
0x1b: {  	s9 =	sadd.s32 $0xFFFFFEF7, lr;
	s5 =	simm.s32 $0xFFFFFFFF;
	p2 =	slt.u32 s8, $0xFFFFF086  }
0x1c: {  	p1 =	slt.u32 s9, $0xF7A;
	s5 =	simm.s32 @!p2 $0x0  }
0x1d: {  	s5 =	simm.s32 @p1 $0x1;
	p0 =	seq.s32 s7, s2  }
0x1e: {  	s7 =	smul.u32 @!p0 $0xF7A, s2;
	p2 =	seq.s32 @!p0 s5, $0x0  }
0x1f: {  	s9 =	smul.u32 $0xF7A, s1;
	s8 =	simm.s32 @!p0 $0x1BF5;
	p2 =	por !p2, p0  }
0x20: {  	[sflag:s8] =	ssyncset.s32 @!p0 $0xFFFFF086;
	s6 =	sadd.s32 @!p0 s3, s7;
	s7 =	simm.s32 @!p0 $0x108  }
0x21: {  	s3 =	sadd.s32 s3, s9;
	s6 =	sadd.s32 @!p0 $0x88, s6;
	s7 =	simm.s32 @p2 $0x1082  }
0x22: {  	[simem:s7], [sflag:s8] =	dma.local @!p0 [hbm:s6], $0xF7A  }
0x23: {  	s9 =	sor.u32 $0xD0000000, s2;
	s6 =	simm.s32 $0x108;
	_ =	swait.ge @!p0 [sflag:s8], $0x0  }
0x24: {  	s3 =	sadd.s32 $0x88, s3;
	s6 =	simm.s32 @!p1 $0x1082;
	[sflag:s4] =	ssyncset.s32 $0xFFFFF086  }
0x25: {  	[simem:s6], [sflag:s4] =	dma.local [hbm:s3], $0xF7A  }
0x26: {  	[smem:$0x3F93] =	sst s1;
	(tag) =	ssettag s2;
	_ =	strace s9  }
0x27: {  	s1 =	sld [smem:$0x3FA3]  }
0x28: {  	s2 =	sld [smem:$0x3FA4]  }
0x29: {  	s4 =	sld [smem:$0x3FA6]  }
0x2a: {  	p0 =	seq.s32 s5, $0x0;
	s5 =	sld [smem:$0x3FA7]  }
0x2b: {  	s6 =	sld [smem:$0x3FA8]  }
0x2c: {  	s7 =	sld [smem:$0x3FA9]  }
0x2d: {  	s3 =	simm.s32 $0x108;
	s8 =	sld [smem:$0x3FAA]  }
0x2e: {  	s3 =	simm.s32 @!p0 $0x1082;
	s9 =	sld [smem:$0x3FAB]  }
0x2f: {  	lr =	sadd.s32 s0, s3;
	s0 =	sld [smem:$0x3FA2]  }
0x30: {  	s3 =	sld [smem:$0x3FA5]  }
0x31: {  	[smem:$0x3FAE] =	sst s10  }
0x32: {  	s10 =	sld [smem:$0x3FAC];
	_ =	sdelay $0x3  }
0x33: {  	p0 =	seq.s32 s10, $0x1;
	s10 =	sld [smem:$0x3FAE];
	_ =	sdelay $0x3  }
0x34: {  	[smem:$0x3FAE] =	sst s10  }
0x35: {  	s10 =	sld [smem:$0x3FAD];
	_ =	sdelay $0x3  }
0x36: {  	p1 =	seq.s32 s10, $0x1;
	s10 =	sld [smem:$0x3FAE];
	_ =	sdelay $0x3  }
0x37: {  	[smem:$0x3FAE] =	sst s10  }
0x38: {  	s10 =	sld [smem:$0x3FAF]  }
0x39: {  	_ = 	snop;
	(pc) =	sbr.ind lr, $3  }
0x3a: {  	_ = 	snop  }
0x3b: {  	_ = 	snop  }
0x3c: {  	p2 =	seq.s32 s10, $0x1;
	s10 =	sld [smem:$0x3FAE]  }
0x3d: {  	_ =	shalt  }
0x3e: {  	_ =	shalt  }
0x3f: {  	_ =	shalt  }
0x40: {  	_ =	shalt  }
0x41: {  	_ =	shalt  }
0x42: {  	_ =	shalt  }
0x43: {  	_ =	shalt  }
0x44: {  	_ =	shalt  }
0x45: {  	_ =	shalt  }
0x46: {  	_ =	shalt  }
0x47: {  	_ =	shalt  }
0x48: {  	_ =	shalt  }
0x49: {  	_ =	shalt  }
0x4a: {  	_ =	shalt  }
0x4b: {  	_ =	shalt  }
0x4c: {  	_ =	shalt  }
0x4d: {  	_ =	shalt  }
0x4e: {  	_ =	shalt  }
0x4f: {  	_ =	shalt  }
0x50: {  	_ =	shalt  }
0x51: {  	_ =	shalt  }
0x52: {  	_ =	shalt  }
0x53: {  	_ =	shalt  }
0x54: {  	_ =	shalt  }
0x55: {  	_ =	shalt  }
0x56: {  	_ =	shalt  }
0x57: {  	_ =	shalt  }
0x58: {  	_ =	shalt  }
0x59: {  	_ =	shalt  }
0x5a: {  	_ =	shalt  }
0x5b: {  	_ =	shalt  }
0x5c: {  	_ =	shalt  }
0x5d: {  	_ =	shalt  }
0x5e: {  	_ =	shalt  }
0x5f: {  	_ =	shalt  }
0x60: {  	_ =	shalt  }
0x61: {  	_ =	shalt  }
0x62: {  	_ =	shalt  }
0x63: {  	_ =	shalt  }
0x64: {  	_ =	shalt  }
0x65: {  	_ =	shalt  }
0x66: {  	_ =	shalt  }
0x67: {  	_ =	shalt  }
0x68: {  	_ =	shalt  }
0x69: {  	_ =	shalt  }
0x6a: {  	_ =	shalt  }
0x6b: {  	_ =	shalt  }
0x6c: {  	_ =	shalt  }
0x6d: {  	_ =	shalt  }
0x6e: {  	_ =	shalt  }
0x6f: {  	_ =	shalt  }
0x70: {  	_ =	shalt  }
0x71: {  	_ =	shalt  }
0x72: {  	_ =	shalt  }
0x73: {  	_ =	shalt  }
0x74: {  	_ =	shalt  }
0x75: {  	_ =	shalt  }
0x76: {  	_ =	shalt  }
0x77: {  	_ =	shalt  }
0x78: {  	_ =	shalt  }
0x79: {  	_ =	shalt  }
0x7a: {  	_ =	shalt  }
0x7b: {  	_ =	shalt  }
0x7c: {  	_ =	shalt  }
0x7d: {  	_ =	shalt  }
0x7e: {  	_ =	shalt  }
0x7f: {  	_ =	shalt  }
0x80: {  	_ =	shalt  }
0x81: {  	_ =	shalt  }
0x82: {  	_ =	shalt  }
0x83: {  	_ =	shalt  }
0x84: {  	_ =	shalt  }
0x85: {  	_ =	shalt  }
0x86: {  	_ =	shalt  }
0x87: {  	_ =	shalt  }
.Lfunc_end0:
.L_simem_size_0:
called_computation.4_lowered:
.L_overlay_start_0:
0x88: {  	s2 =	sld [smem:$0x3FD9]  }
0x89: {  	s3 =	sld [smem:$0x3FFE];
	_ =	sdelay $0x1  }
0x8a: {  	s1 =	srdreg.scid  }
0x8b: {  	s0 =	sand.u32 $0x1, s1  }
0x8c: {  	s17 =	sshll.u32 s0, $0xA;
	s2 =	sadd.s32 s3, s2  }
0x8d: {  	s2 =	sadd.s32 s2, s17  }
0x8e: {  	[smem:$0x3FBA] =	sst s2  }
0x8f: {  	_ = 	snop  }
0x90: {  	s2 =	sld [smem:$0x3FD0];
	(tm) =	ssettm $0x1  }
0x91: {  	s18 =	sld [smem:$0x3FFB];
	_ =	sdelay $0x3  }
0x92: {  	_ =	strace s18  }
0x93: {  	s3 =	sld [smem:$0x3FFC];
	_ =	sdelay $0x3  }
0x94: {  	_ =	strace s3  }
0x95: {  	s3 =	sld [smem:$0x3FFD];
	_ =	sdelay $0x3  }
0x96: {  	_ =	strace s3  }
0x97: {  	_ =	strace $0x8FFFFFFF  }
0x98: {  	s19 =	sld [smem:$0x3FDB];
	_ =	sdelay $0x1  }
0x99: {  	s4 =	simm.s32 $_scs_section_size  }
0x9a: {  	s5 =	simm.s32 $_size__tile_overlayer_lowered;
	s6 =	simm.s32 $_tile_overlayer_lowered  }
0x9b: {  	s22 =	simm.s32 $0x1BFF;
	s21 =	sshll.u32 s6, $0x1;
	s3 =	sadd.s32 s4, s19  }
0x9c: {  	s7 =	simm.s32 $0x0;
	s20 =	sshll.u32 s5, $0x1;
	s5 =	sadd.s32 s21, s3  }
0x9d: {  	[timem:s7], [sflag:s22] =	dma.local [hbm:s5], s20  }
0x9e: {  	_ =	swait.ge [sflag:s22], s20  }
0x9f: {  	s4 =	ssub.s32 $0x0, s20;
	[sflag:s22] =	ssyncset.done $0x0  }
0xa0: {  	[sflag:s22] =	ssyncadd.s32 s4;
	_ =	sdelay $0x1  }
0xa1: {  	s23 =	simm.s32 $0x1B8B  }
0xa2: {  	_ =	swait.ge [sflag:s23], $0x1  }
0xa3: {  	[sflag:s23] =	ssyncset.done $0x0  }
0xa4: {  	s25 =	simm.s32 $0x1B8E;
	s24 =	sld [smem:$0x3FFE];
	[sflag:s23] =	ssyncadd.s32 $0xFFFFFFFF  }
0xa5: {  	s26 =	simm.s32 $execute0_lowered;
	[smem:$0x3FD2] =	sst s25  }
0xa6: {  	s5 =	sshll.u32 s26, $0x1;
	_ =	strace $0x80000052;
	[dreg:$0x1] =	wrdreg $0xFFFFFFFF  }
0xa7: {  	s28 =	simm.s32 $_size_execute0_lowered;
	s3 =	sadd.s32 s3, s5;
	[dreg:$0x0] =	wrdreg $0x0  }
0xa8: {  	s5 =	sshll.u32 s28, $0x1;
	[dreg:$0x2] =	wrdreg s3  }
0xa9: {  	[dreg:$0x3] =	wrdreg s5  }
0xaa: {  	[dreg:$0x4] =	wrdreg $0xC0  }
0xab: {  	_ =	task [dreg:s7], $0x5FFFF  }
0xac: {  	[dreg:$0x1] =	wrdreg $0xFFFFFFFF  }
0xad: {  	[dreg:$0x0] =	wrdreg $0x60  }
0xae: {  	[dreg:$0x2] =	wrdreg s24  }
0xaf: {  	[dreg:$0x3] =	wrdreg s2  }
0xb0: {  	[dreg:$0x4] =	wrdreg $0x52000  }
0xb1: {  	[dreg:$0x5] =	wrdreg $0x9  }
0xb2: {  	_ =	task.clear_ibuf [dreg:s7], $0x6FFFF;
	_ =	strace $0x90000052  }
0xb3: {  	s29 =	simm.s32 $0x9;
	_ =	strace $0x80000054  }
0xb4: {  	_ =	swait.ge [sflag:s29], $0x1  }
0xb5: {  	[sflag:s29] =	ssyncadd.s32 $0xFFFFFFFF  }
0xb6: {  	_ =	strace $0x90000054  }
0xb7: {  	_ =	sfence  }
0xb8: {  	s30 =	sld [smem:$0x0];
	_ =	sdelay $0x2  }
0xb9: {  	s31 =	sshll.u32 s1, $0xD;
	s1 =	sshrl.u32 s1, $0x2  }
0xba: {  	s3 =	sand.u32 $0x4000, s31;
	s1 =	sadd.s32 s1, s30  }
0xbb: {  	s0 =	sor.u32 s3, s0;
	s1 =	sshll.u32 s1, $0x11  }
0xbc: {  	s0 =	sor.u32 s1, s0  }
0xbd: {  	s0 =	sadd.s32 $0x8F2B, s0  }
0xbe: {  	[sflag:s0] =	ssyncadd.remote.s32 $0x1  }
0xbf: {  	_ =	sfence.sel $0xFFFF  }
0xc0: {  	[dreg:$0x0] =	wrdreg $0xFFFFFFFF;
	(pc) =	sbr.abs _section_cstart, $3  }
0xc1: {  	[dreg:$0x1] =	wrdreg $0xFFFFFFFF  }
0xc2: {  	_ =	task.clear_ibuf [dreg:s7], $0x2FFFF;
	_ =	strace $0x9FFFFFFF  }
0xc3: {  	(tm) =	ssettm $0x7FFFFFFF  }
tec
execute0_lowered:
.L_overlay_start_1:
0x0: {  	(tag) =	ssettag $0x1  }
0x1: {  	s0 =	rddreg [dreg:$0x0]  }
0x2: {  	s3 =	rddreg [dreg:$0x1]  }
0x3: {  	s1 =	rddreg [dreg:$0x2];
	s2 =	simm.s32 $0x0;
	s20 =	stileid.u32  }
0x4: {  	s7 =	srdreg.scid;
	s28 =	simm.s32 $0x1;
	s29 =	simm.s32 $0x2  }
0x5: {  	s30 =	simm.s32 $0x0;
	[smem:$0x7FF] =	sst s2;
	s4 =	sadd.s32 $0x18800, s0  }
0x6: {  	s5 =	sadd.s32 $0xEA00, s0;
	s6 =	sadd.s32 $0x4C00, s0;
	s9 =	smul.u32 $0x2700, s20  }
0x7: {  	s7 =	sand.u32 $0x1, s7;
	s10 =	smul.u32 $0x4E000, s20;
	s14 =	sshll.u32 s20, $0x6  }
0x8: {  	s18 =	sadd.s32 $0x138000, s1;
	p0 =	sne.s32 s20, $0xF;
	_ =	strace $0x80000053  }
0x9: {  	s8 =	ssub.s32 $0x2, s7;
	s11 =	sshll.u32 s7, $0x4;
	s16 =	smul.u32 $0x27100, s7  }
0xa: {  	s7 =	smul.u32 $0x138800, s7;
	[dreg:$0x5] =	wrdreg s18;
	s12 =	sadd.s32 s9, s0  }
0xb: {  	s13 =	sshrl.u32 s8, $0x1;
	s11 =	sor.u32 s20, s11;
	s10 =	sshrl.u32 s10, $0x2  }
0xc: {  	s0 =	sadd.s32 $0x66A00, s0;
	s15 =	ssub.s32 s8, s13;
	s13 =	smul.u32 $0x2710, s11  }
0xd: {  	s19 =	sadd.s32 s10, s1;
	s17 =	sadd.s32 $0x3FA00, s12;
	s8 =	sor.u32 $0x1C03, s14  }
0xe: {  	s14 =	smul.u32 $0x2710, s20;
	[dreg:$0x6] =	wrdreg s0;
	s23 =	sadd.s32 s9, s16  }
0xf: {  	s7 =	sshrl.u32 s7, $0x3;
	s20 =	simm.s32 $0x3;
	[dreg:$0x4] =	wrdreg s17  }
0x10: {  	s25 =	sadd.s32 s3, s7;
	s15 =	smax.u32 s15, $0x1;
	s19 =	sshrl.u32 s19, $0x3  }
0x11: {  	s21 =	sshrl.u32 s13, $0x3;
	s24 =	sadd.s32 s14, s16;
	s13 =	sadd.s32 s3, s23  }
0x12: {  	s14 =	sadd.s32 $0x27000, s25;
	s23 =	simm.s32 $0x200;
	s25 =	simm.s32 $0x180  }
0x13: {  	s22 =	sadd.s32 s5, s21;
	s12 =	sadd.s32 s6, s21;
	s26 =	sadd.s32 $0x50, s24  }
0x14: {  	s16 =	sadd.s32 $0xA0, s24;
	s21 =	simm.s32 $0x100;
	s24 =	simm.s32 $0x80  }
0x15: {  	[dreg:$0x7] =	wrdreg s22;
	s31 =	sshrl.u32 s26, $0x3;
	s22 =	simm.s32 $0x50  }
0x16: {  	s26 =	simm.s32 $0x2A00;
	s17 =	sadd.s32 s31, s6;
	s18 =	sadd.s32 s31, s5  }
.LBB2_1:
0x17: {  	s0 =	rddreg [dreg:$0x4]  }
0x18: {  	[spmem:s19], [sflag:s8] =	dma.local [hbm:s0], $0x2700  }
0x19: {  	_ =	swait.ge [sflag:s20], $0x2700  }
0x1a: {  	[sflag:s20] =	ssyncset.done $0x0;
	s0 =	rddreg [dreg:$0x5]  }
0x1b: {  	[sflag:s20] =	ssyncadd.s32 $0xFFFFD900;
	s31 =	sshrl.u32 @!p0 s0, $0x3;
	s0 =	rddreg [dreg:$0x6]  }
0x1c: {  	[spmem:s31], [sflag:s8] =	dma.local @!p0 [hbm:s0], $0x100  }
0x1d: {  	s0 =	simm.s32 @!p0 $0x3  }
0x1e: {  	_ =	swait.ge @!p0 [sflag:s0], $0x100  }
0x1f: {  	[sflag:s0] =	ssyncset.done @!p0 $0x0  }
0x20: {  	[sflag:s0] =	ssyncadd.s32 @!p0 $0xFFFFFF00  }
0x21: {  	[bflag:$0x0] =	sbarrier.arrive $0xFFFF  }
0x22: {  	s7 =	rddreg [dreg:$0x7]  }
0x23: {  	[tilespmem:s2], [sflag:$0x3] =	stream.linear.gather [hbm4b:s7+s2], $0x50, $0x38;
	[tilespmem:$0x18B00] =	vst v63  }
0x24: {  	_ =	swait.ge [sflag:s20], $0x50  }
0x25: {  	[sflag:s20] =	ssyncset.done $0x0  }
0x26: {  	[sflag:s20] =	ssyncadd.s32 $0xFFFFFFB0  }
0x27: {  	[tilespmem:s21], [sflag:$0x3] =	stream.linear.gather [hbm4b:s12+s2], $0x50, $0x38;
	[tilespmem:$0x18B00] =	vst v63  }
0x28: {  	_ =	swait.ge [sflag:s20], $0x50  }
0x29: {  	[sflag:s20] =	ssyncset.done $0x0  }
0x2a: {  	[sflag:s20] =	ssyncadd.s32 $0xFFFFFFB0  }
0x2b: {  	[tilespmem:s23], [sflag:$0x1] =	stream.indirect.gather [hbm4b:s4+s22], $0x80, s2, s22, $0xb8;
	[tilespmem:$0x18B00] =	vst v63  }
0x2c: {  	s9 =	sadd.s32 $0x0, s18  }
0x2d: {  	[tilespmem:s24], [sflag:$0x3] =	stream.linear.gather [hbm4b:s9+s2], $0x50, $0x38;
	[tilespmem:$0x18B00] =	vst v63  }
0x2e: {  	_ =	swait.ge [sflag:s20], $0x50  }
0x2f: {  	[sflag:s20] =	ssyncset.done $0x0  }
0x30: {  	s10 =	sadd.s32 $0x0, s17;
	[sflag:s20] =	ssyncadd.s32 $0xFFFFFFB0  }
0x31: {  	[tilespmem:s25], [sflag:$0x3] =	stream.linear.gather [hbm4b:s10+s2], $0x50, $0x38;
	[tilespmem:$0x18B00] =	vst v63  }
0x32: {  	_ =	swait.ge [sflag:s20], $0x50  }
0x33: {  	[sflag:s20] =	ssyncset.done $0x0  }
0x34: {  	[sflag:s20] =	ssyncadd.s32 $0xFFFFFFB0  }
0x35: {  	[tilespmem:s26], [sflag:$0x2] =	stream.indirect.gather [hbm4b:s4+s22], $0x80, s24, s22, $0xb8;
	[tilespmem:$0x18B00] =	vst v63  }
0x36: {  	_ =	swait.ge [sflag:s28], $0x2800  }
0x37: {  	[sflag:s28] =	ssyncset.done $0x0  }
0x38: {  	[sflag:s28] =	ssyncadd.s32 $0xFFFFD800  }
0x39: {  	[spmem:s1] =	stream.indirect.scatter.add.f32 [tilespmem:s23], [sflag:$0x3], $0x80, s21, s22, $0xb8;
	[tilespmem:$0x18B00] =	vst v63  }
0x3a: {  	_ =	swait.ge [sflag:s20], $0x2800  }
0x3b: {  	s11 =	sshrl.u32 s16, $0x3;
	[sflag:s20] =	ssyncset.done $0x0  }
0x3c: {  	s3 =	sadd.s32 s5, s11;
	[sflag:s20] =	ssyncadd.s32 $0xFFFFD800  }
0x3d: {  	[tilespmem:s2], [sflag:$0x3] =	stream.linear.gather [hbm4b:s3+s2], $0x50, $0x38;
	[tilespmem:$0x18B00] =	vst v63  }
0x3e: {  	_ =	swait.ge [sflag:s20], $0x50  }
0x3f: {  	[sflag:s20] =	ssyncset.done $0x0  }
0x40: {  	s0 =	sadd.s32 s6, s11;
	[sflag:s20] =	ssyncadd.s32 $0xFFFFFFB0  }
0x41: {  	[tilespmem:s21], [sflag:$0x3] =	stream.linear.gather [hbm4b:s0+s2], $0x50, $0x38;
	[tilespmem:$0x18B00] =	vst v63  }
0x42: {  	_ =	swait.ge [sflag:s20], $0x50  }
0x43: {  	[sflag:s20] =	ssyncset.done $0x0  }
0x44: {  	[sflag:s20] =	ssyncadd.s32 $0xFFFFFFB0  }
0x45: {  	[tilespmem:s23], [sflag:$0x1] =	stream.indirect.gather [hbm4b:s4+s22], $0x80, s2, s22, $0xb8;
	[tilespmem:$0x18B00] =	vst v63  }
0x46: {  	_ =	swait.ge [sflag:s29], $0x2800  }
0x47: {  	[sflag:s29] =	ssyncset.done $0x0  }
0x48: {  	[sflag:s29] =	ssyncadd.s32 $0xFFFFD800  }
0x49: {  	[spmem:s1] =	stream.indirect.scatter.add.f32 [tilespmem:s26], [sflag:$0x3], $0x80, s25, s22, $0xb8;
	[tilespmem:$0x18B00] =	vst v63  }
0x4a: {  	s7 =	simm.s32 $0x28;
	_ =	swait.ge [sflag:s20], $0x2800  }
0x4b: {  	s3 =	simm.s32 $0x14;
	s0 =	sadd.s32 $0xA0, s16;
	[sflag:s20] =	ssyncset.done $0x0  }
.LBB2_2:
0x4c: {  	s10 =	sadd.s32 s3, s18  }
0x4d: {  	[sflag:s20] =	ssyncadd.s32 $0xFFFFD800;
	s11 =	smov.u32 s7;
	s9 =	sadd.s32 $0x14, s7  }
0x4e: {  	[tilespmem:s24], [sflag:$0x3] =	stream.linear.gather [hbm4b:s10+s2], $0x50, $0x38;
	[tilespmem:$0x18B00] =	vst v63  }
0x4f: {  	p1 =	sne.s32 s7, $0x4C4;
	_ =	swait.ge [sflag:s20], $0x50  }
0x50: {  	[sflag:s20] =	ssyncset.done $0x0  }
0x51: {  	s7 =	sadd.s32 s3, s17;
	s3 =	smov.u32 s11;
	[sflag:s20] =	ssyncadd.s32 $0xFFFFFFB0  }
0x52: {  	[tilespmem:s25], [sflag:$0x3] =	stream.linear.gather [hbm4b:s7+s2], $0x50, $0x38;
	[tilespmem:$0x18B00] =	vst v63  }
0x53: {  	_ =	swait.ge [sflag:s20], $0x50  }
0x54: {  	[sflag:s20] =	ssyncset.done $0x0  }
0x55: {  	[sflag:s20] =	ssyncadd.s32 $0xFFFFFFB0  }
0x56: {  	[tilespmem:s26], [sflag:$0x2] =	stream.indirect.gather [hbm4b:s4+s22], $0x80, s24, s22, $0xb8;
	[tilespmem:$0x18B00] =	vst v63  }
0x57: {  	_ =	swait.ge [sflag:s28], $0x2800  }
0x58: {  	[sflag:s28] =	ssyncset.done $0x0  }
0x59: {  	[sflag:s28] =	ssyncadd.s32 $0xFFFFD800  }
0x5a: {  	[spmem:s1] =	stream.indirect.scatter.add.f32 [tilespmem:s23], [sflag:$0x3], $0x80, s21, s22, $0xb8;
	[tilespmem:$0x18B00] =	vst v63  }
0x5b: {  	_ =	swait.ge [sflag:s20], $0x2800  }
0x5c: {  	s7 =	sshrl.u32 s0, $0x3;
	[sflag:s20] =	ssyncset.done $0x0  }
0x5d: {  	s10 =	sadd.s32 s5, s7;
	[sflag:s20] =	ssyncadd.s32 $0xFFFFD800  }
0x5e: {  	[tilespmem:s2], [sflag:$0x3] =	stream.linear.gather [hbm4b:s10+s2], $0x50, $0x38;
	[tilespmem:$0x18B00] =	vst v63  }
0x5f: {  	_ =	swait.ge [sflag:s20], $0x50  }
0x60: {  	[sflag:s20] =	ssyncset.done $0x0  }
0x61: {  	s7 =	sadd.s32 s6, s7;
	[sflag:s20] =	ssyncadd.s32 $0xFFFFFFB0  }
0x62: {  	[tilespmem:s21], [sflag:$0x3] =	stream.linear.gather [hbm4b:s7+s2], $0x50, $0x38;
	[tilespmem:$0x18B00] =	vst v63  }
0x63: {  	_ =	swait.ge [sflag:s20], $0x50  }
0x64: {  	[sflag:s20] =	ssyncset.done $0x0  }
0x65: {  	[sflag:s20] =	ssyncadd.s32 $0xFFFFFFB0  }
0x66: {  	[tilespmem:s23], [sflag:$0x1] =	stream.indirect.gather [hbm4b:s4+s22], $0x80, s2, s22, $0xb8;
	[tilespmem:$0x18B00] =	vst v63  }
0x67: {  	_ =	swait.ge [sflag:s29], $0x2800  }
.Ltmp0:
0x68: {  	[sflag:s29] =	ssyncset.done $0x0;
	(pc) =	sbr.rel @p1 .LBB2_2-.Ltmp0, $4  }
0x69: {  	[sflag:s29] =	ssyncadd.s32 $0xFFFFD800  }
0x6a: {  	[spmem:s1] =	stream.indirect.scatter.add.f32 [tilespmem:s26], [sflag:$0x3], $0x80, s25, s22, $0xb8;
	[tilespmem:$0x18B00] =	vst v63  }
0x6b: {  	_ =	swait.ge [sflag:s20], $0x2800  }
0x6c: {  	s0 =	sadd.s32 $0xA0, s0;
	s7 =	smov.u32 s9;
	[sflag:s20] =	ssyncset.done $0x0  }
0x6d: {  	s7 =	sadd.s32 s3, s18;
	[sflag:s20] =	ssyncadd.s32 $0xFFFFD800  }
0x6e: {  	[tilespmem:s24], [sflag:$0x3] =	stream.linear.gather [hbm4b:s7+s2], $0x50, $0x38;
	[tilespmem:$0x18B00] =	vst v63  }
0x6f: {  	_ =	swait.ge [sflag:s20], $0x50  }
0x70: {  	[sflag:s20] =	ssyncset.done $0x0  }
0x71: {  	s10 =	sadd.s32 s3, s17;
	[sflag:s20] =	ssyncadd.s32 $0xFFFFFFB0  }
0x72: {  	[tilespmem:s25], [sflag:$0x3] =	stream.linear.gather [hbm4b:s10+s2], $0x50, $0x38;
	[tilespmem:$0x18B00] =	vst v63  }
0x73: {  	_ =	swait.ge [sflag:s20], $0x50  }
0x74: {  	[sflag:s20] =	ssyncset.done $0x0  }
0x75: {  	[sflag:s20] =	ssyncadd.s32 $0xFFFFFFB0  }
0x76: {  	[tilespmem:s26], [sflag:$0x2] =	stream.indirect.gather [hbm4b:s4+s22], $0x80, s24, s22, $0xb8;
	[tilespmem:$0x18B00] =	vst v63  }
0x77: {  	_ =	swait.ge [sflag:s28], $0x2800  }
0x78: {  	[sflag:s28] =	ssyncset.done $0x0  }
0x79: {  	[sflag:s28] =	ssyncadd.s32 $0xFFFFD800  }
0x7a: {  	[spmem:s1] =	stream.indirect.scatter.add.f32 [tilespmem:s23], [sflag:$0x3], $0x80, s21, s22, $0xb8;
	[tilespmem:$0x18B00] =	vst v63  }
0x7b: {  	_ =	swait.ge [sflag:s20], $0x2800  }
0x7c: {  	s0 =	sshrl.u32 s0, $0x3;
	[sflag:s20] =	ssyncset.done $0x0  }
0x7d: {  	s11 =	sadd.s32 s5, s0;
	[sflag:s20] =	ssyncadd.s32 $0xFFFFD800  }
0x7e: {  	[tilespmem:s2], [sflag:$0x3] =	stream.linear.gather [hbm4b:s11+s2], $0x50, $0x38;
	[tilespmem:$0x18B00] =	vst v63  }
0x7f: {  	_ =	swait.ge [sflag:s20], $0x50  }
0x80: {  	[sflag:s20] =	ssyncset.done $0x0  }
0x81: {  	s0 =	sadd.s32 s6, s0;
	[sflag:s20] =	ssyncadd.s32 $0xFFFFFFB0  }
0x82: {  	[tilespmem:s21], [sflag:$0x3] =	stream.linear.gather [hbm4b:s0+s2], $0x50, $0x38;
	[tilespmem:$0x18B00] =	vst v63  }
0x83: {  	_ =	swait.ge [sflag:s20], $0x50  }
0x84: {  	[sflag:s20] =	ssyncset.done $0x0  }
0x85: {  	[sflag:s20] =	ssyncadd.s32 $0xFFFFFFB0  }
0x86: {  	[tilespmem:s23], [sflag:$0x1] =	stream.indirect.gather [hbm4b:s4+s22], $0x80, s2, s22, $0xb8;
	[tilespmem:$0x18B00] =	vst v63  }
0x87: {  	_ =	swait.ge [sflag:s29], $0x2800  }
0x88: {  	[sflag:s29] =	ssyncset.done $0x0  }
0x89: {  	[sflag:s29] =	ssyncadd.s32 $0xFFFFD800  }
0x8a: {  	[spmem:s1] =	stream.indirect.scatter.add.f32 [tilespmem:s26], [sflag:$0x3], $0x80, s25, s22, $0xb8;
	[tilespmem:$0x18B00] =	vst v63  }
0x8b: {  	_ =	swait.ge [sflag:s20], $0x2800  }
0x8c: {  	[sflag:s20] =	ssyncset.done $0x0  }
0x8d: {  	[sflag:s20] =	ssyncadd.s32 $0xFFFFD800  }
0x8e: {  	_ =	swait.ge [sflag:s28], $0x2800  }
0x8f: {  	[sflag:s28] =	ssyncset.done $0x0  }
0x90: {  	[sflag:s28] =	ssyncadd.s32 $0xFFFFD800  }
0x91: {  	[spmem:s1] =	stream.indirect.scatter.add.f32 [tilespmem:s23], [sflag:$0x3], $0x80, s21, s22, $0xb8;
	[tilespmem:$0x18B00] =	vst v63  }
0x92: {  	_ =	swait.ge [sflag:s20], $0x2800  }
0x93: {  	[sflag:s20] =	ssyncset.done $0x0  }
0x94: {  	[sflag:s20] =	ssyncadd.s32 $0xFFFFD800  }
0x95: {  	[bflag:$0x0] =	sbarrier.arrive $0xFFFF  }
0x96: {  	[hbm:s13], [sflag:s8] =	dma.local [spmem:s19], $0x2700  }
0x97: {  	s30 =	sadd.s32 $0x1, s30;
	_ =	swait.ge [sflag:s20], $0x2700  }
0x98: {  	p1 =	sne.s32 s30, s15;
	[sflag:s20] =	ssyncset.done $0x0  }
.Ltmp1:
0x99: {  	s0 =	simm.s32 @!p0 $0x3;
	[sflag:s20] =	ssyncadd.s32 $0xFFFFD900;
	(pc) =	sbr.rel @p1 .LBB2_1-.Ltmp1, $4  }
0x9a: {  	[hbm:s14], [sflag:s8] =	dma.local @!p0 [spmem:s31], $0x100  }
0x9b: {  	_ =	swait.ge @!p0 [sflag:s0], $0x100  }
0x9c: {  	[sflag:s0] =	ssyncset.done @!p0 $0x0  }
0x9d: {  	[sflag:s0] =	ssyncadd.s32 @!p0 $0xFFFFFF00  }
0x9e: {  	_ =	sfence.sel $0x180000  }
0x9f: {  	[bflag:$0x0] =	sbarrier.arrive $0xFFFF  }
0xa0: {  	_ =	strace $0x90000053  }
0xa1: {  	s0 =	stileid.u32;
	[bflag:$0x2] =	sbarrier.arrive $0xFFFF  }
0xa2: {  	p0 =	sne.s32 s0, $0x0;
	s0 =	rddreg [dreg:$0x3]  }
0xa3: {  	s0 =	sadd.s32 @!p0 $0x100000, s0  }
0xa4: {  	[sflag:s0] =	ssyncadd.tile.s32 @!p0 $0x1;
	_ =	shalt  }
.Lfunc_end2:
_tile_overlayer_lowered:
.L_overlay_start_2:
0xa5: {  	(tag) =	ssettag $0x2  }
0xa6: {  	s0 =	rddreg [dreg:$0x0];
	s2 =	stileid.u32  }
0xa7: {  	s1 =	rddreg [dreg:$0x1];
	p0 =	sne.s32 s2, $0x0  }
0xa8: {  	s3 =	rddreg [dreg:$0x2];
	[bflag:$0x3] =	sbarrier.arrive $0xFFFF;
	s2 =	simm.s32 @!p0 $0x1C03  }
0xa9: {  	[timem:s3], [sflag:s2] =	dma.local @!p0 [hbm:s0], s1  }
0xaa: {  	s0 =	simm.s32 @!p0 $0x3  }
0xab: {  	_ =	swait.ge @!p0 [sflag:s0], s1  }
0xac: {  	s1 =	ssub.s32 @!p0 $0x0, s1;
	[sflag:s0] =	ssyncset.done @!p0 $0x0  }
0xad: {  	[sflag:s0] =	ssyncadd.s32 @!p0 s1  }
0xae: {  	[bflag:$0x3] =	sbarrier.arrive $0xFFFF  }
0xaf: {  	_ =	shalt  }

// kernel: kernel.29.cloned.1.call-start
scs
__scs_entry_jumppad:
0x0: {  	(pc) =	sbr.rel $0x88, $3  }
0x1: {  	(tag) =	ssettag $0x0;
	lr =	simm.s32 $0x1  }
0x2: {  	[smem:$0x3F93] =	sst lr;
	_ =	strace $0xD0000000  }
0x3: {  	_ = 	snop  }
0x4: {  	_ = 	snop  }
0x5: {  	_ = 	snop  }
0x6: {  	_ = 	snop  }
0x7: {  	_ = 	snop  }
__scs_overlays_trampoline_lowered:
0x8: {  	[smem:$0x3FA2] =	sst s0  }
0x9: {  	[smem:$0x3FA3] =	sst s1  }
0xa: {  	[smem:$0x3FA4] =	sst s2  }
0xb: {  	[smem:$0x3FA5] =	sst s3  }
0xc: {  	[smem:$0x3FA6] =	sst s4  }
0xd: {  	[smem:$0x3FA7] =	sst s5  }
0xe: {  	[smem:$0x3FA8] =	sst s6  }
0xf: {  	[smem:$0x3FA9] =	sst s7  }
0x10: {  	[smem:$0x3FAA] =	sst s8  }
0x11: {  	[smem:$0x3FAB] =	sst s9;
	s0 =	simm.s32 @!p0 $0x0  }
0x12: {  	s1 =	sld [smem:$0x3F91];
	s0 =	simm.s32 @p0 $0x1  }
0x13: {  	[smem:$0x3FAC] =	sst s0;
	s0 =	simm.s32 @!p1 $0x0  }
0x14: {  	s2 =	sld [smem:$0x3F90];
	s0 =	simm.s32 @p1 $0x1  }
0x15: {  	[smem:$0x3FAD] =	sst s0;
	s0 =	simm.s32 @!p2 $0x0  }
0x16: {  	s3 =	sld [smem:$0x3FDB];
	s0 =	simm.s32 @p2 $0x1  }
0x17: {  	s4 =	simm.s32 $0x1BF5;
	[smem:$0x3FAF] =	sst s0  }
0x18: {  	s0 =	sld [smem:$0x3F92];
	_ =	swait.ge [sflag:s4], $0x0  }
0x19: {  	s7 =	sld [smem:$0x3F93]  }
0x1a: {  	s8 =	sadd.s32 $0xFFFFE003, lr  }
0x1b: {  	s9 =	sadd.s32 $0xFFFFFEF7, lr;
	s5 =	simm.s32 $0xFFFFFFFF;
	p2 =	slt.u32 s8, $0xFFFFF086  }
0x1c: {  	p1 =	slt.u32 s9, $0xF7A;
	s5 =	simm.s32 @!p2 $0x0  }
0x1d: {  	s5 =	simm.s32 @p1 $0x1;
	p0 =	seq.s32 s7, s2  }
0x1e: {  	s7 =	smul.u32 @!p0 $0xF7A, s2;
	p2 =	seq.s32 @!p0 s5, $0x0  }
0x1f: {  	s9 =	smul.u32 $0xF7A, s1;
	s8 =	simm.s32 @!p0 $0x1BF5;
	p2 =	por !p2, p0  }
0x20: {  	[sflag:s8] =	ssyncset.s32 @!p0 $0xFFFFF086;
	s6 =	sadd.s32 @!p0 s3, s7;
	s7 =	simm.s32 @!p0 $0x108  }
0x21: {  	s3 =	sadd.s32 s3, s9;
	s6 =	sadd.s32 @!p0 $0x88, s6;
	s7 =	simm.s32 @p2 $0x1082  }
0x22: {  	[simem:s7], [sflag:s8] =	dma.local @!p0 [hbm:s6], $0xF7A  }
0x23: {  	s9 =	sor.u32 $0xD0000000, s2;
	s6 =	simm.s32 $0x108;
	_ =	swait.ge @!p0 [sflag:s8], $0x0  }
0x24: {  	s3 =	sadd.s32 $0x88, s3;
	s6 =	simm.s32 @!p1 $0x1082;
	[sflag:s4] =	ssyncset.s32 $0xFFFFF086  }
0x25: {  	[simem:s6], [sflag:s4] =	dma.local [hbm:s3], $0xF7A  }
0x26: {  	[smem:$0x3F93] =	sst s1;
	(tag) =	ssettag s2;
	_ =	strace s9  }
0x27: {  	s1 =	sld [smem:$0x3FA3]  }
0x28: {  	s2 =	sld [smem:$0x3FA4]  }
0x29: {  	s4 =	sld [smem:$0x3FA6]  }
0x2a: {  	p0 =	seq.s32 s5, $0x0;
	s5 =	sld [smem:$0x3FA7]  }
0x2b: {  	s6 =	sld [smem:$0x3FA8]  }
0x2c: {  	s7 =	sld [smem:$0x3FA9]  }
0x2d: {  	s3 =	simm.s32 $0x108;
	s8 =	sld [smem:$0x3FAA]  }
0x2e: {  	s3 =	simm.s32 @!p0 $0x1082;
	s9 =	sld [smem:$0x3FAB]  }
0x2f: {  	lr =	sadd.s32 s0, s3;
	s0 =	sld [smem:$0x3FA2]  }
0x30: {  	s3 =	sld [smem:$0x3FA5]  }
0x31: {  	[smem:$0x3FAE] =	sst s10  }
0x32: {  	s10 =	sld [smem:$0x3FAC];
	_ =	sdelay $0x3  }
0x33: {  	p0 =	seq.s32 s10, $0x1;
	s10 =	sld [smem:$0x3FAE];
	_ =	sdelay $0x3  }
0x34: {  	[smem:$0x3FAE] =	sst s10  }
0x35: {  	s10 =	sld [smem:$0x3FAD];
	_ =	sdelay $0x3  }
0x36: {  	p1 =	seq.s32 s10, $0x1;
	s10 =	sld [smem:$0x3FAE];
	_ =	sdelay $0x3  }
0x37: {  	[smem:$0x3FAE] =	sst s10  }
0x38: {  	s10 =	sld [smem:$0x3FAF]  }
0x39: {  	_ = 	snop;
	(pc) =	sbr.ind lr, $3  }
0x3a: {  	_ = 	snop  }
0x3b: {  	_ = 	snop  }
0x3c: {  	p2 =	seq.s32 s10, $0x1;
	s10 =	sld [smem:$0x3FAE]  }
0x3d: {  	_ =	shalt  }
0x3e: {  	_ =	shalt  }
0x3f: {  	_ =	shalt  }
0x40: {  	_ =	shalt  }
0x41: {  	_ =	shalt  }
0x42: {  	_ =	shalt  }
0x43: {  	_ =	shalt  }
0x44: {  	_ =	shalt  }
0x45: {  	_ =	shalt  }
0x46: {  	_ =	shalt  }
0x47: {  	_ =	shalt  }
0x48: {  	_ =	shalt  }
0x49: {  	_ =	shalt  }
0x4a: {  	_ =	shalt  }
0x4b: {  	_ =	shalt  }
0x4c: {  	_ =	shalt  }
0x4d: {  	_ =	shalt  }
0x4e: {  	_ =	shalt  }
0x4f: {  	_ =	shalt  }
0x50: {  	_ =	shalt  }
0x51: {  	_ =	shalt  }
0x52: {  	_ =	shalt  }
0x53: {  	_ =	shalt  }
0x54: {  	_ =	shalt  }
0x55: {  	_ =	shalt  }
0x56: {  	_ =	shalt  }
0x57: {  	_ =	shalt  }
0x58: {  	_ =	shalt  }
0x59: {  	_ =	shalt  }
0x5a: {  	_ =	shalt  }
0x5b: {  	_ =	shalt  }
0x5c: {  	_ =	shalt  }
0x5d: {  	_ =	shalt  }
0x5e: {  	_ =	shalt  }
0x5f: {  	_ =	shalt  }
0x60: {  	_ =	shalt  }
0x61: {  	_ =	shalt  }
0x62: {  	_ =	shalt  }
0x63: {  	_ =	shalt  }
0x64: {  	_ =	shalt  }
0x65: {  	_ =	shalt  }
0x66: {  	_ =	shalt  }
0x67: {  	_ =	shalt  }
0x68: {  	_ =	shalt  }
0x69: {  	_ =	shalt  }
0x6a: {  	_ =	shalt  }
0x6b: {  	_ =	shalt  }
0x6c: {  	_ =	shalt  }
0x6d: {  	_ =	shalt  }
0x6e: {  	_ =	shalt  }
0x6f: {  	_ =	shalt  }
0x70: {  	_ =	shalt  }
0x71: {  	_ =	shalt  }
0x72: {  	_ =	shalt  }
0x73: {  	_ =	shalt  }
0x74: {  	_ =	shalt  }
0x75: {  	_ =	shalt  }
0x76: {  	_ =	shalt  }
0x77: {  	_ =	shalt  }
0x78: {  	_ =	shalt  }
0x79: {  	_ =	shalt  }
0x7a: {  	_ =	shalt  }
0x7b: {  	_ =	shalt  }
0x7c: {  	_ =	shalt  }
0x7d: {  	_ =	shalt  }
0x7e: {  	_ =	shalt  }
0x7f: {  	_ =	shalt  }
0x80: {  	_ =	shalt  }
0x81: {  	_ =	shalt  }
0x82: {  	_ =	shalt  }
0x83: {  	_ =	shalt  }
0x84: {  	_ =	shalt  }
0x85: {  	_ =	shalt  }
0x86: {  	_ =	shalt  }
0x87: {  	_ =	shalt  }
.Lfunc_end0:
.L_simem_size_0:
called_computation.5_lowered:
.L_overlay_start_0:
0x88: {  	s2 =	sld [smem:$0x3FD9]  }
0x89: {  	s3 =	sld [smem:$0x3FFE];
	_ =	sdelay $0x1  }
0x8a: {  	s1 =	srdreg.scid  }
0x8b: {  	s0 =	sand.u32 $0x1, s1  }
0x8c: {  	s17 =	sshll.u32 s0, $0xA;
	s2 =	sadd.s32 s3, s2  }
0x8d: {  	s2 =	sadd.s32 s2, s17  }
0x8e: {  	[smem:$0x3FBA] =	sst s2  }
0x8f: {  	_ = 	snop  }
0x90: {  	s2 =	sld [smem:$0x3FD0];
	(tm) =	ssettm $0x1  }
0x91: {  	s18 =	sld [smem:$0x3FFB];
	_ =	sdelay $0x3  }
0x92: {  	_ =	strace s18  }
0x93: {  	s3 =	sld [smem:$0x3FFC];
	_ =	sdelay $0x3  }
0x94: {  	_ =	strace s3  }
0x95: {  	s3 =	sld [smem:$0x3FFD];
	_ =	sdelay $0x3  }
0x96: {  	_ =	strace s3  }
0x97: {  	_ =	strace $0x8FFFFFFF  }
0x98: {  	s19 =	sld [smem:$0x3FDB];
	_ =	sdelay $0x1  }
0x99: {  	s4 =	simm.s32 $_scs_section_size  }
0x9a: {  	s5 =	simm.s32 $_size__tile_overlayer_lowered;
	s6 =	simm.s32 $_tile_overlayer_lowered  }
0x9b: {  	s22 =	simm.s32 $0x1BFF;
	s21 =	sshll.u32 s6, $0x1;
	s3 =	sadd.s32 s4, s19  }
0x9c: {  	s7 =	simm.s32 $0x0;
	s20 =	sshll.u32 s5, $0x1;
	s5 =	sadd.s32 s21, s3  }
0x9d: {  	[timem:s7], [sflag:s22] =	dma.local [hbm:s5], s20  }
0x9e: {  	_ =	swait.ge [sflag:s22], s20  }
0x9f: {  	s4 =	ssub.s32 $0x0, s20;
	[sflag:s22] =	ssyncset.done $0x0  }
0xa0: {  	[sflag:s22] =	ssyncadd.s32 s4;
	_ =	sdelay $0x1  }
0xa1: {  	s23 =	simm.s32 $0x1B8B  }
0xa2: {  	_ =	swait.ge [sflag:s23], $0x1  }
0xa3: {  	[sflag:s23] =	ssyncset.done $0x0  }
0xa4: {  	s25 =	simm.s32 $0x1B8E;
	s24 =	sld [smem:$0x3FFE];
	[sflag:s23] =	ssyncadd.s32 $0xFFFFFFFF  }
0xa5: {  	s26 =	simm.s32 $execute0_lowered;
	[smem:$0x3FD2] =	sst s25  }
0xa6: {  	s5 =	sshll.u32 s26, $0x1;
	_ =	strace $0x80000055;
	[dreg:$0x1] =	wrdreg $0xFFFFFFFF  }
0xa7: {  	s28 =	simm.s32 $_size_execute0_lowered;
	s3 =	sadd.s32 s3, s5;
	[dreg:$0x0] =	wrdreg $0x0  }
0xa8: {  	s5 =	sshll.u32 s28, $0x1;
	[dreg:$0x2] =	wrdreg s3  }
0xa9: {  	[dreg:$0x3] =	wrdreg s5  }
0xaa: {  	[dreg:$0x4] =	wrdreg $0xC0  }
0xab: {  	_ =	task [dreg:s7], $0x5FFFF  }
0xac: {  	[dreg:$0x1] =	wrdreg $0xFFFFFFFF  }
0xad: {  	[dreg:$0x0] =	wrdreg $0x60  }
0xae: {  	[dreg:$0x2] =	wrdreg s2  }
0xaf: {  	[dreg:$0x3] =	wrdreg s24  }
0xb0: {  	[dreg:$0x4] =	wrdreg $0x9  }
0xb1: {  	_ =	task.clear_ibuf [dreg:s7], $0x5FFFF;
	_ =	strace $0x90000055  }
0xb2: {  	s29 =	simm.s32 $0x9;
	_ =	strace $0x80000057  }
0xb3: {  	_ =	swait.ge [sflag:s29], $0x1  }
0xb4: {  	[sflag:s29] =	ssyncadd.s32 $0xFFFFFFFF  }
0xb5: {  	_ =	strace $0x90000057  }
0xb6: {  	_ =	sfence  }
0xb7: {  	s30 =	sld [smem:$0x0];
	_ =	sdelay $0x2  }
0xb8: {  	s31 =	sshll.u32 s1, $0xD;
	s1 =	sshrl.u32 s1, $0x2  }
0xb9: {  	s3 =	sand.u32 $0x4000, s31;
	s1 =	sadd.s32 s1, s30  }
0xba: {  	s0 =	sor.u32 s3, s0;
	s1 =	sshll.u32 s1, $0x11  }
0xbb: {  	s0 =	sor.u32 s1, s0  }
0xbc: {  	s0 =	sadd.s32 $0x8F2B, s0  }
0xbd: {  	[sflag:s0] =	ssyncadd.remote.s32 $0x1  }
0xbe: {  	_ =	sfence.sel $0xFFFF  }
0xbf: {  	[dreg:$0x0] =	wrdreg $0xFFFFFFFF;
	(pc) =	sbr.abs _section_cstart, $3  }
0xc0: {  	[dreg:$0x1] =	wrdreg $0xFFFFFFFF  }
0xc1: {  	_ =	task.clear_ibuf [dreg:s7], $0x2FFFF;
	_ =	strace $0x9FFFFFFF  }
0xc2: {  	(tm) =	ssettm $0x7FFFFFFF  }
0xc3: {  	_ =	shalt  }
tec
execute0_lowered:
.L_overlay_start_1:
0x0: {  	(tag) =	ssettag $0x1  }
0x1: {  	s1 =	rddreg [dreg:$0x0]  }
0x2: {  	s0 =	rddreg [dreg:$0x1];
	s2 =	srdreg.scid;
	s3 =	simm.s32 $0x0  }
0x3: {  	s15 =	stileid.u32;
	s28 =	simm.s32 $0x180;
	s29 =	simm.s32 $0x2A00  }
0x4: {  	s30 =	simm.s32 $0x7A00;
	s2 =	sand.u32 $0x1, s2;
	[smem:$0x7FF] =	sst s3  }
0x5: {  	s4 =	sadd.s32 $0x18800, s0;
	s6 =	sadd.s32 $0xEA00, s0;
	s25 =	smul.u32 $0x2710, s15  }
0x6: {  	s9 =	sadd.s32 $0x4C00, s0;
	s5 =	sshll.u32 s2, $0x4;
	s14 =	smul.u32 $0x27100, s2  }
0x7: {  	s7 =	ssub.s32 $0x2, s2;
	s2 =	smul.u32 $0x271000, s2;
	s5 =	sor.u32 s15, s5  }
0x8: {  	s10 =	sadd.s32 $0x3FA00, s0;
	s0 =	sadd.s32 $0x521A00, s0;
	s8 =	smul.u32 $0x2710, s5  }
0x9: {  	s31 =	simm.s32 $0x1;
	_ =	strace $0x80000056;
	s23 =	smul.u32 $0x27100, s5  }
0xa: {  	s11 =	sshrl.u32 s7, $0x1;
	s5 =	smul.u32 $0x138800, s5;
	s17 =	sadd.s32 s25, s14  }
0xb: {  	s7 =	ssub.s32 s7, s11;
	s18 =	sadd.s32 $0x140, s17;
	s22 =	sshrl.u32 s8, $0x3  }
0xc: {  	s8 =	sadd.s32 $0x50, s8;
	s26 =	sadd.s32 s10, s23;
	s5 =	sshrl.u32 s5, $0x3  }
0xd: {  	s12 =	sadd.s32 s6, s22;
	s13 =	sadd.s32 s9, s22;
	[dreg:$0xb] =	wrdreg s26  }
0xe: {  	s24 =	sshrl.u32 s8, $0x3;
	s11 =	sadd.s32 $0x14, s22;
	[dreg:$0x7] =	wrdreg s12  }
0xf: {  	s8 =	sshll.u32 s8, $0x4;
	[dreg:$0x8] =	wrdreg s13;
	s16 =	sadd.s32 s6, s24  }
0x10: {  	s5 =	sadd.s32 $0x26C00, s5;
	s13 =	sadd.s32 s9, s24;
	[dreg:$0x9] =	wrdreg s16  }
0x11: {  	s12 =	sadd.s32 s0, s23;
	s19 =	sadd.s32 s10, s8;
	[dreg:$0xa] =	wrdreg s13  }
0x12: {  	s8 =	sadd.s32 s0, s8;
	s21 =	sadd.s32 s10, s5;
	[dreg:$0xc] =	wrdreg s12  }
0x13: {  	s23 =	sadd.s32 $0xF0, s17;
	s17 =	smax.u32 s7, $0x1;
	[dreg:$0xf] =	wrdreg s19  }
0x14: {  	s16 =	sadd.s32 s6, s11;
	s11 =	sadd.s32 s9, s11;
	[dreg:$0x10] =	wrdreg s8  }
0x15: {  	[dreg:$0x11] =	wrdreg s21;
	s24 =	sshrl.u32 s23, $0x3;
	s19 =	sadd.s32 s2, s10  }
0x16: {  	s21 =	simm.s32 $0x5;
	s23 =	simm.s32 $0x50;
	[dreg:$0xd] =	wrdreg s16  }
0x17: {  	[dreg:$0xe] =	wrdreg s11;
	s11 =	sshrl.u32 s18, $0x3;
	s16 =	sadd.s32 s0, s5  }
0x18: {  	s18 =	smul.u32 $0x27100, s15;
	s25 =	sadd.s32 s24, s9;
	s26 =	sadd.s32 s24, s6  }
0x19: {  	s24 =	simm.s32 $0x200;
	s5 =	simm.s32 $0x4;
	[dreg:$0x5] =	wrdreg s25  }
0x1a: {  	s20 =	sadd.s32 s11, s9;
	s22 =	sadd.s32 s11, s6;
	[dreg:$0x6] =	wrdreg s26  }
0x1b: {  	s25 =	simm.s32 $0x5200;
	s26 =	simm.s32 $0x80;
	[dreg:$0x3] =	wrdreg s20  }
0x1c: {  	s6 =	simm.s32 $0x0;
	[dreg:$0x4] =	wrdreg s22;
	s20 =	sadd.s32 s2, s0  }
0x1d: {  	s22 =	simm.s32 $0x100;
	s0 =	simm.s32 $0x3;
	s2 =	simm.s32 $0x2  }
.LBB2_1:
0x1e: {  	s7 =	rddreg [dreg:$0x7]  }
0x1f: {  	[tilespmem:s3], [sflag:$0x5] =	stream.linear.gather [hbm4b:s7+s3], $0x50, $0x38;
	[tilespmem:$0xA200] =	vst v63  }
0x20: {  	_ =	swait.ge [sflag:s21], $0x50  }
0x21: {  	[sflag:s21] =	ssyncset.done $0x0  }
0x22: {  	s9 =	rddreg [dreg:$0x8];
	[sflag:s21] =	ssyncadd.s32 $0xFFFFFFB0  }
0x23: {  	[tilespmem:s22], [sflag:$0x5] =	stream.linear.gather [hbm4b:s9+s3], $0x50, $0x38;
	[tilespmem:$0xA200] =	vst v63  }
0x24: {  	_ =	swait.ge [sflag:s21], $0x50  }
0x25: {  	[sflag:s21] =	ssyncset.done $0x0  }
0x26: {  	[sflag:s21] =	ssyncadd.s32 $0xFFFFFFB0  }
0x27: {  	[tilespmem:s24], [sflag:$0x1] =	stream.indirect.gather [hbm4b:s1+s23], $0x80, s3, s23, $0xb8;
	[tilespmem:$0xA200] =	vst v63  }
0x28: {  	_ = 	snop  }
0x29: {  	[tilespmem:s25], [sflag:$0x1] =	stream.indirect.gather [hbm4b:s4+s23], $0x80, s22, s23, $0xb8;
	[tilespmem:$0xA200] =	vst v63  }
0x2a: {  	s10 =	rddreg [dreg:$0x9]  }
0x2b: {  	[tilespmem:s26], [sflag:$0x5] =	stream.linear.gather [hbm4b:s10+s3], $0x50, $0x38;
	[tilespmem:$0xA200] =	vst v63  }
0x2c: {  	_ =	swait.ge [sflag:s21], $0x50  }
0x2d: {  	[sflag:s21] =	ssyncset.done $0x0  }
0x2e: {  	s11 =	rddreg [dreg:$0xa];
	[sflag:s21] =	ssyncadd.s32 $0xFFFFFFB0  }
0x2f: {  	[tilespmem:s28], [sflag:$0x5] =	stream.linear.gather [hbm4b:s11+s3], $0x50, $0x38;
	[tilespmem:$0xA200] =	vst v63  }
0x30: {  	_ =	swait.ge [sflag:s21], $0x50  }
0x31: {  	[sflag:s21] =	ssyncset.done $0x0  }
0x32: {  	[sflag:s21] =	ssyncadd.s32 $0xFFFFFFB0  }
0x33: {  	[tilespmem:s29], [sflag:$0x2] =	stream.indirect.gather [hbm4b:s1+s23], $0x80, s26, s23, $0xb8;
	[tilespmem:$0xA200] =	vst v63  }
0x34: {  	_ = 	snop  }
0x35: {  	[tilespmem:s30], [sflag:$0x2] =	stream.indirect.gather [hbm4b:s4+s23], $0x80, s28, s23, $0xb8;
	[tilespmem:$0xA200] =	vst v63  }
0x36: {  	_ =	swait.ge [sflag:s31], $0x2800  }
0x37: {  	[sflag:s31] =	ssyncset.done $0x0  }
0x38: {  	[sflag:s31] =	ssyncadd.s32 $0xFFFFD800  }
0x39: {  	_ =	swait.ge [sflag:s31], $0x2800  }
0x3a: {  	[sflag:s31] =	ssyncset.done $0x0  }
0x3b: {  	s12 =	rddreg [dreg:$0xb];
	[sflag:s31] =	ssyncadd.s32 $0xFFFFD800  }
0x3c: {  	[hbm4b:s12+s3] =	stream.linear.scatter [tilespmem:s24], [sflag:$0x3], $0x2800, $0x38;
	[tilespmem:$0xA200] =	vst v63  }
0x3d: {  	s13 =	rddreg [dreg:$0xc]  }
0x3e: {  	[hbm4b:s13+s3] =	stream.linear.scatter [tilespmem:s25], [sflag:$0x3], $0x2800, $0x38;
	[tilespmem:$0xA200] =	vst v63  }
0x3f: {  	s14 =	rddreg [dreg:$0xd]  }
0x40: {  	[tilespmem:s3], [sflag:$0x5] =	stream.linear.gather [hbm4b:s14+s3], $0x50, $0x38;
	[tilespmem:$0xA200] =	vst v63  }
0x41: {  	_ =	swait.ge [sflag:s21], $0x50  }
0x42: {  	[sflag:s21] =	ssyncset.done $0x0  }
0x43: {  	s15 =	rddreg [dreg:$0xe];
	[sflag:s21] =	ssyncadd.s32 $0xFFFFFFB0  }
0x44: {  	[tilespmem:s22], [sflag:$0x5] =	stream.linear.gather [hbm4b:s15+s3], $0x50, $0x38;
	[tilespmem:$0xA200] =	vst v63  }
0x45: {  	_ =	swait.ge [sflag:s21], $0x50  }
0x46: {  	[sflag:s21] =	ssyncset.done $0x0  }
0x47: {  	[sflag:s21] =	ssyncadd.s32 $0xFFFFFFB0  }
0x48: {  	_ =	swait.ge [sflag:s0], $0x2800  }
0x49: {  	[sflag:s0] =	ssyncset.done $0x0  }
0x4a: {  	[sflag:s0] =	ssyncadd.s32 $0xFFFFD800  }
0x4b: {  	_ =	swait.ge [sflag:s0], $0x2800  }
0x4c: {  	[sflag:s0] =	ssyncset.done $0x0  }
0x4d: {  	[sflag:s0] =	ssyncadd.s32 $0xFFFFD800  }
0x4e: {  	[tilespmem:s24], [sflag:$0x1] =	stream.indirect.gather [hbm4b:s1+s23], $0x80, s3, s23, $0xb8;
	[tilespmem:$0xA200] =	vst v63  }
0x4f: {  	_ = 	snop  }
0x50: {  	[tilespmem:s25], [sflag:$0x1] =	stream.indirect.gather [hbm4b:s4+s23], $0x80, s22, s23, $0xb8;
	[tilespmem:$0xA200] =	vst v63  }
0x51: {  	_ =	swait.ge [sflag:s2], $0x2800  }
0x52: {  	[sflag:s2] =	ssyncset.done $0x0  }
0x53: {  	[sflag:s2] =	ssyncadd.s32 $0xFFFFD800  }
0x54: {  	_ =	swait.ge [sflag:s2], $0x2800  }
0x55: {  	[sflag:s2] =	ssyncset.done $0x0;
	s8 =	rddreg [dreg:$0xf]  }
0x56: {  	s9 =	rddreg [dreg:$0x6];
	[sflag:s2] =	ssyncadd.s32 $0xFFFFD800  }
0x57: {  	[hbm4b:s8+s3] =	stream.linear.scatter [tilespmem:s29], [sflag:$0x4], $0x2800, $0x38;
	[tilespmem:$0xA200] =	vst v63  }
0x58: {  	s8 =	rddreg [dreg:$0x10]  }
0x59: {  	[hbm4b:s8+s3] =	stream.linear.scatter [tilespmem:s30], [sflag:$0x4], $0x2800, $0x38;
	[tilespmem:$0xA200] =	vst v63  }
0x5a: {  	s7 =	sadd.s32 $0x0, s9  }
0x5b: {  	[tilespmem:s26], [sflag:$0x5] =	stream.linear.gather [hbm4b:s7+s3], $0x50, $0x38;
	[tilespmem:$0xA200] =	vst v63  }
0x5c: {  	_ =	swait.ge [sflag:s21], $0x50  }
0x5d: {  	s10 =	rddreg [dreg:$0x5];
	[sflag:s21] =	ssyncset.done $0x0  }
0x5e: {  	[sflag:s21] =	ssyncadd.s32 $0xFFFFFFB0;
	s7 =	sadd.s32 $0x0, s10  }
0x5f: {  	[tilespmem:s28], [sflag:$0x5] =	stream.linear.gather [hbm4b:s7+s3], $0x50, $0x38;
	[tilespmem:$0xA200] =	vst v63  }
0x60: {  	_ =	swait.ge [sflag:s21], $0x50  }
0x61: {  	[sflag:s21] =	ssyncset.done $0x0  }
0x62: {  	[sflag:s21] =	ssyncadd.s32 $0xFFFFFFB0  }
0x63: {  	_ =	swait.ge [sflag:s5], $0x2800  }
0x64: {  	[sflag:s5] =	ssyncset.done $0x0  }
0x65: {  	[sflag:s5] =	ssyncadd.s32 $0xFFFFD800  }
0x66: {  	_ =	swait.ge [sflag:s5], $0x2800  }
0x67: {  	[sflag:s5] =	ssyncset.done $0x0  }
0x68: {  	[sflag:s5] =	ssyncadd.s32 $0xFFFFD800  }
0x69: {  	[tilespmem:s29], [sflag:$0x2] =	stream.indirect.gather [hbm4b:s1+s23], $0x80, s26, s23, $0xb8;
	[tilespmem:$0xA200] =	vst v63  }
0x6a: {  	_ = 	snop  }
0x6b: {  	[tilespmem:s30], [sflag:$0x2] =	stream.indirect.gather [hbm4b:s4+s23], $0x80, s28, s23, $0xb8;
	[tilespmem:$0xA200] =	vst v63  }
0x6c: {  	_ =	swait.ge [sflag:s31], $0x2800  }
0x6d: {  	[sflag:s31] =	ssyncset.done $0x0  }
0x6e: {  	[sflag:s31] =	ssyncadd.s32 $0xFFFFD800  }
0x6f: {  	_ =	swait.ge [sflag:s31], $0x2800  }
0x70: {  	s11 =	sadd.s32 s19, s18;
	[sflag:s31] =	ssyncset.done $0x0  }
0x71: {  	s12 =	sadd.s32 s20, s18;
	s9 =	sadd.s32 $0xA00, s11;
	[sflag:s31] =	ssyncadd.s32 $0xFFFFD800  }
0x72: {  	[hbm4b:s9+s3] =	stream.linear.scatter [tilespmem:s24], [sflag:$0x3], $0x2800, $0x38;
	[tilespmem:$0xA200] =	vst v63  }
0x73: {  	s13 =	sadd.s32 $0xA00, s12;
	s10 =	rddreg [dreg:$0x4]  }
0x74: {  	[hbm4b:s13+s3] =	stream.linear.scatter [tilespmem:s25], [sflag:$0x3], $0x2800, $0x38;
	[tilespmem:$0xA200] =	vst v63  }
0x75: {  	s14 =	sadd.s32 $0x0, s10  }
0x76: {  	[tilespmem:s3], [sflag:$0x5] =	stream.linear.gather [hbm4b:s14+s3], $0x50, $0x38;
	[tilespmem:$0xA200] =	vst v63  }
0x77: {  	_ =	swait.ge [sflag:s21], $0x50  }
0x78: {  	s15 =	rddreg [dreg:$0x3];
	[sflag:s21] =	ssyncset.done $0x0  }
0x79: {  	[sflag:s21] =	ssyncadd.s32 $0xFFFFFFB0;
	s9 =	sadd.s32 $0x0, s15  }
0x7a: {  	[tilespmem:s22], [sflag:$0x5] =	stream.linear.gather [hbm4b:s9+s3], $0x50, $0x38;
	[tilespmem:$0xA200] =	vst v63  }
0x7b: {  	_ =	swait.ge [sflag:s21], $0x50  }
0x7c: {  	[sflag:s21] =	ssyncset.done $0x0  }
0x7d: {  	[sflag:s21] =	ssyncadd.s32 $0xFFFFFFB0  }
0x7e: {  	_ =	swait.ge [sflag:s0], $0x2800  }
0x7f: {  	[sflag:s0] =	ssyncset.done $0x0  }
0x80: {  	[sflag:s0] =	ssyncadd.s32 $0xFFFFD800  }
0x81: {  	_ =	swait.ge [sflag:s0], $0x2800  }
0x82: {  	[sflag:s0] =	ssyncset.done $0x0  }
0x83: {  	[sflag:s0] =	ssyncadd.s32 $0xFFFFD800  }
0x84: {  	[tilespmem:s24], [sflag:$0x1] =	stream.indirect.gather [hbm4b:s1+s23], $0x80, s3, s23, $0xb8;
	[tilespmem:$0xA200] =	vst v63  }
0x85: {  	_ = 	snop  }
0x86: {  	[tilespmem:s25], [sflag:$0x1] =	stream.indirect.gather [hbm4b:s4+s23], $0x80, s22, s23, $0xb8;
	[tilespmem:$0xA200] =	vst v63  }
0x87: {  	_ =	swait.ge [sflag:s2], $0x2800  }
0x88: {  	[sflag:s2] =	ssyncset.done $0x0  }
0x89: {  	[sflag:s2] =	ssyncadd.s32 $0xFFFFD800  }
0x8a: {  	_ =	swait.ge [sflag:s2], $0x2800  }
0x8b: {  	s8 =	sadd.s32 $0xA00, s19;
	s7 =	sadd.s32 $0xF00, s11;
	[sflag:s2] =	ssyncset.done $0x0  }
0x8c: {  	s11 =	sadd.s32 $0xF00, s12;
	s10 =	simm.s32 $0x28;
	[sflag:s2] =	ssyncadd.s32 $0xFFFFD800  }
0x8d: {  	[hbm4b:s7+s3] =	stream.linear.scatter [tilespmem:s29], [sflag:$0x4], $0x2800, $0x38;
	[tilespmem:$0xA200] =	vst v63  }
0x8e: {  	s9 =	sadd.s32 $0xA00, s20;
	s14 =	rddreg [dreg:$0x6];
	s7 =	simm.s32 $0x14  }
.LBB2_2:
0x8f: {  	[hbm4b:s11+s3] =	stream.linear.scatter [tilespmem:s30], [sflag:$0x4], $0x2800, $0x38;
	[tilespmem:$0xA200] =	vst v63  }
0x90: {  	s12 =	sadd.s32 s7, s14  }
0x91: {  	[tilespmem:s26], [sflag:$0x5] =	stream.linear.gather [hbm4b:s12+s3], $0x50, $0x38;
	[tilespmem:$0xA200] =	vst v63  }
0x92: {  	_ =	swait.ge [sflag:s21], $0x50  }
0x93: {  	s14 =	rddreg [dreg:$0x5];
	[sflag:s21] =	ssyncset.done $0x0  }
0x94: {  	[sflag:s21] =	ssyncadd.s32 $0xFFFFFFB0;
	s12 =	sadd.s32 s7, s14  }
0x95: {  	[tilespmem:s28], [sflag:$0x5] =	stream.linear.gather [hbm4b:s12+s3], $0x50, $0x38;
	[tilespmem:$0xA200] =	vst v63  }
0x96: {  	_ =	swait.ge [sflag:s21], $0x50  }
0x97: {  	[sflag:s21] =	ssyncset.done $0x0  }
0x98: {  	[sflag:s21] =	ssyncadd.s32 $0xFFFFFFB0  }
0x99: {  	_ =	swait.ge [sflag:s5], $0x2800  }
0x9a: {  	[sflag:s5] =	ssyncset.done $0x0  }
0x9b: {  	[sflag:s5] =	ssyncadd.s32 $0xFFFFD800  }
0x9c: {  	_ =	swait.ge [sflag:s5], $0x2800  }
0x9d: {  	[sflag:s5] =	ssyncset.done $0x0  }
0x9e: {  	[sflag:s5] =	ssyncadd.s32 $0xFFFFD800  }
0x9f: {  	[tilespmem:s29], [sflag:$0x2] =	stream.indirect.gather [hbm4b:s1+s23], $0x80, s26, s23, $0xb8;
	[tilespmem:$0xA200] =	vst v63  }
0xa0: {  	_ = 	snop  }
0xa1: {  	[tilespmem:s30], [sflag:$0x2] =	stream.indirect.gather [hbm4b:s4+s23], $0x80, s28, s23, $0xb8;
	[tilespmem:$0xA200] =	vst v63  }
0xa2: {  	_ =	swait.ge [sflag:s31], $0x2800  }
0xa3: {  	[sflag:s31] =	ssyncset.done $0x0  }
0xa4: {  	[sflag:s31] =	ssyncadd.s32 $0xFFFFD800  }
0xa5: {  	_ =	swait.ge [sflag:s31], $0x2800  }
0xa6: {  	s13 =	sadd.s32 s8, s18;
	[sflag:s31] =	ssyncset.done $0x0  }
0xa7: {  	s14 =	sadd.s32 $0xA00, s13;
	s12 =	sadd.s32 s9, s18;
	[sflag:s31] =	ssyncadd.s32 $0xFFFFD800  }
0xa8: {  	[hbm4b:s14+s3] =	stream.linear.scatter [tilespmem:s24], [sflag:$0x3], $0x2800, $0x38;
	[tilespmem:$0xA200] =	vst v63  }
0xa9: {  	s15 =	rddreg [dreg:$0x4];
	s14 =	sadd.s32 $0xA00, s12  }
0xaa: {  	[hbm4b:s14+s3] =	stream.linear.scatter [tilespmem:s25], [sflag:$0x3], $0x2800, $0x38;
	[tilespmem:$0xA200] =	vst v63  }
0xab: {  	s15 =	sadd.s32 s7, s15  }
0xac: {  	[tilespmem:s3], [sflag:$0x5] =	stream.linear.gather [hbm4b:s15+s3], $0x50, $0x38;
	[tilespmem:$0xA200] =	vst v63  }
0xad: {  	_ =	swait.ge [sflag:s21], $0x50  }
0xae: {  	s15 =	rddreg [dreg:$0x3];
	[sflag:s21] =	ssyncset.done $0x0  }
0xaf: {  	[sflag:s21] =	ssyncadd.s32 $0xFFFFFFB0;
	s14 =	sadd.s32 s7, s15  }
0xb0: {  	[tilespmem:s22], [sflag:$0x5] =	stream.linear.gather [hbm4b:s14+s3], $0x50, $0x38;
	[tilespmem:$0xA200] =	vst v63  }
0xb1: {  	_ =	swait.ge [sflag:s21], $0x50  }
0xb2: {  	[sflag:s21] =	ssyncset.done $0x0  }
0xb3: {  	[sflag:s21] =	ssyncadd.s32 $0xFFFFFFB0  }
0xb4: {  	_ =	swait.ge [sflag:s0], $0x2800  }
0xb5: {  	[sflag:s0] =	ssyncset.done $0x0  }
0xb6: {  	[sflag:s0] =	ssyncadd.s32 $0xFFFFD800  }
0xb7: {  	_ =	swait.ge [sflag:s0], $0x2800  }
0xb8: {  	[sflag:s0] =	ssyncset.done $0x0  }
0xb9: {  	[sflag:s0] =	ssyncadd.s32 $0xFFFFD800  }
0xba: {  	[tilespmem:s24], [sflag:$0x1] =	stream.indirect.gather [hbm4b:s1+s23], $0x80, s3, s23, $0xb8;
	[tilespmem:$0xA200] =	vst v63  }
0xbb: {  	_ = 	snop  }
0xbc: {  	[tilespmem:s25], [sflag:$0x1] =	stream.indirect.gather [hbm4b:s4+s23], $0x80, s22, s23, $0xb8;
	[tilespmem:$0xA200] =	vst v63  }
0xbd: {  	_ =	swait.ge [sflag:s2], $0x2800  }
0xbe: {  	s11 =	smov.u32 s10;
	p0 =	sne.s32 s10, $0x4B0;
	[sflag:s2] =	ssyncset.done $0x0  }
.Ltmp0:
0xbf: {  	s10 =	sadd.s32 $0x14, s10;
	[sflag:s2] =	ssyncadd.s32 $0xFFFFD800;
	(pc) =	sbr.rel @p0 .LBB2_2-.Ltmp0, $4  }
0xc0: {  	s8 =	sadd.s32 $0xA00, s8;
	s9 =	sadd.s32 $0xA00, s9;
	_ =	swait.ge [sflag:s2], $0x2800  }
0xc1: {  	s7 =	smov.u32 s11;
	s15 =	sadd.s32 $0xF00, s13;
	[sflag:s2] =	ssyncset.done $0x0  }
0xc2: {  	s11 =	sadd.s32 $0xF00, s12;
	s14 =	rddreg [dreg:$0x6];
	[sflag:s2] =	ssyncadd.s32 $0xFFFFD800  }
0xc3: {  	[hbm4b:s15+s3] =	stream.linear.scatter [tilespmem:s29], [sflag:$0x4], $0x2800, $0x38;
	[tilespmem:$0xA200] =	vst v63  }
0xc4: {  	[hbm4b:s11+s3] =	stream.linear.scatter [tilespmem:s30], [sflag:$0x4], $0x2800, $0x38;
	[tilespmem:$0xA200] =	vst v63  }
0xc5: {  	s10 =	sadd.s32 s7, s14  }
0xc6: {  	[tilespmem:s26], [sflag:$0x5] =	stream.linear.gather [hbm4b:s10+s3], $0x50, $0x38;
	[tilespmem:$0xA200] =	vst v63  }
0xc7: {  	_ =	swait.ge [sflag:s21], $0x50  }
0xc8: {  	s11 =	rddreg [dreg:$0x5];
	[sflag:s21] =	ssyncset.done $0x0  }
0xc9: {  	[sflag:s21] =	ssyncadd.s32 $0xFFFFFFB0;
	s10 =	sadd.s32 s7, s11  }
0xca: {  	[tilespmem:s28], [sflag:$0x5] =	stream.linear.gather [hbm4b:s10+s3], $0x50, $0x38;
	[tilespmem:$0xA200] =	vst v63  }
0xcb: {  	_ =	swait.ge [sflag:s21], $0x50  }
0xcc: {  	[sflag:s21] =	ssyncset.done $0x0  }
0xcd: {  	[sflag:s21] =	ssyncadd.s32 $0xFFFFFFB0  }
0xce: {  	_ =	swait.ge [sflag:s5], $0x2800  }
0xcf: {  	[sflag:s5] =	ssyncset.done $0x0  }
0xd0: {  	[sflag:s5] =	ssyncadd.s32 $0xFFFFD800  }
0xd1: {  	_ =	swait.ge [sflag:s5], $0x2800  }
0xd2: {  	[sflag:s5] =	ssyncset.done $0x0  }
0xd3: {  	[sflag:s5] =	ssyncadd.s32 $0xFFFFD800  }
0xd4: {  	[tilespmem:s29], [sflag:$0x2] =	stream.indirect.gather [hbm4b:s1+s23], $0x80, s26, s23, $0xb8;
	[tilespmem:$0xA200] =	vst v63  }
0xd5: {  	_ = 	snop  }
0xd6: {  	[tilespmem:s30], [sflag:$0x2] =	stream.indirect.gather [hbm4b:s4+s23], $0x80, s28, s23, $0xb8;
	[tilespmem:$0xA200] =	vst v63  }
0xd7: {  	_ =	swait.ge [sflag:s31], $0x2800  }
0xd8: {  	[sflag:s31] =	ssyncset.done $0x0  }
0xd9: {  	[sflag:s31] =	ssyncadd.s32 $0xFFFFD800  }
0xda: {  	_ =	swait.ge [sflag:s31], $0x2800  }
0xdb: {  	s8 =	sadd.s32 s8, s18;
	[sflag:s31] =	ssyncset.done $0x0  }
0xdc: {  	s9 =	sadd.s32 s9, s18;
	s12 =	sadd.s32 $0xA00, s8;
	[sflag:s31] =	ssyncadd.s32 $0xFFFFD800  }
0xdd: {  	[hbm4b:s12+s3] =	stream.linear.scatter [tilespmem:s24], [sflag:$0x3], $0x2800, $0x38;
	[tilespmem:$0xA200] =	vst v63  }
0xde: {  	s14 =	sadd.s32 $0xA00, s9;
	s13 =	rddreg [dreg:$0x4]  }
0xdf: {  	[hbm4b:s14+s3] =	stream.linear.scatter [tilespmem:s25], [sflag:$0x3], $0x2800, $0x38;
	[tilespmem:$0xA200] =	vst v63  }
0xe0: {  	s15 =	sadd.s32 s7, s13  }
0xe1: {  	[tilespmem:s3], [sflag:$0x5] =	stream.linear.gather [hbm4b:s15+s3], $0x50, $0x38;
	[tilespmem:$0xA200] =	vst v63  }
0xe2: {  	_ =	swait.ge [sflag:s21], $0x50  }
0xe3: {  	s11 =	rddreg [dreg:$0x3];
	[sflag:s21] =	ssyncset.done $0x0  }
0xe4: {  	[sflag:s21] =	ssyncadd.s32 $0xFFFFFFB0;
	s12 =	sadd.s32 s7, s11  }
0xe5: {  	[tilespmem:s22], [sflag:$0x5] =	stream.linear.gather [hbm4b:s12+s3], $0x50, $0x38;
	[tilespmem:$0xA200] =	vst v63  }
0xe6: {  	_ =	swait.ge [sflag:s21], $0x50  }
0xe7: {  	[sflag:s21] =	ssyncset.done $0x0  }
0xe8: {  	[sflag:s21] =	ssyncadd.s32 $0xFFFFFFB0  }
0xe9: {  	_ =	swait.ge [sflag:s0], $0x2800  }
0xea: {  	[sflag:s0] =	ssyncset.done $0x0  }
0xeb: {  	[sflag:s0] =	ssyncadd.s32 $0xFFFFD800  }
0xec: {  	_ =	swait.ge [sflag:s0], $0x2800  }
0xed: {  	[sflag:s0] =	ssyncset.done $0x0  }
0xee: {  	[sflag:s0] =	ssyncadd.s32 $0xFFFFD800  }
0xef: {  	[tilespmem:s24], [sflag:$0x1] =	stream.indirect.gather [hbm4b:s1+s23], $0x80, s3, s23, $0xb8;
	[tilespmem:$0xA200] =	vst v63  }
0xf0: {  	_ = 	snop  }
0xf1: {  	[tilespmem:s25], [sflag:$0x1] =	stream.indirect.gather [hbm4b:s4+s23], $0x80, s22, s23, $0xb8;
	[tilespmem:$0xA200] =	vst v63  }
0xf2: {  	_ =	swait.ge [sflag:s2], $0x2800  }
0xf3: {  	[sflag:s2] =	ssyncset.done $0x0  }
0xf4: {  	[sflag:s2] =	ssyncadd.s32 $0xFFFFD800  }
0xf5: {  	_ =	swait.ge [sflag:s2], $0x2800  }
0xf6: {  	[sflag:s2] =	ssyncset.done $0x0  }
0xf7: {  	s13 =	sadd.s32 $0xF00, s8;
	[sflag:s2] =	ssyncadd.s32 $0xFFFFD800  }
0xf8: {  	[hbm4b:s13+s3] =	stream.linear.scatter [tilespmem:s29], [sflag:$0x4], $0x2800, $0x38;
	[tilespmem:$0xA200] =	vst v63  }
0xf9: {  	s14 =	sadd.s32 $0xF00, s9  }
0xfa: {  	[hbm4b:s14+s3] =	stream.linear.scatter [tilespmem:s30], [sflag:$0x4], $0x2800, $0x38;
	[tilespmem:$0xA200] =	vst v63  }
0xfb: {  	_ =	swait.ge [sflag:s31], $0x2800  }
0xfc: {  	[sflag:s31] =	ssyncset.done $0x0  }
0xfd: {  	[sflag:s31] =	ssyncadd.s32 $0xFFFFD800  }
0xfe: {  	_ =	swait.ge [sflag:s31], $0x2800  }
0xff: {  	[sflag:s31] =	ssyncset.done $0x0  }
0x100: {  	s15 =	rddreg [dreg:$0x11];
	[sflag:s31] =	ssyncadd.s32 $0xFFFFD800  }
0x101: {  	[hbm4b:s15+s3] =	stream.linear.scatter [tilespmem:s24], [sflag:$0x3], $0x2800, $0x38;
	[tilespmem:$0xA200] =	vst v63  }
0x102: {  	_ = 	snop  }
0x103: {  	[hbm4b:s16+s3] =	stream.linear.scatter [tilespmem:s25], [sflag:$0x3], $0x2800, $0x38;
	[tilespmem:$0xA200] =	vst v63  }
0x104: {  	_ =	swait.ge [sflag:s5], $0x2800  }
0x105: {  	[sflag:s5] =	ssyncset.done $0x0  }
0x106: {  	[sflag:s5] =	ssyncadd.s32 $0xFFFFD800  }
0x107: {  	_ =	swait.ge [sflag:s5], $0x2800  }
0x108: {  	[sflag:s5] =	ssyncset.done $0x0  }
0x109: {  	s6 =	sadd.s32 $0x1, s6;
	[sflag:s5] =	ssyncadd.s32 $0xFFFFD800  }
0x10a: {  	p0 =	sne.s32 s6, s17;
	_ =	swait.ge [sflag:s0], $0x2800  }
.Ltmp1:
0x10b: {  	[sflag:s0] =	ssyncset.done $0x0;
	(pc) =	sbr.rel @p0 .LBB2_1-.Ltmp1, $4  }
0x10c: {  	[sflag:s0] =	ssyncadd.s32 $0xFFFFD800  }
0x10d: {  	_ =	swait.ge [sflag:s0], $0x2800  }
0x10e: {  	[sflag:s0] =	ssyncset.done $0x0  }
0x10f: {  	[sflag:s0] =	ssyncadd.s32 $0xFFFFD800  }
0x110: {  	_ =	sfence.sel $0x180000  }
0x111: {  	[bflag:$0x0] =	sbarrier.arrive $0xFFFF  }
0x112: {  	_ =	strace $0x90000056  }
0x113: {  	s0 =	stileid.u32;
	[bflag:$0x2] =	sbarrier.arrive $0xFFFF  }
0x114: {  	p0 =	sne.s32 s0, $0x0;
	s0 =	rddreg [dreg:$0x2]  }
0x115: {  	s0 =	sadd.s32 @!p0 $0x100000, s0  }
0x116: {  	[sflag:s0] =	ssyncadd.tile.s32 @!p0 $0x1;
	_ =	shalt  }
.Lfunc_end2:
_tile_overlayer_lowered:
.L_overlay_start_2:
0x117: {  	(tag) =	ssettag $0x2  }
0x118: {  	s0 =	rddreg [dreg:$0x0];
	s2 =	stileid.u32  }
0x119: {  	s1 =	rddreg [dreg:$0x1];
	p0 =	sne.s32 s2, $0x0  }
0x11a: {  	s3 =	rddreg [dreg:$0x2];
	[bflag:$0x3] =	sbarrier.arrive $0xFFFF;
	s2 =	simm.s32 @!p0 $0x1C05  }
0x11b: {  	[timem:s3], [sflag:s2] =	dma.local @!p0 [hbm:s0], s1  }
0x11c: {  	s0 =	simm.s32 @!p0 $0x5  }
0x11d: {  	_ =	swait.ge @!p0 [sflag:s0], s1  }
0x11e: {  	s1 =	ssub.s32 @!p0 $0x0, s1;
	[sflag:s0] =	ssyncset.done @!p0 $0x0  }
0x11f: {  	[sflag:s0] =	ssyncadd.s32 @!p0 s1  }
0x120: {  	[bflag:$0x3] =	sbarrier.arrive $0xFFFF  }
0x121: {  	_ =	shalt  }

</sc_bundles>
